<compile_context>
chip_gen: v7x
topology: tpu7x:2x2x1
jax: 0.10.2.dev20260603
libtpu: 0.0.44.dev20260713+nightly
codegen_flags: <defaults>
</compile_context>

<pallas_src>
import functools

import jax
import jax.numpy as jnp
from jax import lax
from jax.experimental import pallas as pl
from jax.experimental.pallas import tpu as pltpu
from jax.experimental.pallas import tpu_sc as plsc

N = 10000
D = 128
E = 320000
EL = 100000

NC = 2
NS = 16
NW = NC * NS

NPAD = 10240
EPAD = 327680
ELPAD = 102400
ECH = EPAD // NW // 128
SCH = ELPAD // NW // 128
RPT = NPAD // NS


def _mesh():
    return plsc.VectorSubcoreMesh(
        core_axis_name="c", subcore_axis_name="s", num_cores=NC, num_subcores=NS)


def _sc_conv(g, src2, dst2):

    H = ECH // 2

    @functools.partial(
        pl.kernel,
        out_type=jax.ShapeDtypeStruct((NC, NPAD, D), jnp.float32),
        mesh=_mesh(),
        scratch_types=[
            pltpu.VMEM((H, 128), jnp.int32),
            pltpu.VMEM((H, 128), jnp.int32),
            pltpu.VMEM((128, D), jnp.float32),
            pltpu.VMEM((128, D), jnp.float32),
            pltpu.SemaphoreType.DMA,
            pltpu.SemaphoreType.DMA,
            pltpu.VMEM_SHARED((NPAD, D), jnp.float32),
        ],
    )
    def conv_kernel(g_hbm, src_hbm, dst_hbm, out_hbm,
                    src_v, dst_v, rows0, rows1, gsem, ssem, acc):
        cid = lax.axis_index("c")
        sid = lax.axis_index("s")
        wid = sid * NC + cid
        bufs = (rows0, rows1)

        def start_gather(j, k):
            pltpu.async_copy(g_hbm.at[src_v.at[j]], bufs[k], gsem)

        def wait_gather(j, k):
            pltpu.make_async_copy(g_hbm.at[src_v.at[j]], bufs[k], gsem).wait()

        def start_scatter(j, k):
            pltpu.async_copy(bufs[k], acc.at[dst_v.at[j]], ssem, add=True)

        def wait_scatter(j, k):
            pltpu.make_async_copy(bufs[k], acc.at[dst_v.at[j]], ssem).wait()

        def zrow(i, _):
            for k in range(D // 16):
                rows0[i, pl.ds(k * 16, 16)] = jnp.zeros((16,), jnp.float32)
            return 0
        lax.fori_loop(0, 128, zrow, 0)
        for k in range(RPT // 128):
            pltpu.sync_copy(rows0, acc.at[pl.ds(sid * RPT + k * 128, 128)])
        plsc.subcore_barrier()

        for h in range(2):
            base = wid * ECH + h * H
            pltpu.sync_copy(src_hbm.at[pl.ds(base, H)], src_v)
            pltpu.sync_copy(dst_hbm.at[pl.ds(base, H)], dst_v)

            start_gather(0, 0)
            start_gather(1, 1)
            wait_gather(0, 0)
            start_scatter(0, 0)

            def steps(jj, _):
                for k in range(2):
                    j = 2 * jj + 1 + k
                    wait_scatter(j - 1, k)
                    start_gather(j + 1, k)
                    wait_gather(j, (k + 1) % 2)
                    start_scatter(j, (k + 1) % 2)
                return 0
            lax.fori_loop(0, (H - 2) // 2, steps, 0)

            wait_scatter(H - 2, H % 2)
            wait_gather(H - 1, (H - 1) % 2)
            start_scatter(H - 1, (H - 1) % 2)
            wait_scatter(H - 1, (H - 1) % 2)

        plsc.subcore_barrier()
        for k in range(RPT // 128):
            r0 = sid * RPT + k * 128
            pltpu.sync_copy(acc.at[pl.ds(r0, 128)], out_hbm.at[cid, pl.ds(r0, 128)])

    return conv_kernel(g, src2, dst2)


def _sc_degree128(dst2):

    @functools.partial(
        pl.kernel,
        out_type=jax.ShapeDtypeStruct((NC, NPAD, D), jnp.float32),
        mesh=_mesh(),
        scratch_types=[
            pltpu.VMEM((ECH, 128), jnp.int32),
            pltpu.VMEM((128, D), jnp.float32),
            pltpu.SemaphoreType.DMA,
            pltpu.VMEM_SHARED((NPAD, D), jnp.float32),
        ],
    )
    def deg_kernel(dst_hbm, out_hbm, dst_v, ones_v, ssem, acc):
        cid = lax.axis_index("c")
        sid = lax.axis_index("s")
        wid = sid * NC + cid

        def fill(i, _):
            for k in range(D // 16):
                ones_v[i, pl.ds(k * 16, 16)] = jnp.zeros((16,), jnp.float32)
            return 0
        lax.fori_loop(0, 128, fill, 0)
        for k in range(RPT // 128):
            pltpu.sync_copy(ones_v, acc.at[pl.ds(sid * RPT + k * 128, 128)])

        def fill1(i, _):
            for k in range(D // 16):
                ones_v[i, pl.ds(k * 16, 16)] = jnp.full((16,), 1.0, jnp.float32)
            return 0
        lax.fori_loop(0, 128, fill1, 0)
        plsc.subcore_barrier()

        pltpu.sync_copy(dst_hbm.at[pl.ds(wid * ECH, ECH)], dst_v)

        def start_scatter(j):
            pltpu.async_copy(ones_v, acc.at[dst_v.at[j]], ssem, add=True)

        def wait_scatter(j):
            pltpu.make_async_copy(ones_v, acc.at[dst_v.at[j]], ssem).wait()

        def steps(jj, _):
            for k in range(4):
                j = 4 * jj + k
                start_scatter(j)
            for k in range(4):
                j = 4 * jj + k
                wait_scatter(j)
            return 0
        lax.fori_loop(0, ECH // 4, steps, 0)

        plsc.subcore_barrier()
        for k in range(RPT // 128):
            r0 = sid * RPT + k * 128
            pltpu.sync_copy(acc.at[pl.ds(r0, 128)], out_hbm.at[cid, pl.ds(r0, 128)])

    return deg_kernel(dst2)


def _sc_gather_pairs(t1, t2, els, eld, sch):
    ept = sch * 128
    elp = NW * ept

    @functools.partial(
        pl.kernel,
        out_type=[
            jax.ShapeDtypeStruct((elp, D), jnp.float32),
            jax.ShapeDtypeStruct((elp, D), jnp.float32),
        ],
        mesh=_mesh(),
        scratch_types=[
            pltpu.VMEM((ept,), jnp.int32),
            pltpu.VMEM((ept,), jnp.int32),
            pltpu.VMEM((128, D), jnp.float32),
            pltpu.VMEM((128, D), jnp.float32),
            pltpu.VMEM((128, D), jnp.float32),
            pltpu.VMEM((128, D), jnp.float32),
            pltpu.SemaphoreType.DMA,
            pltpu.SemaphoreType.DMA,
        ],
    )
    def gather_kernel(t1_hbm, t2_hbm, els_hbm, eld_hbm, outa_hbm, outb_hbm,
                      els_v, eld_v, ra0, ra1, rb0, rb1, sem_a, sem_b):
        rows_a = (ra0, ra1)
        rows_b = (rb0, rb1)
        cid = lax.axis_index("c")
        sid = lax.axis_index("s")
        wid = sid * NC + cid
        base = wid * ept

        pltpu.sync_copy(els_hbm.at[pl.ds(base, ept)], els_v)
        pltpu.sync_copy(eld_hbm.at[pl.ds(base, ept)], eld_v)

        def sg(t_hbm, idx_v, rows, j, k):
            pltpu.async_copy(
                t_hbm.at[idx_v.at[pl.ds(j * 128, 128)]], rows[k], sem_a)

        def wg(t_hbm, idx_v, rows, j, k):
            pltpu.make_async_copy(
                t_hbm.at[idx_v.at[pl.ds(j * 128, 128)]], rows[k], sem_a).wait()

        def sw(rows, out_hbm, j, k):
            pltpu.async_copy(rows[k], out_hbm.at[pl.ds(base + j * 128, 128)],
                             sem_b)

        def ww(rows, out_hbm, j, k):
            pltpu.make_async_copy(rows[k],
                                  out_hbm.at[pl.ds(base + j * 128, 128)],
                                  sem_b).wait()

        def step(j, k, first, last):
            for idx_v, rows, t_hbm, out_hbm in (
                (els_v, rows_a, t1_hbm, outa_hbm),
                (eld_v, rows_b, t2_hbm, outb_hbm),
            ):
                if not first:
                    ww(rows, out_hbm, j - 1, k)
                if not last:
                    sg(t_hbm, idx_v, rows, j + 1, k)
                wg(t_hbm, idx_v, rows, j, (k + 1) % 2)
                sw(rows, out_hbm, j, (k + 1) % 2)

        sg(t1_hbm, els_v, rows_a, 0, 0)
        sg(t2_hbm, eld_v, rows_b, 0, 0)
        step(0, 1, True, False)

        def steps(jj, _):
            for k in range(2):
                step(2 * jj + 1 + k, k, False, False)
            return 0
        lax.fori_loop(0, (sch - 3) // 2, steps, 0)

        step(sch - 2, 0, False, False)
        step(sch - 1, 1, False, True)
        ww(rows_a, outa_hbm, sch - 1, 0)
        ww(rows_b, outb_hbm, sch - 1, 0)

    return gather_kernel(t1, t2, els, eld)


def _tc_score(pa, pb, bsum, n_out):
    R = 2048

    def body(a_ref, b_ref, bs_ref, out_ref):
        s = jnp.sum(a_ref[...] * b_ref[...], axis=1)
        out_ref[...] = s + bs_ref[0, 0]

    return pl.pallas_call(
        body,
        grid=(pl.cdiv(n_out, R),),
        in_specs=[
            pl.BlockSpec((R, D), lambda i: (i, 0)),
            pl.BlockSpec((R, D), lambda i: (i, 0)),
            pl.BlockSpec((1, 1), lambda i: (0, 0)),
        ],
        out_specs=pl.BlockSpec((R,), lambda i: (i,)),
        out_shape=jax.ShapeDtypeStruct((n_out,), jnp.float32),
    )(pa, pb, bsum)


def _dinv_from(degp):
    d = degp[0, :, 0:1] + degp[1, :, 0:1] + 1.0
    return lax.rsqrt(d)


def _tc_mlp(x, w1t, b1, w2t, b2, wc1t):
    R = 1024

    def body(x_ref, w1_ref, b1_ref, w2_ref, b2_ref, wc1_ref, hw_ref):
        xv = x_ref[...]
        h = jnp.dot(xv, w1_ref[...], preferred_element_type=jnp.float32) + b1_ref[...]
        h = jnp.maximum(h, 0.01 * h)
        h = jnp.dot(h, w2_ref[...], preferred_element_type=jnp.float32) + b2_ref[...]
        h = jnp.maximum(h, 0.01 * h)
        hw_ref[...] = jnp.dot(h, wc1_ref[...], preferred_element_type=jnp.float32)

    return pl.pallas_call(
        body,
        grid=(NPAD // R,),
        in_specs=[
            pl.BlockSpec((R, D), lambda i: (i, 0)),
            pl.BlockSpec((D, 256), lambda i: (0, 0)),
            pl.BlockSpec((1, 256), lambda i: (0, 0)),
            pl.BlockSpec((256, D), lambda i: (0, 0)),
            pl.BlockSpec((1, D), lambda i: (0, 0)),
            pl.BlockSpec((D, D), lambda i: (0, 0)),
        ],
        out_specs=pl.BlockSpec((R, D), lambda i: (i, 0)),
        out_shape=jax.ShapeDtypeStruct((NPAD, D), jnp.float32),
    )(x, w1t, b1, w2t, b2, wc1t)


def _tc_scale(hw, degp):
    R = 1024

    def body(hw_ref, degp_ref, g_ref):
        g_ref[...] = hw_ref[...] * _dinv_from(degp_ref[...])

    return pl.pallas_call(
        body,
        grid=(NPAD // R,),
        in_specs=[
            pl.BlockSpec((R, D), lambda i: (i, 0)),
            pl.BlockSpec((NC, R, 16), lambda i: (0, i, 0)),
        ],
        out_specs=pl.BlockSpec((R, D), lambda i: (i, 0)),
        out_shape=jax.ShapeDtypeStruct((NPAD, D), jnp.float32),
    )(hw, degp)


def _tc_mid(p, g1, degp, bc, wnt):
    R = 1024

    def body(p_ref, g_ref, degp_ref, bc_ref, w_ref, emb_ref, gn_ref):
        pv = p_ref[...]
        dinv = _dinv_from(degp_ref[...])
        z = (pv[0] + pv[1] + g_ref[...]) * dinv + bc_ref[...]
        emb = jnp.maximum(z, 0.01 * z)
        emb_ref[...] = emb
        gn_ref[...] = jnp.dot(emb, w_ref[...], preferred_element_type=jnp.float32) * dinv

    return pl.pallas_call(
        body,
        grid=(NPAD // R,),
        in_specs=[
            pl.BlockSpec((NC, R, D), lambda i: (0, i, 0)),
            pl.BlockSpec((R, D), lambda i: (i, 0)),
            pl.BlockSpec((NC, R, 16), lambda i: (0, i, 0)),
            pl.BlockSpec((1, D), lambda i: (0, 0)),
            pl.BlockSpec((D, D), lambda i: (0, 0)),
        ],
        out_specs=[
            pl.BlockSpec((R, D), lambda i: (i, 0)),
            pl.BlockSpec((R, D), lambda i: (i, 0)),
        ],
        out_shape=[
            jax.ShapeDtypeStruct((N, D), jnp.float32),
            jax.ShapeDtypeStruct((NPAD, D), jnp.float32),
        ],
    )(p, g1, degp, bc, wnt)


def _tc_post(p, g2, degp, bc, wv):
    R = 1024

    def body(p_ref, g_ref, degp_ref, bc_ref, wv_ref, emb_ref, embw_ref):
        pv = p_ref[...]
        dinv = _dinv_from(degp_ref[...])
        z = (pv[0] + pv[1] + g_ref[...]) * dinv + bc_ref[...]
        emb = jnp.maximum(z, 0.01 * z)
        emb_ref[...] = emb
        embw_ref[...] = emb * wv_ref[...]

    return pl.pallas_call(
        body,
        grid=(NPAD // R,),
        in_specs=[
            pl.BlockSpec((NC, R, D), lambda i: (0, i, 0)),
            pl.BlockSpec((R, D), lambda i: (i, 0)),
            pl.BlockSpec((NC, R, 16), lambda i: (0, i, 0)),
            pl.BlockSpec((1, D), lambda i: (0, 0)),
            pl.BlockSpec((1, D), lambda i: (0, 0)),
        ],
        out_specs=[
            pl.BlockSpec((R, D), lambda i: (i, 0)),
            pl.BlockSpec((R, D), lambda i: (i, 0)),
        ],
        out_shape=[
            jax.ShapeDtypeStruct((N, D), jnp.float32),
            jax.ShapeDtypeStruct((N, D), jnp.float32),
        ],
    )(p, g2, degp, bc, wv)


def kernel(x, edge_index, edge_label_index,
           W_pre1, b_pre1, W_pre2, b_pre2,
           W_c1, b_c1, W_c2, b_c2, W_post, b_post):
    epad = N + jnp.arange(EPAD - E, dtype=jnp.int32) % (NPAD - N)
    src2 = jnp.concatenate([edge_index[0], epad]).reshape(EPAD // 128, 128)
    dst2 = jnp.concatenate([edge_index[1], epad]).reshape(EPAD // 128, 128)
    ELH = EL // 2
    ELHP = NW * 13 * 128
    lpad = jnp.arange(ELHP - ELH, dtype=jnp.int32) % N
    els_a = jnp.concatenate([edge_label_index[0, :ELH], lpad])
    eld_a = jnp.concatenate([edge_label_index[1, :ELH], lpad])
    els_b = jnp.concatenate([edge_label_index[0, ELH:], lpad])
    eld_b = jnp.concatenate([edge_label_index[1, ELH:], lpad])
    x_pad = jnp.pad(x, ((0, NPAD - N), (0, 0)))

    degp = _sc_degree128(dst2)[:, :, :16]
    hw1 = _tc_mlp(x_pad, W_pre1.T, b_pre1[None], W_pre2.T, b_pre2[None],
                  W_c1.T)
    g1 = _tc_scale(hw1, degp)
    p1 = _sc_conv(g1, src2, dst2)
    emb1, g2 = _tc_mid(p1, g1, degp, b_c1[None], W_c2.T)
    p2 = _sc_conv(g2, src2, dst2)
    wv = (W_post[0] + W_post[1])[None]
    emb2, emb2w = _tc_post(p2, g2, degp, b_c2[None], wv)
    bsum = (b_post[0] + b_post[1]).reshape(1, 1)
    pa1, pb1 = _sc_gather_pairs(emb2w, emb2, els_a, eld_a, 13)
    pa2, pb2 = _sc_gather_pairs(emb2w, emb2, els_b, eld_b, 13)
    s1 = _tc_score(pa1, pb1, bsum, ELH)
    s2 = _tc_score(pa2, pb2, bsum, ELH)
    scores = jnp.concatenate([s1, s2])
    return scores, emb1, emb2

# --- scband reference (transcript-rebuilt; emitter-appended) ---
"""Pipeline reference for scband-edge-roland-gnn-20418274525539 (READ-ONLY COPY).

The authoritative reference and input builder live on the scoring server;
editing this copy changes nothing except your own understanding.
"""

import jax, jax.numpy as jnp
import numpy as np

N = 10000
E = 320000
EL = 100000
D_IN = 128
H1 = 128
H2 = 128


def setup_inputs(seed: int = 0) -> dict:
    key = jax.random.key(seed)
    ks = jax.random.split(key, 16)
    x = jax.random.normal(ks[0], (N, D_IN), dtype=jnp.float32)
    edge_index = jax.random.randint(ks[1], (2, E), 0, N, dtype=jnp.int32)
    edge_label_index = jax.random.randint(ks[2], (2, EL), 0, N, dtype=jnp.int32)
    s = 0.05
    W_pre1 = s * jax.random.normal(ks[3], (256, D_IN), dtype=jnp.float32)
    b_pre1 = jnp.zeros((256,), dtype=jnp.float32)
    W_pre2 = s * jax.random.normal(ks[4], (128, 256), dtype=jnp.float32)
    b_pre2 = jnp.zeros((128,), dtype=jnp.float32)
    W_c1 = s * jax.random.normal(ks[5], (H1, 128), dtype=jnp.float32)
    b_c1 = jnp.zeros((H1,), dtype=jnp.float32)
    W_c2 = s * jax.random.normal(ks[6], (H2, H1), dtype=jnp.float32)
    b_c2 = jnp.zeros((H2,), dtype=jnp.float32)
    W_post = s * jax.random.normal(ks[7], (2, H2), dtype=jnp.float32)
    b_post = jnp.zeros((2,), dtype=jnp.float32)
    return {
        "x": x,
        "edge_index": edge_index,
        "edge_label_index": edge_label_index,
        "W_pre1": W_pre1, "b_pre1": b_pre1,
        "W_pre2": W_pre2, "b_pre2": b_pre2,
        "W_c1": W_c1, "b_c1": b_c1,
        "W_c2": W_c2, "b_c2": b_c2,
        "W_post": W_post, "b_post": b_post,
    }


def _gcn_conv(h, src, dst, W, b):
    # PyG GCNConv with add_self_loops=True, normalize=True
    sl = jnp.arange(N, dtype=src.dtype)
    row = jnp.concatenate([src, sl])
    col = jnp.concatenate([dst, sl])
    deg = jnp.zeros((N,), dtype=h.dtype).at[col].add(1.0)
    dinv = jnp.where(deg > 0, 1.0 / jnp.sqrt(deg), 0.0)
    norm = dinv[row] * dinv[col]
    hw = h @ W.T
    msg = hw[row] * norm[:, None]
    out = jnp.zeros((N, hw.shape[1]), dtype=h.dtype).at[col].add(msg)
    return out + b


def reference(x, edge_index, edge_label_index, W_pre1, b_pre1, W_pre2, b_pre2, W_c1, b_c1, W_c2, b_c2, W_post, b_post):
    src, dst = edge_index[0], edge_index[1]
    h = jax.nn.leaky_relu(x @ W_pre1.T + b_pre1)
    # dropout p=0 -> identity
    h = jax.nn.leaky_relu(h @ W_pre2.T + b_pre2)
    h = jax.nn.leaky_relu(_gcn_conv(h, src, dst, W_c1, b_c1))
    # update='moving', tau=0, previous_embeddings=zeros -> h = (1-tau)*h = h
    emb1 = h
    h = jax.nn.leaky_relu(_gcn_conv(h, src, dst, W_c2, b_c2))
    emb2 = h
    h_src = h[edge_label_index[0]]
    h_dst = h[edge_label_index[1]]
    h_hadamard = h_src * h_dst
    scores = jnp.sum(h_hadamard @ W_post.T + b_post, axis=-1)
    return (scores, emb1, emb2)

if __name__ == "__main__":
    import jax
    _d = setup_inputs()
    print(jax.jit(kernel)(*tuple(_d.values())))

</pallas_src>

<mosaic_0001>
#map = affine_map<(d0, d1) -> (0, 0)>
#map1 = affine_map<(d0, d1) -> (0, 0, 0)>
module attributes {stable_mosaic.version = 14 : i64} {
  func.func @deg_kernel(%arg0: i32, %arg1: i32, %arg2: memref<2560x128xi32, #tpu.memory_space<hbm>>, %arg3: memref<2x10240x128xf32, #tpu.memory_space<hbm>>, %arg4: memref<80x128xi32, #tpu.memory_space<vmem>>, %arg5: memref<128x128xf32, #tpu.memory_space<vmem>>, %arg6: memref<!tpu.dma_semaphore, #tpu.memory_space<semaphore_mem>>, %arg7: memref<10240x128xf32, #tpu.memory_space<vmem_shared>>) attributes {dimension_semantics = [#tpu.dimension_semantics<core_parallel>, #tpu.dimension_semantics<subcore_parallel>], iteration_bounds = array<i64: 2, 16>, scalar_prefetch = 0 : i64, scratch_operands = 4 : i64, tpu.core_type = #tpu.core_type<sc_vector_subcore>, window_params = [{transform_indices = #map}, {transform_indices = #map1}]} {
    %mul3A = arith.constant 2 : i32
    %mul3A_0 = arith.muli %arg1, %mul3A : i32
    %add3A = arith.addi %mul3A_0, %arg0 : i32
    %scan3A = arith.constant 0 : i32
    %scan3A_1 = arith.constant 0 : i32
    %scan3A_2 = arith.constant 128 : i32
    %scan3A_3 = arith.addi %scan3A_1, %scan3A_2 : i32
    %scan3A_4 = arith.constant 1 : i32
    %scan3A_5 = scf.for %scan3A_64 = %scan3A_1 to %scan3A_3 step %scan3A_4 iter_args(%scan3A_65 = %scan3A) -> (i32)  : i32 {
      %broadcast_in_dim3A = arith.constant 0.000000e+00 : f32
      %broadcast_in_dim3A_66 = vector.broadcast %broadcast_in_dim3A : f32 to vector<16xf32>
      %swap3A = arith.index_cast %scan3A_64 : i32 to index
      %swap3A_67 = arith.constant 0 : index
      %swap3A_68 = tpu.vector_load %arg5[%swap3A, %swap3A_67] {strides = array<i32>} : memref<128x128xf32, #tpu.memory_space<vmem>>, vector<1x16xf32>,
      %swap3A_69 = vector.shape_cast %swap3A_68 : vector<1x16xf32> to vector<16xf32>
      %swap3A_70 = vector.shape_cast %broadcast_in_dim3A_66 : vector<16xf32> to vector<1x16xf32>
      tpu.vector_store %arg5[%swap3A, %swap3A_67], %swap3A_70 {strides = array<i32>} : memref<128x128xf32, #tpu.memory_space<vmem>>, vector<1x16xf32>,
      %broadcast_in_dim3A_71 = arith.constant 0.000000e+00 : f32
      %broadcast_in_dim3A_72 = vector.broadcast %broadcast_in_dim3A_71 : f32 to vector<16xf32>
      %swap3A_73 = arith.index_cast %scan3A_64 : i32 to index
      %swap3A_74 = arith.constant 16 : index
      %swap3A_75 = tpu.vector_load %arg5[%swap3A_73, %swap3A_74] {strides = array<i32>} : memref<128x128xf32, #tpu.memory_space<vmem>>, vector<1x16xf32>,
      %swap3A_76 = vector.shape_cast %swap3A_75 : vector<1x16xf32> to vector<16xf32>
      %swap3A_77 = vector.shape_cast %broadcast_in_dim3A_72 : vector<16xf32> to vector<1x16xf32>
      tpu.vector_store %arg5[%swap3A_73, %swap3A_74], %swap3A_77 {strides = array<i32>} : memref<128x128xf32, #tpu.memory_space<vmem>>, vector<1x16xf32>,
      %broadcast_in_dim3A_78 = arith.constant 0.000000e+00 : f32
      %broadcast_in_dim3A_79 = vector.broadcast %broadcast_in_dim3A_78 : f32 to vector<16xf32>
      %swap3A_80 = arith.index_cast %scan3A_64 : i32 to index
      %swap3A_81 = arith.constant 32 : index
      %swap3A_82 = tpu.vector_load %arg5[%swap3A_80, %swap3A_81] {strides = array<i32>} : memref<128x128xf32, #tpu.memory_space<vmem>>, vector<1x16xf32>,
      %swap3A_83 = vector.shape_cast %swap3A_82 : vector<1x16xf32> to vector<16xf32>
      %swap3A_84 = vector.shape_cast %broadcast_in_dim3A_79 : vector<16xf32> to vector<1x16xf32>
      tpu.vector_store %arg5[%swap3A_80, %swap3A_81], %swap3A_84 {strides = array<i32>} : memref<128x128xf32, #tpu.memory_space<vmem>>, vector<1x16xf32>,
      %broadcast_in_dim3A_85 = arith.constant 0.000000e+00 : f32
      %broadcast_in_dim3A_86 = vector.broadcast %broadcast_in_dim3A_85 : f32 to vector<16xf32>
      %swap3A_87 = arith.index_cast %scan3A_64 : i32 to index
      %swap3A_88 = arith.constant 48 : index
      %swap3A_89 = tpu.vector_load %arg5[%swap3A_87, %swap3A_88] {strides = array<i32>} : memref<128x128xf32, #tpu.memory_space<vmem>>, vector<1x16xf32>,
      %swap3A_90 = vector.shape_cast %swap3A_89 : vector<1x16xf32> to vector<16xf32>
      %swap3A_91 = vector.shape_cast %broadcast_in_dim3A_86 : vector<16xf32> to vector<1x16xf32>
      tpu.vector_store %arg5[%swap3A_87, %swap3A_88], %swap3A_91 {strides = array<i32>} : memref<128x128xf32, #tpu.memory_space<vmem>>, vector<1x16xf32>,
      %broadcast_in_dim3A_92 = arith.constant 0.000000e+00 : f32
      %broadcast_in_dim3A_93 = vector.broadcast %broadcast_in_dim3A_92 : f32 to vector<16xf32>
      %swap3A_94 = arith.index_cast %scan3A_64 : i32 to index
      %swap3A_95 = arith.constant 64 : index
      %swap3A_96 = tpu.vector_load %arg5[%swap3A_94, %swap3A_95] {strides = array<i32>} : memref<128x128xf32, #tpu.memory_space<vmem>>, vector<1x16xf32>,
      %swap3A_97 = vector.shape_cast %swap3A_96 : vector<1x16xf32> to vector<16xf32>
      %swap3A_98 = vector.shape_cast %broadcast_in_dim3A_93 : vector<16xf32> to vector<1x16xf32>
      tpu.vector_store %arg5[%swap3A_94, %swap3A_95], %swap3A_98 {strides = array<i32>} : memref<128x128xf32, #tpu.memory_space<vmem>>, vector<1x16xf32>,
      %broadcast_in_dim3A_99 = arith.constant 0.000000e+00 : f32
      %broadcast_in_dim3A_100 = vector.broadcast %broadcast_in_dim3A_99 : f32 to vector<16xf32>
      %swap3A_101 = arith.index_cast %scan3A_64 : i32 to index
      %swap3A_102 = arith.constant 80 : index
      %swap3A_103 = tpu.vector_load %arg5[%swap3A_101, %swap3A_102] {strides = array<i32>} : memref<128x128xf32, #tpu.memory_space<vmem>>, vector<1x16xf32>,
      %swap3A_104 = vector.shape_cast %swap3A_103 : vector<1x16xf32> to vector<16xf32>
      %swap3A_105 = vector.shape_cast %broadcast_in_dim3A_100 : vector<16xf32> to vector<1x16xf32>
      tpu.vector_store %arg5[%swap3A_101, %swap3A_102], %swap3A_105 {strides = array<i32>} : memref<128x128xf32, #tpu.memory_space<vmem>>, vector<1x16xf32>,
      %broadcast_in_dim3A_106 = arith.constant 0.000000e+00 : f32
      %broadcast_in_dim3A_107 = vector.broadcast %broadcast_in_dim3A_106 : f32 to vector<16xf32>
      %swap3A_108 = arith.index_cast %scan3A_64 : i32 to index
      %swap3A_109 = arith.constant 96 : index
      %swap3A_110 = tpu.vector_load %arg5[%swap3A_108, %swap3A_109] {strides = array<i32>} : memref<128x128xf32, #tpu.memory_space<vmem>>, vector<1x16xf32>,
      %swap3A_111 = vector.shape_cast %swap3A_110 : vector<1x16xf32> to vector<16xf32>
      %swap3A_112 = vector.shape_cast %broadcast_in_dim3A_107 : vector<16xf32> to vector<1x16xf32>
      tpu.vector_store %arg5[%swap3A_108, %swap3A_109], %swap3A_112 {strides = array<i32>} : memref<128x128xf32, #tpu.memory_space<vmem>>, vector<1x16xf32>,
      %broadcast_in_dim3A_113 = arith.constant 0.000000e+00 : f32
      %broadcast_in_dim3A_114 = vector.broadcast %broadcast_in_dim3A_113 : f32 to vector<16xf32>
      %swap3A_115 = arith.index_cast %scan3A_64 : i32 to index
      %swap3A_116 = arith.constant 112 : index
      %swap3A_117 = tpu.vector_load %arg5[%swap3A_115, %swap3A_116] {strides = array<i32>} : memref<128x128xf32, #tpu.memory_space<vmem>>, vector<1x16xf32>,
      %swap3A_118 = vector.shape_cast %swap3A_117 : vector<1x16xf32> to vector<16xf32>
      %swap3A_119 = vector.shape_cast %broadcast_in_dim3A_114 : vector<16xf32> to vector<1x16xf32>
      tpu.vector_store %arg5[%swap3A_115, %swap3A_116], %swap3A_119 {strides = array<i32>} : memref<128x128xf32, #tpu.memory_space<vmem>>, vector<1x16xf32>,
      %scan3A_120 = arith.constant 0 : i32
      scf.yield %scan3A_120 : i32
    }
    %scan3A_6 = arith.constant 128 : i32
    %mul3A_7 = arith.constant 640 : i32
    %mul3A_8 = arith.muli %arg1, %mul3A_7 : i32
    %add3A_9 = arith.constant 0 : i32
    %add3A_10 = arith.addi %mul3A_8, %add3A_9 : i32
    "tpu.region"() ({
      %run_scoped3A = tpu.sem_alloc : memref<!tpu.dma_semaphore, #tpu.memory_space<semaphore_mem>>
      %dma_start3A = arith.constant 0 : i32
      %dma_start3A_64 = tpu.memref_slice %arg7[%add3A_10, %dma_start3A] : memref<10240x128xf32, #tpu.memory_space<vmem_shared>> -> memref<128x128xf32, #tpu.memory_space<vmem_shared>>
      %dma_start3A_65 = arith.constant 0 : i32
      %dma_start3A_66 = tpu.memref_slice %arg7[%add3A_10, %dma_start3A_65] : memref<10240x128xf32, #tpu.memory_space<vmem_shared>> -> memref<128x128xf32, #tpu.memory_space<vmem_shared>>
      tpu.enqueue_dma source(%arg5 : memref<128x128xf32, #tpu.memory_space<vmem>>) target(%dma_start3A_66 : memref<128x128xf32, #tpu.memory_space<vmem_shared>>) target_semaphore(%run_scoped3A : memref<!tpu.dma_semaphore, #tpu.memory_space<semaphore_mem>>)
      %dma_wait3A = arith.constant 0 : i32
      %dma_wait3A_67 = tpu.memref_slice %arg7[%add3A_10, %dma_wait3A] : memref<10240x128xf32, #tpu.memory_space<vmem_shared>> -> memref<128x128xf32, #tpu.memory_space<vmem_shared>>
      %dma_wait3A_68 = arith.constant 0 : i32
      %dma_wait3A_69 = tpu.memref_slice %arg7[%add3A_10, %dma_wait3A_68] : memref<10240x128xf32, #tpu.memory_space<vmem_shared>> -> memref<128x128xf32, #tpu.memory_space<vmem_shared>>
      tpu.wait_dma2 semaphore(%run_scoped3A : memref<!tpu.dma_semaphore, #tpu.memory_space<semaphore_mem>>) src(%arg5 : memref<128x128xf32, #tpu.memory_space<vmem>>) dst(%dma_wait3A_69 : memref<128x128xf32, #tpu.memory_space<vmem_shared>>)
      tpu.yield
    }) : () -> ()
    %mul3A_11 = arith.constant 640 : i32
    %mul3A_12 = arith.muli %arg1, %mul3A_11 : i32
    %add3A_13 = arith.constant 128 : i32
    %add3A_14 = arith.addi %mul3A_12, %add3A_13 : i32
    "tpu.region"() ({
      %run_scoped3A = tpu.sem_alloc : memref<!tpu.dma_semaphore, #tpu.memory_space<semaphore_mem>>
      %dma_start3A = arith.constant 0 : i32
      %dma_start3A_64 = tpu.memref_slice %arg7[%add3A_14, %dma_start3A] : memref<10240x128xf32, #tpu.memory_space<vmem_shared>> -> memref<128x128xf32, #tpu.memory_space<vmem_shared>>
      %dma_start3A_65 = arith.constant 0 : i32
      %dma_start3A_66 = tpu.memref_slice %arg7[%add3A_14, %dma_start3A_65] : memref<10240x128xf32, #tpu.memory_space<vmem_shared>> -> memref<128x128xf32, #tpu.memory_space<vmem_shared>>
      tpu.enqueue_dma source(%arg5 : memref<128x128xf32, #tpu.memory_space<vmem>>) target(%dma_start3A_66 : memref<128x128xf32, #tpu.memory_space<vmem_shared>>) target_semaphore(%run_scoped3A : memref<!tpu.dma_semaphore, #tpu.memory_space<semaphore_mem>>)
      %dma_wait3A = arith.constant 0 : i32
      %dma_wait3A_67 = tpu.memref_slice %arg7[%add3A_14, %dma_wait3A] : memref<10240x128xf32, #tpu.memory_space<vmem_shared>> -> memref<128x128xf32, #tpu.memory_space<vmem_shared>>
      %dma_wait3A_68 = arith.constant 0 : i32
      %dma_wait3A_69 = tpu.memref_slice %arg7[%add3A_14, %dma_wait3A_68] : memref<10240x128xf32, #tpu.memory_space<vmem_shared>> -> memref<128x128xf32, #tpu.memory_space<vmem_shared>>
      tpu.wait_dma2 semaphore(%run_scoped3A : memref<!tpu.dma_semaphore, #tpu.memory_space<semaphore_mem>>) src(%arg5 : memref<128x128xf32, #tpu.memory_space<vmem>>) dst(%dma_wait3A_69 : memref<128x128xf32, #tpu.memory_space<vmem_shared>>)
      tpu.yield
    }) : () -> ()
    %mul3A_15 = arith.constant 640 : i32
    %mul3A_16 = arith.muli %arg1, %mul3A_15 : i32
    %add3A_17 = arith.constant 256 : i32
    %add3A_18 = arith.addi %mul3A_16, %add3A_17 : i32
    "tpu.region"() ({
      %run_scoped3A = tpu.sem_alloc : memref<!tpu.dma_semaphore, #tpu.memory_space<semaphore_mem>>
      %dma_start3A = arith.constant 0 : i32
      %dma_start3A_64 = tpu.memref_slice %arg7[%add3A_18, %dma_start3A] : memref<10240x128xf32, #tpu.memory_space<vmem_shared>> -> memref<128x128xf32, #tpu.memory_space<vmem_shared>>
      %dma_start3A_65 = arith.constant 0 : i32
      %dma_start3A_66 = tpu.memref_slice %arg7[%add3A_18, %dma_start3A_65] : memref<10240x128xf32, #tpu.memory_space<vmem_shared>> -> memref<128x128xf32, #tpu.memory_space<vmem_shared>>
      tpu.enqueue_dma source(%arg5 : memref<128x128xf32, #tpu.memory_space<vmem>>) target(%dma_start3A_66 : memref<128x128xf32, #tpu.memory_space<vmem_shared>>) target_semaphore(%run_scoped3A : memref<!tpu.dma_semaphore, #tpu.memory_space<semaphore_mem>>)
      %dma_wait3A = arith.constant 0 : i32
      %dma_wait3A_67 = tpu.memref_slice %arg7[%add3A_18, %dma_wait3A] : memref<10240x128xf32, #tpu.memory_space<vmem_shared>> -> memref<128x128xf32, #tpu.memory_space<vmem_shared>>
      %dma_wait3A_68 = arith.constant 0 : i32
      %dma_wait3A_69 = tpu.memref_slice %arg7[%add3A_18, %dma_wait3A_68] : memref<10240x128xf32, #tpu.memory_space<vmem_shared>> -> memref<128x128xf32, #tpu.memory_space<vmem_shared>>
      tpu.wait_dma2 semaphore(%run_scoped3A : memref<!tpu.dma_semaphore, #tpu.memory_space<semaphore_mem>>) src(%arg5 : memref<128x128xf32, #tpu.memory_space<vmem>>) dst(%dma_wait3A_69 : memref<128x128xf32, #tpu.memory_space<vmem_shared>>)
      tpu.yield
    }) : () -> ()
    %mul3A_19 = arith.constant 640 : i32
    %mul3A_20 = arith.muli %arg1, %mul3A_19 : i32
    %add3A_21 = arith.constant 384 : i32
    %add3A_22 = arith.addi %mul3A_20, %add3A_21 : i32
    "tpu.region"() ({
      %run_scoped3A = tpu.sem_alloc : memref<!tpu.dma_semaphore, #tpu.memory_space<semaphore_mem>>
      %dma_start3A = arith.constant 0 : i32
      %dma_start3A_64 = tpu.memref_slice %arg7[%add3A_22, %dma_start3A] : memref<10240x128xf32, #tpu.memory_space<vmem_shared>> -> memref<128x128xf32, #tpu.memory_space<vmem_shared>>
      %dma_start3A_65 = arith.constant 0 : i32
      %dma_start3A_66 = tpu.memref_slice %arg7[%add3A_22, %dma_start3A_65] : memref<10240x128xf32, #tpu.memory_space<vmem_shared>> -> memref<128x128xf32, #tpu.memory_space<vmem_shared>>
      tpu.enqueue_dma source(%arg5 : memref<128x128xf32, #tpu.memory_space<vmem>>) target(%dma_start3A_66 : memref<128x128xf32, #tpu.memory_space<vmem_shared>>) target_semaphore(%run_scoped3A : memref<!tpu.dma_semaphore, #tpu.memory_space<semaphore_mem>>)
      %dma_wait3A = arith.constant 0 : i32
      %dma_wait3A_67 = tpu.memref_slice %arg7[%add3A_22, %dma_wait3A] : memref<10240x128xf32, #tpu.memory_space<vmem_shared>> -> memref<128x128xf32, #tpu.memory_space<vmem_shared>>
      %dma_wait3A_68 = arith.constant 0 : i32
      %dma_wait3A_69 = tpu.memref_slice %arg7[%add3A_22, %dma_wait3A_68] : memref<10240x128xf32, #tpu.memory_space<vmem_shared>> -> memref<128x128xf32, #tpu.memory_space<vmem_shared>>
      tpu.wait_dma2 semaphore(%run_scoped3A : memref<!tpu.dma_semaphore, #tpu.memory_space<semaphore_mem>>) src(%arg5 : memref<128x128xf32, #tpu.memory_space<vmem>>) dst(%dma_wait3A_69 : memref<128x128xf32, #tpu.memory_space<vmem_shared>>)
      tpu.yield
    }) : () -> ()
    %mul3A_23 = arith.constant 640 : i32
    %mul3A_24 = arith.muli %arg1, %mul3A_23 : i32
    %add3A_25 = arith.constant 512 : i32
    %add3A_26 = arith.addi %mul3A_24, %add3A_25 : i32
    "tpu.region"() ({
      %run_scoped3A = tpu.sem_alloc : memref<!tpu.dma_semaphore, #tpu.memory_space<semaphore_mem>>
      %dma_start3A = arith.constant 0 : i32
      %dma_start3A_64 = tpu.memref_slice %arg7[%add3A_26, %dma_start3A] : memref<10240x128xf32, #tpu.memory_space<vmem_shared>> -> memref<128x128xf32, #tpu.memory_space<vmem_shared>>
      %dma_start3A_65 = arith.constant 0 : i32
      %dma_start3A_66 = tpu.memref_slice %arg7[%add3A_26, %dma_start3A_65] : memref<10240x128xf32, #tpu.memory_space<vmem_shared>> -> memref<128x128xf32, #tpu.memory_space<vmem_shared>>
      tpu.enqueue_dma source(%arg5 : memref<128x128xf32, #tpu.memory_space<vmem>>) target(%dma_start3A_66 : memref<128x128xf32, #tpu.memory_space<vmem_shared>>) target_semaphore(%run_scoped3A : memref<!tpu.dma_semaphore, #tpu.memory_space<semaphore_mem>>)
      %dma_wait3A = arith.constant 0 : i32
      %dma_wait3A_67 = tpu.memref_slice %arg7[%add3A_26, %dma_wait3A] : memref<10240x128xf32, #tpu.memory_space<vmem_shared>> -> memref<128x128xf32, #tpu.memory_space<vmem_shared>>
      %dma_wait3A_68 = arith.constant 0 : i32
      %dma_wait3A_69 = tpu.memref_slice %arg7[%add3A_26, %dma_wait3A_68] : memref<10240x128xf32, #tpu.memory_space<vmem_shared>> -> memref<128x128xf32, #tpu.memory_space<vmem_shared>>
      tpu.wait_dma2 semaphore(%run_scoped3A : memref<!tpu.dma_semaphore, #tpu.memory_space<semaphore_mem>>) src(%arg5 : memref<128x128xf32, #tpu.memory_space<vmem>>) dst(%dma_wait3A_69 : memref<128x128xf32, #tpu.memory_space<vmem_shared>>)
      tpu.yield
    }) : () -> ()
    %scan3A_27 = arith.constant 0 : i32
    %scan3A_28 = arith.constant 0 : i32
    %scan3A_29 = arith.constant 128 : i32
    %scan3A_30 = arith.addi %scan3A_28, %scan3A_29 : i32
    %scan3A_31 = arith.constant 1 : i32
    %scan3A_32 = scf.for %scan3A_64 = %scan3A_28 to %scan3A_30 step %scan3A_31 iter_args(%scan3A_65 = %scan3A_27) -> (i32)  : i32 {
      %broadcast_in_dim3A = arith.constant 1.000000e+00 : f32
      %broadcast_in_dim3A_66 = vector.broadcast %broadcast_in_dim3A : f32 to vector<16xf32>
      %swap3A = arith.index_cast %scan3A_64 : i32 to index
      %swap3A_67 = arith.constant 0 : index
      %swap3A_68 = tpu.vector_load %arg5[%swap3A, %swap3A_67] {strides = array<i32>} : memref<128x128xf32, #tpu.memory_space<vmem>>, vector<1x16xf32>,
      %swap3A_69 = vector.shape_cast %swap3A_68 : vector<1x16xf32> to vector<16xf32>
      %swap3A_70 = vector.shape_cast %broadcast_in_dim3A_66 : vector<16xf32> to vector<1x16xf32>
      tpu.vector_store %arg5[%swap3A, %swap3A_67], %swap3A_70 {strides = array<i32>} : memref<128x128xf32, #tpu.memory_space<vmem>>, vector<1x16xf32>,
      %broadcast_in_dim3A_71 = arith.constant 1.000000e+00 : f32
      %broadcast_in_dim3A_72 = vector.broadcast %broadcast_in_dim3A_71 : f32 to vector<16xf32>
      %swap3A_73 = arith.index_cast %scan3A_64 : i32 to index
      %swap3A_74 = arith.constant 16 : index
      %swap3A_75 = tpu.vector_load %arg5[%swap3A_73, %swap3A_74] {strides = array<i32>} : memref<128x128xf32, #tpu.memory_space<vmem>>, vector<1x16xf32>,
      %swap3A_76 = vector.shape_cast %swap3A_75 : vector<1x16xf32> to vector<16xf32>
      %swap3A_77 = vector.shape_cast %broadcast_in_dim3A_72 : vector<16xf32> to vector<1x16xf32>
      tpu.vector_store %arg5[%swap3A_73, %swap3A_74], %swap3A_77 {strides = array<i32>} : memref<128x128xf32, #tpu.memory_space<vmem>>, vector<1x16xf32>,
      %broadcast_in_dim3A_78 = arith.constant 1.000000e+00 : f32
      %broadcast_in_dim3A_79 = vector.broadcast %broadcast_in_dim3A_78 : f32 to vector<16xf32>
      %swap3A_80 = arith.index_cast %scan3A_64 : i32 to index
      %swap3A_81 = arith.constant 32 : index
      %swap3A_82 = tpu.vector_load %arg5[%swap3A_80, %swap3A_81] {strides = array<i32>} : memref<128x128xf32, #tpu.memory_space<vmem>>, vector<1x16xf32>,
      %swap3A_83 = vector.shape_cast %swap3A_82 : vector<1x16xf32> to vector<16xf32>
      %swap3A_84 = vector.shape_cast %broadcast_in_dim3A_79 : vector<16xf32> to vector<1x16xf32>
      tpu.vector_store %arg5[%swap3A_80, %swap3A_81], %swap3A_84 {strides = array<i32>} : memref<128x128xf32, #tpu.memory_space<vmem>>, vector<1x16xf32>,
      %broadcast_in_dim3A_85 = arith.constant 1.000000e+00 : f32
      %broadcast_in_dim3A_86 = vector.broadcast %broadcast_in_dim3A_85 : f32 to vector<16xf32>
      %swap3A_87 = arith.index_cast %scan3A_64 : i32 to index
      %swap3A_88 = arith.constant 48 : index
      %swap3A_89 = tpu.vector_load %arg5[%swap3A_87, %swap3A_88] {strides = array<i32>} : memref<128x128xf32, #tpu.memory_space<vmem>>, vector<1x16xf32>,
      %swap3A_90 = vector.shape_cast %swap3A_89 : vector<1x16xf32> to vector<16xf32>
      %swap3A_91 = vector.shape_cast %broadcast_in_dim3A_86 : vector<16xf32> to vector<1x16xf32>
      tpu.vector_store %arg5[%swap3A_87, %swap3A_88], %swap3A_91 {strides = array<i32>} : memref<128x128xf32, #tpu.memory_space<vmem>>, vector<1x16xf32>,
      %broadcast_in_dim3A_92 = arith.constant 1.000000e+00 : f32
      %broadcast_in_dim3A_93 = vector.broadcast %broadcast_in_dim3A_92 : f32 to vector<16xf32>
      %swap3A_94 = arith.index_cast %scan3A_64 : i32 to index
      %swap3A_95 = arith.constant 64 : index
      %swap3A_96 = tpu.vector_load %arg5[%swap3A_94, %swap3A_95] {strides = array<i32>} : memref<128x128xf32, #tpu.memory_space<vmem>>, vector<1x16xf32>,
      %swap3A_97 = vector.shape_cast %swap3A_96 : vector<1x16xf32> to vector<16xf32>
      %swap3A_98 = vector.shape_cast %broadcast_in_dim3A_93 : vector<16xf32> to vector<1x16xf32>
      tpu.vector_store %arg5[%swap3A_94, %swap3A_95], %swap3A_98 {strides = array<i32>} : memref<128x128xf32, #tpu.memory_space<vmem>>, vector<1x16xf32>,
      %broadcast_in_dim3A_99 = arith.constant 1.000000e+00 : f32
      %broadcast_in_dim3A_100 = vector.broadcast %broadcast_in_dim3A_99 : f32 to vector<16xf32>
      %swap3A_101 = arith.index_cast %scan3A_64 : i32 to index
      %swap3A_102 = arith.constant 80 : index
      %swap3A_103 = tpu.vector_load %arg5[%swap3A_101, %swap3A_102] {strides = array<i32>} : memref<128x128xf32, #tpu.memory_space<vmem>>, vector<1x16xf32>,
      %swap3A_104 = vector.shape_cast %swap3A_103 : vector<1x16xf32> to vector<16xf32>
      %swap3A_105 = vector.shape_cast %broadcast_in_dim3A_100 : vector<16xf32> to vector<1x16xf32>
      tpu.vector_store %arg5[%swap3A_101, %swap3A_102], %swap3A_105 {strides = array<i32>} : memref<128x128xf32, #tpu.memory_space<vmem>>, vector<1x16xf32>,
      %broadcast_in_dim3A_106 = arith.constant 1.000000e+00 : f32
      %broadcast_in_dim3A_107 = vector.broadcast %broadcast_in_dim3A_106 : f32 to vector<16xf32>
      %swap3A_108 = arith.index_cast %scan3A_64 : i32 to index
      %swap3A_109 = arith.constant 96 : index
      %swap3A_110 = tpu.vector_load %arg5[%swap3A_108, %swap3A_109] {strides = array<i32>} : memref<128x128xf32, #tpu.memory_space<vmem>>, vector<1x16xf32>,
      %swap3A_111 = vector.shape_cast %swap3A_110 : vector<1x16xf32> to vector<16xf32>
      %swap3A_112 = vector.shape_cast %broadcast_in_dim3A_107 : vector<16xf32> to vector<1x16xf32>
      tpu.vector_store %arg5[%swap3A_108, %swap3A_109], %swap3A_112 {strides = array<i32>} : memref<128x128xf32, #tpu.memory_space<vmem>>, vector<1x16xf32>,
      %broadcast_in_dim3A_113 = arith.constant 1.000000e+00 : f32
      %broadcast_in_dim3A_114 = vector.broadcast %broadcast_in_dim3A_113 : f32 to vector<16xf32>
      %swap3A_115 = arith.index_cast %scan3A_64 : i32 to index
      %swap3A_116 = arith.constant 112 : index
      %swap3A_117 = tpu.vector_load %arg5[%swap3A_115, %swap3A_116] {strides = array<i32>} : memref<128x128xf32, #tpu.memory_space<vmem>>, vector<1x16xf32>,
      %swap3A_118 = vector.shape_cast %swap3A_117 : vector<1x16xf32> to vector<16xf32>
      %swap3A_119 = vector.shape_cast %broadcast_in_dim3A_114 : vector<16xf32> to vector<1x16xf32>
      tpu.vector_store %arg5[%swap3A_115, %swap3A_116], %swap3A_119 {strides = array<i32>} : memref<128x128xf32, #tpu.memory_space<vmem>>, vector<1x16xf32>,
      %scan3A_120 = arith.constant 0 : i32
      scf.yield %scan3A_120 : i32
    }
    %scan3A_33 = arith.constant 128 : i32
    %barrier3A = arith.constant 0 : index
    tpu.barrier barrier_id(%barrier3A)
    %mul3A_34 = arith.constant 80 : i32
    %mul3A_35 = arith.muli %add3A, %mul3A_34 : i32
    "tpu.region"() ({
      %run_scoped3A = tpu.sem_alloc : memref<!tpu.dma_semaphore, #tpu.memory_space<semaphore_mem>>
      %dma_start3A = arith.constant 0 : i32
      %dma_start3A_64 = tpu.memref_slice %arg2[%mul3A_35, %dma_start3A] : memref<2560x128xi32, #tpu.memory_space<hbm>> -> memref<80x128xi32, #tpu.memory_space<hbm>>
      %dma_start3A_65 = arith.constant 0 : i32
      %dma_start3A_66 = tpu.memref_slice %arg2[%mul3A_35, %dma_start3A_65] : memref<2560x128xi32, #tpu.memory_space<hbm>> -> memref<80x128xi32, #tpu.memory_space<hbm>>
      tpu.enqueue_dma source(%dma_start3A_66 : memref<80x128xi32, #tpu.memory_space<hbm>>) target(%arg4 : memref<80x128xi32, #tpu.memory_space<vmem>>) target_semaphore(%run_scoped3A : memref<!tpu.dma_semaphore, #tpu.memory_space<semaphore_mem>>)
      %dma_wait3A = arith.constant 0 : i32
      %dma_wait3A_67 = tpu.memref_slice %arg2[%mul3A_35, %dma_wait3A] : memref<2560x128xi32, #tpu.memory_space<hbm>> -> memref<80x128xi32, #tpu.memory_space<hbm>>
      %dma_wait3A_68 = arith.constant 0 : i32
      %dma_wait3A_69 = tpu.memref_slice %arg2[%mul3A_35, %dma_wait3A_68] : memref<2560x128xi32, #tpu.memory_space<hbm>> -> memref<80x128xi32, #tpu.memory_space<hbm>>
      tpu.wait_dma2 semaphore(%run_scoped3A : memref<!tpu.dma_semaphore, #tpu.memory_space<semaphore_mem>>) src(%dma_wait3A_69 : memref<80x128xi32, #tpu.memory_space<hbm>>) dst(%arg4 : memref<80x128xi32, #tpu.memory_space<vmem>>)
      tpu.yield
    }) : () -> ()
    %scan3A_36 = arith.constant 0 : i32
    %scan3A_37 = arith.constant 0 : i32
    %scan3A_38 = arith.constant 20 : i32
    %scan3A_39 = arith.addi %scan3A_37, %scan3A_38 : i32
    %scan3A_40 = arith.constant 1 : i32
    %scan3A_41 = scf.for %scan3A_64 = %scan3A_37 to %scan3A_39 step %scan3A_40 iter_args(%scan3A_65 = %scan3A_36) -> (i32)  : i32 {
      %mul3A_66 = arith.constant 4 : i32
      %mul3A_67 = arith.muli %mul3A_66, %scan3A_64 : i32
      %add3A_68 = arith.constant 0 : i32
      %add3A_69 = arith.addi %mul3A_67, %add3A_68 : i32
      %dma_start3A = arith.constant 0 : i32
      %dma_start3A_70 = tpu.memref_slice %arg4[%add3A_69, %dma_start3A] : memref<80x128xi32, #tpu.memory_space<vmem>> -> memref<1x128xi32, #tpu.memory_space<vmem>>
      %dma_start3A_71 = tpu.memref_squeeze %dma_start3A_70 : memref<1x128xi32, #tpu.memory_space<vmem>> -> memref<128xi32, #tpu.memory_space<vmem>>
      %dma_start3A_72 = arith.constant 0 : i32
      %dma_start3A_73 = arith.constant 0 : i32
      %dma_start3A_74 = tpu.memref_slice %arg7[%dma_start3A_72, %dma_start3A_73] : memref<10240x128xf32, #tpu.memory_space<vmem_shared>> -> memref<10240x128xf32, #tpu.memory_space<vmem_shared>>
      tpu.enqueue_indirect_dma source(%arg5 : memref<128x128xf32, #tpu.memory_space<vmem>>) target(%dma_start3A_74 : memref<10240x128xf32, #tpu.memory_space<vmem_shared>>) offsets(%dma_start3A_71 : memref<128xi32, #tpu.memory_space<vmem>>) semaphore(%arg6 : memref<!tpu.dma_semaphore, #tpu.memory_space<semaphore_mem>>) {add = true}
      %mul3A_75 = arith.constant 4 : i32
      %mul3A_76 = arith.muli %mul3A_75, %scan3A_64 : i32
      %add3A_77 = arith.constant 1 : i32
      %add3A_78 = arith.addi %mul3A_76, %add3A_77 : i32
      %dma_start3A_79 = arith.constant 0 : i32
      %dma_start3A_80 = tpu.memref_slice %arg4[%add3A_78, %dma_start3A_79] : memref<80x128xi32, #tpu.memory_space<vmem>> -> memref<1x128xi32, #tpu.memory_space<vmem>>
      %dma_start3A_81 = tpu.memref_squeeze %dma_start3A_80 : memref<1x128xi32, #tpu.memory_space<vmem>> -> memref<128xi32, #tpu.memory_space<vmem>>
      %dma_start3A_82 = arith.constant 0 : i32
      %dma_start3A_83 = arith.constant 0 : i32
      %dma_start3A_84 = tpu.memref_slice %arg7[%dma_start3A_82, %dma_start3A_83] : memref<10240x128xf32, #tpu.memory_space<vmem_shared>> -> memref<10240x128xf32, #tpu.memory_space<vmem_shared>>
      tpu.enqueue_indirect_dma source(%arg5 : memref<128x128xf32, #tpu.memory_space<vmem>>) target(%dma_start3A_84 : memref<10240x128xf32, #tpu.memory_space<vmem_shared>>) offsets(%dma_start3A_81 : memref<128xi32, #tpu.memory_space<vmem>>) semaphore(%arg6 : memref<!tpu.dma_semaphore, #tpu.memory_space<semaphore_mem>>) {add = true}
      %mul3A_85 = arith.constant 4 : i32
      %mul3A_86 = arith.muli %mul3A_85, %scan3A_64 : i32
      %add3A_87 = arith.constant 2 : i32
      %add3A_88 = arith.addi %mul3A_86, %add3A_87 : i32
      %dma_start3A_89 = arith.constant 0 : i32
      %dma_start3A_90 = tpu.memref_slice %arg4[%add3A_88, %dma_start3A_89] : memref<80x128xi32, #tpu.memory_space<vmem>> -> memref<1x128xi32, #tpu.memory_space<vmem>>
      %dma_start3A_91 = tpu.memref_squeeze %dma_start3A_90 : memref<1x128xi32, #tpu.memory_space<vmem>> -> memref<128xi32, #tpu.memory_space<vmem>>
      %dma_start3A_92 = arith.constant 0 : i32
      %dma_start3A_93 = arith.constant 0 : i32
      %dma_start3A_94 = tpu.memref_slice %arg7[%dma_start3A_92, %dma_start3A_93] : memref<10240x128xf32, #tpu.memory_space<vmem_shared>> -> memref<10240x128xf32, #tpu.memory_space<vmem_shared>>
      tpu.enqueue_indirect_dma source(%arg5 : memref<128x128xf32, #tpu.memory_space<vmem>>) target(%dma_start3A_94 : memref<10240x128xf32, #tpu.memory_space<vmem_shared>>) offsets(%dma_start3A_91 : memref<128xi32, #tpu.memory_space<vmem>>) semaphore(%arg6 : memref<!tpu.dma_semaphore, #tpu.memory_space<semaphore_mem>>) {add = true}
      %mul3A_95 = arith.constant 4 : i32
      %mul3A_96 = arith.muli %mul3A_95, %scan3A_64 : i32
      %add3A_97 = arith.constant 3 : i32
      %add3A_98 = arith.addi %mul3A_96, %add3A_97 : i32
      %dma_start3A_99 = arith.constant 0 : i32
      %dma_start3A_100 = tpu.memref_slice %arg4[%add3A_98, %dma_start3A_99] : memref<80x128xi32, #tpu.memory_space<vmem>> -> memref<1x128xi32, #tpu.memory_space<vmem>>
      %dma_start3A_101 = tpu.memref_squeeze %dma_start3A_100 : memref<1x128xi32, #tpu.memory_space<vmem>> -> memref<128xi32, #tpu.memory_space<vmem>>
      %dma_start3A_102 = arith.constant 0 : i32
      %dma_start3A_103 = arith.constant 0 : i32
      %dma_start3A_104 = tpu.memref_slice %arg7[%dma_start3A_102, %dma_start3A_103] : memref<10240x128xf32, #tpu.memory_space<vmem_shared>> -> memref<10240x128xf32, #tpu.memory_space<vmem_shared>>
      tpu.enqueue_indirect_dma source(%arg5 : memref<128x128xf32, #tpu.memory_space<vmem>>) target(%dma_start3A_104 : memref<10240x128xf32, #tpu.memory_space<vmem_shared>>) offsets(%dma_start3A_101 : memref<128xi32, #tpu.memory_space<vmem>>) semaphore(%arg6 : memref<!tpu.dma_semaphore, #tpu.memory_space<semaphore_mem>>) {add = true}
      %mul3A_105 = arith.constant 4 : i32
      %mul3A_106 = arith.muli %mul3A_105, %scan3A_64 : i32
      %add3A_107 = arith.constant 0 : i32
      %add3A_108 = arith.addi %mul3A_106, %add3A_107 : i32
      %dma_wait3A = arith.constant 0 : i32
      %dma_wait3A_109 = tpu.memref_slice %arg4[%add3A_108, %dma_wait3A] : memref<80x128xi32, #tpu.memory_space<vmem>> -> memref<1x128xi32, #tpu.memory_space<vmem>>
      %dma_wait3A_110 = tpu.memref_squeeze %dma_wait3A_109 : memref<1x128xi32, #tpu.memory_space<vmem>> -> memref<128xi32, #tpu.memory_space<vmem>>
      %dma_wait3A_111 = arith.constant 0 : i32
      %dma_wait3A_112 = arith.constant 0 : i32
      %dma_wait3A_113 = tpu.memref_slice %arg7[%dma_wait3A_111, %dma_wait3A_112] : memref<10240x128xf32, #tpu.memory_space<vmem_shared>> -> memref<10240x128xf32, #tpu.memory_space<vmem_shared>>
      tpu.wait_indirect_dma semaphore(%arg6 : memref<!tpu.dma_semaphore, #tpu.memory_space<semaphore_mem>>) src(%arg5 : memref<128x128xf32, #tpu.memory_space<vmem>>) dst(%dma_wait3A_113 : memref<10240x128xf32, #tpu.memory_space<vmem_shared>>)
      %mul3A_114 = arith.constant 4 : i32
      %mul3A_115 = arith.muli %mul3A_114, %scan3A_64 : i32
      %add3A_116 = arith.constant 1 : i32
      %add3A_117 = arith.addi %mul3A_115, %add3A_116 : i32
      %dma_wait3A_118 = arith.constant 0 : i32
      %dma_wait3A_119 = tpu.memref_slice %arg4[%add3A_117, %dma_wait3A_118] : memref<80x128xi32, #tpu.memory_space<vmem>> -> memref<1x128xi32, #tpu.memory_space<vmem>>
      %dma_wait3A_120 = tpu.memref_squeeze %dma_wait3A_119 : memref<1x128xi32, #tpu.memory_space<vmem>> -> memref<128xi32, #tpu.memory_space<vmem>>
      %dma_wait3A_121 = arith.constant 0 : i32
      %dma_wait3A_122 = arith.constant 0 : i32
      %dma_wait3A_123 = tpu.memref_slice %arg7[%dma_wait3A_121, %dma_wait3A_122] : memref<10240x128xf32, #tpu.memory_space<vmem_shared>> -> memref<10240x128xf32, #tpu.memory_space<vmem_shared>>
      tpu.wait_indirect_dma semaphore(%arg6 : memref<!tpu.dma_semaphore, #tpu.memory_space<semaphore_mem>>) src(%arg5 : memref<128x128xf32, #tpu.memory_space<vmem>>) dst(%dma_wait3A_123 : memref<10240x128xf32, #tpu.memory_space<vmem_shared>>)
      %mul3A_124 = arith.constant 4 : i32
      %mul3A_125 = arith.muli %mul3A_124, %scan3A_64 : i32
      %add3A_126 = arith.constant 2 : i32
      %add3A_127 = arith.addi %mul3A_125, %add3A_126 : i32
      %dma_wait3A_128 = arith.constant 0 : i32
      %dma_wait3A_129 = tpu.memref_slice %arg4[%add3A_127, %dma_wait3A_128] : memref<80x128xi32, #tpu.memory_space<vmem>> -> memref<1x128xi32, #tpu.memory_space<vmem>>
      %dma_wait3A_130 = tpu.memref_squeeze %dma_wait3A_129 : memref<1x128xi32, #tpu.memory_space<vmem>> -> memref<128xi32, #tpu.memory_space<vmem>>
      %dma_wait3A_131 = arith.constant 0 : i32
      %dma_wait3A_132 = arith.constant 0 : i32
      %dma_wait3A_133 = tpu.memref_slice %arg7[%dma_wait3A_131, %dma_wait3A_132] : memref<10240x128xf32, #tpu.memory_space<vmem_shared>> -> memref<10240x128xf32, #tpu.memory_space<vmem_shared>>
      tpu.wait_indirect_dma semaphore(%arg6 : memref<!tpu.dma_semaphore, #tpu.memory_space<semaphore_mem>>) src(%arg5 : memref<128x128xf32, #tpu.memory_space<vmem>>) dst(%dma_wait3A_133 : memref<10240x128xf32, #tpu.memory_space<vmem_shared>>)
      %mul3A_134 = arith.constant 4 : i32
      %mul3A_135 = arith.muli %mul3A_134, %scan3A_64 : i32
      %add3A_136 = arith.constant 3 : i32
      %add3A_137 = arith.addi %mul3A_135, %add3A_136 : i32
      %dma_wait3A_138 = arith.constant 0 : i32
      %dma_wait3A_139 = tpu.memref_slice %arg4[%add3A_137, %dma_wait3A_138] : memref<80x128xi32, #tpu.memory_space<vmem>> -> memref<1x128xi32, #tpu.memory_space<vmem>>
      %dma_wait3A_140 = tpu.memref_squeeze %dma_wait3A_139 : memref<1x128xi32, #tpu.memory_space<vmem>> -> memref<128xi32, #tpu.memory_space<vmem>>
      %dma_wait3A_141 = arith.constant 0 : i32
      %dma_wait3A_142 = arith.constant 0 : i32
      %dma_wait3A_143 = tpu.memref_slice %arg7[%dma_wait3A_141, %dma_wait3A_142] : memref<10240x128xf32, #tpu.memory_space<vmem_shared>> -> memref<10240x128xf32, #tpu.memory_space<vmem_shared>>
      tpu.wait_indirect_dma semaphore(%arg6 : memref<!tpu.dma_semaphore, #tpu.memory_space<semaphore_mem>>) src(%arg5 : memref<128x128xf32, #tpu.memory_space<vmem>>) dst(%dma_wait3A_143 : memref<10240x128xf32, #tpu.memory_space<vmem_shared>>)
      %scan3A_144 = arith.constant 0 : i32
      scf.yield %scan3A_144 : i32
    }
    %scan3A_42 = arith.constant 20 : i32
    %barrier3A_43 = arith.constant 0 : index
    tpu.barrier barrier_id(%barrier3A_43)
    %mul3A_44 = arith.constant 640 : i32
    %mul3A_45 = arith.muli %arg1, %mul3A_44 : i32
    %add3A_46 = arith.constant 0 : i32
    %add3A_47 = arith.addi %mul3A_45, %add3A_46 : i32
    "tpu.region"() ({
      %run_scoped3A = tpu.sem_alloc : memref<!tpu.dma_semaphore, #tpu.memory_space<semaphore_mem>>
      %dma_start3A = arith.constant 0 : i32
      %dma_start3A_64 = tpu.memref_slice %arg3[%arg0, %add3A_47, %dma_start3A] : memref<2x10240x128xf32, #tpu.memory_space<hbm>> -> memref<1x128x128xf32, #tpu.memory_space<hbm>>
      %dma_start3A_65 = tpu.memref_squeeze %dma_start3A_64 : memref<1x128x128xf32, #tpu.memory_space<hbm>> -> memref<128x128xf32, #tpu.memory_space<hbm>>
      %dma_start3A_66 = arith.constant 0 : i32
      %dma_start3A_67 = tpu.memref_slice %arg7[%add3A_47, %dma_start3A_66] : memref<10240x128xf32, #tpu.memory_space<vmem_shared>> -> memref<128x128xf32, #tpu.memory_space<vmem_shared>>
      tpu.enqueue_dma source(%dma_start3A_67 : memref<128x128xf32, #tpu.memory_space<vmem_shared>>) target(%dma_start3A_65 : memref<128x128xf32, #tpu.memory_space<hbm>>) target_semaphore(%run_scoped3A : memref<!tpu.dma_semaphore, #tpu.memory_space<semaphore_mem>>)
      %dma_wait3A = arith.constant 0 : i32
      %dma_wait3A_68 = tpu.memref_slice %arg3[%arg0, %add3A_47, %dma_wait3A] : memref<2x10240x128xf32, #tpu.memory_space<hbm>> -> memref<1x128x128xf32, #tpu.memory_space<hbm>>
      %dma_wait3A_69 = tpu.memref_squeeze %dma_wait3A_68 : memref<1x128x128xf32, #tpu.memory_space<hbm>> -> memref<128x128xf32, #tpu.memory_space<hbm>>
      %dma_wait3A_70 = arith.constant 0 : i32
      %dma_wait3A_71 = tpu.memref_slice %arg7[%add3A_47, %dma_wait3A_70] : memref<10240x128xf32, #tpu.memory_space<vmem_shared>> -> memref<128x128xf32, #tpu.memory_space<vmem_shared>>
      tpu.wait_dma2 semaphore(%run_scoped3A : memref<!tpu.dma_semaphore, #tpu.memory_space<semaphore_mem>>) src(%dma_wait3A_71 : memref<128x128xf32, #tpu.memory_space<vmem_shared>>) dst(%dma_wait3A_69 : memref<128x128xf32, #tpu.memory_space<hbm>>)
      tpu.yield
    }) : () -> ()
    %mul3A_48 = arith.constant 640 : i32
    %mul3A_49 = arith.muli %arg1, %mul3A_48 : i32
    %add3A_50 = arith.constant 128 : i32
    %add3A_51 = arith.addi %mul3A_49, %add3A_50 : i32
    "tpu.region"() ({
      %run_scoped3A = tpu.sem_alloc : memref<!tpu.dma_semaphore, #tpu.memory_space<semaphore_mem>>
      %dma_start3A = arith.constant 0 : i32
      %dma_start3A_64 = tpu.memref_slice %arg3[%arg0, %add3A_51, %dma_start3A] : memref<2x10240x128xf32, #tpu.memory_space<hbm>> -> memref<1x128x128xf32, #tpu.memory_space<hbm>>
      %dma_start3A_65 = tpu.memref_squeeze %dma_start3A_64 : memref<1x128x128xf32, #tpu.memory_space<hbm>> -> memref<128x128xf32, #tpu.memory_space<hbm>>
      %dma_start3A_66 = arith.constant 0 : i32
      %dma_start3A_67 = tpu.memref_slice %arg7[%add3A_51, %dma_start3A_66] : memref<10240x128xf32, #tpu.memory_space<vmem_shared>> -> memref<128x128xf32, #tpu.memory_space<vmem_shared>>
      tpu.enqueue_dma source(%dma_start3A_67 : memref<128x128xf32, #tpu.memory_space<vmem_shared>>) target(%dma_start3A_65 : memref<128x128xf32, #tpu.memory_space<hbm>>) target_semaphore(%run_scoped3A : memref<!tpu.dma_semaphore, #tpu.memory_space<semaphore_mem>>)
      %dma_wait3A = arith.constant 0 : i32
      %dma_wait3A_68 = tpu.memref_slice %arg3[%arg0, %add3A_51, %dma_wait3A] : memref<2x10240x128xf32, #tpu.memory_space<hbm>> -> memref<1x128x128xf32, #tpu.memory_space<hbm>>
      %dma_wait3A_69 = tpu.memref_squeeze %dma_wait3A_68 : memref<1x128x128xf32, #tpu.memory_space<hbm>> -> memref<128x128xf32, #tpu.memory_space<hbm>>
      %dma_wait3A_70 = arith.constant 0 : i32
      %dma_wait3A_71 = tpu.memref_slice %arg7[%add3A_51, %dma_wait3A_70] : memref<10240x128xf32, #tpu.memory_space<vmem_shared>> -> memref<128x128xf32, #tpu.memory_space<vmem_shared>>
      tpu.wait_dma2 semaphore(%run_scoped3A : memref<!tpu.dma_semaphore, #tpu.memory_space<semaphore_mem>>) src(%dma_wait3A_71 : memref<128x128xf32, #tpu.memory_space<vmem_shared>>) dst(%dma_wait3A_69 : memref<128x128xf32, #tpu.memory_space<hbm>>)
      tpu.yield
    }) : () -> ()
    %mul3A_52 = arith.constant 640 : i32
    %mul3A_53 = arith.muli %arg1, %mul3A_52 : i32
    %add3A_54 = arith.constant 256 : i32
    %add3A_55 = arith.addi %mul3A_53, %add3A_54 : i32
    "tpu.region"() ({
      %run_scoped3A = tpu.sem_alloc : memref<!tpu.dma_semaphore, #tpu.memory_space<semaphore_mem>>
      %dma_start3A = arith.constant 0 : i32
      %dma_start3A_64 = tpu.memref_slice %arg3[%arg0, %add3A_55, %dma_start3A] : memref<2x10240x128xf32, #tpu.memory_space<hbm>> -> memref<1x128x128xf32, #tpu.memory_space<hbm>>
      %dma_start3A_65 = tpu.memref_squeeze %dma_start3A_64 : memref<1x128x128xf32, #tpu.memory_space<hbm>> -> memref<128x128xf32, #tpu.memory_space<hbm>>
      %dma_start3A_66 = arith.constant 0 : i32
      %dma_start3A_67 = tpu.memref_slice %arg7[%add3A_55, %dma_start3A_66] : memref<10240x128xf32, #tpu.memory_space<vmem_shared>> -> memref<128x128xf32, #tpu.memory_space<vmem_shared>>
      tpu.enqueue_dma source(%dma_start3A_67 : memref<128x128xf32, #tpu.memory_space<vmem_shared>>) target(%dma_start3A_65 : memref<128x128xf32, #tpu.memory_space<hbm>>) target_semaphore(%run_scoped3A : memref<!tpu.dma_semaphore, #tpu.memory_space<semaphore_mem>>)
      %dma_wait3A = arith.constant 0 : i32
      %dma_wait3A_68 = tpu.memref_slice %arg3[%arg0, %add3A_55, %dma_wait3A] : memref<2x10240x128xf32, #tpu.memory_space<hbm>> -> memref<1x128x128xf32, #tpu.memory_space<hbm>>
      %dma_wait3A_69 = tpu.memref_squeeze %dma_wait3A_68 : memref<1x128x128xf32, #tpu.memory_space<hbm>> -> memref<128x128xf32, #tpu.memory_space<hbm>>
      %dma_wait3A_70 = arith.constant 0 : i32
      %dma_wait3A_71 = tpu.memref_slice %arg7[%add3A_55, %dma_wait3A_70] : memref<10240x128xf32, #tpu.memory_space<vmem_shared>> -> memref<128x128xf32, #tpu.memory_space<vmem_shared>>
      tpu.wait_dma2 semaphore(%run_scoped3A : memref<!tpu.dma_semaphore, #tpu.memory_space<semaphore_mem>>) src(%dma_wait3A_71 : memref<128x128xf32, #tpu.memory_space<vmem_shared>>) dst(%dma_wait3A_69 : memref<128x128xf32, #tpu.memory_space<hbm>>)
      tpu.yield
    }) : () -> ()
    %mul3A_56 = arith.constant 640 : i32
    %mul3A_57 = arith.muli %arg1, %mul3A_56 : i32
    %add3A_58 = arith.constant 384 : i32
    %add3A_59 = arith.addi %mul3A_57, %add3A_58 : i32
    "tpu.region"() ({
      %run_scoped3A = tpu.sem_alloc : memref<!tpu.dma_semaphore, #tpu.memory_space<semaphore_mem>>
      %dma_start3A = arith.constant 0 : i32
      %dma_start3A_64 = tpu.memref_slice %arg3[%arg0, %add3A_59, %dma_start3A] : memref<2x10240x128xf32, #tpu.memory_space<hbm>> -> memref<1x128x128xf32, #tpu.memory_space<hbm>>
      %dma_start3A_65 = tpu.memref_squeeze %dma_start3A_64 : memref<1x128x128xf32, #tpu.memory_space<hbm>> -> memref<128x128xf32, #tpu.memory_space<hbm>>
      %dma_start3A_66 = arith.constant 0 : i32
      %dma_start3A_67 = tpu.memref_slice %arg7[%add3A_59, %dma_start3A_66] : memref<10240x128xf32, #tpu.memory_space<vmem_shared>> -> memref<128x128xf32, #tpu.memory_space<vmem_shared>>
      tpu.enqueue_dma source(%dma_start3A_67 : memref<128x128xf32, #tpu.memory_space<vmem_shared>>) target(%dma_start3A_65 : memref<128x128xf32, #tpu.memory_space<hbm>>) target_semaphore(%run_scoped3A : memref<!tpu.dma_semaphore, #tpu.memory_space<semaphore_mem>>)
      %dma_wait3A = arith.constant 0 : i32
      %dma_wait3A_68 = tpu.memref_slice %arg3[%arg0, %add3A_59, %dma_wait3A] : memref<2x10240x128xf32, #tpu.memory_space<hbm>> -> memref<1x128x128xf32, #tpu.memory_space<hbm>>
      %dma_wait3A_69 = tpu.memref_squeeze %dma_wait3A_68 : memref<1x128x128xf32, #tpu.memory_space<hbm>> -> memref<128x128xf32, #tpu.memory_space<hbm>>
      %dma_wait3A_70 = arith.constant 0 : i32
      %dma_wait3A_71 = tpu.memref_slice %arg7[%add3A_59, %dma_wait3A_70] : memref<10240x128xf32, #tpu.memory_space<vmem_shared>> -> memref<128x128xf32, #tpu.memory_space<vmem_shared>>
      tpu.wait_dma2 semaphore(%run_scoped3A : memref<!tpu.dma_semaphore, #tpu.memory_space<semaphore_mem>>) src(%dma_wait3A_71 : memref<128x128xf32, #tpu.memory_space<vmem_shared>>) dst(%dma_wait3A_69 : memref<128x128xf32, #tpu.memory_space<hbm>>)
      tpu.yield
    }) : () -> ()
    %mul3A_60 = arith.constant 640 : i32
    %mul3A_61 = arith.muli %arg1, %mul3A_60 : i32
    %add3A_62 = arith.constant 512 : i32
    %add3A_63 = arith.addi %mul3A_61, %add3A_62 : i32
    "tpu.region"() ({
      %run_scoped3A = tpu.sem_alloc : memref<!tpu.dma_semaphore, #tpu.memory_space<semaphore_mem>>
      %dma_start3A = arith.constant 0 : i32
      %dma_start3A_64 = tpu.memref_slice %arg3[%arg0, %add3A_63, %dma_start3A] : memref<2x10240x128xf32, #tpu.memory_space<hbm>> -> memref<1x128x128xf32, #tpu.memory_space<hbm>>
      %dma_start3A_65 = tpu.memref_squeeze %dma_start3A_64 : memref<1x128x128xf32, #tpu.memory_space<hbm>> -> memref<128x128xf32, #tpu.memory_space<hbm>>
      %dma_start3A_66 = arith.constant 0 : i32
      %dma_start3A_67 = tpu.memref_slice %arg7[%add3A_63, %dma_start3A_66] : memref<10240x128xf32, #tpu.memory_space<vmem_shared>> -> memref<128x128xf32, #tpu.memory_space<vmem_shared>>
      tpu.enqueue_dma source(%dma_start3A_67 : memref<128x128xf32, #tpu.memory_space<vmem_shared>>) target(%dma_start3A_65 : memref<128x128xf32, #tpu.memory_space<hbm>>) target_semaphore(%run_scoped3A : memref<!tpu.dma_semaphore, #tpu.memory_space<semaphore_mem>>)
      %dma_wait3A = arith.constant 0 : i32
      %dma_wait3A_68 = tpu.memref_slice %arg3[%arg0, %add3A_63, %dma_wait3A] : memref<2x10240x128xf32, #tpu.memory_space<hbm>> -> memref<1x128x128xf32, #tpu.memory_space<hbm>>
      %dma_wait3A_69 = tpu.memref_squeeze %dma_wait3A_68 : memref<1x128x128xf32, #tpu.memory_space<hbm>> -> memref<128x128xf32, #tpu.memory_space<hbm>>
      %dma_wait3A_70 = arith.constant 0 : i32
      %dma_wait3A_71 = tpu.memref_slice %arg7[%add3A_63, %dma_wait3A_70] : memref<10240x128xf32, #tpu.memory_space<vmem_shared>> -> memref<128x128xf32, #tpu.memory_space<vmem_shared>>
      tpu.wait_dma2 semaphore(%run_scoped3A : memref<!tpu.dma_semaphore, #tpu.memory_space<semaphore_mem>>) src(%dma_wait3A_71 : memref<128x128xf32, #tpu.memory_space<vmem_shared>>) dst(%dma_wait3A_69 : memref<128x128xf32, #tpu.memory_space<hbm>>)
      tpu.yield
    }) : () -> ()
    return
  }
}

#map = affine_map<(d0, d1) -> (0, 0)>
#map1 = affine_map<(d0, d1) -> (0, 0, 0)>
module attributes {stable_mosaic.version = 14 : i64} {
  func.func @conv_kernel(%arg0: i32, %arg1: i32, %arg2: memref<10240x128xf32, #tpu.memory_space<hbm>>, %arg3: memref<2560x128xi32, #tpu.memory_space<hbm>>, %arg4: memref<2560x128xi32, #tpu.memory_space<hbm>>, %arg5: memref<2x10240x128xf32, #tpu.memory_space<hbm>>, %arg6: memref<40x128xi32, #tpu.memory_space<vmem>>, %arg7: memref<40x128xi32, #tpu.memory_space<vmem>>, %arg8: memref<128x128xf32, #tpu.memory_space<vmem>>, %arg9: memref<128x128xf32, #tpu.memory_space<vmem>>, %arg10: memref<!tpu.dma_semaphore, #tpu.memory_space<semaphore_mem>>, %arg11: memref<!tpu.dma_semaphore, #tpu.memory_space<semaphore_mem>>, %arg12: memref<10240x128xf32, #tpu.memory_space<vmem_shared>>) attributes {dimension_semantics = [#tpu.dimension_semantics<core_parallel>, #tpu.dimension_semantics<subcore_parallel>], iteration_bounds = array<i64: 2, 16>, scalar_prefetch = 0 : i64, scratch_operands = 7 : i64, tpu.core_type = #tpu.core_type<sc_vector_subcore>, window_params = [{transform_indices = #map}, {transform_indices = #map}, {transform_indices = #map}, {transform_indices = #map1}]} {
    %mul3A = arith.constant 2 : i32
    %mul3A_0 = arith.muli %arg1, %mul3A : i32
    %add3A = arith.addi %mul3A_0, %arg0 : i32
    %scan3A = arith.constant 0 : i32
    %scan3A_1 = arith.constant 0 : i32
    %scan3A_2 = arith.constant 128 : i32
    %scan3A_3 = arith.addi %scan3A_1, %scan3A_2 : i32
    %scan3A_4 = arith.constant 1 : i32
    %scan3A_5 = scf.for %scan3A_180 = %scan3A_1 to %scan3A_3 step %scan3A_4 iter_args(%scan3A_181 = %scan3A) -> (i32)  : i32 {
      %broadcast_in_dim3A = arith.constant 0.000000e+00 : f32
      %broadcast_in_dim3A_182 = vector.broadcast %broadcast_in_dim3A : f32 to vector<16xf32>
      %swap3A = arith.index_cast %scan3A_180 : i32 to index
      %swap3A_183 = arith.constant 0 : index
      %swap3A_184 = tpu.vector_load %arg8[%swap3A, %swap3A_183] {strides = array<i32>} : memref<128x128xf32, #tpu.memory_space<vmem>>, vector<1x16xf32>,
      %swap3A_185 = vector.shape_cast %swap3A_184 : vector<1x16xf32> to vector<16xf32>
      %swap3A_186 = vector.shape_cast %broadcast_in_dim3A_182 : vector<16xf32> to vector<1x16xf32>
      tpu.vector_store %arg8[%swap3A, %swap3A_183], %swap3A_186 {strides = array<i32>} : memref<128x128xf32, #tpu.memory_space<vmem>>, vector<1x16xf32>,
      %broadcast_in_dim3A_187 = arith.constant 0.000000e+00 : f32
      %broadcast_in_dim3A_188 = vector.broadcast %broadcast_in_dim3A_187 : f32 to vector<16xf32>
      %swap3A_189 = arith.index_cast %scan3A_180 : i32 to index
      %swap3A_190 = arith.constant 16 : index
      %swap3A_191 = tpu.vector_load %arg8[%swap3A_189, %swap3A_190] {strides = array<i32>} : memref<128x128xf32, #tpu.memory_space<vmem>>, vector<1x16xf32>,
      %swap3A_192 = vector.shape_cast %swap3A_191 : vector<1x16xf32> to vector<16xf32>
      %swap3A_193 = vector.shape_cast %broadcast_in_dim3A_188 : vector<16xf32> to vector<1x16xf32>
      tpu.vector_store %arg8[%swap3A_189, %swap3A_190], %swap3A_193 {strides = array<i32>} : memref<128x128xf32, #tpu.memory_space<vmem>>, vector<1x16xf32>,
      %broadcast_in_dim3A_194 = arith.constant 0.000000e+00 : f32
      %broadcast_in_dim3A_195 = vector.broadcast %broadcast_in_dim3A_194 : f32 to vector<16xf32>
      %swap3A_196 = arith.index_cast %scan3A_180 : i32 to index
      %swap3A_197 = arith.constant 32 : index
      %swap3A_198 = tpu.vector_load %arg8[%swap3A_196, %swap3A_197] {strides = array<i32>} : memref<128x128xf32, #tpu.memory_space<vmem>>, vector<1x16xf32>,
      %swap3A_199 = vector.shape_cast %swap3A_198 : vector<1x16xf32> to vector<16xf32>
      %swap3A_200 = vector.shape_cast %broadcast_in_dim3A_195 : vector<16xf32> to vector<1x16xf32>
      tpu.vector_store %arg8[%swap3A_196, %swap3A_197], %swap3A_200 {strides = array<i32>} : memref<128x128xf32, #tpu.memory_space<vmem>>, vector<1x16xf32>,
      %broadcast_in_dim3A_201 = arith.constant 0.000000e+00 : f32
      %broadcast_in_dim3A_202 = vector.broadcast %broadcast_in_dim3A_201 : f32 to vector<16xf32>
      %swap3A_203 = arith.index_cast %scan3A_180 : i32 to index
      %swap3A_204 = arith.constant 48 : index
      %swap3A_205 = tpu.vector_load %arg8[%swap3A_203, %swap3A_204] {strides = array<i32>} : memref<128x128xf32, #tpu.memory_space<vmem>>, vector<1x16xf32>,
      %swap3A_206 = vector.shape_cast %swap3A_205 : vector<1x16xf32> to vector<16xf32>
      %swap3A_207 = vector.shape_cast %broadcast_in_dim3A_202 : vector<16xf32> to vector<1x16xf32>
      tpu.vector_store %arg8[%swap3A_203, %swap3A_204], %swap3A_207 {strides = array<i32>} : memref<128x128xf32, #tpu.memory_space<vmem>>, vector<1x16xf32>,
      %broadcast_in_dim3A_208 = arith.constant 0.000000e+00 : f32
      %broadcast_in_dim3A_209 = vector.broadcast %broadcast_in_dim3A_208 : f32 to vector<16xf32>
      %swap3A_210 = arith.index_cast %scan3A_180 : i32 to index
      %swap3A_211 = arith.constant 64 : index
      %swap3A_212 = tpu.vector_load %arg8[%swap3A_210, %swap3A_211] {strides = array<i32>} : memref<128x128xf32, #tpu.memory_space<vmem>>, vector<1x16xf32>,
      %swap3A_213 = vector.shape_cast %swap3A_212 : vector<1x16xf32> to vector<16xf32>
      %swap3A_214 = vector.shape_cast %broadcast_in_dim3A_209 : vector<16xf32> to vector<1x16xf32>
      tpu.vector_store %arg8[%swap3A_210, %swap3A_211], %swap3A_214 {strides = array<i32>} : memref<128x128xf32, #tpu.memory_space<vmem>>, vector<1x16xf32>,
      %broadcast_in_dim3A_215 = arith.constant 0.000000e+00 : f32
      %broadcast_in_dim3A_216 = vector.broadcast %broadcast_in_dim3A_215 : f32 to vector<16xf32>
      %swap3A_217 = arith.index_cast %scan3A_180 : i32 to index
      %swap3A_218 = arith.constant 80 : index
      %swap3A_219 = tpu.vector_load %arg8[%swap3A_217, %swap3A_218] {strides = array<i32>} : memref<128x128xf32, #tpu.memory_space<vmem>>, vector<1x16xf32>,
      %swap3A_220 = vector.shape_cast %swap3A_219 : vector<1x16xf32> to vector<16xf32>
      %swap3A_221 = vector.shape_cast %broadcast_in_dim3A_216 : vector<16xf32> to vector<1x16xf32>
      tpu.vector_store %arg8[%swap3A_217, %swap3A_218], %swap3A_221 {strides = array<i32>} : memref<128x128xf32, #tpu.memory_space<vmem>>, vector<1x16xf32>,
      %broadcast_in_dim3A_222 = arith.constant 0.000000e+00 : f32
      %broadcast_in_dim3A_223 = vector.broadcast %broadcast_in_dim3A_222 : f32 to vector<16xf32>
      %swap3A_224 = arith.index_cast %scan3A_180 : i32 to index
      %swap3A_225 = arith.constant 96 : index
      %swap3A_226 = tpu.vector_load %arg8[%swap3A_224, %swap3A_225] {strides = array<i32>} : memref<128x128xf32, #tpu.memory_space<vmem>>, vector<1x16xf32>,
      %swap3A_227 = vector.shape_cast %swap3A_226 : vector<1x16xf32> to vector<16xf32>
      %swap3A_228 = vector.shape_cast %broadcast_in_dim3A_223 : vector<16xf32> to vector<1x16xf32>
      tpu.vector_store %arg8[%swap3A_224, %swap3A_225], %swap3A_228 {strides = array<i32>} : memref<128x128xf32, #tpu.memory_space<vmem>>, vector<1x16xf32>,
      %broadcast_in_dim3A_229 = arith.constant 0.000000e+00 : f32
      %broadcast_in_dim3A_230 = vector.broadcast %broadcast_in_dim3A_229 : f32 to vector<16xf32>
      %swap3A_231 = arith.index_cast %scan3A_180 : i32 to index
      %swap3A_232 = arith.constant 112 : index
      %swap3A_233 = tpu.vector_load %arg8[%swap3A_231, %swap3A_232] {strides = array<i32>} : memref<128x128xf32, #tpu.memory_space<vmem>>, vector<1x16xf32>,
      %swap3A_234 = vector.shape_cast %swap3A_233 : vector<1x16xf32> to vector<16xf32>
      %swap3A_235 = vector.shape_cast %broadcast_in_dim3A_230 : vector<16xf32> to vector<1x16xf32>
      tpu.vector_store %arg8[%swap3A_231, %swap3A_232], %swap3A_235 {strides = array<i32>} : memref<128x128xf32, #tpu.memory_space<vmem>>, vector<1x16xf32>,
      %scan3A_236 = arith.constant 0 : i32
      scf.yield %scan3A_236 : i32
    }
    %scan3A_6 = arith.constant 128 : i32
    %mul3A_7 = arith.constant 640 : i32
    %mul3A_8 = arith.muli %arg1, %mul3A_7 : i32
    %add3A_9 = arith.constant 0 : i32
    %add3A_10 = arith.addi %mul3A_8, %add3A_9 : i32
    "tpu.region"() ({
      %run_scoped3A = tpu.sem_alloc : memref<!tpu.dma_semaphore, #tpu.memory_space<semaphore_mem>>
      %dma_start3A_180 = arith.constant 0 : i32
      %dma_start3A_181 = tpu.memref_slice %arg12[%add3A_10, %dma_start3A_180] : memref<10240x128xf32, #tpu.memory_space<vmem_shared>> -> memref<128x128xf32, #tpu.memory_space<vmem_shared>>
      %dma_start3A_182 = arith.constant 0 : i32
      %dma_start3A_183 = tpu.memref_slice %arg12[%add3A_10, %dma_start3A_182] : memref<10240x128xf32, #tpu.memory_space<vmem_shared>> -> memref<128x128xf32, #tpu.memory_space<vmem_shared>>
      tpu.enqueue_dma source(%arg8 : memref<128x128xf32, #tpu.memory_space<vmem>>) target(%dma_start3A_183 : memref<128x128xf32, #tpu.memory_space<vmem_shared>>) target_semaphore(%run_scoped3A : memref<!tpu.dma_semaphore, #tpu.memory_space<semaphore_mem>>)
      %dma_wait3A_184 = arith.constant 0 : i32
      %dma_wait3A_185 = tpu.memref_slice %arg12[%add3A_10, %dma_wait3A_184] : memref<10240x128xf32, #tpu.memory_space<vmem_shared>> -> memref<128x128xf32, #tpu.memory_space<vmem_shared>>
      %dma_wait3A_186 = arith.constant 0 : i32
      %dma_wait3A_187 = tpu.memref_slice %arg12[%add3A_10, %dma_wait3A_186] : memref<10240x128xf32, #tpu.memory_space<vmem_shared>> -> memref<128x128xf32, #tpu.memory_space<vmem_shared>>
      tpu.wait_dma2 semaphore(%run_scoped3A : memref<!tpu.dma_semaphore, #tpu.memory_space<semaphore_mem>>) src(%arg8 : memref<128x128xf32, #tpu.memory_space<vmem>>) dst(%dma_wait3A_187 : memref<128x128xf32, #tpu.memory_space<vmem_shared>>)
      tpu.yield
    }) : () -> ()
    %mul3A_11 = arith.constant 640 : i32
    %mul3A_12 = arith.muli %arg1, %mul3A_11 : i32
    %add3A_13 = arith.constant 128 : i32
    %add3A_14 = arith.addi %mul3A_12, %add3A_13 : i32
    "tpu.region"() ({
      %run_scoped3A = tpu.sem_alloc : memref<!tpu.dma_semaphore, #tpu.memory_space<semaphore_mem>>
      %dma_start3A_180 = arith.constant 0 : i32
      %dma_start3A_181 = tpu.memref_slice %arg12[%add3A_14, %dma_start3A_180] : memref<10240x128xf32, #tpu.memory_space<vmem_shared>> -> memref<128x128xf32, #tpu.memory_space<vmem_shared>>
      %dma_start3A_182 = arith.constant 0 : i32
      %dma_start3A_183 = tpu.memref_slice %arg12[%add3A_14, %dma_start3A_182] : memref<10240x128xf32, #tpu.memory_space<vmem_shared>> -> memref<128x128xf32, #tpu.memory_space<vmem_shared>>
      tpu.enqueue_dma source(%arg8 : memref<128x128xf32, #tpu.memory_space<vmem>>) target(%dma_start3A_183 : memref<128x128xf32, #tpu.memory_space<vmem_shared>>) target_semaphore(%run_scoped3A : memref<!tpu.dma_semaphore, #tpu.memory_space<semaphore_mem>>)
      %dma_wait3A_184 = arith.constant 0 : i32
      %dma_wait3A_185 = tpu.memref_slice %arg12[%add3A_14, %dma_wait3A_184] : memref<10240x128xf32, #tpu.memory_space<vmem_shared>> -> memref<128x128xf32, #tpu.memory_space<vmem_shared>>
      %dma_wait3A_186 = arith.constant 0 : i32
      %dma_wait3A_187 = tpu.memref_slice %arg12[%add3A_14, %dma_wait3A_186] : memref<10240x128xf32, #tpu.memory_space<vmem_shared>> -> memref<128x128xf32, #tpu.memory_space<vmem_shared>>
      tpu.wait_dma2 semaphore(%run_scoped3A : memref<!tpu.dma_semaphore, #tpu.memory_space<semaphore_mem>>) src(%arg8 : memref<128x128xf32, #tpu.memory_space<vmem>>) dst(%dma_wait3A_187 : memref<128x128xf32, #tpu.memory_space<vmem_shared>>)
      tpu.yield
    }) : () -> ()
    %mul3A_15 = arith.constant 640 : i32
    %mul3A_16 = arith.muli %arg1, %mul3A_15 : i32
    %add3A_17 = arith.constant 256 : i32
    %add3A_18 = arith.addi %mul3A_16, %add3A_17 : i32
    "tpu.region"() ({
      %run_scoped3A = tpu.sem_alloc : memref<!tpu.dma_semaphore, #tpu.memory_space<semaphore_mem>>
      %dma_start3A_180 = arith.constant 0 : i32
      %dma_start3A_181 = tpu.memref_slice %arg12[%add3A_18, %dma_start3A_180] : memref<10240x128xf32, #tpu.memory_space<vmem_shared>> -> memref<128x128xf32, #tpu.memory_space<vmem_shared>>
      %dma_start3A_182 = arith.constant 0 : i32
      %dma_start3A_183 = tpu.memref_slice %arg12[%add3A_18, %dma_start3A_182] : memref<10240x128xf32, #tpu.memory_space<vmem_shared>> -> memref<128x128xf32, #tpu.memory_space<vmem_shared>>
      tpu.enqueue_dma source(%arg8 : memref<128x128xf32, #tpu.memory_space<vmem>>) target(%dma_start3A_183 : memref<128x128xf32, #tpu.memory_space<vmem_shared>>) target_semaphore(%run_scoped3A : memref<!tpu.dma_semaphore, #tpu.memory_space<semaphore_mem>>)
      %dma_wait3A_184 = arith.constant 0 : i32
      %dma_wait3A_185 = tpu.memref_slice %arg12[%add3A_18, %dma_wait3A_184] : memref<10240x128xf32, #tpu.memory_space<vmem_shared>> -> memref<128x128xf32, #tpu.memory_space<vmem_shared>>
      %dma_wait3A_186 = arith.constant 0 : i32
      %dma_wait3A_187 = tpu.memref_slice %arg12[%add3A_18, %dma_wait3A_186] : memref<10240x128xf32, #tpu.memory_space<vmem_shared>> -> memref<128x128xf32, #tpu.memory_space<vmem_shared>>
      tpu.wait_dma2 semaphore(%run_scoped3A : memref<!tpu.dma_semaphore, #tpu.memory_space<semaphore_mem>>) src(%arg8 : memref<128x128xf32, #tpu.memory_space<vmem>>) dst(%dma_wait3A_187 : memref<128x128xf32, #tpu.memory_space<vmem_shared>>)
      tpu.yield
    }) : () -> ()
    %mul3A_19 = arith.constant 640 : i32
    %mul3A_20 = arith.muli %arg1, %mul3A_19 : i32
    %add3A_21 = arith.constant 384 : i32
    %add3A_22 = arith.addi %mul3A_20, %add3A_21 : i32
    "tpu.region"() ({
      %run_scoped3A = tpu.sem_alloc : memref<!tpu.dma_semaphore, #tpu.memory_space<semaphore_mem>>
      %dma_start3A_180 = arith.constant 0 : i32
      %dma_start3A_181 = tpu.memref_slice %arg12[%add3A_22, %dma_start3A_180] : memref<10240x128xf32, #tpu.memory_space<vmem_shared>> -> memref<128x128xf32, #tpu.memory_space<vmem_shared>>
      %dma_start3A_182 = arith.constant 0 : i32
      %dma_start3A_183 = tpu.memref_slice %arg12[%add3A_22, %dma_start3A_182] : memref<10240x128xf32, #tpu.memory_space<vmem_shared>> -> memref<128x128xf32, #tpu.memory_space<vmem_shared>>
      tpu.enqueue_dma source(%arg8 : memref<128x128xf32, #tpu.memory_space<vmem>>) target(%dma_start3A_183 : memref<128x128xf32, #tpu.memory_space<vmem_shared>>) target_semaphore(%run_scoped3A : memref<!tpu.dma_semaphore, #tpu.memory_space<semaphore_mem>>)
      %dma_wait3A_184 = arith.constant 0 : i32
      %dma_wait3A_185 = tpu.memref_slice %arg12[%add3A_22, %dma_wait3A_184] : memref<10240x128xf32, #tpu.memory_space<vmem_shared>> -> memref<128x128xf32, #tpu.memory_space<vmem_shared>>
      %dma_wait3A_186 = arith.constant 0 : i32
      %dma_wait3A_187 = tpu.memref_slice %arg12[%add3A_22, %dma_wait3A_186] : memref<10240x128xf32, #tpu.memory_space<vmem_shared>> -> memref<128x128xf32, #tpu.memory_space<vmem_shared>>
      tpu.wait_dma2 semaphore(%run_scoped3A : memref<!tpu.dma_semaphore, #tpu.memory_space<semaphore_mem>>) src(%arg8 : memref<128x128xf32, #tpu.memory_space<vmem>>) dst(%dma_wait3A_187 : memref<128x128xf32, #tpu.memory_space<vmem_shared>>)
      tpu.yield
    }) : () -> ()
    %mul3A_23 = arith.constant 640 : i32
    %mul3A_24 = arith.muli %arg1, %mul3A_23 : i32
    %add3A_25 = arith.constant 512 : i32
    %add3A_26 = arith.addi %mul3A_24, %add3A_25 : i32
    "tpu.region"() ({
      %run_scoped3A = tpu.sem_alloc : memref<!tpu.dma_semaphore, #tpu.memory_space<semaphore_mem>>
      %dma_start3A_180 = arith.constant 0 : i32
      %dma_start3A_181 = tpu.memref_slice %arg12[%add3A_26, %dma_start3A_180] : memref<10240x128xf32, #tpu.memory_space<vmem_shared>> -> memref<128x128xf32, #tpu.memory_space<vmem_shared>>
      %dma_start3A_182 = arith.constant 0 : i32
      %dma_start3A_183 = tpu.memref_slice %arg12[%add3A_26, %dma_start3A_182] : memref<10240x128xf32, #tpu.memory_space<vmem_shared>> -> memref<128x128xf32, #tpu.memory_space<vmem_shared>>
      tpu.enqueue_dma source(%arg8 : memref<128x128xf32, #tpu.memory_space<vmem>>) target(%dma_start3A_183 : memref<128x128xf32, #tpu.memory_space<vmem_shared>>) target_semaphore(%run_scoped3A : memref<!tpu.dma_semaphore, #tpu.memory_space<semaphore_mem>>)
      %dma_wait3A_184 = arith.constant 0 : i32
      %dma_wait3A_185 = tpu.memref_slice %arg12[%add3A_26, %dma_wait3A_184] : memref<10240x128xf32, #tpu.memory_space<vmem_shared>> -> memref<128x128xf32, #tpu.memory_space<vmem_shared>>
      %dma_wait3A_186 = arith.constant 0 : i32
      %dma_wait3A_187 = tpu.memref_slice %arg12[%add3A_26, %dma_wait3A_186] : memref<10240x128xf32, #tpu.memory_space<vmem_shared>> -> memref<128x128xf32, #tpu.memory_space<vmem_shared>>
      tpu.wait_dma2 semaphore(%run_scoped3A : memref<!tpu.dma_semaphore, #tpu.memory_space<semaphore_mem>>) src(%arg8 : memref<128x128xf32, #tpu.memory_space<vmem>>) dst(%dma_wait3A_187 : memref<128x128xf32, #tpu.memory_space<vmem_shared>>)
      tpu.yield
    }) : () -> ()
    %barrier3A = arith.constant 0 : index
    tpu.barrier barrier_id(%barrier3A)
    %mul3A_27 = arith.constant 80 : i32
    %mul3A_28 = arith.muli %add3A, %mul3A_27 : i32
    %add3A_29 = arith.constant 0 : i32
    %add3A_30 = arith.addi %mul3A_28, %add3A_29 : i32
    "tpu.region"() ({
      %run_scoped3A = tpu.sem_alloc : memref<!tpu.dma_semaphore, #tpu.memory_space<semaphore_mem>>
      %dma_start3A_180 = arith.constant 0 : i32
      %dma_start3A_181 = tpu.memref_slice %arg3[%add3A_30, %dma_start3A_180] : memref<2560x128xi32, #tpu.memory_space<hbm>> -> memref<40x128xi32, #tpu.memory_space<hbm>>
      %dma_start3A_182 = arith.constant 0 : i32
      %dma_start3A_183 = tpu.memref_slice %arg3[%add3A_30, %dma_start3A_182] : memref<2560x128xi32, #tpu.memory_space<hbm>> -> memref<40x128xi32, #tpu.memory_space<hbm>>
      tpu.enqueue_dma source(%dma_start3A_183 : memref<40x128xi32, #tpu.memory_space<hbm>>) target(%arg6 : memref<40x128xi32, #tpu.memory_space<vmem>>) target_semaphore(%run_scoped3A : memref<!tpu.dma_semaphore, #tpu.memory_space<semaphore_mem>>)
      %dma_wait3A_184 = arith.constant 0 : i32
      %dma_wait3A_185 = tpu.memref_slice %arg3[%add3A_30, %dma_wait3A_184] : memref<2560x128xi32, #tpu.memory_space<hbm>> -> memref<40x128xi32, #tpu.memory_space<hbm>>
      %dma_wait3A_186 = arith.constant 0 : i32
      %dma_wait3A_187 = tpu.memref_slice %arg3[%add3A_30, %dma_wait3A_186] : memref<2560x128xi32, #tpu.memory_space<hbm>> -> memref<40x128xi32, #tpu.memory_space<hbm>>
      tpu.wait_dma2 semaphore(%run_scoped3A : memref<!tpu.dma_semaphore, #tpu.memory_space<semaphore_mem>>) src(%dma_wait3A_187 : memref<40x128xi32, #tpu.memory_space<hbm>>) dst(%arg6 : memref<40x128xi32, #tpu.memory_space<vmem>>)
      tpu.yield
    }) : () -> ()
    "tpu.region"() ({
      %run_scoped3A = tpu.sem_alloc : memref<!tpu.dma_semaphore, #tpu.memory_space<semaphore_mem>>
      %dma_start3A_180 = arith.constant 0 : i32
      %dma_start3A_181 = tpu.memref_slice %arg4[%add3A_30, %dma_start3A_180] : memref<2560x128xi32, #tpu.memory_space<hbm>> -> memref<40x128xi32, #tpu.memory_space<hbm>>
      %dma_start3A_182 = arith.constant 0 : i32
      %dma_start3A_183 = tpu.memref_slice %arg4[%add3A_30, %dma_start3A_182] : memref<2560x128xi32, #tpu.memory_space<hbm>> -> memref<40x128xi32, #tpu.memory_space<hbm>>
      tpu.enqueue_dma source(%dma_start3A_183 : memref<40x128xi32, #tpu.memory_space<hbm>>) target(%arg7 : memref<40x128xi32, #tpu.memory_space<vmem>>) target_semaphore(%run_scoped3A : memref<!tpu.dma_semaphore, #tpu.memory_space<semaphore_mem>>)
      %dma_wait3A_184 = arith.constant 0 : i32
      %dma_wait3A_185 = tpu.memref_slice %arg4[%add3A_30, %dma_wait3A_184] : memref<2560x128xi32, #tpu.memory_space<hbm>> -> memref<40x128xi32, #tpu.memory_space<hbm>>
      %dma_wait3A_186 = arith.constant 0 : i32
      %dma_wait3A_187 = tpu.memref_slice %arg4[%add3A_30, %dma_wait3A_186] : memref<2560x128xi32, #tpu.memory_space<hbm>> -> memref<40x128xi32, #tpu.memory_space<hbm>>
      tpu.wait_dma2 semaphore(%run_scoped3A : memref<!tpu.dma_semaphore, #tpu.memory_space<semaphore_mem>>) src(%dma_wait3A_187 : memref<40x128xi32, #tpu.memory_space<hbm>>) dst(%arg7 : memref<40x128xi32, #tpu.memory_space<vmem>>)
      tpu.yield
    }) : () -> ()
    %dma_start3A = arith.constant 0 : i32
    %dma_start3A_31 = arith.constant 0 : i32
    %dma_start3A_32 = tpu.memref_slice %arg6[%dma_start3A, %dma_start3A_31] : memref<40x128xi32, #tpu.memory_space<vmem>> -> memref<1x128xi32, #tpu.memory_space<vmem>>
    %dma_start3A_33 = tpu.memref_squeeze %dma_start3A_32 : memref<1x128xi32, #tpu.memory_space<vmem>> -> memref<128xi32, #tpu.memory_space<vmem>>
    %dma_start3A_34 = arith.constant 0 : i32
    %dma_start3A_35 = arith.constant 0 : i32
    %dma_start3A_36 = tpu.memref_slice %arg2[%dma_start3A_34, %dma_start3A_35] : memref<10240x128xf32, #tpu.memory_space<hbm>> -> memref<10240x128xf32, #tpu.memory_space<hbm>>
    tpu.enqueue_indirect_dma source(%dma_start3A_36 : memref<10240x128xf32, #tpu.memory_space<hbm>>) target(%arg8 : memref<128x128xf32, #tpu.memory_space<vmem>>) offsets(%dma_start3A_33 : memref<128xi32, #tpu.memory_space<vmem>>) semaphore(%arg10 : memref<!tpu.dma_semaphore, #tpu.memory_space<semaphore_mem>>)
    %dma_start3A_37 = arith.constant 1 : i32
    %dma_start3A_38 = arith.constant 0 : i32
    %dma_start3A_39 = tpu.memref_slice %arg6[%dma_start3A_37, %dma_start3A_38] : memref<40x128xi32, #tpu.memory_space<vmem>> -> memref<1x128xi32, #tpu.memory_space<vmem>>
    %dma_start3A_40 = tpu.memref_squeeze %dma_start3A_39 : memref<1x128xi32, #tpu.memory_space<vmem>> -> memref<128xi32, #tpu.memory_space<vmem>>
    %dma_start3A_41 = arith.constant 0 : i32
    %dma_start3A_42 = arith.constant 0 : i32
    %dma_start3A_43 = tpu.memref_slice %arg2[%dma_start3A_41, %dma_start3A_42] : memref<10240x128xf32, #tpu.memory_space<hbm>> -> memref<10240x128xf32, #tpu.memory_space<hbm>>
    tpu.enqueue_indirect_dma source(%dma_start3A_43 : memref<10240x128xf32, #tpu.memory_space<hbm>>) target(%arg9 : memref<128x128xf32, #tpu.memory_space<vmem>>) offsets(%dma_start3A_40 : memref<128xi32, #tpu.memory_space<vmem>>) semaphore(%arg10 : memref<!tpu.dma_semaphore, #tpu.memory_space<semaphore_mem>>)
    %dma_wait3A = arith.constant 0 : i32
    %dma_wait3A_44 = arith.constant 0 : i32
    %dma_wait3A_45 = tpu.memref_slice %arg6[%dma_wait3A, %dma_wait3A_44] : memref<40x128xi32, #tpu.memory_space<vmem>> -> memref<1x128xi32, #tpu.memory_space<vmem>>
    %dma_wait3A_46 = tpu.memref_squeeze %dma_wait3A_45 : memref<1x128xi32, #tpu.memory_space<vmem>> -> memref<128xi32, #tpu.memory_space<vmem>>
    %dma_wait3A_47 = arith.constant 0 : i32
    %dma_wait3A_48 = arith.constant 0 : i32
    %dma_wait3A_49 = tpu.memref_slice %arg2[%dma_wait3A_47, %dma_wait3A_48] : memref<10240x128xf32, #tpu.memory_space<hbm>> -> memref<10240x128xf32, #tpu.memory_space<hbm>>
    tpu.wait_indirect_dma semaphore(%arg10 : memref<!tpu.dma_semaphore, #tpu.memory_space<semaphore_mem>>) src(%dma_wait3A_49 : memref<10240x128xf32, #tpu.memory_space<hbm>>) dst(%arg8 : memref<128x128xf32, #tpu.memory_space<vmem>>)
    %dma_start3A_50 = arith.constant 0 : i32
    %dma_start3A_51 = arith.constant 0 : i32
    %dma_start3A_52 = tpu.memref_slice %arg7[%dma_start3A_50, %dma_start3A_51] : memref<40x128xi32, #tpu.memory_space<vmem>> -> memref<1x128xi32, #tpu.memory_space<vmem>>
    %dma_start3A_53 = tpu.memref_squeeze %dma_start3A_52 : memref<1x128xi32, #tpu.memory_space<vmem>> -> memref<128xi32, #tpu.memory_space<vmem>>
    %dma_start3A_54 = arith.constant 0 : i32
    %dma_start3A_55 = arith.constant 0 : i32
    %dma_start3A_56 = tpu.memref_slice %arg12[%dma_start3A_54, %dma_start3A_55] : memref<10240x128xf32, #tpu.memory_space<vmem_shared>> -> memref<10240x128xf32, #tpu.memory_space<vmem_shared>>
    tpu.enqueue_indirect_dma source(%arg8 : memref<128x128xf32, #tpu.memory_space<vmem>>) target(%dma_start3A_56 : memref<10240x128xf32, #tpu.memory_space<vmem_shared>>) offsets(%dma_start3A_53 : memref<128xi32, #tpu.memory_space<vmem>>) semaphore(%arg11 : memref<!tpu.dma_semaphore, #tpu.memory_space<semaphore_mem>>) {add = true}
    %scan3A_57 = arith.constant 0 : i32
    %scan3A_58 = arith.constant 0 : i32
    %scan3A_59 = arith.constant 19 : i32
    %scan3A_60 = arith.addi %scan3A_58, %scan3A_59 : i32
    %scan3A_61 = arith.constant 1 : i32
    %scan3A_62 = scf.for %scan3A_180 = %scan3A_58 to %scan3A_60 step %scan3A_61 iter_args(%scan3A_181 = %scan3A_57) -> (i32)  : i32 {
      %mul3A_182 = arith.constant 2 : i32
      %mul3A_183 = arith.muli %mul3A_182, %scan3A_180 : i32
      %add3A_184 = arith.constant 1 : i32
      %add3A_185 = arith.addi %mul3A_183, %add3A_184 : i32
      %add3A_186 = arith.constant 0 : i32
      %add3A_187 = arith.addi %add3A_185, %add3A_186 : i32
      %sub3A = arith.constant 1 : i32
      %sub3A_188 = arith.subi %add3A_187, %sub3A : i32
      %dma_wait3A_189 = arith.constant 0 : i32
      %dma_wait3A_190 = tpu.memref_slice %arg7[%sub3A_188, %dma_wait3A_189] : memref<40x128xi32, #tpu.memory_space<vmem>> -> memref<1x128xi32, #tpu.memory_space<vmem>>
      %dma_wait3A_191 = tpu.memref_squeeze %dma_wait3A_190 : memref<1x128xi32, #tpu.memory_space<vmem>> -> memref<128xi32, #tpu.memory_space<vmem>>
      %dma_wait3A_192 = arith.constant 0 : i32
      %dma_wait3A_193 = arith.constant 0 : i32
      %dma_wait3A_194 = tpu.memref_slice %arg12[%dma_wait3A_192, %dma_wait3A_193] : memref<10240x128xf32, #tpu.memory_space<vmem_shared>> -> memref<10240x128xf32, #tpu.memory_space<vmem_shared>>
      tpu.wait_indirect_dma semaphore(%arg11 : memref<!tpu.dma_semaphore, #tpu.memory_space<semaphore_mem>>) src(%arg8 : memref<128x128xf32, #tpu.memory_space<vmem>>) dst(%dma_wait3A_194 : memref<10240x128xf32, #tpu.memory_space<vmem_shared>>)
      %add3A_195 = arith.constant 1 : i32
      %add3A_196 = arith.addi %add3A_187, %add3A_195 : i32
      %dma_start3A_197 = arith.constant 0 : i32
      %dma_start3A_198 = tpu.memref_slice %arg6[%add3A_196, %dma_start3A_197] : memref<40x128xi32, #tpu.memory_space<vmem>> -> memref<1x128xi32, #tpu.memory_space<vmem>>
      %dma_start3A_199 = tpu.memref_squeeze %dma_start3A_198 : memref<1x128xi32, #tpu.memory_space<vmem>> -> memref<128xi32, #tpu.memory_space<vmem>>
      %dma_start3A_200 = arith.constant 0 : i32
      %dma_start3A_201 = arith.constant 0 : i32
      %dma_start3A_202 = tpu.memref_slice %arg2[%dma_start3A_200, %dma_start3A_201] : memref<10240x128xf32, #tpu.memory_space<hbm>> -> memref<10240x128xf32, #tpu.memory_space<hbm>>
      tpu.enqueue_indirect_dma source(%dma_start3A_202 : memref<10240x128xf32, #tpu.memory_space<hbm>>) target(%arg8 : memref<128x128xf32, #tpu.memory_space<vmem>>) offsets(%dma_start3A_199 : memref<128xi32, #tpu.memory_space<vmem>>) semaphore(%arg10 : memref<!tpu.dma_semaphore, #tpu.memory_space<semaphore_mem>>)
      %dma_wait3A_203 = arith.constant 0 : i32
      %dma_wait3A_204 = tpu.memref_slice %arg6[%add3A_187, %dma_wait3A_203] : memref<40x128xi32, #tpu.memory_space<vmem>> -> memref<1x128xi32, #tpu.memory_space<vmem>>
      %dma_wait3A_205 = tpu.memref_squeeze %dma_wait3A_204 : memref<1x128xi32, #tpu.memory_space<vmem>> -> memref<128xi32, #tpu.memory_space<vmem>>
      %dma_wait3A_206 = arith.constant 0 : i32
      %dma_wait3A_207 = arith.constant 0 : i32
      %dma_wait3A_208 = tpu.memref_slice %arg2[%dma_wait3A_206, %dma_wait3A_207] : memref<10240x128xf32, #tpu.memory_space<hbm>> -> memref<10240x128xf32, #tpu.memory_space<hbm>>
      tpu.wait_indirect_dma semaphore(%arg10 : memref<!tpu.dma_semaphore, #tpu.memory_space<semaphore_mem>>) src(%dma_wait3A_208 : memref<10240x128xf32, #tpu.memory_space<hbm>>) dst(%arg9 : memref<128x128xf32, #tpu.memory_space<vmem>>)
      %dma_start3A_209 = arith.constant 0 : i32
      %dma_start3A_210 = tpu.memref_slice %arg7[%add3A_187, %dma_start3A_209] : memref<40x128xi32, #tpu.memory_space<vmem>> -> memref<1x128xi32, #tpu.memory_space<vmem>>
      %dma_start3A_211 = tpu.memref_squeeze %dma_start3A_210 : memref<1x128xi32, #tpu.memory_space<vmem>> -> memref<128xi32, #tpu.memory_space<vmem>>
      %dma_start3A_212 = arith.constant 0 : i32
      %dma_start3A_213 = arith.constant 0 : i32
      %dma_start3A_214 = tpu.memref_slice %arg12[%dma_start3A_212, %dma_start3A_213] : memref<10240x128xf32, #tpu.memory_space<vmem_shared>> -> memref<10240x128xf32, #tpu.memory_space<vmem_shared>>
      tpu.enqueue_indirect_dma source(%arg9 : memref<128x128xf32, #tpu.memory_space<vmem>>) target(%dma_start3A_214 : memref<10240x128xf32, #tpu.memory_space<vmem_shared>>) offsets(%dma_start3A_211 : memref<128xi32, #tpu.memory_space<vmem>>) semaphore(%arg11 : memref<!tpu.dma_semaphore, #tpu.memory_space<semaphore_mem>>) {add = true}
      %mul3A_215 = arith.constant 2 : i32
      %mul3A_216 = arith.muli %mul3A_215, %scan3A_180 : i32
      %add3A_217 = arith.constant 1 : i32
      %add3A_218 = arith.addi %mul3A_216, %add3A_217 : i32
      %add3A_219 = arith.constant 1 : i32
      %add3A_220 = arith.addi %add3A_218, %add3A_219 : i32
      %sub3A_221 = arith.constant 1 : i32
      %sub3A_222 = arith.subi %add3A_220, %sub3A_221 : i32
      %dma_wait3A_223 = arith.constant 0 : i32
      %dma_wait3A_224 = tpu.memref_slice %arg7[%sub3A_222, %dma_wait3A_223] : memref<40x128xi32, #tpu.memory_space<vmem>> -> memref<1x128xi32, #tpu.memory_space<vmem>>
      %dma_wait3A_225 = tpu.memref_squeeze %dma_wait3A_224 : memref<1x128xi32, #tpu.memory_space<vmem>> -> memref<128xi32, #tpu.memory_space<vmem>>
      %dma_wait3A_226 = arith.constant 0 : i32
      %dma_wait3A_227 = arith.constant 0 : i32
      %dma_wait3A_228 = tpu.memref_slice %arg12[%dma_wait3A_226, %dma_wait3A_227] : memref<10240x128xf32, #tpu.memory_space<vmem_shared>> -> memref<10240x128xf32, #tpu.memory_space<vmem_shared>>
      tpu.wait_indirect_dma semaphore(%arg11 : memref<!tpu.dma_semaphore, #tpu.memory_space<semaphore_mem>>) src(%arg9 : memref<128x128xf32, #tpu.memory_space<vmem>>) dst(%dma_wait3A_228 : memref<10240x128xf32, #tpu.memory_space<vmem_shared>>)
      %add3A_229 = arith.constant 1 : i32
      %add3A_230 = arith.addi %add3A_220, %add3A_229 : i32
      %dma_start3A_231 = arith.constant 0 : i32
      %dma_start3A_232 = tpu.memref_slice %arg6[%add3A_230, %dma_start3A_231] : memref<40x128xi32, #tpu.memory_space<vmem>> -> memref<1x128xi32, #tpu.memory_space<vmem>>
      %dma_start3A_233 = tpu.memref_squeeze %dma_start3A_232 : memref<1x128xi32, #tpu.memory_space<vmem>> -> memref<128xi32, #tpu.memory_space<vmem>>
      %dma_start3A_234 = arith.constant 0 : i32
      %dma_start3A_235 = arith.constant 0 : i32
      %dma_start3A_236 = tpu.memref_slice %arg2[%dma_start3A_234, %dma_start3A_235] : memref<10240x128xf32, #tpu.memory_space<hbm>> -> memref<10240x128xf32, #tpu.memory_space<hbm>>
      tpu.enqueue_indirect_dma source(%dma_start3A_236 : memref<10240x128xf32, #tpu.memory_space<hbm>>) target(%arg9 : memref<128x128xf32, #tpu.memory_space<vmem>>) offsets(%dma_start3A_233 : memref<128xi32, #tpu.memory_space<vmem>>) semaphore(%arg10 : memref<!tpu.dma_semaphore, #tpu.memory_space<semaphore_mem>>)
      %dma_wait3A_237 = arith.constant 0 : i32
      %dma_wait3A_238 = tpu.memref_slice %arg6[%add3A_220, %dma_wait3A_237] : memref<40x128xi32, #tpu.memory_space<vmem>> -> memref<1x128xi32, #tpu.memory_space<vmem>>
      %dma_wait3A_239 = tpu.memref_squeeze %dma_wait3A_238 : memref<1x128xi32, #tpu.memory_space<vmem>> -> memref<128xi32, #tpu.memory_space<vmem>>
      %dma_wait3A_240 = arith.constant 0 : i32
      %dma_wait3A_241 = arith.constant 0 : i32
      %dma_wait3A_242 = tpu.memref_slice %arg2[%dma_wait3A_240, %dma_wait3A_241] : memref<10240x128xf32, #tpu.memory_space<hbm>> -> memref<10240x128xf32, #tpu.memory_space<hbm>>
      tpu.wait_indirect_dma semaphore(%arg10 : memref<!tpu.dma_semaphore, #tpu.memory_space<semaphore_mem>>) src(%dma_wait3A_242 : memref<10240x128xf32, #tpu.memory_space<hbm>>) dst(%arg8 : memref<128x128xf32, #tpu.memory_space<vmem>>)
      %dma_start3A_243 = arith.constant 0 : i32
      %dma_start3A_244 = tpu.memref_slice %arg7[%add3A_220, %dma_start3A_243] : memref<40x128xi32, #tpu.memory_space<vmem>> -> memref<1x128xi32, #tpu.memory_space<vmem>>
      %dma_start3A_245 = tpu.memref_squeeze %dma_start3A_244 : memref<1x128xi32, #tpu.memory_space<vmem>> -> memref<128xi32, #tpu.memory_space<vmem>>
      %dma_start3A_246 = arith.constant 0 : i32
      %dma_start3A_247 = arith.constant 0 : i32
      %dma_start3A_248 = tpu.memref_slice %arg12[%dma_start3A_246, %dma_start3A_247] : memref<10240x128xf32, #tpu.memory_space<vmem_shared>> -> memref<10240x128xf32, #tpu.memory_space<vmem_shared>>
      tpu.enqueue_indirect_dma source(%arg8 : memref<128x128xf32, #tpu.memory_space<vmem>>) target(%dma_start3A_248 : memref<10240x128xf32, #tpu.memory_space<vmem_shared>>) offsets(%dma_start3A_245 : memref<128xi32, #tpu.memory_space<vmem>>) semaphore(%arg11 : memref<!tpu.dma_semaphore, #tpu.memory_space<semaphore_mem>>) {add = true}
      %scan3A_249 = arith.constant 0 : i32
      scf.yield %scan3A_249 : i32
    }
    %scan3A_63 = arith.constant 19 : i32
    %dma_wait3A_64 = arith.constant 38 : i32
    %dma_wait3A_65 = arith.constant 0 : i32
    %dma_wait3A_66 = tpu.memref_slice %arg7[%dma_wait3A_64, %dma_wait3A_65] : memref<40x128xi32, #tpu.memory_space<vmem>> -> memref<1x128xi32, #tpu.memory_space<vmem>>
    %dma_wait3A_67 = tpu.memref_squeeze %dma_wait3A_66 : memref<1x128xi32, #tpu.memory_space<vmem>> -> memref<128xi32, #tpu.memory_space<vmem>>
    %dma_wait3A_68 = arith.constant 0 : i32
    %dma_wait3A_69 = arith.constant 0 : i32
    %dma_wait3A_70 = tpu.memref_slice %arg12[%dma_wait3A_68, %dma_wait3A_69] : memref<10240x128xf32, #tpu.memory_space<vmem_shared>> -> memref<10240x128xf32, #tpu.memory_space<vmem_shared>>
    tpu.wait_indirect_dma semaphore(%arg11 : memref<!tpu.dma_semaphore, #tpu.memory_space<semaphore_mem>>) src(%arg8 : memref<128x128xf32, #tpu.memory_space<vmem>>) dst(%dma_wait3A_70 : memref<10240x128xf32, #tpu.memory_space<vmem_shared>>)
    %dma_wait3A_71 = arith.constant 39 : i32
    %dma_wait3A_72 = arith.constant 0 : i32
    %dma_wait3A_73 = tpu.memref_slice %arg6[%dma_wait3A_71, %dma_wait3A_72] : memref<40x128xi32, #tpu.memory_space<vmem>> -> memref<1x128xi32, #tpu.memory_space<vmem>>
    %dma_wait3A_74 = tpu.memref_squeeze %dma_wait3A_73 : memref<1x128xi32, #tpu.memory_space<vmem>> -> memref<128xi32, #tpu.memory_space<vmem>>
    %dma_wait3A_75 = arith.constant 0 : i32
    %dma_wait3A_76 = arith.constant 0 : i32
    %dma_wait3A_77 = tpu.memref_slice %arg2[%dma_wait3A_75, %dma_wait3A_76] : memref<10240x128xf32, #tpu.memory_space<hbm>> -> memref<10240x128xf32, #tpu.memory_space<hbm>>
    tpu.wait_indirect_dma semaphore(%arg10 : memref<!tpu.dma_semaphore, #tpu.memory_space<semaphore_mem>>) src(%dma_wait3A_77 : memref<10240x128xf32, #tpu.memory_space<hbm>>) dst(%arg9 : memref<128x128xf32, #tpu.memory_space<vmem>>)
    %dma_start3A_78 = arith.constant 39 : i32
    %dma_start3A_79 = arith.constant 0 : i32
    %dma_start3A_80 = tpu.memref_slice %arg7[%dma_start3A_78, %dma_start3A_79] : memref<40x128xi32, #tpu.memory_space<vmem>> -> memref<1x128xi32, #tpu.memory_space<vmem>>
    %dma_start3A_81 = tpu.memref_squeeze %dma_start3A_80 : memref<1x128xi32, #tpu.memory_space<vmem>> -> memref<128xi32, #tpu.memory_space<vmem>>
    %dma_start3A_82 = arith.constant 0 : i32
    %dma_start3A_83 = arith.constant 0 : i32
    %dma_start3A_84 = tpu.memref_slice %arg12[%dma_start3A_82, %dma_start3A_83] : memref<10240x128xf32, #tpu.memory_space<vmem_shared>> -> memref<10240x128xf32, #tpu.memory_space<vmem_shared>>
    tpu.enqueue_indirect_dma source(%arg9 : memref<128x128xf32, #tpu.memory_space<vmem>>) target(%dma_start3A_84 : memref<10240x128xf32, #tpu.memory_space<vmem_shared>>) offsets(%dma_start3A_81 : memref<128xi32, #tpu.memory_space<vmem>>) semaphore(%arg11 : memref<!tpu.dma_semaphore, #tpu.memory_space<semaphore_mem>>) {add = true}
    %dma_wait3A_85 = arith.constant 39 : i32
    %dma_wait3A_86 = arith.constant 0 : i32
    %dma_wait3A_87 = tpu.memref_slice %arg7[%dma_wait3A_85, %dma_wait3A_86] : memref<40x128xi32, #tpu.memory_space<vmem>> -> memref<1x128xi32, #tpu.memory_space<vmem>>
    %dma_wait3A_88 = tpu.memref_squeeze %dma_wait3A_87 : memref<1x128xi32, #tpu.memory_space<vmem>> -> memref<128xi32, #tpu.memory_space<vmem>>
    %dma_wait3A_89 = arith.constant 0 : i32
    %dma_wait3A_90 = arith.constant 0 : i32
    %dma_wait3A_91 = tpu.memref_slice %arg12[%dma_wait3A_89, %dma_wait3A_90] : memref<10240x128xf32, #tpu.memory_space<vmem_shared>> -> memref<10240x128xf32, #tpu.memory_space<vmem_shared>>
    tpu.wait_indirect_dma semaphore(%arg11 : memref<!tpu.dma_semaphore, #tpu.memory_space<semaphore_mem>>) src(%arg9 : memref<128x128xf32, #tpu.memory_space<vmem>>) dst(%dma_wait3A_91 : memref<10240x128xf32, #tpu.memory_space<vmem_shared>>)
    %mul3A_92 = arith.constant 80 : i32
    %mul3A_93 = arith.muli %add3A, %mul3A_92 : i32
    %add3A_94 = arith.constant 40 : i32
    %add3A_95 = arith.addi %mul3A_93, %add3A_94 : i32
    "tpu.region"() ({
      %run_scoped3A = tpu.sem_alloc : memref<!tpu.dma_semaphore, #tpu.memory_space<semaphore_mem>>
      %dma_start3A_180 = arith.constant 0 : i32
      %dma_start3A_181 = tpu.memref_slice %arg3[%add3A_95, %dma_start3A_180] : memref<2560x128xi32, #tpu.memory_space<hbm>> -> memref<40x128xi32, #tpu.memory_space<hbm>>
      %dma_start3A_182 = arith.constant 0 : i32
      %dma_start3A_183 = tpu.memref_slice %arg3[%add3A_95, %dma_start3A_182] : memref<2560x128xi32, #tpu.memory_space<hbm>> -> memref<40x128xi32, #tpu.memory_space<hbm>>
      tpu.enqueue_dma source(%dma_start3A_183 : memref<40x128xi32, #tpu.memory_space<hbm>>) target(%arg6 : memref<40x128xi32, #tpu.memory_space<vmem>>) target_semaphore(%run_scoped3A : memref<!tpu.dma_semaphore, #tpu.memory_space<semaphore_mem>>)
      %dma_wait3A_184 = arith.constant 0 : i32
      %dma_wait3A_185 = tpu.memref_slice %arg3[%add3A_95, %dma_wait3A_184] : memref<2560x128xi32, #tpu.memory_space<hbm>> -> memref<40x128xi32, #tpu.memory_space<hbm>>
      %dma_wait3A_186 = arith.constant 0 : i32
      %dma_wait3A_187 = tpu.memref_slice %arg3[%add3A_95, %dma_wait3A_186] : memref<2560x128xi32, #tpu.memory_space<hbm>> -> memref<40x128xi32, #tpu.memory_space<hbm>>
      tpu.wait_dma2 semaphore(%run_scoped3A : memref<!tpu.dma_semaphore, #tpu.memory_space<semaphore_mem>>) src(%dma_wait3A_187 : memref<40x128xi32, #tpu.memory_space<hbm>>) dst(%arg6 : memref<40x128xi32, #tpu.memory_space<vmem>>)
      tpu.yield
    }) : () -> ()
    "tpu.region"() ({
      %run_scoped3A = tpu.sem_alloc : memref<!tpu.dma_semaphore, #tpu.memory_space<semaphore_mem>>
      %dma_start3A_180 = arith.constant 0 : i32
      %dma_start3A_181 = tpu.memref_slice %arg4[%add3A_95, %dma_start3A_180] : memref<2560x128xi32, #tpu.memory_space<hbm>> -> memref<40x128xi32, #tpu.memory_space<hbm>>
      %dma_start3A_182 = arith.constant 0 : i32
      %dma_start3A_183 = tpu.memref_slice %arg4[%add3A_95, %dma_start3A_182] : memref<2560x128xi32, #tpu.memory_space<hbm>> -> memref<40x128xi32, #tpu.memory_space<hbm>>
      tpu.enqueue_dma source(%dma_start3A_183 : memref<40x128xi32, #tpu.memory_space<hbm>>) target(%arg7 : memref<40x128xi32, #tpu.memory_space<vmem>>) target_semaphore(%run_scoped3A : memref<!tpu.dma_semaphore, #tpu.memory_space<semaphore_mem>>)
      %dma_wait3A_184 = arith.constant 0 : i32
      %dma_wait3A_185 = tpu.memref_slice %arg4[%add3A_95, %dma_wait3A_184] : memref<2560x128xi32, #tpu.memory_space<hbm>> -> memref<40x128xi32, #tpu.memory_space<hbm>>
      %dma_wait3A_186 = arith.constant 0 : i32
      %dma_wait3A_187 = tpu.memref_slice %arg4[%add3A_95, %dma_wait3A_186] : memref<2560x128xi32, #tpu.memory_space<hbm>> -> memref<40x128xi32, #tpu.memory_space<hbm>>
      tpu.wait_dma2 semaphore(%run_scoped3A : memref<!tpu.dma_semaphore, #tpu.memory_space<semaphore_mem>>) src(%dma_wait3A_187 : memref<40x128xi32, #tpu.memory_space<hbm>>) dst(%arg7 : memref<40x128xi32, #tpu.memory_space<vmem>>)
      tpu.yield
    }) : () -> ()
    %dma_start3A_96 = arith.constant 0 : i32
    %dma_start3A_97 = arith.constant 0 : i32
    %dma_start3A_98 = tpu.memref_slice %arg6[%dma_start3A_96, %dma_start3A_97] : memref<40x128xi32, #tpu.memory_space<vmem>> -> memref<1x128xi32, #tpu.memory_space<vmem>>
    %dma_start3A_99 = tpu.memref_squeeze %dma_start3A_98 : memref<1x128xi32, #tpu.memory_space<vmem>> -> memref<128xi32, #tpu.memory_space<vmem>>
    %dma_start3A_100 = arith.constant 0 : i32
    %dma_start3A_101 = arith.constant 0 : i32
    %dma_start3A_102 = tpu.memref_slice %arg2[%dma_start3A_100, %dma_start3A_101] : memref<10240x128xf32, #tpu.memory_space<hbm>> -> memref<10240x128xf32, #tpu.memory_space<hbm>>
    tpu.enqueue_indirect_dma source(%dma_start3A_102 : memref<10240x128xf32, #tpu.memory_space<hbm>>) target(%arg8 : memref<128x128xf32, #tpu.memory_space<vmem>>) offsets(%dma_start3A_99 : memref<128xi32, #tpu.memory_space<vmem>>) semaphore(%arg10 : memref<!tpu.dma_semaphore, #tpu.memory_space<semaphore_mem>>)
    %dma_start3A_103 = arith.constant 1 : i32
    %dma_start3A_104 = arith.constant 0 : i32
    %dma_start3A_105 = tpu.memref_slice %arg6[%dma_start3A_103, %dma_start3A_104] : memref<40x128xi32, #tpu.memory_space<vmem>> -> memref<1x128xi32, #tpu.memory_space<vmem>>
    %dma_start3A_106 = tpu.memref_squeeze %dma_start3A_105 : memref<1x128xi32, #tpu.memory_space<vmem>> -> memref<128xi32, #tpu.memory_space<vmem>>
    %dma_start3A_107 = arith.constant 0 : i32
    %dma_start3A_108 = arith.constant 0 : i32
    %dma_start3A_109 = tpu.memref_slice %arg2[%dma_start3A_107, %dma_start3A_108] : memref<10240x128xf32, #tpu.memory_space<hbm>> -> memref<10240x128xf32, #tpu.memory_space<hbm>>
    tpu.enqueue_indirect_dma source(%dma_start3A_109 : memref<10240x128xf32, #tpu.memory_space<hbm>>) target(%arg9 : memref<128x128xf32, #tpu.memory_space<vmem>>) offsets(%dma_start3A_106 : memref<128xi32, #tpu.memory_space<vmem>>) semaphore(%arg10 : memref<!tpu.dma_semaphore, #tpu.memory_space<semaphore_mem>>)
    %dma_wait3A_110 = arith.constant 0 : i32
    %dma_wait3A_111 = arith.constant 0 : i32
    %dma_wait3A_112 = tpu.memref_slice %arg6[%dma_wait3A_110, %dma_wait3A_111] : memref<40x128xi32, #tpu.memory_space<vmem>> -> memref<1x128xi32, #tpu.memory_space<vmem>>
    %dma_wait3A_113 = tpu.memref_squeeze %dma_wait3A_112 : memref<1x128xi32, #tpu.memory_space<vmem>> -> memref<128xi32, #tpu.memory_space<vmem>>
    %dma_wait3A_114 = arith.constant 0 : i32
    %dma_wait3A_115 = arith.constant 0 : i32
    %dma_wait3A_116 = tpu.memref_slice %arg2[%dma_wait3A_114, %dma_wait3A_115] : memref<10240x128xf32, #tpu.memory_space<hbm>> -> memref<10240x128xf32, #tpu.memory_space<hbm>>
    tpu.wait_indirect_dma semaphore(%arg10 : memref<!tpu.dma_semaphore, #tpu.memory_space<semaphore_mem>>) src(%dma_wait3A_116 : memref<10240x128xf32, #tpu.memory_space<hbm>>) dst(%arg8 : memref<128x128xf32, #tpu.memory_space<vmem>>)
    %dma_start3A_117 = arith.constant 0 : i32
    %dma_start3A_118 = arith.constant 0 : i32
    %dma_start3A_119 = tpu.memref_slice %arg7[%dma_start3A_117, %dma_start3A_118] : memref<40x128xi32, #tpu.memory_space<vmem>> -> memref<1x128xi32, #tpu.memory_space<vmem>>
    %dma_start3A_120 = tpu.memref_squeeze %dma_start3A_119 : memref<1x128xi32, #tpu.memory_space<vmem>> -> memref<128xi32, #tpu.memory_space<vmem>>
    %dma_start3A_121 = arith.constant 0 : i32
    %dma_start3A_122 = arith.constant 0 : i32
    %dma_start3A_123 = tpu.memref_slice %arg12[%dma_start3A_121, %dma_start3A_122] : memref<10240x128xf32, #tpu.memory_space<vmem_shared>> -> memref<10240x128xf32, #tpu.memory_space<vmem_shared>>
    tpu.enqueue_indirect_dma source(%arg8 : memref<128x128xf32, #tpu.memory_space<vmem>>) target(%dma_start3A_123 : memref<10240x128xf32, #tpu.memory_space<vmem_shared>>) offsets(%dma_start3A_120 : memref<128xi32, #tpu.memory_space<vmem>>) semaphore(%arg11 : memref<!tpu.dma_semaphore, #tpu.memory_space<semaphore_mem>>) {add = true}
    %scan3A_124 = arith.constant 0 : i32
    %scan3A_125 = arith.constant 0 : i32
    %scan3A_126 = arith.constant 19 : i32
    %scan3A_127 = arith.addi %scan3A_125, %scan3A_126 : i32
    %scan3A_128 = arith.constant 1 : i32
    %scan3A_129 = scf.for %scan3A_180 = %scan3A_125 to %scan3A_127 step %scan3A_128 iter_args(%scan3A_181 = %scan3A_124) -> (i32)  : i32 {
      %mul3A_182 = arith.constant 2 : i32
      %mul3A_183 = arith.muli %mul3A_182, %scan3A_180 : i32
      %add3A_184 = arith.constant 1 : i32
      %add3A_185 = arith.addi %mul3A_183, %add3A_184 : i32
      %add3A_186 = arith.constant 0 : i32
      %add3A_187 = arith.addi %add3A_185, %add3A_186 : i32
      %sub3A = arith.constant 1 : i32
      %sub3A_188 = arith.subi %add3A_187, %sub3A : i32
      %dma_wait3A_189 = arith.constant 0 : i32
      %dma_wait3A_190 = tpu.memref_slice %arg7[%sub3A_188, %dma_wait3A_189] : memref<40x128xi32, #tpu.memory_space<vmem>> -> memref<1x128xi32, #tpu.memory_space<vmem>>
      %dma_wait3A_191 = tpu.memref_squeeze %dma_wait3A_190 : memref<1x128xi32, #tpu.memory_space<vmem>> -> memref<128xi32, #tpu.memory_space<vmem>>
      %dma_wait3A_192 = arith.constant 0 : i32
      %dma_wait3A_193 = arith.constant 0 : i32
      %dma_wait3A_194 = tpu.memref_slice %arg12[%dma_wait3A_192, %dma_wait3A_193] : memref<10240x128xf32, #tpu.memory_space<vmem_shared>> -> memref<10240x128xf32, #tpu.memory_space<vmem_shared>>
      tpu.wait_indirect_dma semaphore(%arg11 : memref<!tpu.dma_semaphore, #tpu.memory_space<semaphore_mem>>) src(%arg8 : memref<128x128xf32, #tpu.memory_space<vmem>>) dst(%dma_wait3A_194 : memref<10240x128xf32, #tpu.memory_space<vmem_shared>>)
      %add3A_195 = arith.constant 1 : i32
      %add3A_196 = arith.addi %add3A_187, %add3A_195 : i32
      %dma_start3A_197 = arith.constant 0 : i32
      %dma_start3A_198 = tpu.memref_slice %arg6[%add3A_196, %dma_start3A_197] : memref<40x128xi32, #tpu.memory_space<vmem>> -> memref<1x128xi32, #tpu.memory_space<vmem>>
      %dma_start3A_199 = tpu.memref_squeeze %dma_start3A_198 : memref<1x128xi32, #tpu.memory_space<vmem>> -> memref<128xi32, #tpu.memory_space<vmem>>
      %dma_start3A_200 = arith.constant 0 : i32
      %dma_start3A_201 = arith.constant 0 : i32
      %dma_start3A_202 = tpu.memref_slice %arg2[%dma_start3A_200, %dma_start3A_201] : memref<10240x128xf32, #tpu.memory_space<hbm>> -> memref<10240x128xf32, #tpu.memory_space<hbm>>
      tpu.enqueue_indirect_dma source(%dma_start3A_202 : memref<10240x128xf32, #tpu.memory_space<hbm>>) target(%arg8 : memref<128x128xf32, #tpu.memory_space<vmem>>) offsets(%dma_start3A_199 : memref<128xi32, #tpu.memory_space<vmem>>) semaphore(%arg10 : memref<!tpu.dma_semaphore, #tpu.memory_space<semaphore_mem>>)
      %dma_wait3A_203 = arith.constant 0 : i32
      %dma_wait3A_204 = tpu.memref_slice %arg6[%add3A_187, %dma_wait3A_203] : memref<40x128xi32, #tpu.memory_space<vmem>> -> memref<1x128xi32, #tpu.memory_space<vmem>>
      %dma_wait3A_205 = tpu.memref_squeeze %dma_wait3A_204 : memref<1x128xi32, #tpu.memory_space<vmem>> -> memref<128xi32, #tpu.memory_space<vmem>>
      %dma_wait3A_206 = arith.constant 0 : i32
      %dma_wait3A_207 = arith.constant 0 : i32
      %dma_wait3A_208 = tpu.memref_slice %arg2[%dma_wait3A_206, %dma_wait3A_207] : memref<10240x128xf32, #tpu.memory_space<hbm>> -> memref<10240x128xf32, #tpu.memory_space<hbm>>
      tpu.wait_indirect_dma semaphore(%arg10 : memref<!tpu.dma_semaphore, #tpu.memory_space<semaphore_mem>>) src(%dma_wait3A_208 : memref<10240x128xf32, #tpu.memory_space<hbm>>) dst(%arg9 : memref<128x128xf32, #tpu.memory_space<vmem>>)
      %dma_start3A_209 = arith.constant 0 : i32
      %dma_start3A_210 = tpu.memref_slice %arg7[%add3A_187, %dma_start3A_209] : memref<40x128xi32, #tpu.memory_space<vmem>> -> memref<1x128xi32, #tpu.memory_space<vmem>>
      %dma_start3A_211 = tpu.memref_squeeze %dma_start3A_210 : memref<1x128xi32, #tpu.memory_space<vmem>> -> memref<128xi32, #tpu.memory_space<vmem>>
      %dma_start3A_212 = arith.constant 0 : i32
      %dma_start3A_213 = arith.constant 0 : i32
      %dma_start3A_214 = tpu.memref_slice %arg12[%dma_start3A_212, %dma_start3A_213] : memref<10240x128xf32, #tpu.memory_space<vmem_shared>> -> memref<10240x128xf32, #tpu.memory_space<vmem_shared>>
      tpu.enqueue_indirect_dma source(%arg9 : memref<128x128xf32, #tpu.memory_space<vmem>>) target(%dma_start3A_214 : memref<10240x128xf32, #tpu.memory_space<vmem_shared>>) offsets(%dma_start3A_211 : memref<128xi32, #tpu.memory_space<vmem>>) semaphore(%arg11 : memref<!tpu.dma_semaphore, #tpu.memory_space<semaphore_mem>>) {add = true}
      %mul3A_215 = arith.constant 2 : i32
      %mul3A_216 = arith.muli %mul3A_215, %scan3A_180 : i32
      %add3A_217 = arith.constant 1 : i32
      %add3A_218 = arith.addi %mul3A_216, %add3A_217 : i32
      %add3A_219 = arith.constant 1 : i32
      %add3A_220 = arith.addi %add3A_218, %add3A_219 : i32
      %sub3A_221 = arith.constant 1 : i32
      %sub3A_222 = arith.subi %add3A_220, %sub3A_221 : i32
      %dma_wait3A_223 = arith.constant 0 : i32
      %dma_wait3A_224 = tpu.memref_slice %arg7[%sub3A_222, %dma_wait3A_223] : memref<40x128xi32, #tpu.memory_space<vmem>> -> memref<1x128xi32, #tpu.memory_space<vmem>>
      %dma_wait3A_225 = tpu.memref_squeeze %dma_wait3A_224 : memref<1x128xi32, #tpu.memory_space<vmem>> -> memref<128xi32, #tpu.memory_space<vmem>>
      %dma_wait3A_226 = arith.constant 0 : i32
      %dma_wait3A_227 = arith.constant 0 : i32
      %dma_wait3A_228 = tpu.memref_slice %arg12[%dma_wait3A_226, %dma_wait3A_227] : memref<10240x128xf32, #tpu.memory_space<vmem_shared>> -> memref<10240x128xf32, #tpu.memory_space<vmem_shared>>
      tpu.wait_indirect_dma semaphore(%arg11 : memref<!tpu.dma_semaphore, #tpu.memory_space<semaphore_mem>>) src(%arg9 : memref<128x128xf32, #tpu.memory_space<vmem>>) dst(%dma_wait3A_228 : memref<10240x128xf32, #tpu.memory_space<vmem_shared>>)
      %add3A_229 = arith.constant 1 : i32
      %add3A_230 = arith.addi %add3A_220, %add3A_229 : i32
      %dma_start3A_231 = arith.constant 0 : i32
      %dma_start3A_232 = tpu.memref_slice %arg6[%add3A_230, %dma_start3A_231] : memref<40x128xi32, #tpu.memory_space<vmem>> -> memref<1x128xi32, #tpu.memory_space<vmem>>
      %dma_start3A_233 = tpu.memref_squeeze %dma_start3A_232 : memref<1x128xi32, #tpu.memory_space<vmem>> -> memref<128xi32, #tpu.memory_space<vmem>>
      %dma_start3A_234 = arith.constant 0 : i32
      %dma_start3A_235 = arith.constant 0 : i32
      %dma_start3A_236 = tpu.memref_slice %arg2[%dma_start3A_234, %dma_start3A_235] : memref<10240x128xf32, #tpu.memory_space<hbm>> -> memref<10240x128xf32, #tpu.memory_space<hbm>>
      tpu.enqueue_indirect_dma source(%dma_start3A_236 : memref<10240x128xf32, #tpu.memory_space<hbm>>) target(%arg9 : memref<128x128xf32, #tpu.memory_space<vmem>>) offsets(%dma_start3A_233 : memref<128xi32, #tpu.memory_space<vmem>>) semaphore(%arg10 : memref<!tpu.dma_semaphore, #tpu.memory_space<semaphore_mem>>)
      %dma_wait3A_237 = arith.constant 0 : i32
      %dma_wait3A_238 = tpu.memref_slice %arg6[%add3A_220, %dma_wait3A_237] : memref<40x128xi32, #tpu.memory_space<vmem>> -> memref<1x128xi32, #tpu.memory_space<vmem>>
      %dma_wait3A_239 = tpu.memref_squeeze %dma_wait3A_238 : memref<1x128xi32, #tpu.memory_space<vmem>> -> memref<128xi32, #tpu.memory_space<vmem>>
      %dma_wait3A_240 = arith.constant 0 : i32
      %dma_wait3A_241 = arith.constant 0 : i32
      %dma_wait3A_242 = tpu.memref_slice %arg2[%dma_wait3A_240, %dma_wait3A_241] : memref<10240x128xf32, #tpu.memory_space<hbm>> -> memref<10240x128xf32, #tpu.memory_space<hbm>>
      tpu.wait_indirect_dma semaphore(%arg10 : memref<!tpu.dma_semaphore, #tpu.memory_space<semaphore_mem>>) src(%dma_wait3A_242 : memref<10240x128xf32, #tpu.memory_space<hbm>>) dst(%arg8 : memref<128x128xf32, #tpu.memory_space<vmem>>)
      %dma_start3A_243 = arith.constant 0 : i32
      %dma_start3A_244 = tpu.memref_slice %arg7[%add3A_220, %dma_start3A_243] : memref<40x128xi32, #tpu.memory_space<vmem>> -> memref<1x128xi32, #tpu.memory_space<vmem>>
      %dma_start3A_245 = tpu.memref_squeeze %dma_start3A_244 : memref<1x128xi32, #tpu.memory_space<vmem>> -> memref<128xi32, #tpu.memory_space<vmem>>
      %dma_start3A_246 = arith.constant 0 : i32
      %dma_start3A_247 = arith.constant 0 : i32
      %dma_start3A_248 = tpu.memref_slice %arg12[%dma_start3A_246, %dma_start3A_247] : memref<10240x128xf32, #tpu.memory_space<vmem_shared>> -> memref<10240x128xf32, #tpu.memory_space<vmem_shared>>
      tpu.enqueue_indirect_dma source(%arg8 : memref<128x128xf32, #tpu.memory_space<vmem>>) target(%dma_start3A_248 : memref<10240x128xf32, #tpu.memory_space<vmem_shared>>) offsets(%dma_start3A_245 : memref<128xi32, #tpu.memory_space<vmem>>) semaphore(%arg11 : memref<!tpu.dma_semaphore, #tpu.memory_space<semaphore_mem>>) {add = true}
      %scan3A_249 = arith.constant 0 : i32
      scf.yield %scan3A_249 : i32
    }
    %scan3A_130 = arith.constant 19 : i32
    %dma_wait3A_131 = arith.constant 38 : i32
    %dma_wait3A_132 = arith.constant 0 : i32
    %dma_wait3A_133 = tpu.memref_slice %arg7[%dma_wait3A_131, %dma_wait3A_132] : memref<40x128xi32, #tpu.memory_space<vmem>> -> memref<1x128xi32, #tpu.memory_space<vmem>>
    %dma_wait3A_134 = tpu.memref_squeeze %dma_wait3A_133 : memref<1x128xi32, #tpu.memory_space<vmem>> -> memref<128xi32, #tpu.memory_space<vmem>>
    %dma_wait3A_135 = arith.constant 0 : i32
    %dma_wait3A_136 = arith.constant 0 : i32
    %dma_wait3A_137 = tpu.memref_slice %arg12[%dma_wait3A_135, %dma_wait3A_136] : memref<10240x128xf32, #tpu.memory_space<vmem_shared>> -> memref<10240x128xf32, #tpu.memory_space<vmem_shared>>
    tpu.wait_indirect_dma semaphore(%arg11 : memref<!tpu.dma_semaphore, #tpu.memory_space<semaphore_mem>>) src(%arg8 : memref<128x128xf32, #tpu.memory_space<vmem>>) dst(%dma_wait3A_137 : memref<10240x128xf32, #tpu.memory_space<vmem_shared>>)
    %dma_wait3A_138 = arith.constant 39 : i32
    %dma_wait3A_139 = arith.constant 0 : i32
    %dma_wait3A_140 = tpu.memref_slice %arg6[%dma_wait3A_138, %dma_wait3A_139] : memref<40x128xi32, #tpu.memory_space<vmem>> -> memref<1x128xi32, #tpu.memory_space<vmem>>
    %dma_wait3A_141 = tpu.memref_squeeze %dma_wait3A_140 : memref<1x128xi32, #tpu.memory_space<vmem>> -> memref<128xi32, #tpu.memory_space<vmem>>
    %dma_wait3A_142 = arith.constant 0 : i32
    %dma_wait3A_143 = arith.constant 0 : i32
    %dma_wait3A_144 = tpu.memref_slice %arg2[%dma_wait3A_142, %dma_wait3A_143] : memref<10240x128xf32, #tpu.memory_space<hbm>> -> memref<10240x128xf32, #tpu.memory_space<hbm>>
    tpu.wait_indirect_dma semaphore(%arg10 : memref<!tpu.dma_semaphore, #tpu.memory_space<semaphore_mem>>) src(%dma_wait3A_144 : memref<10240x128xf32, #tpu.memory_space<hbm>>) dst(%arg9 : memref<128x128xf32, #tpu.memory_space<vmem>>)
    %dma_start3A_145 = arith.constant 39 : i32
    %dma_start3A_146 = arith.constant 0 : i32
    %dma_start3A_147 = tpu.memref_slice %arg7[%dma_start3A_145, %dma_start3A_146] : memref<40x128xi32, #tpu.memory_space<vmem>> -> memref<1x128xi32, #tpu.memory_space<vmem>>
    %dma_start3A_148 = tpu.memref_squeeze %dma_start3A_147 : memref<1x128xi32, #tpu.memory_space<vmem>> -> memref<128xi32, #tpu.memory_space<vmem>>
    %dma_start3A_149 = arith.constant 0 : i32
    %dma_start3A_150 = arith.constant 0 : i32
    %dma_start3A_151 = tpu.memref_slice %arg12[%dma_start3A_149, %dma_start3A_150] : memref<10240x128xf32, #tpu.memory_space<vmem_shared>> -> memref<10240x128xf32, #tpu.memory_space<vmem_shared>>
    tpu.enqueue_indirect_dma source(%arg9 : memref<128x128xf32, #tpu.memory_space<vmem>>) target(%dma_start3A_151 : memref<10240x128xf32, #tpu.memory_space<vmem_shared>>) offsets(%dma_start3A_148 : memref<128xi32, #tpu.memory_space<vmem>>) semaphore(%arg11 : memref<!tpu.dma_semaphore, #tpu.memory_space<semaphore_mem>>) {add = true}
    %dma_wait3A_152 = arith.constant 39 : i32
    %dma_wait3A_153 = arith.constant 0 : i32
    %dma_wait3A_154 = tpu.memref_slice %arg7[%dma_wait3A_152, %dma_wait3A_153] : memref<40x128xi32, #tpu.memory_space<vmem>> -> memref<1x128xi32, #tpu.memory_space<vmem>>
    %dma_wait3A_155 = tpu.memref_squeeze %dma_wait3A_154 : memref<1x128xi32, #tpu.memory_space<vmem>> -> memref<128xi32, #tpu.memory_space<vmem>>
    %dma_wait3A_156 = arith.constant 0 : i32
    %dma_wait3A_157 = arith.constant 0 : i32
    %dma_wait3A_158 = tpu.memref_slice %arg12[%dma_wait3A_156, %dma_wait3A_157] : memref<10240x128xf32, #tpu.memory_space<vmem_shared>> -> memref<10240x128xf32, #tpu.memory_space<vmem_shared>>
    tpu.wait_indirect_dma semaphore(%arg11 : memref<!tpu.dma_semaphore, #tpu.memory_space<semaphore_mem>>) src(%arg9 : memref<128x128xf32, #tpu.memory_space<vmem>>) dst(%dma_wait3A_158 : memref<10240x128xf32, #tpu.memory_space<vmem_shared>>)
    %barrier3A_159 = arith.constant 0 : index
    tpu.barrier barrier_id(%barrier3A_159)
    %mul3A_160 = arith.constant 640 : i32
    %mul3A_161 = arith.muli %arg1, %mul3A_160 : i32
    %add3A_162 = arith.constant 0 : i32
    %add3A_163 = arith.addi %mul3A_161, %add3A_162 : i32
    "tpu.region"() ({
      %run_scoped3A = tpu.sem_alloc : memref<!tpu.dma_semaphore, #tpu.memory_space<semaphore_mem>>
      %dma_start3A_180 = arith.constant 0 : i32
      %dma_start3A_181 = tpu.memref_slice %arg5[%arg0, %add3A_163, %dma_start3A_180] : memref<2x10240x128xf32, #tpu.memory_space<hbm>> -> memref<1x128x128xf32, #tpu.memory_space<hbm>>
      %dma_start3A_182 = tpu.memref_squeeze %dma_start3A_181 : memref<1x128x128xf32, #tpu.memory_space<hbm>> -> memref<128x128xf32, #tpu.memory_space<hbm>>
      %dma_start3A_183 = arith.constant 0 : i32
      %dma_start3A_184 = tpu.memref_slice %arg12[%add3A_163, %dma_start3A_183] : memref<10240x128xf32, #tpu.memory_space<vmem_shared>> -> memref<128x128xf32, #tpu.memory_space<vmem_shared>>
      tpu.enqueue_dma source(%dma_start3A_184 : memref<128x128xf32, #tpu.memory_space<vmem_shared>>) target(%dma_start3A_182 : memref<128x128xf32, #tpu.memory_space<hbm>>) target_semaphore(%run_scoped3A : memref<!tpu.dma_semaphore, #tpu.memory_space<semaphore_mem>>)
      %dma_wait3A_185 = arith.constant 0 : i32
      %dma_wait3A_186 = tpu.memref_slice %arg5[%arg0, %add3A_163, %dma_wait3A_185] : memref<2x10240x128xf32, #tpu.memory_space<hbm>> -> memref<1x128x128xf32, #tpu.memory_space<hbm>>
      %dma_wait3A_187 = tpu.memref_squeeze %dma_wait3A_186 : memref<1x128x128xf32, #tpu.memory_space<hbm>> -> memref<128x128xf32, #tpu.memory_space<hbm>>
      %dma_wait3A_188 = arith.constant 0 : i32
      %dma_wait3A_189 = tpu.memref_slice %arg12[%add3A_163, %dma_wait3A_188] : memref<10240x128xf32, #tpu.memory_space<vmem_shared>> -> memref<128x128xf32, #tpu.memory_space<vmem_shared>>
      tpu.wait_dma2 semaphore(%run_scoped3A : memref<!tpu.dma_semaphore, #tpu.memory_space<semaphore_mem>>) src(%dma_wait3A_189 : memref<128x128xf32, #tpu.memory_space<vmem_shared>>) dst(%dma_wait3A_187 : memref<128x128xf32, #tpu.memory_space<hbm>>)
      tpu.yield
    }) : () -> ()
    %mul3A_164 = arith.constant 640 : i32
    %mul3A_165 = arith.muli %arg1, %mul3A_164 : i32
    %add3A_166 = arith.constant 128 : i32
    %add3A_167 = arith.addi %mul3A_165, %add3A_166 : i32
    "tpu.region"() ({
      %run_scoped3A = tpu.sem_alloc : memref<!tpu.dma_semaphore, #tpu.memory_space<semaphore_mem>>
      %dma_start3A_180 = arith.constant 0 : i32
      %dma_start3A_181 = tpu.memref_slice %arg5[%arg0, %add3A_167, %dma_start3A_180] : memref<2x10240x128xf32, #tpu.memory_space<hbm>> -> memref<1x128x128xf32, #tpu.memory_space<hbm>>
      %dma_start3A_182 = tpu.memref_squeeze %dma_start3A_181 : memref<1x128x128xf32, #tpu.memory_space<hbm>> -> memref<128x128xf32, #tpu.memory_space<hbm>>
      %dma_start3A_183 = arith.constant 0 : i32
      %dma_start3A_184 = tpu.memref_slice %arg12[%add3A_167, %dma_start3A_183] : memref<10240x128xf32, #tpu.memory_space<vmem_shared>> -> memref<128x128xf32, #tpu.memory_space<vmem_shared>>
      tpu.enqueue_dma source(%dma_start3A_184 : memref<128x128xf32, #tpu.memory_space<vmem_shared>>) target(%dma_start3A_182 : memref<128x128xf32, #tpu.memory_space<hbm>>) target_semaphore(%run_scoped3A : memref<!tpu.dma_semaphore, #tpu.memory_space<semaphore_mem>>)
      %dma_wait3A_185 = arith.constant 0 : i32
      %dma_wait3A_186 = tpu.memref_slice %arg5[%arg0, %add3A_167, %dma_wait3A_185] : memref<2x10240x128xf32, #tpu.memory_space<hbm>> -> memref<1x128x128xf32, #tpu.memory_space<hbm>>
      %dma_wait3A_187 = tpu.memref_squeeze %dma_wait3A_186 : memref<1x128x128xf32, #tpu.memory_space<hbm>> -> memref<128x128xf32, #tpu.memory_space<hbm>>
      %dma_wait3A_188 = arith.constant 0 : i32
      %dma_wait3A_189 = tpu.memref_slice %arg12[%add3A_167, %dma_wait3A_188] : memref<10240x128xf32, #tpu.memory_space<vmem_shared>> -> memref<128x128xf32, #tpu.memory_space<vmem_shared>>
      tpu.wait_dma2 semaphore(%run_scoped3A : memref<!tpu.dma_semaphore, #tpu.memory_space<semaphore_mem>>) src(%dma_wait3A_189 : memref<128x128xf32, #tpu.memory_space<vmem_shared>>) dst(%dma_wait3A_187 : memref<128x128xf32, #tpu.memory_space<hbm>>)
      tpu.yield
    }) : () -> ()
    %mul3A_168 = arith.constant 640 : i32
    %mul3A_169 = arith.muli %arg1, %mul3A_168 : i32
    %add3A_170 = arith.constant 256 : i32
    %add3A_171 = arith.addi %mul3A_169, %add3A_170 : i32
    "tpu.region"() ({
      %run_scoped3A = tpu.sem_alloc : memref<!tpu.dma_semaphore, #tpu.memory_space<semaphore_mem>>
      %dma_start3A_180 = arith.constant 0 : i32
      %dma_start3A_181 = tpu.memref_slice %arg5[%arg0, %add3A_171, %dma_start3A_180] : memref<2x10240x128xf32, #tpu.memory_space<hbm>> -> memref<1x128x128xf32, #tpu.memory_space<hbm>>
      %dma_start3A_182 = tpu.memref_squeeze %dma_start3A_181 : memref<1x128x128xf32, #tpu.memory_space<hbm>> -> memref<128x128xf32, #tpu.memory_space<hbm>>
      %dma_start3A_183 = arith.constant 0 : i32
      %dma_start3A_184 = tpu.memref_slice %arg12[%add3A_171, %dma_start3A_183] : memref<10240x128xf32, #tpu.memory_space<vmem_shared>> -> memref<128x128xf32, #tpu.memory_space<vmem_shared>>
      tpu.enqueue_dma source(%dma_start3A_184 : memref<128x128xf32, #tpu.memory_space<vmem_shared>>) target(%dma_start3A_182 : memref<128x128xf32, #tpu.memory_space<hbm>>) target_semaphore(%run_scoped3A : memref<!tpu.dma_semaphore, #tpu.memory_space<semaphore_mem>>)
      %dma_wait3A_185 = arith.constant 0 : i32
      %dma_wait3A_186 = tpu.memref_slice %arg5[%arg0, %add3A_171, %dma_wait3A_185] : memref<2x10240x128xf32, #tpu.memory_space<hbm>> -> memref<1x128x128xf32, #tpu.memory_space<hbm>>
      %dma_wait3A_187 = tpu.memref_squeeze %dma_wait3A_186 : memref<1x128x128xf32, #tpu.memory_space<hbm>> -> memref<128x128xf32, #tpu.memory_space<hbm>>
      %dma_wait3A_188 = arith.constant 0 : i32
      %dma_wait3A_189 = tpu.memref_slice %arg12[%add3A_171, %dma_wait3A_188] : memref<10240x128xf32, #tpu.memory_space<vmem_shared>> -> memref<128x128xf32, #tpu.memory_space<vmem_shared>>
      tpu.wait_dma2 semaphore(%run_scoped3A : memref<!tpu.dma_semaphore, #tpu.memory_space<semaphore_mem>>) src(%dma_wait3A_189 : memref<128x128xf32, #tpu.memory_space<vmem_shared>>) dst(%dma_wait3A_187 : memref<128x128xf32, #tpu.memory_space<hbm>>)
      tpu.yield
    }) : () -> ()
    %mul3A_172 = arith.constant 640 : i32
    %mul3A_173 = arith.muli %arg1, %mul3A_172 : i32
    %add3A_174 = arith.constant 384 : i32
    %add3A_175 = arith.addi %mul3A_173, %add3A_174 : i32
    "tpu.region"() ({
      %run_scoped3A = tpu.sem_alloc : memref<!tpu.dma_semaphore, #tpu.memory_space<semaphore_mem>>
      %dma_start3A_180 = arith.constant 0 : i32
      %dma_start3A_181 = tpu.memref_slice %arg5[%arg0, %add3A_175, %dma_start3A_180] : memref<2x10240x128xf32, #tpu.memory_space<hbm>> -> memref<1x128x128xf32, #tpu.memory_space<hbm>>
      %dma_start3A_182 = tpu.memref_squeeze %dma_start3A_181 : memref<1x128x128xf32, #tpu.memory_space<hbm>> -> memref<128x128xf32, #tpu.memory_space<hbm>>
      %dma_start3A_183 = arith.constant 0 : i32
      %dma_start3A_184 = tpu.memref_slice %arg12[%add3A_175, %dma_start3A_183] : memref<10240x128xf32, #tpu.memory_space<vmem_shared>> -> memref<128x128xf32, #tpu.memory_space<vmem_shared>>
      tpu.enqueue_dma source(%dma_start3A_184 : memref<128x128xf32, #tpu.memory_space<vmem_shared>>) target(%dma_start3A_182 : memref<128x128xf32, #tpu.memory_space<hbm>>) target_semaphore(%run_scoped3A : memref<!tpu.dma_semaphore, #tpu.memory_space<semaphore_mem>>)
      %dma_wait3A_185 = arith.constant 0 : i32
      %dma_wait3A_186 = tpu.memref_slice %arg5[%arg0, %add3A_175, %dma_wait3A_185] : memref<2x10240x128xf32, #tpu.memory_space<hbm>> -> memref<1x128x128xf32, #tpu.memory_space<hbm>>
      %dma_wait3A_187 = tpu.memref_squeeze %dma_wait3A_186 : memref<1x128x128xf32, #tpu.memory_space<hbm>> -> memref<128x128xf32, #tpu.memory_space<hbm>>
      %dma_wait3A_188 = arith.constant 0 : i32
      %dma_wait3A_189 = tpu.memref_slice %arg12[%add3A_175, %dma_wait3A_188] : memref<10240x128xf32, #tpu.memory_space<vmem_shared>> -> memref<128x128xf32, #tpu.memory_space<vmem_shared>>
      tpu.wait_dma2 semaphore(%run_scoped3A : memref<!tpu.dma_semaphore, #tpu.memory_space<semaphore_mem>>) src(%dma_wait3A_189 : memref<128x128xf32, #tpu.memory_space<vmem_shared>>) dst(%dma_wait3A_187 : memref<128x128xf32, #tpu.memory_space<hbm>>)
      tpu.yield
    }) : () -> ()
    %mul3A_176 = arith.constant 640 : i32
    %mul3A_177 = arith.muli %arg1, %mul3A_176 : i32
    %add3A_178 = arith.constant 512 : i32
    %add3A_179 = arith.addi %mul3A_177, %add3A_178 : i32
    "tpu.region"() ({
      %run_scoped3A = tpu.sem_alloc : memref<!tpu.dma_semaphore, #tpu.memory_space<semaphore_mem>>
      %dma_start3A_180 = arith.constant 0 : i32
      %dma_start3A_181 = tpu.memref_slice %arg5[%arg0, %add3A_179, %dma_start3A_180] : memref<2x10240x128xf32, #tpu.memory_space<hbm>> -> memref<1x128x128xf32, #tpu.memory_space<hbm>>
      %dma_start3A_182 = tpu.memref_squeeze %dma_start3A_181 : memref<1x128x128xf32, #tpu.memory_space<hbm>> -> memref<128x128xf32, #tpu.memory_space<hbm>>
      %dma_start3A_183 = arith.constant 0 : i32
      %dma_start3A_184 = tpu.memref_slice %arg12[%add3A_179, %dma_start3A_183] : memref<10240x128xf32, #tpu.memory_space<vmem_shared>> -> memref<128x128xf32, #tpu.memory_space<vmem_shared>>
      tpu.enqueue_dma source(%dma_start3A_184 : memref<128x128xf32, #tpu.memory_space<vmem_shared>>) target(%dma_start3A_182 : memref<128x128xf32, #tpu.memory_space<hbm>>) target_semaphore(%run_scoped3A : memref<!tpu.dma_semaphore, #tpu.memory_space<semaphore_mem>>)
      %dma_wait3A_185 = arith.constant 0 : i32
      %dma_wait3A_186 = tpu.memref_slice %arg5[%arg0, %add3A_179, %dma_wait3A_185] : memref<2x10240x128xf32, #tpu.memory_space<hbm>> -> memref<1x128x128xf32, #tpu.memory_space<hbm>>
      %dma_wait3A_187 = tpu.memref_squeeze %dma_wait3A_186 : memref<1x128x128xf32, #tpu.memory_space<hbm>> -> memref<128x128xf32, #tpu.memory_space<hbm>>
      %dma_wait3A_188 = arith.constant 0 : i32
      %dma_wait3A_189 = tpu.memref_slice %arg12[%add3A_179, %dma_wait3A_188] : memref<10240x128xf32, #tpu.memory_space<vmem_shared>> -> memref<128x128xf32, #tpu.memory_space<vmem_shared>>
      tpu.wait_dma2 semaphore(%run_scoped3A : memref<!tpu.dma_semaphore, #tpu.memory_space<semaphore_mem>>) src(%dma_wait3A_189 : memref<128x128xf32, #tpu.memory_space<vmem_shared>>) dst(%dma_wait3A_187 : memref<128x128xf32, #tpu.memory_space<hbm>>)
      tpu.yield
    }) : () -> ()
    return
  }
}

#map = affine_map<(d0, d1) -> (0, 0)>
#map1 = affine_map<(d0, d1) -> (0)>
module attributes {stable_mosaic.version = 14 : i64} {
  func.func @gather_kernel(%arg0: i32, %arg1: i32, %arg2: memref<10000x128xf32, #tpu.memory_space<hbm>>, %arg3: memref<10000x128xf32, #tpu.memory_space<hbm>>, %arg4: memref<53248xi32, #tpu.memory_space<hbm>>, %arg5: memref<53248xi32, #tpu.memory_space<hbm>>, %arg6: memref<53248x128xf32, #tpu.memory_space<hbm>>, %arg7: memref<53248x128xf32, #tpu.memory_space<hbm>>, %arg8: memref<1664xi32, #tpu.memory_space<vmem>>, %arg9: memref<1664xi32, #tpu.memory_space<vmem>>, %arg10: memref<128x128xf32, #tpu.memory_space<vmem>>, %arg11: memref<128x128xf32, #tpu.memory_space<vmem>>, %arg12: memref<128x128xf32, #tpu.memory_space<vmem>>, %arg13: memref<128x128xf32, #tpu.memory_space<vmem>>, %arg14: memref<!tpu.dma_semaphore, #tpu.memory_space<semaphore_mem>>, %arg15: memref<!tpu.dma_semaphore, #tpu.memory_space<semaphore_mem>>) attributes {dimension_semantics = [#tpu.dimension_semantics<core_parallel>, #tpu.dimension_semantics<subcore_parallel>], iteration_bounds = array<i64: 2, 16>, scalar_prefetch = 0 : i64, scratch_operands = 8 : i64, tpu.core_type = #tpu.core_type<sc_vector_subcore>, window_params = [{transform_indices = #map}, {transform_indices = #map}, {transform_indices = #map1}, {transform_indices = #map1}, {transform_indices = #map}, {transform_indices = #map}]} {
    %mul3A = arith.constant 2 : i32
    %mul3A_0 = arith.muli %arg1, %mul3A : i32
    %add3A = arith.addi %mul3A_0, %arg0 : i32
    %mul3A_1 = arith.constant 1664 : i32
    %mul3A_2 = arith.muli %add3A, %mul3A_1 : i32
    "tpu.region"() ({
      %run_scoped3A = tpu.sem_alloc : memref<!tpu.dma_semaphore, #tpu.memory_space<semaphore_mem>>
      %dma_start3A_139 = tpu.memref_slice %arg4[%mul3A_2] : memref<53248xi32, #tpu.memory_space<hbm>> -> memref<1664xi32, #tpu.memory_space<hbm>>
      %dma_start3A_140 = tpu.memref_slice %arg4[%mul3A_2] : memref<53248xi32, #tpu.memory_space<hbm>> -> memref<1664xi32, #tpu.memory_space<hbm>>
      tpu.enqueue_dma source(%dma_start3A_140 : memref<1664xi32, #tpu.memory_space<hbm>>) target(%arg8 : memref<1664xi32, #tpu.memory_space<vmem>>) target_semaphore(%run_scoped3A : memref<!tpu.dma_semaphore, #tpu.memory_space<semaphore_mem>>)
      %dma_wait3A_141 = tpu.memref_slice %arg4[%mul3A_2] : memref<53248xi32, #tpu.memory_space<hbm>> -> memref<1664xi32, #tpu.memory_space<hbm>>
      %dma_wait3A_142 = tpu.memref_slice %arg4[%mul3A_2] : memref<53248xi32, #tpu.memory_space<hbm>> -> memref<1664xi32, #tpu.memory_space<hbm>>
      tpu.wait_dma2 semaphore(%run_scoped3A : memref<!tpu.dma_semaphore, #tpu.memory_space<semaphore_mem>>) src(%dma_wait3A_142 : memref<1664xi32, #tpu.memory_space<hbm>>) dst(%arg8 : memref<1664xi32, #tpu.memory_space<vmem>>)
      tpu.yield
    }) : () -> ()
    "tpu.region"() ({
      %run_scoped3A = tpu.sem_alloc : memref<!tpu.dma_semaphore, #tpu.memory_space<semaphore_mem>>
      %dma_start3A_139 = tpu.memref_slice %arg5[%mul3A_2] : memref<53248xi32, #tpu.memory_space<hbm>> -> memref<1664xi32, #tpu.memory_space<hbm>>
      %dma_start3A_140 = tpu.memref_slice %arg5[%mul3A_2] : memref<53248xi32, #tpu.memory_space<hbm>> -> memref<1664xi32, #tpu.memory_space<hbm>>
      tpu.enqueue_dma source(%dma_start3A_140 : memref<1664xi32, #tpu.memory_space<hbm>>) target(%arg9 : memref<1664xi32, #tpu.memory_space<vmem>>) target_semaphore(%run_scoped3A : memref<!tpu.dma_semaphore, #tpu.memory_space<semaphore_mem>>)
      %dma_wait3A_141 = tpu.memref_slice %arg5[%mul3A_2] : memref<53248xi32, #tpu.memory_space<hbm>> -> memref<1664xi32, #tpu.memory_space<hbm>>
      %dma_wait3A_142 = tpu.memref_slice %arg5[%mul3A_2] : memref<53248xi32, #tpu.memory_space<hbm>> -> memref<1664xi32, #tpu.memory_space<hbm>>
      tpu.wait_dma2 semaphore(%run_scoped3A : memref<!tpu.dma_semaphore, #tpu.memory_space<semaphore_mem>>) src(%dma_wait3A_142 : memref<1664xi32, #tpu.memory_space<hbm>>) dst(%arg9 : memref<1664xi32, #tpu.memory_space<vmem>>)
      tpu.yield
    }) : () -> ()
    %dma_start3A = arith.constant 0 : i32
    %dma_start3A_3 = tpu.memref_slice %arg8[%dma_start3A] : memref<1664xi32, #tpu.memory_space<vmem>> -> memref<128xi32, #tpu.memory_space<vmem>>
    %dma_start3A_4 = arith.constant 0 : i32
    %dma_start3A_5 = arith.constant 0 : i32
    %dma_start3A_6 = tpu.memref_slice %arg2[%dma_start3A_4, %dma_start3A_5] : memref<10000x128xf32, #tpu.memory_space<hbm>> -> memref<10000x128xf32, #tpu.memory_space<hbm>>
    tpu.enqueue_indirect_dma source(%dma_start3A_6 : memref<10000x128xf32, #tpu.memory_space<hbm>>) target(%arg10 : memref<128x128xf32, #tpu.memory_space<vmem>>) offsets(%dma_start3A_3 : memref<128xi32, #tpu.memory_space<vmem>>) semaphore(%arg14 : memref<!tpu.dma_semaphore, #tpu.memory_space<semaphore_mem>>)
    %dma_start3A_7 = arith.constant 0 : i32
    %dma_start3A_8 = tpu.memref_slice %arg9[%dma_start3A_7] : memref<1664xi32, #tpu.memory_space<vmem>> -> memref<128xi32, #tpu.memory_space<vmem>>
    %dma_start3A_9 = arith.constant 0 : i32
    %dma_start3A_10 = arith.constant 0 : i32
    %dma_start3A_11 = tpu.memref_slice %arg3[%dma_start3A_9, %dma_start3A_10] : memref<10000x128xf32, #tpu.memory_space<hbm>> -> memref<10000x128xf32, #tpu.memory_space<hbm>>
    tpu.enqueue_indirect_dma source(%dma_start3A_11 : memref<10000x128xf32, #tpu.memory_space<hbm>>) target(%arg12 : memref<128x128xf32, #tpu.memory_space<vmem>>) offsets(%dma_start3A_8 : memref<128xi32, #tpu.memory_space<vmem>>) semaphore(%arg14 : memref<!tpu.dma_semaphore, #tpu.memory_space<semaphore_mem>>)
    %dma_start3A_12 = arith.constant 128 : i32
    %dma_start3A_13 = tpu.memref_slice %arg8[%dma_start3A_12] : memref<1664xi32, #tpu.memory_space<vmem>> -> memref<128xi32, #tpu.memory_space<vmem>>
    %dma_start3A_14 = arith.constant 0 : i32
    %dma_start3A_15 = arith.constant 0 : i32
    %dma_start3A_16 = tpu.memref_slice %arg2[%dma_start3A_14, %dma_start3A_15] : memref<10000x128xf32, #tpu.memory_space<hbm>> -> memref<10000x128xf32, #tpu.memory_space<hbm>>
    tpu.enqueue_indirect_dma source(%dma_start3A_16 : memref<10000x128xf32, #tpu.memory_space<hbm>>) target(%arg11 : memref<128x128xf32, #tpu.memory_space<vmem>>) offsets(%dma_start3A_13 : memref<128xi32, #tpu.memory_space<vmem>>) semaphore(%arg14 : memref<!tpu.dma_semaphore, #tpu.memory_space<semaphore_mem>>)
    %dma_wait3A = arith.constant 0 : i32
    %dma_wait3A_17 = tpu.memref_slice %arg8[%dma_wait3A] : memref<1664xi32, #tpu.memory_space<vmem>> -> memref<128xi32, #tpu.memory_space<vmem>>
    %dma_wait3A_18 = arith.constant 0 : i32
    %dma_wait3A_19 = arith.constant 0 : i32
    %dma_wait3A_20 = tpu.memref_slice %arg2[%dma_wait3A_18, %dma_wait3A_19] : memref<10000x128xf32, #tpu.memory_space<hbm>> -> memref<10000x128xf32, #tpu.memory_space<hbm>>
    tpu.wait_indirect_dma semaphore(%arg14 : memref<!tpu.dma_semaphore, #tpu.memory_space<semaphore_mem>>) src(%dma_wait3A_20 : memref<10000x128xf32, #tpu.memory_space<hbm>>) dst(%arg10 : memref<128x128xf32, #tpu.memory_space<vmem>>)
    %add3A_21 = arith.constant 0 : i32
    %add3A_22 = arith.addi %mul3A_2, %add3A_21 : i32
    %dma_start3A_23 = arith.constant 0 : i32
    %dma_start3A_24 = tpu.memref_slice %arg6[%add3A_22, %dma_start3A_23] : memref<53248x128xf32, #tpu.memory_space<hbm>> -> memref<128x128xf32, #tpu.memory_space<hbm>>
    %dma_start3A_25 = arith.constant 0 : i32
    %dma_start3A_26 = tpu.memref_slice %arg6[%add3A_22, %dma_start3A_25] : memref<53248x128xf32, #tpu.memory_space<hbm>> -> memref<128x128xf32, #tpu.memory_space<hbm>>
    tpu.enqueue_dma source(%arg10 : memref<128x128xf32, #tpu.memory_space<vmem>>) target(%dma_start3A_26 : memref<128x128xf32, #tpu.memory_space<hbm>>) target_semaphore(%arg15 : memref<!tpu.dma_semaphore, #tpu.memory_space<semaphore_mem>>)
    %dma_start3A_27 = arith.constant 128 : i32
    %dma_start3A_28 = tpu.memref_slice %arg9[%dma_start3A_27] : memref<1664xi32, #tpu.memory_space<vmem>> -> memref<128xi32, #tpu.memory_space<vmem>>
    %dma_start3A_29 = arith.constant 0 : i32
    %dma_start3A_30 = arith.constant 0 : i32
    %dma_start3A_31 = tpu.memref_slice %arg3[%dma_start3A_29, %dma_start3A_30] : memref<10000x128xf32, #tpu.memory_space<hbm>> -> memref<10000x128xf32, #tpu.memory_space<hbm>>
    tpu.enqueue_indirect_dma source(%dma_start3A_31 : memref<10000x128xf32, #tpu.memory_space<hbm>>) target(%arg13 : memref<128x128xf32, #tpu.memory_space<vmem>>) offsets(%dma_start3A_28 : memref<128xi32, #tpu.memory_space<vmem>>) semaphore(%arg14 : memref<!tpu.dma_semaphore, #tpu.memory_space<semaphore_mem>>)
    %dma_wait3A_32 = arith.constant 0 : i32
    %dma_wait3A_33 = tpu.memref_slice %arg9[%dma_wait3A_32] : memref<1664xi32, #tpu.memory_space<vmem>> -> memref<128xi32, #tpu.memory_space<vmem>>
    %dma_wait3A_34 = arith.constant 0 : i32
    %dma_wait3A_35 = arith.constant 0 : i32
    %dma_wait3A_36 = tpu.memref_slice %arg3[%dma_wait3A_34, %dma_wait3A_35] : memref<10000x128xf32, #tpu.memory_space<hbm>> -> memref<10000x128xf32, #tpu.memory_space<hbm>>
    tpu.wait_indirect_dma semaphore(%arg14 : memref<!tpu.dma_semaphore, #tpu.memory_space<semaphore_mem>>) src(%dma_wait3A_36 : memref<10000x128xf32, #tpu.memory_space<hbm>>) dst(%arg12 : memref<128x128xf32, #tpu.memory_space<vmem>>)
    %add3A_37 = arith.constant 0 : i32
    %add3A_38 = arith.addi %mul3A_2, %add3A_37 : i32
    %dma_start3A_39 = arith.constant 0 : i32
    %dma_start3A_40 = tpu.memref_slice %arg7[%add3A_38, %dma_start3A_39] : memref<53248x128xf32, #tpu.memory_space<hbm>> -> memref<128x128xf32, #tpu.memory_space<hbm>>
    %dma_start3A_41 = arith.constant 0 : i32
    %dma_start3A_42 = tpu.memref_slice %arg7[%add3A_38, %dma_start3A_41] : memref<53248x128xf32, #tpu.memory_space<hbm>> -> memref<128x128xf32, #tpu.memory_space<hbm>>
    tpu.enqueue_dma source(%arg12 : memref<128x128xf32, #tpu.memory_space<vmem>>) target(%dma_start3A_42 : memref<128x128xf32, #tpu.memory_space<hbm>>) target_semaphore(%arg15 : memref<!tpu.dma_semaphore, #tpu.memory_space<semaphore_mem>>)
    %scan3A = arith.constant 0 : i32
    %scan3A_43 = arith.constant 0 : i32
    %scan3A_44 = arith.constant 5 : i32
    %scan3A_45 = arith.addi %scan3A_43, %scan3A_44 : i32
    %scan3A_46 = arith.constant 1 : i32
    %scan3A_47 = scf.for %scan3A_139 = %scan3A_43 to %scan3A_45 step %scan3A_46 iter_args(%scan3A_140 = %scan3A) -> (i32)  : i32 {
      %mul3A_141 = arith.constant 2 : i32
      %mul3A_142 = arith.muli %mul3A_141, %scan3A_139 : i32
      %add3A_143 = arith.constant 1 : i32
      %add3A_144 = arith.addi %mul3A_142, %add3A_143 : i32
      %add3A_145 = arith.constant 0 : i32
      %add3A_146 = arith.addi %add3A_144, %add3A_145 : i32
      %sub3A = arith.constant 1 : i32
      %sub3A_147 = arith.subi %add3A_146, %sub3A : i32
      %mul3A_148 = arith.constant 128 : i32
      %mul3A_149 = arith.muli %sub3A_147, %mul3A_148 : i32
      %add3A_150 = arith.addi %mul3A_2, %mul3A_149 : i32
      %dma_wait3A_151 = arith.constant 0 : i32
      %dma_wait3A_152 = tpu.memref_slice %arg6[%add3A_150, %dma_wait3A_151] : memref<53248x128xf32, #tpu.memory_space<hbm>> -> memref<128x128xf32, #tpu.memory_space<hbm>>
      %dma_wait3A_153 = arith.constant 0 : i32
      %dma_wait3A_154 = tpu.memref_slice %arg6[%add3A_150, %dma_wait3A_153] : memref<53248x128xf32, #tpu.memory_space<hbm>> -> memref<128x128xf32, #tpu.memory_space<hbm>>
      tpu.wait_dma2 semaphore(%arg15 : memref<!tpu.dma_semaphore, #tpu.memory_space<semaphore_mem>>) src(%arg10 : memref<128x128xf32, #tpu.memory_space<vmem>>) dst(%dma_wait3A_154 : memref<128x128xf32, #tpu.memory_space<hbm>>)
      %add3A_155 = arith.constant 1 : i32
      %add3A_156 = arith.addi %add3A_146, %add3A_155 : i32
      %mul3A_157 = arith.constant 128 : i32
      %mul3A_158 = arith.muli %add3A_156, %mul3A_157 : i32
      %dma_start3A_159 = tpu.memref_slice %arg8[%mul3A_158] : memref<1664xi32, #tpu.memory_space<vmem>> -> memref<128xi32, #tpu.memory_space<vmem>>
      %dma_start3A_160 = arith.constant 0 : i32
      %dma_start3A_161 = arith.constant 0 : i32
      %dma_start3A_162 = tpu.memref_slice %arg2[%dma_start3A_160, %dma_start3A_161] : memref<10000x128xf32, #tpu.memory_space<hbm>> -> memref<10000x128xf32, #tpu.memory_space<hbm>>
      tpu.enqueue_indirect_dma source(%dma_start3A_162 : memref<10000x128xf32, #tpu.memory_space<hbm>>) target(%arg10 : memref<128x128xf32, #tpu.memory_space<vmem>>) offsets(%dma_start3A_159 : memref<128xi32, #tpu.memory_space<vmem>>) semaphore(%arg14 : memref<!tpu.dma_semaphore, #tpu.memory_space<semaphore_mem>>)
      %mul3A_163 = arith.constant 128 : i32
      %mul3A_164 = arith.muli %add3A_146, %mul3A_163 : i32
      %dma_wait3A_165 = tpu.memref_slice %arg8[%mul3A_164] : memref<1664xi32, #tpu.memory_space<vmem>> -> memref<128xi32, #tpu.memory_space<vmem>>
      %dma_wait3A_166 = arith.constant 0 : i32
      %dma_wait3A_167 = arith.constant 0 : i32
      %dma_wait3A_168 = tpu.memref_slice %arg2[%dma_wait3A_166, %dma_wait3A_167] : memref<10000x128xf32, #tpu.memory_space<hbm>> -> memref<10000x128xf32, #tpu.memory_space<hbm>>
      tpu.wait_indirect_dma semaphore(%arg14 : memref<!tpu.dma_semaphore, #tpu.memory_space<semaphore_mem>>) src(%dma_wait3A_168 : memref<10000x128xf32, #tpu.memory_space<hbm>>) dst(%arg11 : memref<128x128xf32, #tpu.memory_space<vmem>>)
      %mul3A_169 = arith.constant 128 : i32
      %mul3A_170 = arith.muli %add3A_146, %mul3A_169 : i32
      %add3A_171 = arith.addi %mul3A_2, %mul3A_170 : i32
      %dma_start3A_172 = arith.constant 0 : i32
      %dma_start3A_173 = tpu.memref_slice %arg6[%add3A_171, %dma_start3A_172] : memref<53248x128xf32, #tpu.memory_space<hbm>> -> memref<128x128xf32, #tpu.memory_space<hbm>>
      %dma_start3A_174 = arith.constant 0 : i32
      %dma_start3A_175 = tpu.memref_slice %arg6[%add3A_171, %dma_start3A_174] : memref<53248x128xf32, #tpu.memory_space<hbm>> -> memref<128x128xf32, #tpu.memory_space<hbm>>
      tpu.enqueue_dma source(%arg11 : memref<128x128xf32, #tpu.memory_space<vmem>>) target(%dma_start3A_175 : memref<128x128xf32, #tpu.memory_space<hbm>>) target_semaphore(%arg15 : memref<!tpu.dma_semaphore, #tpu.memory_space<semaphore_mem>>)
      %sub3A_176 = arith.constant 1 : i32
      %sub3A_177 = arith.subi %add3A_146, %sub3A_176 : i32
      %mul3A_178 = arith.constant 128 : i32
      %mul3A_179 = arith.muli %sub3A_177, %mul3A_178 : i32
      %add3A_180 = arith.addi %mul3A_2, %mul3A_179 : i32
      %dma_wait3A_181 = arith.constant 0 : i32
      %dma_wait3A_182 = tpu.memref_slice %arg7[%add3A_180, %dma_wait3A_181] : memref<53248x128xf32, #tpu.memory_space<hbm>> -> memref<128x128xf32, #tpu.memory_space<hbm>>
      %dma_wait3A_183 = arith.constant 0 : i32
      %dma_wait3A_184 = tpu.memref_slice %arg7[%add3A_180, %dma_wait3A_183] : memref<53248x128xf32, #tpu.memory_space<hbm>> -> memref<128x128xf32, #tpu.memory_space<hbm>>
      tpu.wait_dma2 semaphore(%arg15 : memref<!tpu.dma_semaphore, #tpu.memory_space<semaphore_mem>>) src(%arg12 : memref<128x128xf32, #tpu.memory_space<vmem>>) dst(%dma_wait3A_184 : memref<128x128xf32, #tpu.memory_space<hbm>>)
      %add3A_185 = arith.constant 1 : i32
      %add3A_186 = arith.addi %add3A_146, %add3A_185 : i32
      %mul3A_187 = arith.constant 128 : i32
      %mul3A_188 = arith.muli %add3A_186, %mul3A_187 : i32
      %dma_start3A_189 = tpu.memref_slice %arg9[%mul3A_188] : memref<1664xi32, #tpu.memory_space<vmem>> -> memref<128xi32, #tpu.memory_space<vmem>>
      %dma_start3A_190 = arith.constant 0 : i32
      %dma_start3A_191 = arith.constant 0 : i32
      %dma_start3A_192 = tpu.memref_slice %arg3[%dma_start3A_190, %dma_start3A_191] : memref<10000x128xf32, #tpu.memory_space<hbm>> -> memref<10000x128xf32, #tpu.memory_space<hbm>>
      tpu.enqueue_indirect_dma source(%dma_start3A_192 : memref<10000x128xf32, #tpu.memory_space<hbm>>) target(%arg12 : memref<128x128xf32, #tpu.memory_space<vmem>>) offsets(%dma_start3A_189 : memref<128xi32, #tpu.memory_space<vmem>>) semaphore(%arg14 : memref<!tpu.dma_semaphore, #tpu.memory_space<semaphore_mem>>)
      %mul3A_193 = arith.constant 128 : i32
      %mul3A_194 = arith.muli %add3A_146, %mul3A_193 : i32
      %dma_wait3A_195 = tpu.memref_slice %arg9[%mul3A_194] : memref<1664xi32, #tpu.memory_space<vmem>> -> memref<128xi32, #tpu.memory_space<vmem>>
      %dma_wait3A_196 = arith.constant 0 : i32
      %dma_wait3A_197 = arith.constant 0 : i32
      %dma_wait3A_198 = tpu.memref_slice %arg3[%dma_wait3A_196, %dma_wait3A_197] : memref<10000x128xf32, #tpu.memory_space<hbm>> -> memref<10000x128xf32, #tpu.memory_space<hbm>>
      tpu.wait_indirect_dma semaphore(%arg14 : memref<!tpu.dma_semaphore, #tpu.memory_space<semaphore_mem>>) src(%dma_wait3A_198 : memref<10000x128xf32, #tpu.memory_space<hbm>>) dst(%arg13 : memref<128x128xf32, #tpu.memory_space<vmem>>)
      %mul3A_199 = arith.constant 128 : i32
      %mul3A_200 = arith.muli %add3A_146, %mul3A_199 : i32
      %add3A_201 = arith.addi %mul3A_2, %mul3A_200 : i32
      %dma_start3A_202 = arith.constant 0 : i32
      %dma_start3A_203 = tpu.memref_slice %arg7[%add3A_201, %dma_start3A_202] : memref<53248x128xf32, #tpu.memory_space<hbm>> -> memref<128x128xf32, #tpu.memory_space<hbm>>
      %dma_start3A_204 = arith.constant 0 : i32
      %dma_start3A_205 = tpu.memref_slice %arg7[%add3A_201, %dma_start3A_204] : memref<53248x128xf32, #tpu.memory_space<hbm>> -> memref<128x128xf32, #tpu.memory_space<hbm>>
      tpu.enqueue_dma source(%arg13 : memref<128x128xf32, #tpu.memory_space<vmem>>) target(%dma_start3A_205 : memref<128x128xf32, #tpu.memory_space<hbm>>) target_semaphore(%arg15 : memref<!tpu.dma_semaphore, #tpu.memory_space<semaphore_mem>>)
      %mul3A_206 = arith.constant 2 : i32
      %mul3A_207 = arith.muli %mul3A_206, %scan3A_139 : i32
      %add3A_208 = arith.constant 1 : i32
      %add3A_209 = arith.addi %mul3A_207, %add3A_208 : i32
      %add3A_210 = arith.constant 1 : i32
      %add3A_211 = arith.addi %add3A_209, %add3A_210 : i32
      %sub3A_212 = arith.constant 1 : i32
      %sub3A_213 = arith.subi %add3A_211, %sub3A_212 : i32
      %mul3A_214 = arith.constant 128 : i32
      %mul3A_215 = arith.muli %sub3A_213, %mul3A_214 : i32
      %add3A_216 = arith.addi %mul3A_2, %mul3A_215 : i32
      %dma_wait3A_217 = arith.constant 0 : i32
      %dma_wait3A_218 = tpu.memref_slice %arg6[%add3A_216, %dma_wait3A_217] : memref<53248x128xf32, #tpu.memory_space<hbm>> -> memref<128x128xf32, #tpu.memory_space<hbm>>
      %dma_wait3A_219 = arith.constant 0 : i32
      %dma_wait3A_220 = tpu.memref_slice %arg6[%add3A_216, %dma_wait3A_219] : memref<53248x128xf32, #tpu.memory_space<hbm>> -> memref<128x128xf32, #tpu.memory_space<hbm>>
      tpu.wait_dma2 semaphore(%arg15 : memref<!tpu.dma_semaphore, #tpu.memory_space<semaphore_mem>>) src(%arg11 : memref<128x128xf32, #tpu.memory_space<vmem>>) dst(%dma_wait3A_220 : memref<128x128xf32, #tpu.memory_space<hbm>>)
      %add3A_221 = arith.constant 1 : i32
      %add3A_222 = arith.addi %add3A_211, %add3A_221 : i32
      %mul3A_223 = arith.constant 128 : i32
      %mul3A_224 = arith.muli %add3A_222, %mul3A_223 : i32
      %dma_start3A_225 = tpu.memref_slice %arg8[%mul3A_224] : memref<1664xi32, #tpu.memory_space<vmem>> -> memref<128xi32, #tpu.memory_space<vmem>>
      %dma_start3A_226 = arith.constant 0 : i32
      %dma_start3A_227 = arith.constant 0 : i32
      %dma_start3A_228 = tpu.memref_slice %arg2[%dma_start3A_226, %dma_start3A_227] : memref<10000x128xf32, #tpu.memory_space<hbm>> -> memref<10000x128xf32, #tpu.memory_space<hbm>>
      tpu.enqueue_indirect_dma source(%dma_start3A_228 : memref<10000x128xf32, #tpu.memory_space<hbm>>) target(%arg11 : memref<128x128xf32, #tpu.memory_space<vmem>>) offsets(%dma_start3A_225 : memref<128xi32, #tpu.memory_space<vmem>>) semaphore(%arg14 : memref<!tpu.dma_semaphore, #tpu.memory_space<semaphore_mem>>)
      %mul3A_229 = arith.constant 128 : i32
      %mul3A_230 = arith.muli %add3A_211, %mul3A_229 : i32
      %dma_wait3A_231 = tpu.memref_slice %arg8[%mul3A_230] : memref<1664xi32, #tpu.memory_space<vmem>> -> memref<128xi32, #tpu.memory_space<vmem>>
      %dma_wait3A_232 = arith.constant 0 : i32
      %dma_wait3A_233 = arith.constant 0 : i32
      %dma_wait3A_234 = tpu.memref_slice %arg2[%dma_wait3A_232, %dma_wait3A_233] : memref<10000x128xf32, #tpu.memory_space<hbm>> -> memref<10000x128xf32, #tpu.memory_space<hbm>>
      tpu.wait_indirect_dma semaphore(%arg14 : memref<!tpu.dma_semaphore, #tpu.memory_space<semaphore_mem>>) src(%dma_wait3A_234 : memref<10000x128xf32, #tpu.memory_space<hbm>>) dst(%arg10 : memref<128x128xf32, #tpu.memory_space<vmem>>)
      %mul3A_235 = arith.constant 128 : i32
      %mul3A_236 = arith.muli %add3A_211, %mul3A_235 : i32
      %add3A_237 = arith.addi %mul3A_2, %mul3A_236 : i32
      %dma_start3A_238 = arith.constant 0 : i32
      %dma_start3A_239 = tpu.memref_slice %arg6[%add3A_237, %dma_start3A_238] : memref<53248x128xf32, #tpu.memory_space<hbm>> -> memref<128x128xf32, #tpu.memory_space<hbm>>
      %dma_start3A_240 = arith.constant 0 : i32
      %dma_start3A_241 = tpu.memref_slice %arg6[%add3A_237, %dma_start3A_240] : memref<53248x128xf32, #tpu.memory_space<hbm>> -> memref<128x128xf32, #tpu.memory_space<hbm>>
      tpu.enqueue_dma source(%arg10 : memref<128x128xf32, #tpu.memory_space<vmem>>) target(%dma_start3A_241 : memref<128x128xf32, #tpu.memory_space<hbm>>) target_semaphore(%arg15 : memref<!tpu.dma_semaphore, #tpu.memory_space<semaphore_mem>>)
      %sub3A_242 = arith.constant 1 : i32
      %sub3A_243 = arith.subi %add3A_211, %sub3A_242 : i32
      %mul3A_244 = arith.constant 128 : i32
      %mul3A_245 = arith.muli %sub3A_243, %mul3A_244 : i32
      %add3A_246 = arith.addi %mul3A_2, %mul3A_245 : i32
      %dma_wait3A_247 = arith.constant 0 : i32
      %dma_wait3A_248 = tpu.memref_slice %arg7[%add3A_246, %dma_wait3A_247] : memref<53248x128xf32, #tpu.memory_space<hbm>> -> memref<128x128xf32, #tpu.memory_space<hbm>>
      %dma_wait3A_249 = arith.constant 0 : i32
      %dma_wait3A_250 = tpu.memref_slice %arg7[%add3A_246, %dma_wait3A_249] : memref<53248x128xf32, #tpu.memory_space<hbm>> -> memref<128x128xf32, #tpu.memory_space<hbm>>
      tpu.wait_dma2 semaphore(%arg15 : memref<!tpu.dma_semaphore, #tpu.memory_space<semaphore_mem>>) src(%arg13 : memref<128x128xf32, #tpu.memory_space<vmem>>) dst(%dma_wait3A_250 : memref<128x128xf32, #tpu.memory_space<hbm>>)
      %add3A_251 = arith.constant 1 : i32
      %add3A_252 = arith.addi %add3A_211, %add3A_251 : i32
      %mul3A_253 = arith.constant 128 : i32
      %mul3A_254 = arith.muli %add3A_252, %mul3A_253 : i32
      %dma_start3A_255 = tpu.memref_slice %arg9[%mul3A_254] : memref<1664xi32, #tpu.memory_space<vmem>> -> memref<128xi32, #tpu.memory_space<vmem>>
      %dma_start3A_256 = arith.constant 0 : i32
      %dma_start3A_257 = arith.constant 0 : i32
      %dma_start3A_258 = tpu.memref_slice %arg3[%dma_start3A_256, %dma_start3A_257] : memref<10000x128xf32, #tpu.memory_space<hbm>> -> memref<10000x128xf32, #tpu.memory_space<hbm>>
      tpu.enqueue_indirect_dma source(%dma_start3A_258 : memref<10000x128xf32, #tpu.memory_space<hbm>>) target(%arg13 : memref<128x128xf32, #tpu.memory_space<vmem>>) offsets(%dma_start3A_255 : memref<128xi32, #tpu.memory_space<vmem>>) semaphore(%arg14 : memref<!tpu.dma_semaphore, #tpu.memory_space<semaphore_mem>>)
      %mul3A_259 = arith.constant 128 : i32
      %mul3A_260 = arith.muli %add3A_211, %mul3A_259 : i32
      %dma_wait3A_261 = tpu.memref_slice %arg9[%mul3A_260] : memref<1664xi32, #tpu.memory_space<vmem>> -> memref<128xi32, #tpu.memory_space<vmem>>
      %dma_wait3A_262 = arith.constant 0 : i32
      %dma_wait3A_263 = arith.constant 0 : i32
      %dma_wait3A_264 = tpu.memref_slice %arg3[%dma_wait3A_262, %dma_wait3A_263] : memref<10000x128xf32, #tpu.memory_space<hbm>> -> memref<10000x128xf32, #tpu.memory_space<hbm>>
      tpu.wait_indirect_dma semaphore(%arg14 : memref<!tpu.dma_semaphore, #tpu.memory_space<semaphore_mem>>) src(%dma_wait3A_264 : memref<10000x128xf32, #tpu.memory_space<hbm>>) dst(%arg12 : memref<128x128xf32, #tpu.memory_space<vmem>>)
      %mul3A_265 = arith.constant 128 : i32
      %mul3A_266 = arith.muli %add3A_211, %mul3A_265 : i32
      %add3A_267 = arith.addi %mul3A_2, %mul3A_266 : i32
      %dma_start3A_268 = arith.constant 0 : i32
      %dma_start3A_269 = tpu.memref_slice %arg7[%add3A_267, %dma_start3A_268] : memref<53248x128xf32, #tpu.memory_space<hbm>> -> memref<128x128xf32, #tpu.memory_space<hbm>>
      %dma_start3A_270 = arith.constant 0 : i32
      %dma_start3A_271 = tpu.memref_slice %arg7[%add3A_267, %dma_start3A_270] : memref<53248x128xf32, #tpu.memory_space<hbm>> -> memref<128x128xf32, #tpu.memory_space<hbm>>
      tpu.enqueue_dma source(%arg12 : memref<128x128xf32, #tpu.memory_space<vmem>>) target(%dma_start3A_271 : memref<128x128xf32, #tpu.memory_space<hbm>>) target_semaphore(%arg15 : memref<!tpu.dma_semaphore, #tpu.memory_space<semaphore_mem>>)
      %scan3A_272 = arith.constant 0 : i32
      scf.yield %scan3A_272 : i32
    }
    %scan3A_48 = arith.constant 5 : i32
    %add3A_49 = arith.constant 1280 : i32
    %add3A_50 = arith.addi %mul3A_2, %add3A_49 : i32
    %dma_wait3A_51 = arith.constant 0 : i32
    %dma_wait3A_52 = tpu.memref_slice %arg6[%add3A_50, %dma_wait3A_51] : memref<53248x128xf32, #tpu.memory_space<hbm>> -> memref<128x128xf32, #tpu.memory_space<hbm>>
    %dma_wait3A_53 = arith.constant 0 : i32
    %dma_wait3A_54 = tpu.memref_slice %arg6[%add3A_50, %dma_wait3A_53] : memref<53248x128xf32, #tpu.memory_space<hbm>> -> memref<128x128xf32, #tpu.memory_space<hbm>>
    tpu.wait_dma2 semaphore(%arg15 : memref<!tpu.dma_semaphore, #tpu.memory_space<semaphore_mem>>) src(%arg10 : memref<128x128xf32, #tpu.memory_space<vmem>>) dst(%dma_wait3A_54 : memref<128x128xf32, #tpu.memory_space<hbm>>)
    %dma_start3A_55 = arith.constant 1536 : i32
    %dma_start3A_56 = tpu.memref_slice %arg8[%dma_start3A_55] : memref<1664xi32, #tpu.memory_space<vmem>> -> memref<128xi32, #tpu.memory_space<vmem>>
    %dma_start3A_57 = arith.constant 0 : i32
    %dma_start3A_58 = arith.constant 0 : i32
    %dma_start3A_59 = tpu.memref_slice %arg2[%dma_start3A_57, %dma_start3A_58] : memref<10000x128xf32, #tpu.memory_space<hbm>> -> memref<10000x128xf32, #tpu.memory_space<hbm>>
    tpu.enqueue_indirect_dma source(%dma_start3A_59 : memref<10000x128xf32, #tpu.memory_space<hbm>>) target(%arg10 : memref<128x128xf32, #tpu.memory_space<vmem>>) offsets(%dma_start3A_56 : memref<128xi32, #tpu.memory_space<vmem>>) semaphore(%arg14 : memref<!tpu.dma_semaphore, #tpu.memory_space<semaphore_mem>>)
    %dma_wait3A_60 = arith.constant 1408 : i32
    %dma_wait3A_61 = tpu.memref_slice %arg8[%dma_wait3A_60] : memref<1664xi32, #tpu.memory_space<vmem>> -> memref<128xi32, #tpu.memory_space<vmem>>
    %dma_wait3A_62 = arith.constant 0 : i32
    %dma_wait3A_63 = arith.constant 0 : i32
    %dma_wait3A_64 = tpu.memref_slice %arg2[%dma_wait3A_62, %dma_wait3A_63] : memref<10000x128xf32, #tpu.memory_space<hbm>> -> memref<10000x128xf32, #tpu.memory_space<hbm>>
    tpu.wait_indirect_dma semaphore(%arg14 : memref<!tpu.dma_semaphore, #tpu.memory_space<semaphore_mem>>) src(%dma_wait3A_64 : memref<10000x128xf32, #tpu.memory_space<hbm>>) dst(%arg11 : memref<128x128xf32, #tpu.memory_space<vmem>>)
    %add3A_65 = arith.constant 1408 : i32
    %add3A_66 = arith.addi %mul3A_2, %add3A_65 : i32
    %dma_start3A_67 = arith.constant 0 : i32
    %dma_start3A_68 = tpu.memref_slice %arg6[%add3A_66, %dma_start3A_67] : memref<53248x128xf32, #tpu.memory_space<hbm>> -> memref<128x128xf32, #tpu.memory_space<hbm>>
    %dma_start3A_69 = arith.constant 0 : i32
    %dma_start3A_70 = tpu.memref_slice %arg6[%add3A_66, %dma_start3A_69] : memref<53248x128xf32, #tpu.memory_space<hbm>> -> memref<128x128xf32, #tpu.memory_space<hbm>>
    tpu.enqueue_dma source(%arg11 : memref<128x128xf32, #tpu.memory_space<vmem>>) target(%dma_start3A_70 : memref<128x128xf32, #tpu.memory_space<hbm>>) target_semaphore(%arg15 : memref<!tpu.dma_semaphore, #tpu.memory_space<semaphore_mem>>)
    %add3A_71 = arith.constant 1280 : i32
    %add3A_72 = arith.addi %mul3A_2, %add3A_71 : i32
    %dma_wait3A_73 = arith.constant 0 : i32
    %dma_wait3A_74 = tpu.memref_slice %arg7[%add3A_72, %dma_wait3A_73] : memref<53248x128xf32, #tpu.memory_space<hbm>> -> memref<128x128xf32, #tpu.memory_space<hbm>>
    %dma_wait3A_75 = arith.constant 0 : i32
    %dma_wait3A_76 = tpu.memref_slice %arg7[%add3A_72, %dma_wait3A_75] : memref<53248x128xf32, #tpu.memory_space<hbm>> -> memref<128x128xf32, #tpu.memory_space<hbm>>
    tpu.wait_dma2 semaphore(%arg15 : memref<!tpu.dma_semaphore, #tpu.memory_space<semaphore_mem>>) src(%arg12 : memref<128x128xf32, #tpu.memory_space<vmem>>) dst(%dma_wait3A_76 : memref<128x128xf32, #tpu.memory_space<hbm>>)
    %dma_start3A_77 = arith.constant 1536 : i32
    %dma_start3A_78 = tpu.memref_slice %arg9[%dma_start3A_77] : memref<1664xi32, #tpu.memory_space<vmem>> -> memref<128xi32, #tpu.memory_space<vmem>>
    %dma_start3A_79 = arith.constant 0 : i32
    %dma_start3A_80 = arith.constant 0 : i32
    %dma_start3A_81 = tpu.memref_slice %arg3[%dma_start3A_79, %dma_start3A_80] : memref<10000x128xf32, #tpu.memory_space<hbm>> -> memref<10000x128xf32, #tpu.memory_space<hbm>>
    tpu.enqueue_indirect_dma source(%dma_start3A_81 : memref<10000x128xf32, #tpu.memory_space<hbm>>) target(%arg12 : memref<128x128xf32, #tpu.memory_space<vmem>>) offsets(%dma_start3A_78 : memref<128xi32, #tpu.memory_space<vmem>>) semaphore(%arg14 : memref<!tpu.dma_semaphore, #tpu.memory_space<semaphore_mem>>)
    %dma_wait3A_82 = arith.constant 1408 : i32
    %dma_wait3A_83 = tpu.memref_slice %arg9[%dma_wait3A_82] : memref<1664xi32, #tpu.memory_space<vmem>> -> memref<128xi32, #tpu.memory_space<vmem>>
    %dma_wait3A_84 = arith.constant 0 : i32
    %dma_wait3A_85 = arith.constant 0 : i32
    %dma_wait3A_86 = tpu.memref_slice %arg3[%dma_wait3A_84, %dma_wait3A_85] : memref<10000x128xf32, #tpu.memory_space<hbm>> -> memref<10000x128xf32, #tpu.memory_space<hbm>>
    tpu.wait_indirect_dma semaphore(%arg14 : memref<!tpu.dma_semaphore, #tpu.memory_space<semaphore_mem>>) src(%dma_wait3A_86 : memref<10000x128xf32, #tpu.memory_space<hbm>>) dst(%arg13 : memref<128x128xf32, #tpu.memory_space<vmem>>)
    %add3A_87 = arith.constant 1408 : i32
    %add3A_88 = arith.addi %mul3A_2, %add3A_87 : i32
    %dma_start3A_89 = arith.constant 0 : i32
    %dma_start3A_90 = tpu.memref_slice %arg7[%add3A_88, %dma_start3A_89] : memref<53248x128xf32, #tpu.memory_space<hbm>> -> memref<128x128xf32, #tpu.memory_space<hbm>>
    %dma_start3A_91 = arith.constant 0 : i32
    %dma_start3A_92 = tpu.memref_slice %arg7[%add3A_88, %dma_start3A_91] : memref<53248x128xf32, #tpu.memory_space<hbm>> -> memref<128x128xf32, #tpu.memory_space<hbm>>
    tpu.enqueue_dma source(%arg13 : memref<128x128xf32, #tpu.memory_space<vmem>>) target(%dma_start3A_92 : memref<128x128xf32, #tpu.memory_space<hbm>>) target_semaphore(%arg15 : memref<!tpu.dma_semaphore, #tpu.memory_space<semaphore_mem>>)
    %add3A_93 = arith.constant 1408 : i32
    %add3A_94 = arith.addi %mul3A_2, %add3A_93 : i32
    %dma_wait3A_95 = arith.constant 0 : i32
    %dma_wait3A_96 = tpu.memref_slice %arg6[%add3A_94, %dma_wait3A_95] : memref<53248x128xf32, #tpu.memory_space<hbm>> -> memref<128x128xf32, #tpu.memory_space<hbm>>
    %dma_wait3A_97 = arith.constant 0 : i32
    %dma_wait3A_98 = tpu.memref_slice %arg6[%add3A_94, %dma_wait3A_97] : memref<53248x128xf32, #tpu.memory_space<hbm>> -> memref<128x128xf32, #tpu.memory_space<hbm>>
    tpu.wait_dma2 semaphore(%arg15 : memref<!tpu.dma_semaphore, #tpu.memory_space<semaphore_mem>>) src(%arg11 : memref<128x128xf32, #tpu.memory_space<vmem>>) dst(%dma_wait3A_98 : memref<128x128xf32, #tpu.memory_space<hbm>>)
    %dma_wait3A_99 = arith.constant 1536 : i32
    %dma_wait3A_100 = tpu.memref_slice %arg8[%dma_wait3A_99] : memref<1664xi32, #tpu.memory_space<vmem>> -> memref<128xi32, #tpu.memory_space<vmem>>
    %dma_wait3A_101 = arith.constant 0 : i32
    %dma_wait3A_102 = arith.constant 0 : i32
    %dma_wait3A_103 = tpu.memref_slice %arg2[%dma_wait3A_101, %dma_wait3A_102] : memref<10000x128xf32, #tpu.memory_space<hbm>> -> memref<10000x128xf32, #tpu.memory_space<hbm>>
    tpu.wait_indirect_dma semaphore(%arg14 : memref<!tpu.dma_semaphore, #tpu.memory_space<semaphore_mem>>) src(%dma_wait3A_103 : memref<10000x128xf32, #tpu.memory_space<hbm>>) dst(%arg10 : memref<128x128xf32, #tpu.memory_space<vmem>>)
    %add3A_104 = arith.constant 1536 : i32
    %add3A_105 = arith.addi %mul3A_2, %add3A_104 : i32
    %dma_start3A_106 = arith.constant 0 : i32
    %dma_start3A_107 = tpu.memref_slice %arg6[%add3A_105, %dma_start3A_106] : memref<53248x128xf32, #tpu.memory_space<hbm>> -> memref<128x128xf32, #tpu.memory_space<hbm>>
    %dma_start3A_108 = arith.constant 0 : i32
    %dma_start3A_109 = tpu.memref_slice %arg6[%add3A_105, %dma_start3A_108] : memref<53248x128xf32, #tpu.memory_space<hbm>> -> memref<128x128xf32, #tpu.memory_space<hbm>>
    tpu.enqueue_dma source(%arg10 : memref<128x128xf32, #tpu.memory_space<vmem>>) target(%dma_start3A_109 : memref<128x128xf32, #tpu.memory_space<hbm>>) target_semaphore(%arg15 : memref<!tpu.dma_semaphore, #tpu.memory_space<semaphore_mem>>)
    %add3A_110 = arith.constant 1408 : i32
    %add3A_111 = arith.addi %mul3A_2, %add3A_110 : i32
    %dma_wait3A_112 = arith.constant 0 : i32
    %dma_wait3A_113 = tpu.memref_slice %arg7[%add3A_111, %dma_wait3A_112] : memref<53248x128xf32, #tpu.memory_space<hbm>> -> memref<128x128xf32, #tpu.memory_space<hbm>>
    %dma_wait3A_114 = arith.constant 0 : i32
    %dma_wait3A_115 = tpu.memref_slice %arg7[%add3A_111, %dma_wait3A_114] : memref<53248x128xf32, #tpu.memory_space<hbm>> -> memref<128x128xf32, #tpu.memory_space<hbm>>
    tpu.wait_dma2 semaphore(%arg15 : memref<!tpu.dma_semaphore, #tpu.memory_space<semaphore_mem>>) src(%arg13 : memref<128x128xf32, #tpu.memory_space<vmem>>) dst(%dma_wait3A_115 : memref<128x128xf32, #tpu.memory_space<hbm>>)
    %dma_wait3A_116 = arith.constant 1536 : i32
    %dma_wait3A_117 = tpu.memref_slice %arg9[%dma_wait3A_116] : memref<1664xi32, #tpu.memory_space<vmem>> -> memref<128xi32, #tpu.memory_space<vmem>>
    %dma_wait3A_118 = arith.constant 0 : i32
    %dma_wait3A_119 = arith.constant 0 : i32
    %dma_wait3A_120 = tpu.memref_slice %arg3[%dma_wait3A_118, %dma_wait3A_119] : memref<10000x128xf32, #tpu.memory_space<hbm>> -> memref<10000x128xf32, #tpu.memory_space<hbm>>
    tpu.wait_indirect_dma semaphore(%arg14 : memref<!tpu.dma_semaphore, #tpu.memory_space<semaphore_mem>>) src(%dma_wait3A_120 : memref<10000x128xf32, #tpu.memory_space<hbm>>) dst(%arg12 : memref<128x128xf32, #tpu.memory_space<vmem>>)
    %add3A_121 = arith.constant 1536 : i32
    %add3A_122 = arith.addi %mul3A_2, %add3A_121 : i32
    %dma_start3A_123 = arith.constant 0 : i32
    %dma_start3A_124 = tpu.memref_slice %arg7[%add3A_122, %dma_start3A_123] : memref<53248x128xf32, #tpu.memory_space<hbm>> -> memref<128x128xf32, #tpu.memory_space<hbm>>
    %dma_start3A_125 = arith.constant 0 : i32
    %dma_start3A_126 = tpu.memref_slice %arg7[%add3A_122, %dma_start3A_125] : memref<53248x128xf32, #tpu.memory_space<hbm>> -> memref<128x128xf32, #tpu.memory_space<hbm>>
    tpu.enqueue_dma source(%arg12 : memref<128x128xf32, #tpu.memory_space<vmem>>) target(%dma_start3A_126 : memref<128x128xf32, #tpu.memory_space<hbm>>) target_semaphore(%arg15 : memref<!tpu.dma_semaphore, #tpu.memory_space<semaphore_mem>>)
    %add3A_127 = arith.constant 1536 : i32
    %add3A_128 = arith.addi %mul3A_2, %add3A_127 : i32
    %dma_wait3A_129 = arith.constant 0 : i32
    %dma_wait3A_130 = tpu.memref_slice %arg6[%add3A_128, %dma_wait3A_129] : memref<53248x128xf32, #tpu.memory_space<hbm>> -> memref<128x128xf32, #tpu.memory_space<hbm>>
    %dma_wait3A_131 = arith.constant 0 : i32
    %dma_wait3A_132 = tpu.memref_slice %arg6[%add3A_128, %dma_wait3A_131] : memref<53248x128xf32, #tpu.memory_space<hbm>> -> memref<128x128xf32, #tpu.memory_space<hbm>>
    tpu.wait_dma2 semaphore(%arg15 : memref<!tpu.dma_semaphore, #tpu.memory_space<semaphore_mem>>) src(%arg10 : memref<128x128xf32, #tpu.memory_space<vmem>>) dst(%dma_wait3A_132 : memref<128x128xf32, #tpu.memory_space<hbm>>)
    %add3A_133 = arith.constant 1536 : i32
    %add3A_134 = arith.addi %mul3A_2, %add3A_133 : i32
    %dma_wait3A_135 = arith.constant 0 : i32
    %dma_wait3A_136 = tpu.memref_slice %arg7[%add3A_134, %dma_wait3A_135] : memref<53248x128xf32, #tpu.memory_space<hbm>> -> memref<128x128xf32, #tpu.memory_space<hbm>>
    %dma_wait3A_137 = arith.constant 0 : i32
    %dma_wait3A_138 = tpu.memref_slice %arg7[%add3A_134, %dma_wait3A_137] : memref<53248x128xf32, #tpu.memory_space<hbm>> -> memref<128x128xf32, #tpu.memory_space<hbm>>
    tpu.wait_dma2 semaphore(%arg15 : memref<!tpu.dma_semaphore, #tpu.memory_space<semaphore_mem>>) src(%arg12 : memref<128x128xf32, #tpu.memory_space<vmem>>) dst(%dma_wait3A_138 : memref<128x128xf32, #tpu.memory_space<hbm>>)
    return
  }
}

#map = affine_map<(d0, d1) -> (0, 0)>
#map1 = affine_map<(d0, d1) -> (0, 0, 0)>
module attributes {stable_mosaic.version = 14 : i64} {
  func.func @conv_kernel(%arg0: i32, %arg1: i32, %arg2: memref<10240x128xf32, #tpu.memory_space<hbm>>, %arg3: memref<2560x128xi32, #tpu.memory_space<hbm>>, %arg4: memref<2560x128xi32, #tpu.memory_space<hbm>>, %arg5: memref<2x10240x128xf32, #tpu.memory_space<hbm>>, %arg6: memref<40x128xi32, #tpu.memory_space<vmem>>, %arg7: memref<40x128xi32, #tpu.memory_space<vmem>>, %arg8: memref<128x128xf32, #tpu.memory_space<vmem>>, %arg9: memref<128x128xf32, #tpu.memory_space<vmem>>, %arg10: memref<!tpu.dma_semaphore, #tpu.memory_space<semaphore_mem>>, %arg11: memref<!tpu.dma_semaphore, #tpu.memory_space<semaphore_mem>>, %arg12: memref<10240x128xf32, #tpu.memory_space<vmem_shared>>) attributes {dimension_semantics = [#tpu.dimension_semantics<core_parallel>, #tpu.dimension_semantics<subcore_parallel>], iteration_bounds = array<i64: 2, 16>, scalar_prefetch = 0 : i64, scratch_operands = 7 : i64, tpu.core_type = #tpu.core_type<sc_vector_subcore>, window_params = [{transform_indices = #map}, {transform_indices = #map}, {transform_indices = #map}, {transform_indices = #map1}]} {
    %mul3A = arith.constant 2 : i32
    %mul3A_0 = arith.muli %arg1, %mul3A : i32
    %add3A = arith.addi %mul3A_0, %arg0 : i32
    %scan3A = arith.constant 0 : i32
    %scan3A_1 = arith.constant 0 : i32
    %scan3A_2 = arith.constant 128 : i32
    %scan3A_3 = arith.addi %scan3A_1, %scan3A_2 : i32
    %scan3A_4 = arith.constant 1 : i32
    %scan3A_5 = scf.for %scan3A_180 = %scan3A_1 to %scan3A_3 step %scan3A_4 iter_args(%scan3A_181 = %scan3A) -> (i32)  : i32 {
      %broadcast_in_dim3A = arith.constant 0.000000e+00 : f32
      %broadcast_in_dim3A_182 = vector.broadcast %broadcast_in_dim3A : f32 to vector<16xf32>
      %swap3A = arith.index_cast %scan3A_180 : i32 to index
      %swap3A_183 = arith.constant 0 : index
      %swap3A_184 = tpu.vector_load %arg8[%swap3A, %swap3A_183] {strides = array<i32>} : memref<128x128xf32, #tpu.memory_space<vmem>>, vector<1x16xf32>,
      %swap3A_185 = vector.shape_cast %swap3A_184 : vector<1x16xf32> to vector<16xf32>
      %swap3A_186 = vector.shape_cast %broadcast_in_dim3A_182 : vector<16xf32> to vector<1x16xf32>
      tpu.vector_store %arg8[%swap3A, %swap3A_183], %swap3A_186 {strides = array<i32>} : memref<128x128xf32, #tpu.memory_space<vmem>>, vector<1x16xf32>,
      %broadcast_in_dim3A_187 = arith.constant 0.000000e+00 : f32
      %broadcast_in_dim3A_188 = vector.broadcast %broadcast_in_dim3A_187 : f32 to vector<16xf32>
      %swap3A_189 = arith.index_cast %scan3A_180 : i32 to index
      %swap3A_190 = arith.constant 16 : index
      %swap3A_191 = tpu.vector_load %arg8[%swap3A_189, %swap3A_190] {strides = array<i32>} : memref<128x128xf32, #tpu.memory_space<vmem>>, vector<1x16xf32>,
      %swap3A_192 = vector.shape_cast %swap3A_191 : vector<1x16xf32> to vector<16xf32>
      %swap3A_193 = vector.shape_cast %broadcast_in_dim3A_188 : vector<16xf32> to vector<1x16xf32>
      tpu.vector_store %arg8[%swap3A_189, %swap3A_190], %swap3A_193 {strides = array<i32>} : memref<128x128xf32, #tpu.memory_space<vmem>>, vector<1x16xf32>,
      %broadcast_in_dim3A_194 = arith.constant 0.000000e+00 : f32
      %broadcast_in_dim3A_195 = vector.broadcast %broadcast_in_dim3A_194 : f32 to vector<16xf32>
      %swap3A_196 = arith.index_cast %scan3A_180 : i32 to index
      %swap3A_197 = arith.constant 32 : index
      %swap3A_198 = tpu.vector_load %arg8[%swap3A_196, %swap3A_197] {strides = array<i32>} : memref<128x128xf32, #tpu.memory_space<vmem>>, vector<1x16xf32>,
      %swap3A_199 = vector.shape_cast %swap3A_198 : vector<1x16xf32> to vector<16xf32>
      %swap3A_200 = vector.shape_cast %broadcast_in_dim3A_195 : vector<16xf32> to vector<1x16xf32>
      tpu.vector_store %arg8[%swap3A_196, %swap3A_197], %swap3A_200 {strides = array<i32>} : memref<128x128xf32, #tpu.memory_space<vmem>>, vector<1x16xf32>,
      %broadcast_in_dim3A_201 = arith.constant 0.000000e+00 : f32
      %broadcast_in_dim3A_202 = vector.broadcast %broadcast_in_dim3A_201 : f32 to vector<16xf32>
      %swap3A_203 = arith.index_cast %scan3A_180 : i32 to index
      %swap3A_204 = arith.constant 48 : index
      %swap3A_205 = tpu.vector_load %arg8[%swap3A_203, %swap3A_204] {strides = array<i32>} : memref<128x128xf32, #tpu.memory_space<vmem>>, vector<1x16xf32>,
      %swap3A_206 = vector.shape_cast %swap3A_205 : vector<1x16xf32> to vector<16xf32>
      %swap3A_207 = vector.shape_cast %broadcast_in_dim3A_202 : vector<16xf32> to vector<1x16xf32>
      tpu.vector_store %arg8[%swap3A_203, %swap3A_204], %swap3A_207 {strides = array<i32>} : memref<128x128xf32, #tpu.memory_space<vmem>>, vector<1x16xf32>,
      %broadcast_in_dim3A_208 = arith.constant 0.000000e+00 : f32
      %broadcast_in_dim3A_209 = vector.broadcast %broadcast_in_dim3A_208 : f32 to vector<16xf32>
      %swap3A_210 = arith.index_cast %scan3A_180 : i32 to index
      %swap3A_211 = arith.constant 64 : index
      %swap3A_212 = tpu.vector_load %arg8[%swap3A_210, %swap3A_211] {strides = array<i32>} : memref<128x128xf32, #tpu.memory_space<vmem>>, vector<1x16xf32>,
      %swap3A_213 = vector.shape_cast %swap3A_212 : vector<1x16xf32> to vector<16xf32>
      %swap3A_214 = vector.shape_cast %broadcast_in_dim3A_209 : vector<16xf32> to vector<1x16xf32>
      tpu.vector_store %arg8[%swap3A_210, %swap3A_211], %swap3A_214 {strides = array<i32>} : memref<128x128xf32, #tpu.memory_space<vmem>>, vector<1x16xf32>,
      %broadcast_in_dim3A_215 = arith.constant 0.000000e+00 : f32
      %broadcast_in_dim3A_216 = vector.broadcast %broadcast_in_dim3A_215 : f32 to vector<16xf32>
      %swap3A_217 = arith.index_cast %scan3A_180 : i32 to index
      %swap3A_218 = arith.constant 80 : index
      %swap3A_219 = tpu.vector_load %arg8[%swap3A_217, %swap3A_218] {strides = array<i32>} : memref<128x128xf32, #tpu.memory_space<vmem>>, vector<1x16xf32>,
      %swap3A_220 = vector.shape_cast %swap3A_219 : vector<1x16xf32> to vector<16xf32>
      %swap3A_221 = vector.shape_cast %broadcast_in_dim3A_216 : vector<16xf32> to vector<1x16xf32>
      tpu.vector_store %arg8[%swap3A_217, %swap3A_218], %swap3A_221 {strides = array<i32>} : memref<128x128xf32, #tpu.memory_space<vmem>>, vector<1x16xf32>,
      %broadcast_in_dim3A_222 = arith.constant 0.000000e+00 : f32
      %broadcast_in_dim3A_223 = vector.broadcast %broadcast_in_dim3A_222 : f32 to vector<16xf32>
      %swap3A_224 = arith.index_cast %scan3A_180 : i32 to index
      %swap3A_225 = arith.constant 96 : index
      %swap3A_226 = tpu.vector_load %arg8[%swap3A_224, %swap3A_225] {strides = array<i32>} : memref<128x128xf32, #tpu.memory_space<vmem>>, vector<1x16xf32>,
      %swap3A_227 = vector.shape_cast %swap3A_226 : vector<1x16xf32> to vector<16xf32>
      %swap3A_228 = vector.shape_cast %broadcast_in_dim3A_223 : vector<16xf32> to vector<1x16xf32>
      tpu.vector_store %arg8[%swap3A_224, %swap3A_225], %swap3A_228 {strides = array<i32>} : memref<128x128xf32, #tpu.memory_space<vmem>>, vector<1x16xf32>,
      %broadcast_in_dim3A_229 = arith.constant 0.000000e+00 : f32
      %broadcast_in_dim3A_230 = vector.broadcast %broadcast_in_dim3A_229 : f32 to vector<16xf32>
      %swap3A_231 = arith.index_cast %scan3A_180 : i32 to index
      %swap3A_232 = arith.constant 112 : index
      %swap3A_233 = tpu.vector_load %arg8[%swap3A_231, %swap3A_232] {strides = array<i32>} : memref<128x128xf32, #tpu.memory_space<vmem>>, vector<1x16xf32>,
      %swap3A_234 = vector.shape_cast %swap3A_233 : vector<1x16xf32> to vector<16xf32>
      %swap3A_235 = vector.shape_cast %broadcast_in_dim3A_230 : vector<16xf32> to vector<1x16xf32>
      tpu.vector_store %arg8[%swap3A_231, %swap3A_232], %swap3A_235 {strides = array<i32>} : memref<128x128xf32, #tpu.memory_space<vmem>>, vector<1x16xf32>,
      %scan3A_236 = arith.constant 0 : i32
      scf.yield %scan3A_236 : i32
    }
    %scan3A_6 = arith.constant 128 : i32
    %mul3A_7 = arith.constant 640 : i32
    %mul3A_8 = arith.muli %arg1, %mul3A_7 : i32
    %add3A_9 = arith.constant 0 : i32
    %add3A_10 = arith.addi %mul3A_8, %add3A_9 : i32
    "tpu.region"() ({
      %run_scoped3A = tpu.sem_alloc : memref<!tpu.dma_semaphore, #tpu.memory_space<semaphore_mem>>
      %dma_start3A_180 = arith.constant 0 : i32
      %dma_start3A_181 = tpu.memref_slice %arg12[%add3A_10, %dma_start3A_180] : memref<10240x128xf32, #tpu.memory_space<vmem_shared>> -> memref<128x128xf32, #tpu.memory_space<vmem_shared>>
      %dma_start3A_182 = arith.constant 0 : i32
      %dma_start3A_183 = tpu.memref_slice %arg12[%add3A_10, %dma_start3A_182] : memref<10240x128xf32, #tpu.memory_space<vmem_shared>> -> memref<128x128xf32, #tpu.memory_space<vmem_shared>>
      tpu.enqueue_dma source(%arg8 : memref<128x128xf32, #tpu.memory_space<vmem>>) target(%dma_start3A_183 : memref<128x128xf32, #tpu.memory_space<vmem_shared>>) target_semaphore(%run_scoped3A : memref<!tpu.dma_semaphore, #tpu.memory_space<semaphore_mem>>)
      %dma_wait3A_184 = arith.constant 0 : i32
      %dma_wait3A_185 = tpu.memref_slice %arg12[%add3A_10, %dma_wait3A_184] : memref<10240x128xf32, #tpu.memory_space<vmem_shared>> -> memref<128x128xf32, #tpu.memory_space<vmem_shared>>
      %dma_wait3A_186 = arith.constant 0 : i32
      %dma_wait3A_187 = tpu.memref_slice %arg12[%add3A_10, %dma_wait3A_186] : memref<10240x128xf32, #tpu.memory_space<vmem_shared>> -> memref<128x128xf32, #tpu.memory_space<vmem_shared>>
      tpu.wait_dma2 semaphore(%run_scoped3A : memref<!tpu.dma_semaphore, #tpu.memory_space<semaphore_mem>>) src(%arg8 : memref<128x128xf32, #tpu.memory_space<vmem>>) dst(%dma_wait3A_187 : memref<128x128xf32, #tpu.memory_space<vmem_shared>>)
      tpu.yield
    }) : () -> ()
    %mul3A_11 = arith.constant 640 : i32
    %mul3A_12 = arith.muli %arg1, %mul3A_11 : i32
    %add3A_13 = arith.constant 128 : i32
    %add3A_14 = arith.addi %mul3A_12, %add3A_13 : i32
    "tpu.region"() ({
      %run_scoped3A = tpu.sem_alloc : memref<!tpu.dma_semaphore, #tpu.memory_space<semaphore_mem>>
      %dma_start3A_180 = arith.constant 0 : i32
      %dma_start3A_181 = tpu.memref_slice %arg12[%add3A_14, %dma_start3A_180] : memref<10240x128xf32, #tpu.memory_space<vmem_shared>> -> memref<128x128xf32, #tpu.memory_space<vmem_shared>>
      %dma_start3A_182 = arith.constant 0 : i32
      %dma_start3A_183 = tpu.memref_slice %arg12[%add3A_14, %dma_start3A_182] : memref<10240x128xf32, #tpu.memory_space<vmem_shared>> -> memref<128x128xf32, #tpu.memory_space<vmem_shared>>
      tpu.enqueue_dma source(%arg8 : memref<128x128xf32, #tpu.memory_space<vmem>>) target(%dma_start3A_183 : memref<128x128xf32, #tpu.memory_space<vmem_shared>>) target_semaphore(%run_scoped3A : memref<!tpu.dma_semaphore, #tpu.memory_space<semaphore_mem>>)
      %dma_wait3A_184 = arith.constant 0 : i32
      %dma_wait3A_185 = tpu.memref_slice %arg12[%add3A_14, %dma_wait3A_184] : memref<10240x128xf32, #tpu.memory_space<vmem_shared>> -> memref<128x128xf32, #tpu.memory_space<vmem_shared>>
      %dma_wait3A_186 = arith.constant 0 : i32
      %dma_wait3A_187 = tpu.memref_slice %arg12[%add3A_14, %dma_wait3A_186] : memref<10240x128xf32, #tpu.memory_space<vmem_shared>> -> memref<128x128xf32, #tpu.memory_space<vmem_shared>>
      tpu.wait_dma2 semaphore(%run_scoped3A : memref<!tpu.dma_semaphore, #tpu.memory_space<semaphore_mem>>) src(%arg8 : memref<128x128xf32, #tpu.memory_space<vmem>>) dst(%dma_wait3A_187 : memref<128x128xf32, #tpu.memory_space<vmem_shared>>)
      tpu.yield
    }) : () -> ()
    %mul3A_15 = arith.constant 640 : i32
    %mul3A_16 = arith.muli %arg1, %mul3A_15 : i32
    %add3A_17 = arith.constant 256 : i32
    %add3A_18 = arith.addi %mul3A_16, %add3A_17 : i32
    "tpu.region"() ({
      %run_scoped3A = tpu.sem_alloc : memref<!tpu.dma_semaphore, #tpu.memory_space<semaphore_mem>>
      %dma_start3A_180 = arith.constant 0 : i32
      %dma_start3A_181 = tpu.memref_slice %arg12[%add3A_18, %dma_start3A_180] : memref<10240x128xf32, #tpu.memory_space<vmem_shared>> -> memref<128x128xf32, #tpu.memory_space<vmem_shared>>
      %dma_start3A_182 = arith.constant 0 : i32
      %dma_start3A_183 = tpu.memref_slice %arg12[%add3A_18, %dma_start3A_182] : memref<10240x128xf32, #tpu.memory_space<vmem_shared>> -> memref<128x128xf32, #tpu.memory_space<vmem_shared>>
      tpu.enqueue_dma source(%arg8 : memref<128x128xf32, #tpu.memory_space<vmem>>) target(%dma_start3A_183 : memref<128x128xf32, #tpu.memory_space<vmem_shared>>) target_semaphore(%run_scoped3A : memref<!tpu.dma_semaphore, #tpu.memory_space<semaphore_mem>>)
      %dma_wait3A_184 = arith.constant 0 : i32
      %dma_wait3A_185 = tpu.memref_slice %arg12[%add3A_18, %dma_wait3A_184] : memref<10240x128xf32, #tpu.memory_space<vmem_shared>> -> memref<128x128xf32, #tpu.memory_space<vmem_shared>>
      %dma_wait3A_186 = arith.constant 0 : i32
      %dma_wait3A_187 = tpu.memref_slice %arg12[%add3A_18, %dma_wait3A_186] : memref<10240x128xf32, #tpu.memory_space<vmem_shared>> -> memref<128x128xf32, #tpu.memory_space<vmem_shared>>
      tpu.wait_dma2 semaphore(%run_scoped3A : memref<!tpu.dma_semaphore, #tpu.memory_space<semaphore_mem>>) src(%arg8 : memref<128x128xf32, #tpu.memory_space<vmem>>) dst(%dma_wait3A_187 : memref<128x128xf32, #tpu.memory_space<vmem_shared>>)
      tpu.yield
    }) : () -> ()
    %mul3A_19 = arith.constant 640 : i32
    %mul3A_20 = arith.muli %arg1, %mul3A_19 : i32
    %add3A_21 = arith.constant 384 : i32
    %add3A_22 = arith.addi %mul3A_20, %add3A_21 : i32
    "tpu.region"() ({
      %run_scoped3A = tpu.sem_alloc : memref<!tpu.dma_semaphore, #tpu.memory_space<semaphore_mem>>
      %dma_start3A_180 = arith.constant 0 : i32
      %dma_start3A_181 = tpu.memref_slice %arg12[%add3A_22, %dma_start3A_180] : memref<10240x128xf32, #tpu.memory_space<vmem_shared>> -> memref<128x128xf32, #tpu.memory_space<vmem_shared>>
      %dma_start3A_182 = arith.constant 0 : i32
      %dma_start3A_183 = tpu.memref_slice %arg12[%add3A_22, %dma_start3A_182] : memref<10240x128xf32, #tpu.memory_space<vmem_shared>> -> memref<128x128xf32, #tpu.memory_space<vmem_shared>>
      tpu.enqueue_dma source(%arg8 : memref<128x128xf32, #tpu.memory_space<vmem>>) target(%dma_start3A_183 : memref<128x128xf32, #tpu.memory_space<vmem_shared>>) target_semaphore(%run_scoped3A : memref<!tpu.dma_semaphore, #tpu.memory_space<semaphore_mem>>)
      %dma_wait3A_184 = arith.constant 0 : i32
      %dma_wait3A_185 = tpu.memref_slice %arg12[%add3A_22, %dma_wait3A_184] : memref<10240x128xf32, #tpu.memory_space<vmem_shared>> -> memref<128x128xf32, #tpu.memory_space<vmem_shared>>
      %dma_wait3A_186 = arith.constant 0 : i32
      %dma_wait3A_187 = tpu.memref_slice %arg12[%add3A_22, %dma_wait3A_186] : memref<10240x128xf32, #tpu.memory_space<vmem_shared>> -> memref<128x128xf32, #tpu.memory_space<vmem_shared>>
      tpu.wait_dma2 semaphore(%run_scoped3A : memref<!tpu.dma_semaphore, #tpu.memory_space<semaphore_mem>>) src(%arg8 : memref<128x128xf32, #tpu.memory_space<vmem>>) dst(%dma_wait3A_187 : memref<128x128xf32, #tpu.memory_space<vmem_shared>>)
      tpu.yield
    }) : () -> ()
    %mul3A_23 = arith.constant 640 : i32
    %mul3A_24 = arith.muli %arg1, %mul3A_23 : i32
    %add3A_25 = arith.constant 512 : i32
    %add3A_26 = arith.addi %mul3A_24, %add3A_25 : i32
    "tpu.region"() ({
      %run_scoped3A = tpu.sem_alloc : memref<!tpu.dma_semaphore, #tpu.memory_space<semaphore_mem>>
      %dma_start3A_180 = arith.constant 0 : i32
      %dma_start3A_181 = tpu.memref_slice %arg12[%add3A_26, %dma_start3A_180] : memref<10240x128xf32, #tpu.memory_space<vmem_shared>> -> memref<128x128xf32, #tpu.memory_space<vmem_shared>>
      %dma_start3A_182 = arith.constant 0 : i32
      %dma_start3A_183 = tpu.memref_slice %arg12[%add3A_26, %dma_start3A_182] : memref<10240x128xf32, #tpu.memory_space<vmem_shared>> -> memref<128x128xf32, #tpu.memory_space<vmem_shared>>
      tpu.enqueue_dma source(%arg8 : memref<128x128xf32, #tpu.memory_space<vmem>>) target(%dma_start3A_183 : memref<128x128xf32, #tpu.memory_space<vmem_shared>>) target_semaphore(%run_scoped3A : memref<!tpu.dma_semaphore, #tpu.memory_space<semaphore_mem>>)
      %dma_wait3A_184 = arith.constant 0 : i32
      %dma_wait3A_185 = tpu.memref_slice %arg12[%add3A_26, %dma_wait3A_184] : memref<10240x128xf32, #tpu.memory_space<vmem_shared>> -> memref<128x128xf32, #tpu.memory_space<vmem_shared>>
      %dma_wait3A_186 = arith.constant 0 : i32
      %dma_wait3A_187 = tpu.memref_slice %arg12[%add3A_26, %dma_wait3A_186] : memref<10240x128xf32, #tpu.memory_space<vmem_shared>> -> memref<128x128xf32, #tpu.memory_space<vmem_shared>>
      tpu.wait_dma2 semaphore(%run_scoped3A : memref<!tpu.dma_semaphore, #tpu.memory_space<semaphore_mem>>) src(%arg8 : memref<128x128xf32, #tpu.memory_space<vmem>>) dst(%dma_wait3A_187 : memref<128x128xf32, #tpu.memory_space<vmem_shared>>)
      tpu.yield
    }) : () -> ()
    %barrier3A = arith.constant 0 : index
    tpu.barrier barrier_id(%barrier3A)
    %mul3A_27 = arith.constant 80 : i32
    %mul3A_28 = arith.muli %add3A, %mul3A_27 : i32
    %add3A_29 = arith.constant 0 : i32
    %add3A_30 = arith.addi %mul3A_28, %add3A_29 : i32
    "tpu.region"() ({
      %run_scoped3A = tpu.sem_alloc : memref<!tpu.dma_semaphore, #tpu.memory_space<semaphore_mem>>
      %dma_start3A_180 = arith.constant 0 : i32
      %dma_start3A_181 = tpu.memref_slice %arg3[%add3A_30, %dma_start3A_180] : memref<2560x128xi32, #tpu.memory_space<hbm>> -> memref<40x128xi32, #tpu.memory_space<hbm>>
      %dma_start3A_182 = arith.constant 0 : i32
      %dma_start3A_183 = tpu.memref_slice %arg3[%add3A_30, %dma_start3A_182] : memref<2560x128xi32, #tpu.memory_space<hbm>> -> memref<40x128xi32, #tpu.memory_space<hbm>>
      tpu.enqueue_dma source(%dma_start3A_183 : memref<40x128xi32, #tpu.memory_space<hbm>>) target(%arg6 : memref<40x128xi32, #tpu.memory_space<vmem>>) target_semaphore(%run_scoped3A : memref<!tpu.dma_semaphore, #tpu.memory_space<semaphore_mem>>)
      %dma_wait3A_184 = arith.constant 0 : i32
      %dma_wait3A_185 = tpu.memref_slice %arg3[%add3A_30, %dma_wait3A_184] : memref<2560x128xi32, #tpu.memory_space<hbm>> -> memref<40x128xi32, #tpu.memory_space<hbm>>
      %dma_wait3A_186 = arith.constant 0 : i32
      %dma_wait3A_187 = tpu.memref_slice %arg3[%add3A_30, %dma_wait3A_186] : memref<2560x128xi32, #tpu.memory_space<hbm>> -> memref<40x128xi32, #tpu.memory_space<hbm>>
      tpu.wait_dma2 semaphore(%run_scoped3A : memref<!tpu.dma_semaphore, #tpu.memory_space<semaphore_mem>>) src(%dma_wait3A_187 : memref<40x128xi32, #tpu.memory_space<hbm>>) dst(%arg6 : memref<40x128xi32, #tpu.memory_space<vmem>>)
      tpu.yield
    }) : () -> ()
    "tpu.region"() ({
      %run_scoped3A = tpu.sem_alloc : memref<!tpu.dma_semaphore, #tpu.memory_space<semaphore_mem>>
      %dma_start3A_180 = arith.constant 0 : i32
      %dma_start3A_181 = tpu.memref_slice %arg4[%add3A_30, %dma_start3A_180] : memref<2560x128xi32, #tpu.memory_space<hbm>> -> memref<40x128xi32, #tpu.memory_space<hbm>>
      %dma_start3A_182 = arith.constant 0 : i32
      %dma_start3A_183 = tpu.memref_slice %arg4[%add3A_30, %dma_start3A_182] : memref<2560x128xi32, #tpu.memory_space<hbm>> -> memref<40x128xi32, #tpu.memory_space<hbm>>
      tpu.enqueue_dma source(%dma_start3A_183 : memref<40x128xi32, #tpu.memory_space<hbm>>) target(%arg7 : memref<40x128xi32, #tpu.memory_space<vmem>>) target_semaphore(%run_scoped3A : memref<!tpu.dma_semaphore, #tpu.memory_space<semaphore_mem>>)
      %dma_wait3A_184 = arith.constant 0 : i32
      %dma_wait3A_185 = tpu.memref_slice %arg4[%add3A_30, %dma_wait3A_184] : memref<2560x128xi32, #tpu.memory_space<hbm>> -> memref<40x128xi32, #tpu.memory_space<hbm>>
      %dma_wait3A_186 = arith.constant 0 : i32
      %dma_wait3A_187 = tpu.memref_slice %arg4[%add3A_30, %dma_wait3A_186] : memref<2560x128xi32, #tpu.memory_space<hbm>> -> memref<40x128xi32, #tpu.memory_space<hbm>>
      tpu.wait_dma2 semaphore(%run_scoped3A : memref<!tpu.dma_semaphore, #tpu.memory_space<semaphore_mem>>) src(%dma_wait3A_187 : memref<40x128xi32, #tpu.memory_space<hbm>>) dst(%arg7 : memref<40x128xi32, #tpu.memory_space<vmem>>)
      tpu.yield
    }) : () -> ()
    %dma_start3A = arith.constant 0 : i32
    %dma_start3A_31 = arith.constant 0 : i32
    %dma_start3A_32 = tpu.memref_slice %arg6[%dma_start3A, %dma_start3A_31] : memref<40x128xi32, #tpu.memory_space<vmem>> -> memref<1x128xi32, #tpu.memory_space<vmem>>
    %dma_start3A_33 = tpu.memref_squeeze %dma_start3A_32 : memref<1x128xi32, #tpu.memory_space<vmem>> -> memref<128xi32, #tpu.memory_space<vmem>>
    %dma_start3A_34 = arith.constant 0 : i32
    %dma_start3A_35 = arith.constant 0 : i32
    %dma_start3A_36 = tpu.memref_slice %arg2[%dma_start3A_34, %dma_start3A_35] : memref<10240x128xf32, #tpu.memory_space<hbm>> -> memref<10240x128xf32, #tpu.memory_space<hbm>>
    tpu.enqueue_indirect_dma source(%dma_start3A_36 : memref<10240x128xf32, #tpu.memory_space<hbm>>) target(%arg8 : memref<128x128xf32, #tpu.memory_space<vmem>>) offsets(%dma_start3A_33 : memref<128xi32, #tpu.memory_space<vmem>>) semaphore(%arg10 : memref<!tpu.dma_semaphore, #tpu.memory_space<semaphore_mem>>)
    %dma_start3A_37 = arith.constant 1 : i32
    %dma_start3A_38 = arith.constant 0 : i32
    %dma_start3A_39 = tpu.memref_slice %arg6[%dma_start3A_37, %dma_start3A_38] : memref<40x128xi32, #tpu.memory_space<vmem>> -> memref<1x128xi32, #tpu.memory_space<vmem>>
    %dma_start3A_40 = tpu.memref_squeeze %dma_start3A_39 : memref<1x128xi32, #tpu.memory_space<vmem>> -> memref<128xi32, #tpu.memory_space<vmem>>
    %dma_start3A_41 = arith.constant 0 : i32
    %dma_start3A_42 = arith.constant 0 : i32
    %dma_start3A_43 = tpu.memref_slice %arg2[%dma_start3A_41, %dma_start3A_42] : memref<10240x128xf32, #tpu.memory_space<hbm>> -> memref<10240x128xf32, #tpu.memory_space<hbm>>
    tpu.enqueue_indirect_dma source(%dma_start3A_43 : memref<10240x128xf32, #tpu.memory_space<hbm>>) target(%arg9 : memref<128x128xf32, #tpu.memory_space<vmem>>) offsets(%dma_start3A_40 : memref<128xi32, #tpu.memory_space<vmem>>) semaphore(%arg10 : memref<!tpu.dma_semaphore, #tpu.memory_space<semaphore_mem>>)
    %dma_wait3A = arith.constant 0 : i32
    %dma_wait3A_44 = arith.constant 0 : i32
    %dma_wait3A_45 = tpu.memref_slice %arg6[%dma_wait3A, %dma_wait3A_44] : memref<40x128xi32, #tpu.memory_space<vmem>> -> memref<1x128xi32, #tpu.memory_space<vmem>>
    %dma_wait3A_46 = tpu.memref_squeeze %dma_wait3A_45 : memref<1x128xi32, #tpu.memory_space<vmem>> -> memref<128xi32, #tpu.memory_space<vmem>>
    %dma_wait3A_47 = arith.constant 0 : i32
    %dma_wait3A_48 = arith.constant 0 : i32
    %dma_wait3A_49 = tpu.memref_slice %arg2[%dma_wait3A_47, %dma_wait3A_48] : memref<10240x128xf32, #tpu.memory_space<hbm>> -> memref<10240x128xf32, #tpu.memory_space<hbm>>
    tpu.wait_indirect_dma semaphore(%arg10 : memref<!tpu.dma_semaphore, #tpu.memory_space<semaphore_mem>>) src(%dma_wait3A_49 : memref<10240x128xf32, #tpu.memory_space<hbm>>) dst(%arg8 : memref<128x128xf32, #tpu.memory_space<vmem>>)
    %dma_start3A_50 = arith.constant 0 : i32
    %dma_start3A_51 = arith.constant 0 : i32
    %dma_start3A_52 = tpu.memref_slice %arg7[%dma_start3A_50, %dma_start3A_51] : memref<40x128xi32, #tpu.memory_space<vmem>> -> memref<1x128xi32, #tpu.memory_space<vmem>>
    %dma_start3A_53 = tpu.memref_squeeze %dma_start3A_52 : memref<1x128xi32, #tpu.memory_space<vmem>> -> memref<128xi32, #tpu.memory_space<vmem>>
    %dma_start3A_54 = arith.constant 0 : i32
    %dma_start3A_55 = arith.constant 0 : i32
    %dma_start3A_56 = tpu.memref_slice %arg12[%dma_start3A_54, %dma_start3A_55] : memref<10240x128xf32, #tpu.memory_space<vmem_shared>> -> memref<10240x128xf32, #tpu.memory_space<vmem_shared>>
    tpu.enqueue_indirect_dma source(%arg8 : memref<128x128xf32, #tpu.memory_space<vmem>>) target(%dma_start3A_56 : memref<10240x128xf32, #tpu.memory_space<vmem_shared>>) offsets(%dma_start3A_53 : memref<128xi32, #tpu.memory_space<vmem>>) semaphore(%arg11 : memref<!tpu.dma_semaphore, #tpu.memory_space<semaphore_mem>>) {add = true}
    %scan3A_57 = arith.constant 0 : i32
    %scan3A_58 = arith.constant 0 : i32
    %scan3A_59 = arith.constant 19 : i32
    %scan3A_60 = arith.addi %scan3A_58, %scan3A_59 : i32
    %scan3A_61 = arith.constant 1 : i32
    %scan3A_62 = scf.for %scan3A_180 = %scan3A_58 to %scan3A_60 step %scan3A_61 iter_args(%scan3A_181 = %scan3A_57) -> (i32)  : i32 {
      %mul3A_182 = arith.constant 2 : i32
      %mul3A_183 = arith.muli %mul3A_182, %scan3A_180 : i32
      %add3A_184 = arith.constant 1 : i32
      %add3A_185 = arith.addi %mul3A_183, %add3A_184 : i32
      %add3A_186 = arith.constant 0 : i32
      %add3A_187 = arith.addi %add3A_185, %add3A_186 : i32
      %sub3A = arith.constant 1 : i32
      %sub3A_188 = arith.subi %add3A_187, %sub3A : i32
      %dma_wait3A_189 = arith.constant 0 : i32
      %dma_wait3A_190 = tpu.memref_slice %arg7[%sub3A_188, %dma_wait3A_189] : memref<40x128xi32, #tpu.memory_space<vmem>> -> memref<1x128xi32, #tpu.memory_space<vmem>>
      %dma_wait3A_191 = tpu.memref_squeeze %dma_wait3A_190 : memref<1x128xi32, #tpu.memory_space<vmem>> -> memref<128xi32, #tpu.memory_space<vmem>>
      %dma_wait3A_192 = arith.constant 0 : i32
      %dma_wait3A_193 = arith.constant 0 : i32
      %dma_wait3A_194 = tpu.memref_slice %arg12[%dma_wait3A_192, %dma_wait3A_193] : memref<10240x128xf32, #tpu.memory_space<vmem_shared>> -> memref<10240x128xf32, #tpu.memory_space<vmem_shared>>
      tpu.wait_indirect_dma semaphore(%arg11 : memref<!tpu.dma_semaphore, #tpu.memory_space<semaphore_mem>>) src(%arg8 : memref<128x128xf32, #tpu.memory_space<vmem>>) dst(%dma_wait3A_194 : memref<10240x128xf32, #tpu.memory_space<vmem_shared>>)
      %add3A_195 = arith.constant 1 : i32
      %add3A_196 = arith.addi %add3A_187, %add3A_195 : i32
      %dma_start3A_197 = arith.constant 0 : i32
      %dma_start3A_198 = tpu.memref_slice %arg6[%add3A_196, %dma_start3A_197] : memref<40x128xi32, #tpu.memory_space<vmem>> -> memref<1x128xi32, #tpu.memory_space<vmem>>
      %dma_start3A_199 = tpu.memref_squeeze %dma_start3A_198 : memref<1x128xi32, #tpu.memory_space<vmem>> -> memref<128xi32, #tpu.memory_space<vmem>>
      %dma_start3A_200 = arith.constant 0 : i32
      %dma_start3A_201 = arith.constant 0 : i32
      %dma_start3A_202 = tpu.memref_slice %arg2[%dma_start3A_200, %dma_start3A_201] : memref<10240x128xf32, #tpu.memory_space<hbm>> -> memref<10240x128xf32, #tpu.memory_space<hbm>>
      tpu.enqueue_indirect_dma source(%dma_start3A_202 : memref<10240x128xf32, #tpu.memory_space<hbm>>) target(%arg8 : memref<128x128xf32, #tpu.memory_space<vmem>>) offsets(%dma_start3A_199 : memref<128xi32, #tpu.memory_space<vmem>>) semaphore(%arg10 : memref<!tpu.dma_semaphore, #tpu.memory_space<semaphore_mem>>)
      %dma_wait3A_203 = arith.constant 0 : i32
      %dma_wait3A_204 = tpu.memref_slice %arg6[%add3A_187, %dma_wait3A_203] : memref<40x128xi32, #tpu.memory_space<vmem>> -> memref<1x128xi32, #tpu.memory_space<vmem>>
      %dma_wait3A_205 = tpu.memref_squeeze %dma_wait3A_204 : memref<1x128xi32, #tpu.memory_space<vmem>> -> memref<128xi32, #tpu.memory_space<vmem>>
      %dma_wait3A_206 = arith.constant 0 : i32
      %dma_wait3A_207 = arith.constant 0 : i32
      %dma_wait3A_208 = tpu.memref_slice %arg2[%dma_wait3A_206, %dma_wait3A_207] : memref<10240x128xf32, #tpu.memory_space<hbm>> -> memref<10240x128xf32, #tpu.memory_space<hbm>>
      tpu.wait_indirect_dma semaphore(%arg10 : memref<!tpu.dma_semaphore, #tpu.memory_space<semaphore_mem>>) src(%dma_wait3A_208 : memref<10240x128xf32, #tpu.memory_space<hbm>>) dst(%arg9 : memref<128x128xf32, #tpu.memory_space<vmem>>)
      %dma_start3A_209 = arith.constant 0 : i32
      %dma_start3A_210 = tpu.memref_slice %arg7[%add3A_187, %dma_start3A_209] : memref<40x128xi32, #tpu.memory_space<vmem>> -> memref<1x128xi32, #tpu.memory_space<vmem>>
      %dma_start3A_211 = tpu.memref_squeeze %dma_start3A_210 : memref<1x128xi32, #tpu.memory_space<vmem>> -> memref<128xi32, #tpu.memory_space<vmem>>
      %dma_start3A_212 = arith.constant 0 : i32
      %dma_start3A_213 = arith.constant 0 : i32
      %dma_start3A_214 = tpu.memref_slice %arg12[%dma_start3A_212, %dma_start3A_213] : memref<10240x128xf32, #tpu.memory_space<vmem_shared>> -> memref<10240x128xf32, #tpu.memory_space<vmem_shared>>
      tpu.enqueue_indirect_dma source(%arg9 : memref<128x128xf32, #tpu.memory_space<vmem>>) target(%dma_start3A_214 : memref<10240x128xf32, #tpu.memory_space<vmem_shared>>) offsets(%dma_start3A_211 : memref<128xi32, #tpu.memory_space<vmem>>) semaphore(%arg11 : memref<!tpu.dma_semaphore, #tpu.memory_space<semaphore_mem>>) {add = true}
      %mul3A_215 = arith.constant 2 : i32
      %mul3A_216 = arith.muli %mul3A_215, %scan3A_180 : i32
      %add3A_217 = arith.constant 1 : i32
      %add3A_218 = arith.addi %mul3A_216, %add3A_217 : i32
      %add3A_219 = arith.constant 1 : i32
      %add3A_220 = arith.addi %add3A_218, %add3A_219 : i32
      %sub3A_221 = arith.constant 1 : i32
      %sub3A_222 = arith.subi %add3A_220, %sub3A_221 : i32
      %dma_wait3A_223 = arith.constant 0 : i32
      %dma_wait3A_224 = tpu.memref_slice %arg7[%sub3A_222, %dma_wait3A_223] : memref<40x128xi32, #tpu.memory_space<vmem>> -> memref<1x128xi32, #tpu.memory_space<vmem>>
      %dma_wait3A_225 = tpu.memref_squeeze %dma_wait3A_224 : memref<1x128xi32, #tpu.memory_space<vmem>> -> memref<128xi32, #tpu.memory_space<vmem>>
      %dma_wait3A_226 = arith.constant 0 : i32
      %dma_wait3A_227 = arith.constant 0 : i32
      %dma_wait3A_228 = tpu.memref_slice %arg12[%dma_wait3A_226, %dma_wait3A_227] : memref<10240x128xf32, #tpu.memory_space<vmem_shared>> -> memref<10240x128xf32, #tpu.memory_space<vmem_shared>>
      tpu.wait_indirect_dma semaphore(%arg11 : memref<!tpu.dma_semaphore, #tpu.memory_space<semaphore_mem>>) src(%arg9 : memref<128x128xf32, #tpu.memory_space<vmem>>) dst(%dma_wait3A_228 : memref<10240x128xf32, #tpu.memory_space<vmem_shared>>)
      %add3A_229 = arith.constant 1 : i32
      %add3A_230 = arith.addi %add3A_220, %add3A_229 : i32
      %dma_start3A_231 = arith.constant 0 : i32
      %dma_start3A_232 = tpu.memref_slice %arg6[%add3A_230, %dma_start3A_231] : memref<40x128xi32, #tpu.memory_space<vmem>> -> memref<1x128xi32, #tpu.memory_space<vmem>>
      %dma_start3A_233 = tpu.memref_squeeze %dma_start3A_232 : memref<1x128xi32, #tpu.memory_space<vmem>> -> memref<128xi32, #tpu.memory_space<vmem>>
      %dma_start3A_234 = arith.constant 0 : i32
      %dma_start3A_235 = arith.constant 0 : i32
      %dma_start3A_236 = tpu.memref_slice %arg2[%dma_start3A_234, %dma_start3A_235] : memref<10240x128xf32, #tpu.memory_space<hbm>> -> memref<10240x128xf32, #tpu.memory_space<hbm>>
      tpu.enqueue_indirect_dma source(%dma_start3A_236 : memref<10240x128xf32, #tpu.memory_space<hbm>>) target(%arg9 : memref<128x128xf32, #tpu.memory_space<vmem>>) offsets(%dma_start3A_233 : memref<128xi32, #tpu.memory_space<vmem>>) semaphore(%arg10 : memref<!tpu.dma_semaphore, #tpu.memory_space<semaphore_mem>>)
      %dma_wait3A_237 = arith.constant 0 : i32
      %dma_wait3A_238 = tpu.memref_slice %arg6[%add3A_220, %dma_wait3A_237] : memref<40x128xi32, #tpu.memory_space<vmem>> -> memref<1x128xi32, #tpu.memory_space<vmem>>
      %dma_wait3A_239 = tpu.memref_squeeze %dma_wait3A_238 : memref<1x128xi32, #tpu.memory_space<vmem>> -> memref<128xi32, #tpu.memory_space<vmem>>
      %dma_wait3A_240 = arith.constant 0 : i32
      %dma_wait3A_241 = arith.constant 0 : i32
      %dma_wait3A_242 = tpu.memref_slice %arg2[%dma_wait3A_240, %dma_wait3A_241] : memref<10240x128xf32, #tpu.memory_space<hbm>> -> memref<10240x128xf32, #tpu.memory_space<hbm>>
      tpu.wait_indirect_dma semaphore(%arg10 : memref<!tpu.dma_semaphore, #tpu.memory_space<semaphore_mem>>) src(%dma_wait3A_242 : memref<10240x128xf32, #tpu.memory_space<hbm>>) dst(%arg8 : memref<128x128xf32, #tpu.memory_space<vmem>>)
      %dma_start3A_243 = arith.constant 0 : i32
      %dma_start3A_244 = tpu.memref_slice %arg7[%add3A_220, %dma_start3A_243] : memref<40x128xi32, #tpu.memory_space<vmem>> -> memref<1x128xi32, #tpu.memory_space<vmem>>
      %dma_start3A_245 = tpu.memref_squeeze %dma_start3A_244 : memref<1x128xi32, #tpu.memory_space<vmem>> -> memref<128xi32, #tpu.memory_space<vmem>>
      %dma_start3A_246 = arith.constant 0 : i32
      %dma_start3A_247 = arith.constant 0 : i32
      %dma_start3A_248 = tpu.memref_slice %arg12[%dma_start3A_246, %dma_start3A_247] : memref<10240x128xf32, #tpu.memory_space<vmem_shared>> -> memref<10240x128xf32, #tpu.memory_space<vmem_shared>>
      tpu.enqueue_indirect_dma source(%arg8 : memref<128x128xf32, #tpu.memory_space<vmem>>) target(%dma_start3A_248 : memref<10240x128xf32, #tpu.memory_space<vmem_shared>>) offsets(%dma_start3A_245 : memref<128xi32, #tpu.memory_space<vmem>>) semaphore(%arg11 : memref<!tpu.dma_semaphore, #tpu.memory_space<semaphore_mem>>) {add = true}
      %scan3A_249 = arith.constant 0 : i32
      scf.yield %scan3A_249 : i32
    }
    %scan3A_63 = arith.constant 19 : i32
    %dma_wait3A_64 = arith.constant 38 : i32
    %dma_wait3A_65 = arith.constant 0 : i32
    %dma_wait3A_66 = tpu.memref_slice %arg7[%dma_wait3A_64, %dma_wait3A_65] : memref<40x128xi32, #tpu.memory_space<vmem>> -> memref<1x128xi32, #tpu.memory_space<vmem>>
    %dma_wait3A_67 = tpu.memref_squeeze %dma_wait3A_66 : memref<1x128xi32, #tpu.memory_space<vmem>> -> memref<128xi32, #tpu.memory_space<vmem>>
    %dma_wait3A_68 = arith.constant 0 : i32
    %dma_wait3A_69 = arith.constant 0 : i32
    %dma_wait3A_70 = tpu.memref_slice %arg12[%dma_wait3A_68, %dma_wait3A_69] : memref<10240x128xf32, #tpu.memory_space<vmem_shared>> -> memref<10240x128xf32, #tpu.memory_space<vmem_shared>>
    tpu.wait_indirect_dma semaphore(%arg11 : memref<!tpu.dma_semaphore, #tpu.memory_space<semaphore_mem>>) src(%arg8 : memref<128x128xf32, #tpu.memory_space<vmem>>) dst(%dma_wait3A_70 : memref<10240x128xf32, #tpu.memory_space<vmem_shared>>)
    %dma_wait3A_71 = arith.constant 39 : i32
    %dma_wait3A_72 = arith.constant 0 : i32
    %dma_wait3A_73 = tpu.memref_slice %arg6[%dma_wait3A_71, %dma_wait3A_72] : memref<40x128xi32, #tpu.memory_space<vmem>> -> memref<1x128xi32, #tpu.memory_space<vmem>>
    %dma_wait3A_74 = tpu.memref_squeeze %dma_wait3A_73 : memref<1x128xi32, #tpu.memory_space<vmem>> -> memref<128xi32, #tpu.memory_space<vmem>>
    %dma_wait3A_75 = arith.constant 0 : i32
    %dma_wait3A_76 = arith.constant 0 : i32
    %dma_wait3A_77 = tpu.memref_slice %arg2[%dma_wait3A_75, %dma_wait3A_76] : memref<10240x128xf32, #tpu.memory_space<hbm>> -> memref<10240x128xf32, #tpu.memory_space<hbm>>
    tpu.wait_indirect_dma semaphore(%arg10 : memref<!tpu.dma_semaphore, #tpu.memory_space<semaphore_mem>>) src(%dma_wait3A_77 : memref<10240x128xf32, #tpu.memory_space<hbm>>) dst(%arg9 : memref<128x128xf32, #tpu.memory_space<vmem>>)
    %dma_start3A_78 = arith.constant 39 : i32
    %dma_start3A_79 = arith.constant 0 : i32
    %dma_start3A_80 = tpu.memref_slice %arg7[%dma_start3A_78, %dma_start3A_79] : memref<40x128xi32, #tpu.memory_space<vmem>> -> memref<1x128xi32, #tpu.memory_space<vmem>>
    %dma_start3A_81 = tpu.memref_squeeze %dma_start3A_80 : memref<1x128xi32, #tpu.memory_space<vmem>> -> memref<128xi32, #tpu.memory_space<vmem>>
    %dma_start3A_82 = arith.constant 0 : i32
    %dma_start3A_83 = arith.constant 0 : i32
    %dma_start3A_84 = tpu.memref_slice %arg12[%dma_start3A_82, %dma_start3A_83] : memref<10240x128xf32, #tpu.memory_space<vmem_shared>> -> memref<10240x128xf32, #tpu.memory_space<vmem_shared>>
    tpu.enqueue_indirect_dma source(%arg9 : memref<128x128xf32, #tpu.memory_space<vmem>>) target(%dma_start3A_84 : memref<10240x128xf32, #tpu.memory_space<vmem_shared>>) offsets(%dma_start3A_81 : memref<128xi32, #tpu.memory_space<vmem>>) semaphore(%arg11 : memref<!tpu.dma_semaphore, #tpu.memory_space<semaphore_mem>>) {add = true}
    %dma_wait3A_85 = arith.constant 39 : i32
    %dma_wait3A_86 = arith.constant 0 : i32
    %dma_wait3A_87 = tpu.memref_slice %arg7[%dma_wait3A_85, %dma_wait3A_86] : memref<40x128xi32, #tpu.memory_space<vmem>> -> memref<1x128xi32, #tpu.memory_space<vmem>>
    %dma_wait3A_88 = tpu.memref_squeeze %dma_wait3A_87 : memref<1x128xi32, #tpu.memory_space<vmem>> -> memref<128xi32, #tpu.memory_space<vmem>>
    %dma_wait3A_89 = arith.constant 0 : i32
    %dma_wait3A_90 = arith.constant 0 : i32
    %dma_wait3A_91 = tpu.memref_slice %arg12[%dma_wait3A_89, %dma_wait3A_90] : memref<10240x128xf32, #tpu.memory_space<vmem_shared>> -> memref<10240x128xf32, #tpu.memory_space<vmem_shared>>
    tpu.wait_indirect_dma semaphore(%arg11 : memref<!tpu.dma_semaphore, #tpu.memory_space<semaphore_mem>>) src(%arg9 : memref<128x128xf32, #tpu.memory_space<vmem>>) dst(%dma_wait3A_91 : memref<10240x128xf32, #tpu.memory_space<vmem_shared>>)
    %mul3A_92 = arith.constant 80 : i32
    %mul3A_93 = arith.muli %add3A, %mul3A_92 : i32
    %add3A_94 = arith.constant 40 : i32
    %add3A_95 = arith.addi %mul3A_93, %add3A_94 : i32
    "tpu.region"() ({
      %run_scoped3A = tpu.sem_alloc : memref<!tpu.dma_semaphore, #tpu.memory_space<semaphore_mem>>
      %dma_start3A_180 = arith.constant 0 : i32
      %dma_start3A_181 = tpu.memref_slice %arg3[%add3A_95, %dma_start3A_180] : memref<2560x128xi32, #tpu.memory_space<hbm>> -> memref<40x128xi32, #tpu.memory_space<hbm>>
      %dma_start3A_182 = arith.constant 0 : i32
      %dma_start3A_183 = tpu.memref_slice %arg3[%add3A_95, %dma_start3A_182] : memref<2560x128xi32, #tpu.memory_space<hbm>> -> memref<40x128xi32, #tpu.memory_space<hbm>>
      tpu.enqueue_dma source(%dma_start3A_183 : memref<40x128xi32, #tpu.memory_space<hbm>>) target(%arg6 : memref<40x128xi32, #tpu.memory_space<vmem>>) target_semaphore(%run_scoped3A : memref<!tpu.dma_semaphore, #tpu.memory_space<semaphore_mem>>)
      %dma_wait3A_184 = arith.constant 0 : i32
      %dma_wait3A_185 = tpu.memref_slice %arg3[%add3A_95, %dma_wait3A_184] : memref<2560x128xi32, #tpu.memory_space<hbm>> -> memref<40x128xi32, #tpu.memory_space<hbm>>
      %dma_wait3A_186 = arith.constant 0 : i32
      %dma_wait3A_187 = tpu.memref_slice %arg3[%add3A_95, %dma_wait3A_186] : memref<2560x128xi32, #tpu.memory_space<hbm>> -> memref<40x128xi32, #tpu.memory_space<hbm>>
      tpu.wait_dma2 semaphore(%run_scoped3A : memref<!tpu.dma_semaphore, #tpu.memory_space<semaphore_mem>>) src(%dma_wait3A_187 : memref<40x128xi32, #tpu.memory_space<hbm>>) dst(%arg6 : memref<40x128xi32, #tpu.memory_space<vmem>>)
      tpu.yield
    }) : () -> ()
    "tpu.region"() ({
      %run_scoped3A = tpu.sem_alloc : memref<!tpu.dma_semaphore, #tpu.memory_space<semaphore_mem>>
      %dma_start3A_180 = arith.constant 0 : i32
      %dma_start3A_181 = tpu.memref_slice %arg4[%add3A_95, %dma_start3A_180] : memref<2560x128xi32, #tpu.memory_space<hbm>> -> memref<40x128xi32, #tpu.memory_space<hbm>>
      %dma_start3A_182 = arith.constant 0 : i32
      %dma_start3A_183 = tpu.memref_slice %arg4[%add3A_95, %dma_start3A_182] : memref<2560x128xi32, #tpu.memory_space<hbm>> -> memref<40x128xi32, #tpu.memory_space<hbm>>
      tpu.enqueue_dma source(%dma_start3A_183 : memref<40x128xi32, #tpu.memory_space<hbm>>) target(%arg7 : memref<40x128xi32, #tpu.memory_space<vmem>>) target_semaphore(%run_scoped3A : memref<!tpu.dma_semaphore, #tpu.memory_space<semaphore_mem>>)
      %dma_wait3A_184 = arith.constant 0 : i32
      %dma_wait3A_185 = tpu.memref_slice %arg4[%add3A_95, %dma_wait3A_184] : memref<2560x128xi32, #tpu.memory_space<hbm>> -> memref<40x128xi32, #tpu.memory_space<hbm>>
      %dma_wait3A_186 = arith.constant 0 : i32
      %dma_wait3A_187 = tpu.memref_slice %arg4[%add3A_95, %dma_wait3A_186] : memref<2560x128xi32, #tpu.memory_space<hbm>> -> memref<40x128xi32, #tpu.memory_space<hbm>>
      tpu.wait_dma2 semaphore(%run_scoped3A : memref<!tpu.dma_semaphore, #tpu.memory_space<semaphore_mem>>) src(%dma_wait3A_187 : memref<40x128xi32, #tpu.memory_space<hbm>>) dst(%arg7 : memref<40x128xi32, #tpu.memory_space<vmem>>)
      tpu.yield
    }) : () -> ()
    %dma_start3A_96 = arith.constant 0 : i32
    %dma_start3A_97 = arith.constant 0 : i32
    %dma_start3A_98 = tpu.memref_slice %arg6[%dma_start3A_96, %dma_start3A_97] : memref<40x128xi32, #tpu.memory_space<vmem>> -> memref<1x128xi32, #tpu.memory_space<vmem>>
    %dma_start3A_99 = tpu.memref_squeeze %dma_start3A_98 : memref<1x128xi32, #tpu.memory_space<vmem>> -> memref<128xi32, #tpu.memory_space<vmem>>
    %dma_start3A_100 = arith.constant 0 : i32
    %dma_start3A_101 = arith.constant 0 : i32
    %dma_start3A_102 = tpu.memref_slice %arg2[%dma_start3A_100, %dma_start3A_101] : memref<10240x128xf32, #tpu.memory_space<hbm>> -> memref<10240x128xf32, #tpu.memory_space<hbm>>
    tpu.enqueue_indirect_dma source(%dma_start3A_102 : memref<10240x128xf32, #tpu.memory_space<hbm>>) target(%arg8 : memref<128x128xf32, #tpu.memory_space<vmem>>) offsets(%dma_start3A_99 : memref<128xi32, #tpu.memory_space<vmem>>) semaphore(%arg10 : memref<!tpu.dma_semaphore, #tpu.memory_space<semaphore_mem>>)
    %dma_start3A_103 = arith.constant 1 : i32
    %dma_start3A_104 = arith.constant 0 : i32
    %dma_start3A_105 = tpu.memref_slice %arg6[%dma_start3A_103, %dma_start3A_104] : memref<40x128xi32, #tpu.memory_space<vmem>> -> memref<1x128xi32, #tpu.memory_space<vmem>>
    %dma_start3A_106 = tpu.memref_squeeze %dma_start3A_105 : memref<1x128xi32, #tpu.memory_space<vmem>> -> memref<128xi32, #tpu.memory_space<vmem>>
    %dma_start3A_107 = arith.constant 0 : i32
    %dma_start3A_108 = arith.constant 0 : i32
    %dma_start3A_109 = tpu.memref_slice %arg2[%dma_start3A_107, %dma_start3A_108] : memref<10240x128xf32, #tpu.memory_space<hbm>> -> memref<10240x128xf32, #tpu.memory_space<hbm>>
    tpu.enqueue_indirect_dma source(%dma_start3A_109 : memref<10240x128xf32, #tpu.memory_space<hbm>>) target(%arg9 : memref<128x128xf32, #tpu.memory_space<vmem>>) offsets(%dma_start3A_106 : memref<128xi32, #tpu.memory_space<vmem>>) semaphore(%arg10 : memref<!tpu.dma_semaphore, #tpu.memory_space<semaphore_mem>>)
    %dma_wait3A_110 = arith.constant 0 : i32
    %dma_wait3A_111 = arith.constant 0 : i32
    %dma_wait3A_112 = tpu.memref_slice %arg6[%dma_wait3A_110, %dma_wait3A_111] : memref<40x128xi32, #tpu.memory_space<vmem>> -> memref<1x128xi32, #tpu.memory_space<vmem>>
    %dma_wait3A_113 = tpu.memref_squeeze %dma_wait3A_112 : memref<1x128xi32, #tpu.memory_space<vmem>> -> memref<128xi32, #tpu.memory_space<vmem>>
    %dma_wait3A_114 = arith.constant 0 : i32
    %dma_wait3A_115 = arith.constant 0 : i32
    %dma_wait3A_116 = tpu.memref_slice %arg2[%dma_wait3A_114, %dma_wait3A_115] : memref<10240x128xf32, #tpu.memory_space<hbm>> -> memref<10240x128xf32, #tpu.memory_space<hbm>>
    tpu.wait_indirect_dma semaphore(%arg10 : memref<!tpu.dma_semaphore, #tpu.memory_space<semaphore_mem>>) src(%dma_wait3A_116 : memref<10240x128xf32, #tpu.memory_space<hbm>>) dst(%arg8 : memref<128x128xf32, #tpu.memory_space<vmem>>)
    %dma_start3A_117 = arith.constant 0 : i32
    %dma_start3A_118 = arith.constant 0 : i32
    %dma_start3A_119 = tpu.memref_slice %arg7[%dma_start3A_117, %dma_start3A_118] : memref<40x128xi32, #tpu.memory_space<vmem>> -> memref<1x128xi32, #tpu.memory_space<vmem>>
    %dma_start3A_120 = tpu.memref_squeeze %dma_start3A_119 : memref<1x128xi32, #tpu.memory_space<vmem>> -> memref<128xi32, #tpu.memory_space<vmem>>
    %dma_start3A_121 = arith.constant 0 : i32
    %dma_start3A_122 = arith.constant 0 : i32
    %dma_start3A_123 = tpu.memref_slice %arg12[%dma_start3A_121, %dma_start3A_122] : memref<10240x128xf32, #tpu.memory_space<vmem_shared>> -> memref<10240x128xf32, #tpu.memory_space<vmem_shared>>
    tpu.enqueue_indirect_dma source(%arg8 : memref<128x128xf32, #tpu.memory_space<vmem>>) target(%dma_start3A_123 : memref<10240x128xf32, #tpu.memory_space<vmem_shared>>) offsets(%dma_start3A_120 : memref<128xi32, #tpu.memory_space<vmem>>) semaphore(%arg11 : memref<!tpu.dma_semaphore, #tpu.memory_space<semaphore_mem>>) {add = true}
    %scan3A_124 = arith.constant 0 : i32
    %scan3A_125 = arith.constant 0 : i32
    %scan3A_126 = arith.constant 19 : i32
    %scan3A_127 = arith.addi %scan3A_125, %scan3A_126 : i32
    %scan3A_128 = arith.constant 1 : i32
    %scan3A_129 = scf.for %scan3A_180 = %scan3A_125 to %scan3A_127 step %scan3A_128 iter_args(%scan3A_181 = %scan3A_124) -> (i32)  : i32 {
      %mul3A_182 = arith.constant 2 : i32
      %mul3A_183 = arith.muli %mul3A_182, %scan3A_180 : i32
      %add3A_184 = arith.constant 1 : i32
      %add3A_185 = arith.addi %mul3A_183, %add3A_184 : i32
      %add3A_186 = arith.constant 0 : i32
      %add3A_187 = arith.addi %add3A_185, %add3A_186 : i32
      %sub3A = arith.constant 1 : i32
      %sub3A_188 = arith.subi %add3A_187, %sub3A : i32
      %dma_wait3A_189 = arith.constant 0 : i32
      %dma_wait3A_190 = tpu.memref_slice %arg7[%sub3A_188, %dma_wait3A_189] : memref<40x128xi32, #tpu.memory_space<vmem>> -> memref<1x128xi32, #tpu.memory_space<vmem>>
      %dma_wait3A_191 = tpu.memref_squeeze %dma_wait3A_190 : memref<1x128xi32, #tpu.memory_space<vmem>> -> memref<128xi32, #tpu.memory_space<vmem>>
      %dma_wait3A_192 = arith.constant 0 : i32
      %dma_wait3A_193 = arith.constant 0 : i32
      %dma_wait3A_194 = tpu.memref_slice %arg12[%dma_wait3A_192, %dma_wait3A_193] : memref<10240x128xf32, #tpu.memory_space<vmem_shared>> -> memref<10240x128xf32, #tpu.memory_space<vmem_shared>>
      tpu.wait_indirect_dma semaphore(%arg11 : memref<!tpu.dma_semaphore, #tpu.memory_space<semaphore_mem>>) src(%arg8 : memref<128x128xf32, #tpu.memory_space<vmem>>) dst(%dma_wait3A_194 : memref<10240x128xf32, #tpu.memory_space<vmem_shared>>)
      %add3A_195 = arith.constant 1 : i32
      %add3A_196 = arith.addi %add3A_187, %add3A_195 : i32
      %dma_start3A_197 = arith.constant 0 : i32
      %dma_start3A_198 = tpu.memref_slice %arg6[%add3A_196, %dma_start3A_197] : memref<40x128xi32, #tpu.memory_space<vmem>> -> memref<1x128xi32, #tpu.memory_space<vmem>>
      %dma_start3A_199 = tpu.memref_squeeze %dma_start3A_198 : memref<1x128xi32, #tpu.memory_space<vmem>> -> memref<128xi32, #tpu.memory_space<vmem>>
      %dma_start3A_200 = arith.constant 0 : i32
      %dma_start3A_201 = arith.constant 0 : i32
      %dma_start3A_202 = tpu.memref_slice %arg2[%dma_start3A_200, %dma_start3A_201] : memref<10240x128xf32, #tpu.memory_space<hbm>> -> memref<10240x128xf32, #tpu.memory_space<hbm>>
      tpu.enqueue_indirect_dma source(%dma_start3A_202 : memref<10240x128xf32, #tpu.memory_space<hbm>>) target(%arg8 : memref<128x128xf32, #tpu.memory_space<vmem>>) offsets(%dma_start3A_199 : memref<128xi32, #tpu.memory_space<vmem>>) semaphore(%arg10 : memref<!tpu.dma_semaphore, #tpu.memory_space<semaphore_mem>>)
      %dma_wait3A_203 = arith.constant 0 : i32
      %dma_wait3A_204 = tpu.memref_slice %arg6[%add3A_187, %dma_wait3A_203] : memref<40x128xi32, #tpu.memory_space<vmem>> -> memref<1x128xi32, #tpu.memory_space<vmem>>
      %dma_wait3A_205 = tpu.memref_squeeze %dma_wait3A_204 : memref<1x128xi32, #tpu.memory_space<vmem>> -> memref<128xi32, #tpu.memory_space<vmem>>
      %dma_wait3A_206 = arith.constant 0 : i32
      %dma_wait3A_207 = arith.constant 0 : i32
      %dma_wait3A_208 = tpu.memref_slice %arg2[%dma_wait3A_206, %dma_wait3A_207] : memref<10240x128xf32, #tpu.memory_space<hbm>> -> memref<10240x128xf32, #tpu.memory_space<hbm>>
      tpu.wait_indirect_dma semaphore(%arg10 : memref<!tpu.dma_semaphore, #tpu.memory_space<semaphore_mem>>) src(%dma_wait3A_208 : memref<10240x128xf32, #tpu.memory_space<hbm>>) dst(%arg9 : memref<128x128xf32, #tpu.memory_space<vmem>>)
      %dma_start3A_209 = arith.constant 0 : i32
      %dma_start3A_210 = tpu.memref_slice %arg7[%add3A_187, %dma_start3A_209] : memref<40x128xi32, #tpu.memory_space<vmem>> -> memref<1x128xi32, #tpu.memory_space<vmem>>
      %dma_start3A_211 = tpu.memref_squeeze %dma_start3A_210 : memref<1x128xi32, #tpu.memory_space<vmem>> -> memref<128xi32, #tpu.memory_space<vmem>>
      %dma_start3A_212 = arith.constant 0 : i32
      %dma_start3A_213 = arith.constant 0 : i32
      %dma_start3A_214 = tpu.memref_slice %arg12[%dma_start3A_212, %dma_start3A_213] : memref<10240x128xf32, #tpu.memory_space<vmem_shared>> -> memref<10240x128xf32, #tpu.memory_space<vmem_shared>>
      tpu.enqueue_indirect_dma source(%arg9 : memref<128x128xf32, #tpu.memory_space<vmem>>) target(%dma_start3A_214 : memref<10240x128xf32, #tpu.memory_space<vmem_shared>>) offsets(%dma_start3A_211 : memref<128xi32, #tpu.memory_space<vmem>>) semaphore(%arg11 : memref<!tpu.dma_semaphore, #tpu.memory_space<semaphore_mem>>) {add = true}
      %mul3A_215 = arith.constant 2 : i32
      %mul3A_216 = arith.muli %mul3A_215, %scan3A_180 : i32
      %add3A_217 = arith.constant 1 : i32
      %add3A_218 = arith.addi %mul3A_216, %add3A_217 : i32
      %add3A_219 = arith.constant 1 : i32
      %add3A_220 = arith.addi %add3A_218, %add3A_219 : i32
      %sub3A_221 = arith.constant 1 : i32
      %sub3A_222 = arith.subi %add3A_220, %sub3A_221 : i32
      %dma_wait3A_223 = arith.constant 0 : i32
      %dma_wait3A_224 = tpu.memref_slice %arg7[%sub3A_222, %dma_wait3A_223] : memref<40x128xi32, #tpu.memory_space<vmem>> -> memref<1x128xi32, #tpu.memory_space<vmem>>
      %dma_wait3A_225 = tpu.memref_squeeze %dma_wait3A_224 : memref<1x128xi32, #tpu.memory_space<vmem>> -> memref<128xi32, #tpu.memory_space<vmem>>
      %dma_wait3A_226 = arith.constant 0 : i32
      %dma_wait3A_227 = arith.constant 0 : i32
      %dma_wait3A_228 = tpu.memref_slice %arg12[%dma_wait3A_226, %dma_wait3A_227] : memref<10240x128xf32, #tpu.memory_space<vmem_shared>> -> memref<10240x128xf32, #tpu.memory_space<vmem_shared>>
      tpu.wait_indirect_dma semaphore(%arg11 : memref<!tpu.dma_semaphore, #tpu.memory_space<semaphore_mem>>) src(%arg9 : memref<128x128xf32, #tpu.memory_space<vmem>>) dst(%dma_wait3A_228 : memref<10240x128xf32, #tpu.memory_space<vmem_shared>>)
      %add3A_229 = arith.constant 1 : i32
      %add3A_230 = arith.addi %add3A_220, %add3A_229 : i32
      %dma_start3A_231 = arith.constant 0 : i32
      %dma_start3A_232 = tpu.memref_slice %arg6[%add3A_230, %dma_start3A_231] : memref<40x128xi32, #tpu.memory_space<vmem>> -> memref<1x128xi32, #tpu.memory_space<vmem>>
      %dma_start3A_233 = tpu.memref_squeeze %dma_start3A_232 : memref<1x128xi32, #tpu.memory_space<vmem>> -> memref<128xi32, #tpu.memory_space<vmem>>
      %dma_start3A_234 = arith.constant 0 : i32
      %dma_start3A_235 = arith.constant 0 : i32
      %dma_start3A_236 = tpu.memref_slice %arg2[%dma_start3A_234, %dma_start3A_235] : memref<10240x128xf32, #tpu.memory_space<hbm>> -> memref<10240x128xf32, #tpu.memory_space<hbm>>
      tpu.enqueue_indirect_dma source(%dma_start3A_236 : memref<10240x128xf32, #tpu.memory_space<hbm>>) target(%arg9 : memref<128x128xf32, #tpu.memory_space<vmem>>) offsets(%dma_start3A_233 : memref<128xi32, #tpu.memory_space<vmem>>) semaphore(%arg10 : memref<!tpu.dma_semaphore, #tpu.memory_space<semaphore_mem>>)
      %dma_wait3A_237 = arith.constant 0 : i32
      %dma_wait3A_238 = tpu.memref_slice %arg6[%add3A_220, %dma_wait3A_237] : memref<40x128xi32, #tpu.memory_space<vmem>> -> memref<1x128xi32, #tpu.memory_space<vmem>>
      %dma_wait3A_239 = tpu.memref_squeeze %dma_wait3A_238 : memref<1x128xi32, #tpu.memory_space<vmem>> -> memref<128xi32, #tpu.memory_space<vmem>>
      %dma_wait3A_240 = arith.constant 0 : i32
      %dma_wait3A_241 = arith.constant 0 : i32
      %dma_wait3A_242 = tpu.memref_slice %arg2[%dma_wait3A_240, %dma_wait3A_241] : memref<10240x128xf32, #tpu.memory_space<hbm>> -> memref<10240x128xf32, #tpu.memory_space<hbm>>
      tpu.wait_indirect_dma semaphore(%arg10 : memref<!tpu.dma_semaphore, #tpu.memory_space<semaphore_mem>>) src(%dma_wait3A_242 : memref<10240x128xf32, #tpu.memory_space<hbm>>) dst(%arg8 : memref<128x128xf32, #tpu.memory_space<vmem>>)
      %dma_start3A_243 = arith.constant 0 : i32
      %dma_start3A_244 = tpu.memref_slice %arg7[%add3A_220, %dma_start3A_243] : memref<40x128xi32, #tpu.memory_space<vmem>> -> memref<1x128xi32, #tpu.memory_space<vmem>>
      %dma_start3A_245 = tpu.memref_squeeze %dma_start3A_244 : memref<1x128xi32, #tpu.memory_space<vmem>> -> memref<128xi32, #tpu.memory_space<vmem>>
      %dma_start3A_246 = arith.constant 0 : i32
      %dma_start3A_247 = arith.constant 0 : i32
      %dma_start3A_248 = tpu.memref_slice %arg12[%dma_start3A_246, %dma_start3A_247] : memref<10240x128xf32, #tpu.memory_space<vmem_shared>> -> memref<10240x128xf32, #tpu.memory_space<vmem_shared>>
      tpu.enqueue_indirect_dma source(%arg8 : memref<128x128xf32, #tpu.memory_space<vmem>>) target(%dma_start3A_248 : memref<10240x128xf32, #tpu.memory_space<vmem_shared>>) offsets(%dma_start3A_245 : memref<128xi32, #tpu.memory_space<vmem>>) semaphore(%arg11 : memref<!tpu.dma_semaphore, #tpu.memory_space<semaphore_mem>>) {add = true}
      %scan3A_249 = arith.constant 0 : i32
      scf.yield %scan3A_249 : i32
    }
    %scan3A_130 = arith.constant 19 : i32
    %dma_wait3A_131 = arith.constant 38 : i32
    %dma_wait3A_132 = arith.constant 0 : i32
    %dma_wait3A_133 = tpu.memref_slice %arg7[%dma_wait3A_131, %dma_wait3A_132] : memref<40x128xi32, #tpu.memory_space<vmem>> -> memref<1x128xi32, #tpu.memory_space<vmem>>
    %dma_wait3A_134 = tpu.memref_squeeze %dma_wait3A_133 : memref<1x128xi32, #tpu.memory_space<vmem>> -> memref<128xi32, #tpu.memory_space<vmem>>
    %dma_wait3A_135 = arith.constant 0 : i32
    %dma_wait3A_136 = arith.constant 0 : i32
    %dma_wait3A_137 = tpu.memref_slice %arg12[%dma_wait3A_135, %dma_wait3A_136] : memref<10240x128xf32, #tpu.memory_space<vmem_shared>> -> memref<10240x128xf32, #tpu.memory_space<vmem_shared>>
    tpu.wait_indirect_dma semaphore(%arg11 : memref<!tpu.dma_semaphore, #tpu.memory_space<semaphore_mem>>) src(%arg8 : memref<128x128xf32, #tpu.memory_space<vmem>>) dst(%dma_wait3A_137 : memref<10240x128xf32, #tpu.memory_space<vmem_shared>>)
    %dma_wait3A_138 = arith.constant 39 : i32
    %dma_wait3A_139 = arith.constant 0 : i32
    %dma_wait3A_140 = tpu.memref_slice %arg6[%dma_wait3A_138, %dma_wait3A_139] : memref<40x128xi32, #tpu.memory_space<vmem>> -> memref<1x128xi32, #tpu.memory_space<vmem>>
    %dma_wait3A_141 = tpu.memref_squeeze %dma_wait3A_140 : memref<1x128xi32, #tpu.memory_space<vmem>> -> memref<128xi32, #tpu.memory_space<vmem>>
    %dma_wait3A_142 = arith.constant 0 : i32
    %dma_wait3A_143 = arith.constant 0 : i32
    %dma_wait3A_144 = tpu.memref_slice %arg2[%dma_wait3A_142, %dma_wait3A_143] : memref<10240x128xf32, #tpu.memory_space<hbm>> -> memref<10240x128xf32, #tpu.memory_space<hbm>>
    tpu.wait_indirect_dma semaphore(%arg10 : memref<!tpu.dma_semaphore, #tpu.memory_space<semaphore_mem>>) src(%dma_wait3A_144 : memref<10240x128xf32, #tpu.memory_space<hbm>>) dst(%arg9 : memref<128x128xf32, #tpu.memory_space<vmem>>)
    %dma_start3A_145 = arith.constant 39 : i32
    %dma_start3A_146 = arith.constant 0 : i32
    %dma_start3A_147 = tpu.memref_slice %arg7[%dma_start3A_145, %dma_start3A_146] : memref<40x128xi32, #tpu.memory_space<vmem>> -> memref<1x128xi32, #tpu.memory_space<vmem>>
    %dma_start3A_148 = tpu.memref_squeeze %dma_start3A_147 : memref<1x128xi32, #tpu.memory_space<vmem>> -> memref<128xi32, #tpu.memory_space<vmem>>
    %dma_start3A_149 = arith.constant 0 : i32
    %dma_start3A_150 = arith.constant 0 : i32
    %dma_start3A_151 = tpu.memref_slice %arg12[%dma_start3A_149, %dma_start3A_150] : memref<10240x128xf32, #tpu.memory_space<vmem_shared>> -> memref<10240x128xf32, #tpu.memory_space<vmem_shared>>
    tpu.enqueue_indirect_dma source(%arg9 : memref<128x128xf32, #tpu.memory_space<vmem>>) target(%dma_start3A_151 : memref<10240x128xf32, #tpu.memory_space<vmem_shared>>) offsets(%dma_start3A_148 : memref<128xi32, #tpu.memory_space<vmem>>) semaphore(%arg11 : memref<!tpu.dma_semaphore, #tpu.memory_space<semaphore_mem>>) {add = true}
    %dma_wait3A_152 = arith.constant 39 : i32
    %dma_wait3A_153 = arith.constant 0 : i32
    %dma_wait3A_154 = tpu.memref_slice %arg7[%dma_wait3A_152, %dma_wait3A_153] : memref<40x128xi32, #tpu.memory_space<vmem>> -> memref<1x128xi32, #tpu.memory_space<vmem>>
    %dma_wait3A_155 = tpu.memref_squeeze %dma_wait3A_154 : memref<1x128xi32, #tpu.memory_space<vmem>> -> memref<128xi32, #tpu.memory_space<vmem>>
    %dma_wait3A_156 = arith.constant 0 : i32
    %dma_wait3A_157 = arith.constant 0 : i32
    %dma_wait3A_158 = tpu.memref_slice %arg12[%dma_wait3A_156, %dma_wait3A_157] : memref<10240x128xf32, #tpu.memory_space<vmem_shared>> -> memref<10240x128xf32, #tpu.memory_space<vmem_shared>>
    tpu.wait_indirect_dma semaphore(%arg11 : memref<!tpu.dma_semaphore, #tpu.memory_space<semaphore_mem>>) src(%arg9 : memref<128x128xf32, #tpu.memory_space<vmem>>) dst(%dma_wait3A_158 : memref<10240x128xf32, #tpu.memory_space<vmem_shared>>)
    %barrier3A_159 = arith.constant 0 : index
    tpu.barrier barrier_id(%barrier3A_159)
    %mul3A_160 = arith.constant 640 : i32
    %mul3A_161 = arith.muli %arg1, %mul3A_160 : i32
    %add3A_162 = arith.constant 0 : i32
    %add3A_163 = arith.addi %mul3A_161, %add3A_162 : i32
    "tpu.region"() ({
      %run_scoped3A = tpu.sem_alloc : memref<!tpu.dma_semaphore, #tpu.memory_space<semaphore_mem>>
      %dma_start3A_180 = arith.constant 0 : i32
      %dma_start3A_181 = tpu.memref_slice %arg5[%arg0, %add3A_163, %dma_start3A_180] : memref<2x10240x128xf32, #tpu.memory_space<hbm>> -> memref<1x128x128xf32, #tpu.memory_space<hbm>>
      %dma_start3A_182 = tpu.memref_squeeze %dma_start3A_181 : memref<1x128x128xf32, #tpu.memory_space<hbm>> -> memref<128x128xf32, #tpu.memory_space<hbm>>
      %dma_start3A_183 = arith.constant 0 : i32
      %dma_start3A_184 = tpu.memref_slice %arg12[%add3A_163, %dma_start3A_183] : memref<10240x128xf32, #tpu.memory_space<vmem_shared>> -> memref<128x128xf32, #tpu.memory_space<vmem_shared>>
      tpu.enqueue_dma source(%dma_start3A_184 : memref<128x128xf32, #tpu.memory_space<vmem_shared>>) target(%dma_start3A_182 : memref<128x128xf32, #tpu.memory_space<hbm>>) target_semaphore(%run_scoped3A : memref<!tpu.dma_semaphore, #tpu.memory_space<semaphore_mem>>)
      %dma_wait3A_185 = arith.constant 0 : i32
      %dma_wait3A_186 = tpu.memref_slice %arg5[%arg0, %add3A_163, %dma_wait3A_185] : memref<2x10240x128xf32, #tpu.memory_space<hbm>> -> memref<1x128x128xf32, #tpu.memory_space<hbm>>
      %dma_wait3A_187 = tpu.memref_squeeze %dma_wait3A_186 : memref<1x128x128xf32, #tpu.memory_space<hbm>> -> memref<128x128xf32, #tpu.memory_space<hbm>>
      %dma_wait3A_188 = arith.constant 0 : i32
      %dma_wait3A_189 = tpu.memref_slice %arg12[%add3A_163, %dma_wait3A_188] : memref<10240x128xf32, #tpu.memory_space<vmem_shared>> -> memref<128x128xf32, #tpu.memory_space<vmem_shared>>
      tpu.wait_dma2 semaphore(%run_scoped3A : memref<!tpu.dma_semaphore, #tpu.memory_space<semaphore_mem>>) src(%dma_wait3A_189 : memref<128x128xf32, #tpu.memory_space<vmem_shared>>) dst(%dma_wait3A_187 : memref<128x128xf32, #tpu.memory_space<hbm>>)
      tpu.yield
    }) : () -> ()
    %mul3A_164 = arith.constant 640 : i32
    %mul3A_165 = arith.muli %arg1, %mul3A_164 : i32
    %add3A_166 = arith.constant 128 : i32
    %add3A_167 = arith.addi %mul3A_165, %add3A_166 : i32
    "tpu.region"() ({
      %run_scoped3A = tpu.sem_alloc : memref<!tpu.dma_semaphore, #tpu.memory_space<semaphore_mem>>
      %dma_start3A_180 = arith.constant 0 : i32
      %dma_start3A_181 = tpu.memref_slice %arg5[%arg0, %add3A_167, %dma_start3A_180] : memref<2x10240x128xf32, #tpu.memory_space<hbm>> -> memref<1x128x128xf32, #tpu.memory_space<hbm>>
      %dma_start3A_182 = tpu.memref_squeeze %dma_start3A_181 : memref<1x128x128xf32, #tpu.memory_space<hbm>> -> memref<128x128xf32, #tpu.memory_space<hbm>>
      %dma_start3A_183 = arith.constant 0 : i32
      %dma_start3A_184 = tpu.memref_slice %arg12[%add3A_167, %dma_start3A_183] : memref<10240x128xf32, #tpu.memory_space<vmem_shared>> -> memref<128x128xf32, #tpu.memory_space<vmem_shared>>
      tpu.enqueue_dma source(%dma_start3A_184 : memref<128x128xf32, #tpu.memory_space<vmem_shared>>) target(%dma_start3A_182 : memref<128x128xf32, #tpu.memory_space<hbm>>) target_semaphore(%run_scoped3A : memref<!tpu.dma_semaphore, #tpu.memory_space<semaphore_mem>>)
      %dma_wait3A_185 = arith.constant 0 : i32
      %dma_wait3A_186 = tpu.memref_slice %arg5[%arg0, %add3A_167, %dma_wait3A_185] : memref<2x10240x128xf32, #tpu.memory_space<hbm>> -> memref<1x128x128xf32, #tpu.memory_space<hbm>>
      %dma_wait3A_187 = tpu.memref_squeeze %dma_wait3A_186 : memref<1x128x128xf32, #tpu.memory_space<hbm>> -> memref<128x128xf32, #tpu.memory_space<hbm>>
      %dma_wait3A_188 = arith.constant 0 : i32
      %dma_wait3A_189 = tpu.memref_slice %arg12[%add3A_167, %dma_wait3A_188] : memref<10240x128xf32, #tpu.memory_space<vmem_shared>> -> memref<128x128xf32, #tpu.memory_space<vmem_shared>>
      tpu.wait_dma2 semaphore(%run_scoped3A : memref<!tpu.dma_semaphore, #tpu.memory_space<semaphore_mem>>) src(%dma_wait3A_189 : memref<128x128xf32, #tpu.memory_space<vmem_shared>>) dst(%dma_wait3A_187 : memref<128x128xf32, #tpu.memory_space<hbm>>)
      tpu.yield
    }) : () -> ()
    %mul3A_168 = arith.constant 640 : i32
    %mul3A_169 = arith.muli %arg1, %mul3A_168 : i32
    %add3A_170 = arith.constant 256 : i32
    %add3A_171 = arith.addi %mul3A_169, %add3A_170 : i32
    "tpu.region"() ({
      %run_scoped3A = tpu.sem_alloc : memref<!tpu.dma_semaphore, #tpu.memory_space<semaphore_mem>>
      %dma_start3A_180 = arith.constant 0 : i32
      %dma_start3A_181 = tpu.memref_slice %arg5[%arg0, %add3A_171, %dma_start3A_180] : memref<2x10240x128xf32, #tpu.memory_space<hbm>> -> memref<1x128x128xf32, #tpu.memory_space<hbm>>
      %dma_start3A_182 = tpu.memref_squeeze %dma_start3A_181 : memref<1x128x128xf32, #tpu.memory_space<hbm>> -> memref<128x128xf32, #tpu.memory_space<hbm>>
      %dma_start3A_183 = arith.constant 0 : i32
      %dma_start3A_184 = tpu.memref_slice %arg12[%add3A_171, %dma_start3A_183] : memref<10240x128xf32, #tpu.memory_space<vmem_shared>> -> memref<128x128xf32, #tpu.memory_space<vmem_shared>>
      tpu.enqueue_dma source(%dma_start3A_184 : memref<128x128xf32, #tpu.memory_space<vmem_shared>>) target(%dma_start3A_182 : memref<128x128xf32, #tpu.memory_space<hbm>>) target_semaphore(%run_scoped3A : memref<!tpu.dma_semaphore, #tpu.memory_space<semaphore_mem>>)
      %dma_wait3A_185 = arith.constant 0 : i32
      %dma_wait3A_186 = tpu.memref_slice %arg5[%arg0, %add3A_171, %dma_wait3A_185] : memref<2x10240x128xf32, #tpu.memory_space<hbm>> -> memref<1x128x128xf32, #tpu.memory_space<hbm>>
      %dma_wait3A_187 = tpu.memref_squeeze %dma_wait3A_186 : memref<1x128x128xf32, #tpu.memory_space<hbm>> -> memref<128x128xf32, #tpu.memory_space<hbm>>
      %dma_wait3A_188 = arith.constant 0 : i32
      %dma_wait3A_189 = tpu.memref_slice %arg12[%add3A_171, %dma_wait3A_188] : memref<10240x128xf32, #tpu.memory_space<vmem_shared>> -> memref<128x128xf32, #tpu.memory_space<vmem_shared>>
      tpu.wait_dma2 semaphore(%run_scoped3A : memref<!tpu.dma_semaphore, #tpu.memory_space<semaphore_mem>>) src(%dma_wait3A_189 : memref<128x128xf32, #tpu.memory_space<vmem_shared>>) dst(%dma_wait3A_187 : memref<128x128xf32, #tpu.memory_space<hbm>>)
      tpu.yield
    }) : () -> ()
    %mul3A_172 = arith.constant 640 : i32
    %mul3A_173 = arith.muli %arg1, %mul3A_172 : i32
    %add3A_174 = arith.constant 384 : i32
    %add3A_175 = arith.addi %mul3A_173, %add3A_174 : i32
    "tpu.region"() ({
      %run_scoped3A = tpu.sem_alloc : memref<!tpu.dma_semaphore, #tpu.memory_space<semaphore_mem>>
      %dma_start3A_180 = arith.constant 0 : i32
      %dma_start3A_181 = tpu.memref_slice %arg5[%arg0, %add3A_175, %dma_start3A_180] : memref<2x10240x128xf32, #tpu.memory_space<hbm>> -> memref<1x128x128xf32, #tpu.memory_space<hbm>>
      %dma_start3A_182 = tpu.memref_squeeze %dma_start3A_181 : memref<1x128x128xf32, #tpu.memory_space<hbm>> -> memref<128x128xf32, #tpu.memory_space<hbm>>
      %dma_start3A_183 = arith.constant 0 : i32
      %dma_start3A_184 = tpu.memref_slice %arg12[%add3A_175, %dma_start3A_183] : memref<10240x128xf32, #tpu.memory_space<vmem_shared>> -> memref<128x128xf32, #tpu.memory_space<vmem_shared>>
      tpu.enqueue_dma source(%dma_start3A_184 : memref<128x128xf32, #tpu.memory_space<vmem_shared>>) target(%dma_start3A_182 : memref<128x128xf32, #tpu.memory_space<hbm>>) target_semaphore(%run_scoped3A : memref<!tpu.dma_semaphore, #tpu.memory_space<semaphore_mem>>)
      %dma_wait3A_185 = arith.constant 0 : i32
      %dma_wait3A_186 = tpu.memref_slice %arg5[%arg0, %add3A_175, %dma_wait3A_185] : memref<2x10240x128xf32, #tpu.memory_space<hbm>> -> memref<1x128x128xf32, #tpu.memory_space<hbm>>
      %dma_wait3A_187 = tpu.memref_squeeze %dma_wait3A_186 : memref<1x128x128xf32, #tpu.memory_space<hbm>> -> memref<128x128xf32, #tpu.memory_space<hbm>>
      %dma_wait3A_188 = arith.constant 0 : i32
      %dma_wait3A_189 = tpu.memref_slice %arg12[%add3A_175, %dma_wait3A_188] : memref<10240x128xf32, #tpu.memory_space<vmem_shared>> -> memref<128x128xf32, #tpu.memory_space<vmem_shared>>
      tpu.wait_dma2 semaphore(%run_scoped3A : memref<!tpu.dma_semaphore, #tpu.memory_space<semaphore_mem>>) src(%dma_wait3A_189 : memref<128x128xf32, #tpu.memory_space<vmem_shared>>) dst(%dma_wait3A_187 : memref<128x128xf32, #tpu.memory_space<hbm>>)
      tpu.yield
    }) : () -> ()
    %mul3A_176 = arith.constant 640 : i32
    %mul3A_177 = arith.muli %arg1, %mul3A_176 : i32
    %add3A_178 = arith.constant 512 : i32
    %add3A_179 = arith.addi %mul3A_177, %add3A_178 : i32
    "tpu.region"() ({
      %run_scoped3A = tpu.sem_alloc : memref<!tpu.dma_semaphore, #tpu.memory_space<semaphore_mem>>
      %dma_start3A_180 = arith.constant 0 : i32
      %dma_start3A_181 = tpu.memref_slice %arg5[%arg0, %add3A_179, %dma_start3A_180] : memref<2x10240x128xf32, #tpu.memory_space<hbm>> -> memref<1x128x128xf32, #tpu.memory_space<hbm>>
      %dma_start3A_182 = tpu.memref_squeeze %dma_start3A_181 : memref<1x128x128xf32, #tpu.memory_space<hbm>> -> memref<128x128xf32, #tpu.memory_space<hbm>>
      %dma_start3A_183 = arith.constant 0 : i32
      %dma_start3A_184 = tpu.memref_slice %arg12[%add3A_179, %dma_start3A_183] : memref<10240x128xf32, #tpu.memory_space<vmem_shared>> -> memref<128x128xf32, #tpu.memory_space<vmem_shared>>
      tpu.enqueue_dma source(%dma_start3A_184 : memref<128x128xf32, #tpu.memory_space<vmem_shared>>) target(%dma_start3A_182 : memref<128x128xf32, #tpu.memory_space<hbm>>) target_semaphore(%run_scoped3A : memref<!tpu.dma_semaphore, #tpu.memory_space<semaphore_mem>>)
      %dma_wait3A_185 = arith.constant 0 : i32
      %dma_wait3A_186 = tpu.memref_slice %arg5[%arg0, %add3A_179, %dma_wait3A_185] : memref<2x10240x128xf32, #tpu.memory_space<hbm>> -> memref<1x128x128xf32, #tpu.memory_space<hbm>>
      %dma_wait3A_187 = tpu.memref_squeeze %dma_wait3A_186 : memref<1x128x128xf32, #tpu.memory_space<hbm>> -> memref<128x128xf32, #tpu.memory_space<hbm>>
      %dma_wait3A_188 = arith.constant 0 : i32
      %dma_wait3A_189 = tpu.memref_slice %arg12[%add3A_179, %dma_wait3A_188] : memref<10240x128xf32, #tpu.memory_space<vmem_shared>> -> memref<128x128xf32, #tpu.memory_space<vmem_shared>>
      tpu.wait_dma2 semaphore(%run_scoped3A : memref<!tpu.dma_semaphore, #tpu.memory_space<semaphore_mem>>) src(%dma_wait3A_189 : memref<128x128xf32, #tpu.memory_space<vmem_shared>>) dst(%dma_wait3A_187 : memref<128x128xf32, #tpu.memory_space<hbm>>)
      tpu.yield
    }) : () -> ()
    return
  }
}

#map = affine_map<(d0, d1) -> (0, 0)>
#map1 = affine_map<(d0, d1) -> (0)>
module attributes {stable_mosaic.version = 14 : i64} {
  func.func @gather_kernel(%arg0: i32, %arg1: i32, %arg2: memref<10000x128xf32, #tpu.memory_space<hbm>>, %arg3: memref<10000x128xf32, #tpu.memory_space<hbm>>, %arg4: memref<53248xi32, #tpu.memory_space<hbm>>, %arg5: memref<53248xi32, #tpu.memory_space<hbm>>, %arg6: memref<53248x128xf32, #tpu.memory_space<hbm>>, %arg7: memref<53248x128xf32, #tpu.memory_space<hbm>>, %arg8: memref<1664xi32, #tpu.memory_space<vmem>>, %arg9: memref<1664xi32, #tpu.memory_space<vmem>>, %arg10: memref<128x128xf32, #tpu.memory_space<vmem>>, %arg11: memref<128x128xf32, #tpu.memory_space<vmem>>, %arg12: memref<128x128xf32, #tpu.memory_space<vmem>>, %arg13: memref<128x128xf32, #tpu.memory_space<vmem>>, %arg14: memref<!tpu.dma_semaphore, #tpu.memory_space<semaphore_mem>>, %arg15: memref<!tpu.dma_semaphore, #tpu.memory_space<semaphore_mem>>) attributes {dimension_semantics = [#tpu.dimension_semantics<core_parallel>, #tpu.dimension_semantics<subcore_parallel>], iteration_bounds = array<i64: 2, 16>, scalar_prefetch = 0 : i64, scratch_operands = 8 : i64, tpu.core_type = #tpu.core_type<sc_vector_subcore>, window_params = [{transform_indices = #map}, {transform_indices = #map}, {transform_indices = #map1}, {transform_indices = #map1}, {transform_indices = #map}, {transform_indices = #map}]} {
    %mul3A = arith.constant 2 : i32
    %mul3A_0 = arith.muli %arg1, %mul3A : i32
    %add3A = arith.addi %mul3A_0, %arg0 : i32
    %mul3A_1 = arith.constant 1664 : i32
    %mul3A_2 = arith.muli %add3A, %mul3A_1 : i32
    "tpu.region"() ({
      %run_scoped3A = tpu.sem_alloc : memref<!tpu.dma_semaphore, #tpu.memory_space<semaphore_mem>>
      %dma_start3A_139 = tpu.memref_slice %arg4[%mul3A_2] : memref<53248xi32, #tpu.memory_space<hbm>> -> memref<1664xi32, #tpu.memory_space<hbm>>
      %dma_start3A_140 = tpu.memref_slice %arg4[%mul3A_2] : memref<53248xi32, #tpu.memory_space<hbm>> -> memref<1664xi32, #tpu.memory_space<hbm>>
      tpu.enqueue_dma source(%dma_start3A_140 : memref<1664xi32, #tpu.memory_space<hbm>>) target(%arg8 : memref<1664xi32, #tpu.memory_space<vmem>>) target_semaphore(%run_scoped3A : memref<!tpu.dma_semaphore, #tpu.memory_space<semaphore_mem>>)
      %dma_wait3A_141 = tpu.memref_slice %arg4[%mul3A_2] : memref<53248xi32, #tpu.memory_space<hbm>> -> memref<1664xi32, #tpu.memory_space<hbm>>
      %dma_wait3A_142 = tpu.memref_slice %arg4[%mul3A_2] : memref<53248xi32, #tpu.memory_space<hbm>> -> memref<1664xi32, #tpu.memory_space<hbm>>
      tpu.wait_dma2 semaphore(%run_scoped3A : memref<!tpu.dma_semaphore, #tpu.memory_space<semaphore_mem>>) src(%dma_wait3A_142 : memref<1664xi32, #tpu.memory_space<hbm>>) dst(%arg8 : memref<1664xi32, #tpu.memory_space<vmem>>)
      tpu.yield
    }) : () -> ()
    "tpu.region"() ({
      %run_scoped3A = tpu.sem_alloc : memref<!tpu.dma_semaphore, #tpu.memory_space<semaphore_mem>>
      %dma_start3A_139 = tpu.memref_slice %arg5[%mul3A_2] : memref<53248xi32, #tpu.memory_space<hbm>> -> memref<1664xi32, #tpu.memory_space<hbm>>
      %dma_start3A_140 = tpu.memref_slice %arg5[%mul3A_2] : memref<53248xi32, #tpu.memory_space<hbm>> -> memref<1664xi32, #tpu.memory_space<hbm>>
      tpu.enqueue_dma source(%dma_start3A_140 : memref<1664xi32, #tpu.memory_space<hbm>>) target(%arg9 : memref<1664xi32, #tpu.memory_space<vmem>>) target_semaphore(%run_scoped3A : memref<!tpu.dma_semaphore, #tpu.memory_space<semaphore_mem>>)
      %dma_wait3A_141 = tpu.memref_slice %arg5[%mul3A_2] : memref<53248xi32, #tpu.memory_space<hbm>> -> memref<1664xi32, #tpu.memory_space<hbm>>
      %dma_wait3A_142 = tpu.memref_slice %arg5[%mul3A_2] : memref<53248xi32, #tpu.memory_space<hbm>> -> memref<1664xi32, #tpu.memory_space<hbm>>
      tpu.wait_dma2 semaphore(%run_scoped3A : memref<!tpu.dma_semaphore, #tpu.memory_space<semaphore_mem>>) src(%dma_wait3A_142 : memref<1664xi32, #tpu.memory_space<hbm>>) dst(%arg9 : memref<1664xi32, #tpu.memory_space<vmem>>)
      tpu.yield
    }) : () -> ()
    %dma_start3A = arith.constant 0 : i32
    %dma_start3A_3 = tpu.memref_slice %arg8[%dma_start3A] : memref<1664xi32, #tpu.memory_space<vmem>> -> memref<128xi32, #tpu.memory_space<vmem>>
    %dma_start3A_4 = arith.constant 0 : i32
    %dma_start3A_5 = arith.constant 0 : i32
    %dma_start3A_6 = tpu.memref_slice %arg2[%dma_start3A_4, %dma_start3A_5] : memref<10000x128xf32, #tpu.memory_space<hbm>> -> memref<10000x128xf32, #tpu.memory_space<hbm>>
    tpu.enqueue_indirect_dma source(%dma_start3A_6 : memref<10000x128xf32, #tpu.memory_space<hbm>>) target(%arg10 : memref<128x128xf32, #tpu.memory_space<vmem>>) offsets(%dma_start3A_3 : memref<128xi32, #tpu.memory_space<vmem>>) semaphore(%arg14 : memref<!tpu.dma_semaphore, #tpu.memory_space<semaphore_mem>>)
    %dma_start3A_7 = arith.constant 0 : i32
    %dma_start3A_8 = tpu.memref_slice %arg9[%dma_start3A_7] : memref<1664xi32, #tpu.memory_space<vmem>> -> memref<128xi32, #tpu.memory_space<vmem>>
    %dma_start3A_9 = arith.constant 0 : i32
    %dma_start3A_10 = arith.constant 0 : i32
    %dma_start3A_11 = tpu.memref_slice %arg3[%dma_start3A_9, %dma_start3A_10] : memref<10000x128xf32, #tpu.memory_space<hbm>> -> memref<10000x128xf32, #tpu.memory_space<hbm>>
    tpu.enqueue_indirect_dma source(%dma_start3A_11 : memref<10000x128xf32, #tpu.memory_space<hbm>>) target(%arg12 : memref<128x128xf32, #tpu.memory_space<vmem>>) offsets(%dma_start3A_8 : memref<128xi32, #tpu.memory_space<vmem>>) semaphore(%arg14 : memref<!tpu.dma_semaphore, #tpu.memory_space<semaphore_mem>>)
    %dma_start3A_12 = arith.constant 128 : i32
    %dma_start3A_13 = tpu.memref_slice %arg8[%dma_start3A_12] : memref<1664xi32, #tpu.memory_space<vmem>> -> memref<128xi32, #tpu.memory_space<vmem>>
    %dma_start3A_14 = arith.constant 0 : i32
    %dma_start3A_15 = arith.constant 0 : i32
    %dma_start3A_16 = tpu.memref_slice %arg2[%dma_start3A_14, %dma_start3A_15] : memref<10000x128xf32, #tpu.memory_space<hbm>> -> memref<10000x128xf32, #tpu.memory_space<hbm>>
    tpu.enqueue_indirect_dma source(%dma_start3A_16 : memref<10000x128xf32, #tpu.memory_space<hbm>>) target(%arg11 : memref<128x128xf32, #tpu.memory_space<vmem>>) offsets(%dma_start3A_13 : memref<128xi32, #tpu.memory_space<vmem>>) semaphore(%arg14 : memref<!tpu.dma_semaphore, #tpu.memory_space<semaphore_mem>>)
    %dma_wait3A = arith.constant 0 : i32
    %dma_wait3A_17 = tpu.memref_slice %arg8[%dma_wait3A] : memref<1664xi32, #tpu.memory_space<vmem>> -> memref<128xi32, #tpu.memory_space<vmem>>
    %dma_wait3A_18 = arith.constant 0 : i32
    %dma_wait3A_19 = arith.constant 0 : i32
    %dma_wait3A_20 = tpu.memref_slice %arg2[%dma_wait3A_18, %dma_wait3A_19] : memref<10000x128xf32, #tpu.memory_space<hbm>> -> memref<10000x128xf32, #tpu.memory_space<hbm>>
    tpu.wait_indirect_dma semaphore(%arg14 : memref<!tpu.dma_semaphore, #tpu.memory_space<semaphore_mem>>) src(%dma_wait3A_20 : memref<10000x128xf32, #tpu.memory_space<hbm>>) dst(%arg10 : memref<128x128xf32, #tpu.memory_space<vmem>>)
    %add3A_21 = arith.constant 0 : i32
    %add3A_22 = arith.addi %mul3A_2, %add3A_21 : i32
    %dma_start3A_23 = arith.constant 0 : i32
    %dma_start3A_24 = tpu.memref_slice %arg6[%add3A_22, %dma_start3A_23] : memref<53248x128xf32, #tpu.memory_space<hbm>> -> memref<128x128xf32, #tpu.memory_space<hbm>>
    %dma_start3A_25 = arith.constant 0 : i32
    %dma_start3A_26 = tpu.memref_slice %arg6[%add3A_22, %dma_start3A_25] : memref<53248x128xf32, #tpu.memory_space<hbm>> -> memref<128x128xf32, #tpu.memory_space<hbm>>
    tpu.enqueue_dma source(%arg10 : memref<128x128xf32, #tpu.memory_space<vmem>>) target(%dma_start3A_26 : memref<128x128xf32, #tpu.memory_space<hbm>>) target_semaphore(%arg15 : memref<!tpu.dma_semaphore, #tpu.memory_space<semaphore_mem>>)
    %dma_start3A_27 = arith.constant 128 : i32
    %dma_start3A_28 = tpu.memref_slice %arg9[%dma_start3A_27] : memref<1664xi32, #tpu.memory_space<vmem>> -> memref<128xi32, #tpu.memory_space<vmem>>
    %dma_start3A_29 = arith.constant 0 : i32
    %dma_start3A_30 = arith.constant 0 : i32
    %dma_start3A_31 = tpu.memref_slice %arg3[%dma_start3A_29, %dma_start3A_30] : memref<10000x128xf32, #tpu.memory_space<hbm>> -> memref<10000x128xf32, #tpu.memory_space<hbm>>
    tpu.enqueue_indirect_dma source(%dma_start3A_31 : memref<10000x128xf32, #tpu.memory_space<hbm>>) target(%arg13 : memref<128x128xf32, #tpu.memory_space<vmem>>) offsets(%dma_start3A_28 : memref<128xi32, #tpu.memory_space<vmem>>) semaphore(%arg14 : memref<!tpu.dma_semaphore, #tpu.memory_space<semaphore_mem>>)
    %dma_wait3A_32 = arith.constant 0 : i32
    %dma_wait3A_33 = tpu.memref_slice %arg9[%dma_wait3A_32] : memref<1664xi32, #tpu.memory_space<vmem>> -> memref<128xi32, #tpu.memory_space<vmem>>
    %dma_wait3A_34 = arith.constant 0 : i32
    %dma_wait3A_35 = arith.constant 0 : i32
    %dma_wait3A_36 = tpu.memref_slice %arg3[%dma_wait3A_34, %dma_wait3A_35] : memref<10000x128xf32, #tpu.memory_space<hbm>> -> memref<10000x128xf32, #tpu.memory_space<hbm>>
    tpu.wait_indirect_dma semaphore(%arg14 : memref<!tpu.dma_semaphore, #tpu.memory_space<semaphore_mem>>) src(%dma_wait3A_36 : memref<10000x128xf32, #tpu.memory_space<hbm>>) dst(%arg12 : memref<128x128xf32, #tpu.memory_space<vmem>>)
    %add3A_37 = arith.constant 0 : i32
    %add3A_38 = arith.addi %mul3A_2, %add3A_37 : i32
    %dma_start3A_39 = arith.constant 0 : i32
    %dma_start3A_40 = tpu.memref_slice %arg7[%add3A_38, %dma_start3A_39] : memref<53248x128xf32, #tpu.memory_space<hbm>> -> memref<128x128xf32, #tpu.memory_space<hbm>>
    %dma_start3A_41 = arith.constant 0 : i32
    %dma_start3A_42 = tpu.memref_slice %arg7[%add3A_38, %dma_start3A_41] : memref<53248x128xf32, #tpu.memory_space<hbm>> -> memref<128x128xf32, #tpu.memory_space<hbm>>
    tpu.enqueue_dma source(%arg12 : memref<128x128xf32, #tpu.memory_space<vmem>>) target(%dma_start3A_42 : memref<128x128xf32, #tpu.memory_space<hbm>>) target_semaphore(%arg15 : memref<!tpu.dma_semaphore, #tpu.memory_space<semaphore_mem>>)
    %scan3A = arith.constant 0 : i32
    %scan3A_43 = arith.constant 0 : i32
    %scan3A_44 = arith.constant 5 : i32
    %scan3A_45 = arith.addi %scan3A_43, %scan3A_44 : i32
    %scan3A_46 = arith.constant 1 : i32
    %scan3A_47 = scf.for %scan3A_139 = %scan3A_43 to %scan3A_45 step %scan3A_46 iter_args(%scan3A_140 = %scan3A) -> (i32)  : i32 {
      %mul3A_141 = arith.constant 2 : i32
      %mul3A_142 = arith.muli %mul3A_141, %scan3A_139 : i32
      %add3A_143 = arith.constant 1 : i32
      %add3A_144 = arith.addi %mul3A_142, %add3A_143 : i32
      %add3A_145 = arith.constant 0 : i32
      %add3A_146 = arith.addi %add3A_144, %add3A_145 : i32
      %sub3A = arith.constant 1 : i32
      %sub3A_147 = arith.subi %add3A_146, %sub3A : i32
      %mul3A_148 = arith.constant 128 : i32
      %mul3A_149 = arith.muli %sub3A_147, %mul3A_148 : i32
      %add3A_150 = arith.addi %mul3A_2, %mul3A_149 : i32
      %dma_wait3A_151 = arith.constant 0 : i32
      %dma_wait3A_152 = tpu.memref_slice %arg6[%add3A_150, %dma_wait3A_151] : memref<53248x128xf32, #tpu.memory_space<hbm>> -> memref<128x128xf32, #tpu.memory_space<hbm>>
      %dma_wait3A_153 = arith.constant 0 : i32
      %dma_wait3A_154 = tpu.memref_slice %arg6[%add3A_150, %dma_wait3A_153] : memref<53248x128xf32, #tpu.memory_space<hbm>> -> memref<128x128xf32, #tpu.memory_space<hbm>>
      tpu.wait_dma2 semaphore(%arg15 : memref<!tpu.dma_semaphore, #tpu.memory_space<semaphore_mem>>) src(%arg10 : memref<128x128xf32, #tpu.memory_space<vmem>>) dst(%dma_wait3A_154 : memref<128x128xf32, #tpu.memory_space<hbm>>)
      %add3A_155 = arith.constant 1 : i32
      %add3A_156 = arith.addi %add3A_146, %add3A_155 : i32
      %mul3A_157 = arith.constant 128 : i32
      %mul3A_158 = arith.muli %add3A_156, %mul3A_157 : i32
      %dma_start3A_159 = tpu.memref_slice %arg8[%mul3A_158] : memref<1664xi32, #tpu.memory_space<vmem>> -> memref<128xi32, #tpu.memory_space<vmem>>
      %dma_start3A_160 = arith.constant 0 : i32
      %dma_start3A_161 = arith.constant 0 : i32
      %dma_start3A_162 = tpu.memref_slice %arg2[%dma_start3A_160, %dma_start3A_161] : memref<10000x128xf32, #tpu.memory_space<hbm>> -> memref<10000x128xf32, #tpu.memory_space<hbm>>
      tpu.enqueue_indirect_dma source(%dma_start3A_162 : memref<10000x128xf32, #tpu.memory_space<hbm>>) target(%arg10 : memref<128x128xf32, #tpu.memory_space<vmem>>) offsets(%dma_start3A_159 : memref<128xi32, #tpu.memory_space<vmem>>) semaphore(%arg14 : memref<!tpu.dma_semaphore, #tpu.memory_space<semaphore_mem>>)
      %mul3A_163 = arith.constant 128 : i32
      %mul3A_164 = arith.muli %add3A_146, %mul3A_163 : i32
      %dma_wait3A_165 = tpu.memref_slice %arg8[%mul3A_164] : memref<1664xi32, #tpu.memory_space<vmem>> -> memref<128xi32, #tpu.memory_space<vmem>>
      %dma_wait3A_166 = arith.constant 0 : i32
      %dma_wait3A_167 = arith.constant 0 : i32
      %dma_wait3A_168 = tpu.memref_slice %arg2[%dma_wait3A_166, %dma_wait3A_167] : memref<10000x128xf32, #tpu.memory_space<hbm>> -> memref<10000x128xf32, #tpu.memory_space<hbm>>
      tpu.wait_indirect_dma semaphore(%arg14 : memref<!tpu.dma_semaphore, #tpu.memory_space<semaphore_mem>>) src(%dma_wait3A_168 : memref<10000x128xf32, #tpu.memory_space<hbm>>) dst(%arg11 : memref<128x128xf32, #tpu.memory_space<vmem>>)
      %mul3A_169 = arith.constant 128 : i32
      %mul3A_170 = arith.muli %add3A_146, %mul3A_169 : i32
      %add3A_171 = arith.addi %mul3A_2, %mul3A_170 : i32
      %dma_start3A_172 = arith.constant 0 : i32
      %dma_start3A_173 = tpu.memref_slice %arg6[%add3A_171, %dma_start3A_172] : memref<53248x128xf32, #tpu.memory_space<hbm>> -> memref<128x128xf32, #tpu.memory_space<hbm>>
      %dma_start3A_174 = arith.constant 0 : i32
      %dma_start3A_175 = tpu.memref_slice %arg6[%add3A_171, %dma_start3A_174] : memref<53248x128xf32, #tpu.memory_space<hbm>> -> memref<128x128xf32, #tpu.memory_space<hbm>>
      tpu.enqueue_dma source(%arg11 : memref<128x128xf32, #tpu.memory_space<vmem>>) target(%dma_start3A_175 : memref<128x128xf32, #tpu.memory_space<hbm>>) target_semaphore(%arg15 : memref<!tpu.dma_semaphore, #tpu.memory_space<semaphore_mem>>)
      %sub3A_176 = arith.constant 1 : i32
      %sub3A_177 = arith.subi %add3A_146, %sub3A_176 : i32
      %mul3A_178 = arith.constant 128 : i32
      %mul3A_179 = arith.muli %sub3A_177, %mul3A_178 : i32
      %add3A_180 = arith.addi %mul3A_2, %mul3A_179 : i32
      %dma_wait3A_181 = arith.constant 0 : i32
      %dma_wait3A_182 = tpu.memref_slice %arg7[%add3A_180, %dma_wait3A_181] : memref<53248x128xf32, #tpu.memory_space<hbm>> -> memref<128x128xf32, #tpu.memory_space<hbm>>
      %dma_wait3A_183 = arith.constant 0 : i32
      %dma_wait3A_184 = tpu.memref_slice %arg7[%add3A_180, %dma_wait3A_183] : memref<53248x128xf32, #tpu.memory_space<hbm>> -> memref<128x128xf32, #tpu.memory_space<hbm>>
      tpu.wait_dma2 semaphore(%arg15 : memref<!tpu.dma_semaphore, #tpu.memory_space<semaphore_mem>>) src(%arg12 : memref<128x128xf32, #tpu.memory_space<vmem>>) dst(%dma_wait3A_184 : memref<128x128xf32, #tpu.memory_space<hbm>>)
      %add3A_185 = arith.constant 1 : i32
      %add3A_186 = arith.addi %add3A_146, %add3A_185 : i32
      %mul3A_187 = arith.constant 128 : i32
      %mul3A_188 = arith.muli %add3A_186, %mul3A_187 : i32
      %dma_start3A_189 = tpu.memref_slice %arg9[%mul3A_188] : memref<1664xi32, #tpu.memory_space<vmem>> -> memref<128xi32, #tpu.memory_space<vmem>>
      %dma_start3A_190 = arith.constant 0 : i32
      %dma_start3A_191 = arith.constant 0 : i32
      %dma_start3A_192 = tpu.memref_slice %arg3[%dma_start3A_190, %dma_start3A_191] : memref<10000x128xf32, #tpu.memory_space<hbm>> -> memref<10000x128xf32, #tpu.memory_space<hbm>>
      tpu.enqueue_indirect_dma source(%dma_start3A_192 : memref<10000x128xf32, #tpu.memory_space<hbm>>) target(%arg12 : memref<128x128xf32, #tpu.memory_space<vmem>>) offsets(%dma_start3A_189 : memref<128xi32, #tpu.memory_space<vmem>>) semaphore(%arg14 : memref<!tpu.dma_semaphore, #tpu.memory_space<semaphore_mem>>)
      %mul3A_193 = arith.constant 128 : i32
      %mul3A_194 = arith.muli %add3A_146, %mul3A_193 : i32
      %dma_wait3A_195 = tpu.memref_slice %arg9[%mul3A_194] : memref<1664xi32, #tpu.memory_space<vmem>> -> memref<128xi32, #tpu.memory_space<vmem>>
      %dma_wait3A_196 = arith.constant 0 : i32
      %dma_wait3A_197 = arith.constant 0 : i32
      %dma_wait3A_198 = tpu.memref_slice %arg3[%dma_wait3A_196, %dma_wait3A_197] : memref<10000x128xf32, #tpu.memory_space<hbm>> -> memref<10000x128xf32, #tpu.memory_space<hbm>>
      tpu.wait_indirect_dma semaphore(%arg14 : memref<!tpu.dma_semaphore, #tpu.memory_space<semaphore_mem>>) src(%dma_wait3A_198 : memref<10000x128xf32, #tpu.memory_space<hbm>>) dst(%arg13 : memref<128x128xf32, #tpu.memory_space<vmem>>)
      %mul3A_199 = arith.constant 128 : i32
      %mul3A_200 = arith.muli %add3A_146, %mul3A_199 : i32
      %add3A_201 = arith.addi %mul3A_2, %mul3A_200 : i32
      %dma_start3A_202 = arith.constant 0 : i32
      %dma_start3A_203 = tpu.memref_slice %arg7[%add3A_201, %dma_start3A_202] : memref<53248x128xf32, #tpu.memory_space<hbm>> -> memref<128x128xf32, #tpu.memory_space<hbm>>
      %dma_start3A_204 = arith.constant 0 : i32
      %dma_start3A_205 = tpu.memref_slice %arg7[%add3A_201, %dma_start3A_204] : memref<53248x128xf32, #tpu.memory_space<hbm>> -> memref<128x128xf32, #tpu.memory_space<hbm>>
      tpu.enqueue_dma source(%arg13 : memref<128x128xf32, #tpu.memory_space<vmem>>) target(%dma_start3A_205 : memref<128x128xf32, #tpu.memory_space<hbm>>) target_semaphore(%arg15 : memref<!tpu.dma_semaphore, #tpu.memory_space<semaphore_mem>>)
      %mul3A_206 = arith.constant 2 : i32
      %mul3A_207 = arith.muli %mul3A_206, %scan3A_139 : i32
      %add3A_208 = arith.constant 1 : i32
      %add3A_209 = arith.addi %mul3A_207, %add3A_208 : i32
      %add3A_210 = arith.constant 1 : i32
      %add3A_211 = arith.addi %add3A_209, %add3A_210 : i32
      %sub3A_212 = arith.constant 1 : i32
      %sub3A_213 = arith.subi %add3A_211, %sub3A_212 : i32
      %mul3A_214 = arith.constant 128 : i32
      %mul3A_215 = arith.muli %sub3A_213, %mul3A_214 : i32
      %add3A_216 = arith.addi %mul3A_2, %mul3A_215 : i32
      %dma_wait3A_217 = arith.constant 0 : i32
      %dma_wait3A_218 = tpu.memref_slice %arg6[%add3A_216, %dma_wait3A_217] : memref<53248x128xf32, #tpu.memory_space<hbm>> -> memref<128x128xf32, #tpu.memory_space<hbm>>
      %dma_wait3A_219 = arith.constant 0 : i32
      %dma_wait3A_220 = tpu.memref_slice %arg6[%add3A_216, %dma_wait3A_219] : memref<53248x128xf32, #tpu.memory_space<hbm>> -> memref<128x128xf32, #tpu.memory_space<hbm>>
      tpu.wait_dma2 semaphore(%arg15 : memref<!tpu.dma_semaphore, #tpu.memory_space<semaphore_mem>>) src(%arg11 : memref<128x128xf32, #tpu.memory_space<vmem>>) dst(%dma_wait3A_220 : memref<128x128xf32, #tpu.memory_space<hbm>>)
      %add3A_221 = arith.constant 1 : i32
      %add3A_222 = arith.addi %add3A_211, %add3A_221 : i32
      %mul3A_223 = arith.constant 128 : i32
      %mul3A_224 = arith.muli %add3A_222, %mul3A_223 : i32
      %dma_start3A_225 = tpu.memref_slice %arg8[%mul3A_224] : memref<1664xi32, #tpu.memory_space<vmem>> -> memref<128xi32, #tpu.memory_space<vmem>>
      %dma_start3A_226 = arith.constant 0 : i32
      %dma_start3A_227 = arith.constant 0 : i32
      %dma_start3A_228 = tpu.memref_slice %arg2[%dma_start3A_226, %dma_start3A_227] : memref<10000x128xf32, #tpu.memory_space<hbm>> -> memref<10000x128xf32, #tpu.memory_space<hbm>>
      tpu.enqueue_indirect_dma source(%dma_start3A_228 : memref<10000x128xf32, #tpu.memory_space<hbm>>) target(%arg11 : memref<128x128xf32, #tpu.memory_space<vmem>>) offsets(%dma_start3A_225 : memref<128xi32, #tpu.memory_space<vmem>>) semaphore(%arg14 : memref<!tpu.dma_semaphore, #tpu.memory_space<semaphore_mem>>)
      %mul3A_229 = arith.constant 128 : i32
      %mul3A_230 = arith.muli %add3A_211, %mul3A_229 : i32
      %dma_wait3A_231 = tpu.memref_slice %arg8[%mul3A_230] : memref<1664xi32, #tpu.memory_space<vmem>> -> memref<128xi32, #tpu.memory_space<vmem>>
      %dma_wait3A_232 = arith.constant 0 : i32
      %dma_wait3A_233 = arith.constant 0 : i32
      %dma_wait3A_234 = tpu.memref_slice %arg2[%dma_wait3A_232, %dma_wait3A_233] : memref<10000x128xf32, #tpu.memory_space<hbm>> -> memref<10000x128xf32, #tpu.memory_space<hbm>>
      tpu.wait_indirect_dma semaphore(%arg14 : memref<!tpu.dma_semaphore, #tpu.memory_space<semaphore_mem>>) src(%dma_wait3A_234 : memref<10000x128xf32, #tpu.memory_space<hbm>>) dst(%arg10 : memref<128x128xf32, #tpu.memory_space<vmem>>)
      %mul3A_235 = arith.constant 128 : i32
      %mul3A_236 = arith.muli %add3A_211, %mul3A_235 : i32
      %add3A_237 = arith.addi %mul3A_2, %mul3A_236 : i32
      %dma_start3A_238 = arith.constant 0 : i32
      %dma_start3A_239 = tpu.memref_slice %arg6[%add3A_237, %dma_start3A_238] : memref<53248x128xf32, #tpu.memory_space<hbm>> -> memref<128x128xf32, #tpu.memory_space<hbm>>
      %dma_start3A_240 = arith.constant 0 : i32
      %dma_start3A_241 = tpu.memref_slice %arg6[%add3A_237, %dma_start3A_240] : memref<53248x128xf32, #tpu.memory_space<hbm>> -> memref<128x128xf32, #tpu.memory_space<hbm>>
      tpu.enqueue_dma source(%arg10 : memref<128x128xf32, #tpu.memory_space<vmem>>) target(%dma_start3A_241 : memref<128x128xf32, #tpu.memory_space<hbm>>) target_semaphore(%arg15 : memref<!tpu.dma_semaphore, #tpu.memory_space<semaphore_mem>>)
      %sub3A_242 = arith.constant 1 : i32
      %sub3A_243 = arith.subi %add3A_211, %sub3A_242 : i32
      %mul3A_244 = arith.constant 128 : i32
      %mul3A_245 = arith.muli %sub3A_243, %mul3A_244 : i32
      %add3A_246 = arith.addi %mul3A_2, %mul3A_245 : i32
      %dma_wait3A_247 = arith.constant 0 : i32
      %dma_wait3A_248 = tpu.memref_slice %arg7[%add3A_246, %dma_wait3A_247] : memref<53248x128xf32, #tpu.memory_space<hbm>> -> memref<128x128xf32, #tpu.memory_space<hbm>>
      %dma_wait3A_249 = arith.constant 0 : i32
      %dma_wait3A_250 = tpu.memref_slice %arg7[%add3A_246, %dma_wait3A_249] : memref<53248x128xf32, #tpu.memory_space<hbm>> -> memref<128x128xf32, #tpu.memory_space<hbm>>
      tpu.wait_dma2 semaphore(%arg15 : memref<!tpu.dma_semaphore, #tpu.memory_space<semaphore_mem>>) src(%arg13 : memref<128x128xf32, #tpu.memory_space<vmem>>) dst(%dma_wait3A_250 : memref<128x128xf32, #tpu.memory_space<hbm>>)
      %add3A_251 = arith.constant 1 : i32
      %add3A_252 = arith.addi %add3A_211, %add3A_251 : i32
      %mul3A_253 = arith.constant 128 : i32
      %mul3A_254 = arith.muli %add3A_252, %mul3A_253 : i32
      %dma_start3A_255 = tpu.memref_slice %arg9[%mul3A_254] : memref<1664xi32, #tpu.memory_space<vmem>> -> memref<128xi32, #tpu.memory_space<vmem>>
      %dma_start3A_256 = arith.constant 0 : i32
      %dma_start3A_257 = arith.constant 0 : i32
      %dma_start3A_258 = tpu.memref_slice %arg3[%dma_start3A_256, %dma_start3A_257] : memref<10000x128xf32, #tpu.memory_space<hbm>> -> memref<10000x128xf32, #tpu.memory_space<hbm>>
      tpu.enqueue_indirect_dma source(%dma_start3A_258 : memref<10000x128xf32, #tpu.memory_space<hbm>>) target(%arg13 : memref<128x128xf32, #tpu.memory_space<vmem>>) offsets(%dma_start3A_255 : memref<128xi32, #tpu.memory_space<vmem>>) semaphore(%arg14 : memref<!tpu.dma_semaphore, #tpu.memory_space<semaphore_mem>>)
      %mul3A_259 = arith.constant 128 : i32
      %mul3A_260 = arith.muli %add3A_211, %mul3A_259 : i32
      %dma_wait3A_261 = tpu.memref_slice %arg9[%mul3A_260] : memref<1664xi32, #tpu.memory_space<vmem>> -> memref<128xi32, #tpu.memory_space<vmem>>
      %dma_wait3A_262 = arith.constant 0 : i32
      %dma_wait3A_263 = arith.constant 0 : i32
      %dma_wait3A_264 = tpu.memref_slice %arg3[%dma_wait3A_262, %dma_wait3A_263] : memref<10000x128xf32, #tpu.memory_space<hbm>> -> memref<10000x128xf32, #tpu.memory_space<hbm>>
      tpu.wait_indirect_dma semaphore(%arg14 : memref<!tpu.dma_semaphore, #tpu.memory_space<semaphore_mem>>) src(%dma_wait3A_264 : memref<10000x128xf32, #tpu.memory_space<hbm>>) dst(%arg12 : memref<128x128xf32, #tpu.memory_space<vmem>>)
      %mul3A_265 = arith.constant 128 : i32
      %mul3A_266 = arith.muli %add3A_211, %mul3A_265 : i32
      %add3A_267 = arith.addi %mul3A_2, %mul3A_266 : i32
      %dma_start3A_268 = arith.constant 0 : i32
      %dma_start3A_269 = tpu.memref_slice %arg7[%add3A_267, %dma_start3A_268] : memref<53248x128xf32, #tpu.memory_space<hbm>> -> memref<128x128xf32, #tpu.memory_space<hbm>>
      %dma_start3A_270 = arith.constant 0 : i32
      %dma_start3A_271 = tpu.memref_slice %arg7[%add3A_267, %dma_start3A_270] : memref<53248x128xf32, #tpu.memory_space<hbm>> -> memref<128x128xf32, #tpu.memory_space<hbm>>
      tpu.enqueue_dma source(%arg12 : memref<128x128xf32, #tpu.memory_space<vmem>>) target(%dma_start3A_271 : memref<128x128xf32, #tpu.memory_space<hbm>>) target_semaphore(%arg15 : memref<!tpu.dma_semaphore, #tpu.memory_space<semaphore_mem>>)
      %scan3A_272 = arith.constant 0 : i32
      scf.yield %scan3A_272 : i32
    }
    %scan3A_48 = arith.constant 5 : i32
    %add3A_49 = arith.constant 1280 : i32
    %add3A_50 = arith.addi %mul3A_2, %add3A_49 : i32
    %dma_wait3A_51 = arith.constant 0 : i32
    %dma_wait3A_52 = tpu.memref_slice %arg6[%add3A_50, %dma_wait3A_51] : memref<53248x128xf32, #tpu.memory_space<hbm>> -> memref<128x128xf32, #tpu.memory_space<hbm>>
    %dma_wait3A_53 = arith.constant 0 : i32
    %dma_wait3A_54 = tpu.memref_slice %arg6[%add3A_50, %dma_wait3A_53] : memref<53248x128xf32, #tpu.memory_space<hbm>> -> memref<128x128xf32, #tpu.memory_space<hbm>>
    tpu.wait_dma2 semaphore(%arg15 : memref<!tpu.dma_semaphore, #tpu.memory_space<semaphore_mem>>) src(%arg10 : memref<128x128xf32, #tpu.memory_space<vmem>>) dst(%dma_wait3A_54 : memref<128x128xf32, #tpu.memory_space<hbm>>)
    %dma_start3A_55 = arith.constant 1536 : i32
    %dma_start3A_56 = tpu.memref_slice %arg8[%dma_start3A_55] : memref<1664xi32, #tpu.memory_space<vmem>> -> memref<128xi32, #tpu.memory_space<vmem>>
    %dma_start3A_57 = arith.constant 0 : i32
    %dma_start3A_58 = arith.constant 0 : i32
    %dma_start3A_59 = tpu.memref_slice %arg2[%dma_start3A_57, %dma_start3A_58] : memref<10000x128xf32, #tpu.memory_space<hbm>> -> memref<10000x128xf32, #tpu.memory_space<hbm>>
    tpu.enqueue_indirect_dma source(%dma_start3A_59 : memref<10000x128xf32, #tpu.memory_space<hbm>>) target(%arg10 : memref<128x128xf32, #tpu.memory_space<vmem>>) offsets(%dma_start3A_56 : memref<128xi32, #tpu.memory_space<vmem>>) semaphore(%arg14 : memref<!tpu.dma_semaphore, #tpu.memory_space<semaphore_mem>>)
    %dma_wait3A_60 = arith.constant 1408 : i32
    %dma_wait3A_61 = tpu.memref_slice %arg8[%dma_wait3A_60] : memref<1664xi32, #tpu.memory_space<vmem>> -> memref<128xi32, #tpu.memory_space<vmem>>
    %dma_wait3A_62 = arith.constant 0 : i32
    %dma_wait3A_63 = arith.constant 0 : i32
    %dma_wait3A_64 = tpu.memref_slice %arg2[%dma_wait3A_62, %dma_wait3A_63] : memref<10000x128xf32, #tpu.memory_space<hbm>> -> memref<10000x128xf32, #tpu.memory_space<hbm>>
    tpu.wait_indirect_dma semaphore(%arg14 : memref<!tpu.dma_semaphore, #tpu.memory_space<semaphore_mem>>) src(%dma_wait3A_64 : memref<10000x128xf32, #tpu.memory_space<hbm>>) dst(%arg11 : memref<128x128xf32, #tpu.memory_space<vmem>>)
    %add3A_65 = arith.constant 1408 : i32
    %add3A_66 = arith.addi %mul3A_2, %add3A_65 : i32
    %dma_start3A_67 = arith.constant 0 : i32
    %dma_start3A_68 = tpu.memref_slice %arg6[%add3A_66, %dma_start3A_67] : memref<53248x128xf32, #tpu.memory_space<hbm>> -> memref<128x128xf32, #tpu.memory_space<hbm>>
    %dma_start3A_69 = arith.constant 0 : i32
    %dma_start3A_70 = tpu.memref_slice %arg6[%add3A_66, %dma_start3A_69] : memref<53248x128xf32, #tpu.memory_space<hbm>> -> memref<128x128xf32, #tpu.memory_space<hbm>>
    tpu.enqueue_dma source(%arg11 : memref<128x128xf32, #tpu.memory_space<vmem>>) target(%dma_start3A_70 : memref<128x128xf32, #tpu.memory_space<hbm>>) target_semaphore(%arg15 : memref<!tpu.dma_semaphore, #tpu.memory_space<semaphore_mem>>)
    %add3A_71 = arith.constant 1280 : i32
    %add3A_72 = arith.addi %mul3A_2, %add3A_71 : i32
    %dma_wait3A_73 = arith.constant 0 : i32
    %dma_wait3A_74 = tpu.memref_slice %arg7[%add3A_72, %dma_wait3A_73] : memref<53248x128xf32, #tpu.memory_space<hbm>> -> memref<128x128xf32, #tpu.memory_space<hbm>>
    %dma_wait3A_75 = arith.constant 0 : i32
    %dma_wait3A_76 = tpu.memref_slice %arg7[%add3A_72, %dma_wait3A_75] : memref<53248x128xf32, #tpu.memory_space<hbm>> -> memref<128x128xf32, #tpu.memory_space<hbm>>
    tpu.wait_dma2 semaphore(%arg15 : memref<!tpu.dma_semaphore, #tpu.memory_space<semaphore_mem>>) src(%arg12 : memref<128x128xf32, #tpu.memory_space<vmem>>) dst(%dma_wait3A_76 : memref<128x128xf32, #tpu.memory_space<hbm>>)
    %dma_start3A_77 = arith.constant 1536 : i32
    %dma_start3A_78 = tpu.memref_slice %arg9[%dma_start3A_77] : memref<1664xi32, #tpu.memory_space<vmem>> -> memref<128xi32, #tpu.memory_space<vmem>>
    %dma_start3A_79 = arith.constant 0 : i32
    %dma_start3A_80 = arith.constant 0 : i32
    %dma_start3A_81 = tpu.memref_slice %arg3[%dma_start3A_79, %dma_start3A_80] : memref<10000x128xf32, #tpu.memory_space<hbm>> -> memref<10000x128xf32, #tpu.memory_space<hbm>>
    tpu.enqueue_indirect_dma source(%dma_start3A_81 : memref<10000x128xf32, #tpu.memory_space<hbm>>) target(%arg12 : memref<128x128xf32, #tpu.memory_space<vmem>>) offsets(%dma_start3A_78 : memref<128xi32, #tpu.memory_space<vmem>>) semaphore(%arg14 : memref<!tpu.dma_semaphore, #tpu.memory_space<semaphore_mem>>)
    %dma_wait3A_82 = arith.constant 1408 : i32
    %dma_wait3A_83 = tpu.memref_slice %arg9[%dma_wait3A_82] : memref<1664xi32, #tpu.memory_space<vmem>> -> memref<128xi32, #tpu.memory_space<vmem>>
    %dma_wait3A_84 = arith.constant 0 : i32
    %dma_wait3A_85 = arith.constant 0 : i32
    %dma_wait3A_86 = tpu.memref_slice %arg3[%dma_wait3A_84, %dma_wait3A_85] : memref<10000x128xf32, #tpu.memory_space<hbm>> -> memref<10000x128xf32, #tpu.memory_space<hbm>>
    tpu.wait_indirect_dma semaphore(%arg14 : memref<!tpu.dma_semaphore, #tpu.memory_space<semaphore_mem>>) src(%dma_wait3A_86 : memref<10000x128xf32, #tpu.memory_space<hbm>>) dst(%arg13 : memref<128x128xf32, #tpu.memory_space<vmem>>)
    %add3A_87 = arith.constant 1408 : i32
    %add3A_88 = arith.addi %mul3A_2, %add3A_87 : i32
    %dma_start3A_89 = arith.constant 0 : i32
    %dma_start3A_90 = tpu.memref_slice %arg7[%add3A_88, %dma_start3A_89] : memref<53248x128xf32, #tpu.memory_space<hbm>> -> memref<128x128xf32, #tpu.memory_space<hbm>>
    %dma_start3A_91 = arith.constant 0 : i32
    %dma_start3A_92 = tpu.memref_slice %arg7[%add3A_88, %dma_start3A_91] : memref<53248x128xf32, #tpu.memory_space<hbm>> -> memref<128x128xf32, #tpu.memory_space<hbm>>
    tpu.enqueue_dma source(%arg13 : memref<128x128xf32, #tpu.memory_space<vmem>>) target(%dma_start3A_92 : memref<128x128xf32, #tpu.memory_space<hbm>>) target_semaphore(%arg15 : memref<!tpu.dma_semaphore, #tpu.memory_space<semaphore_mem>>)
    %add3A_93 = arith.constant 1408 : i32
    %add3A_94 = arith.addi %mul3A_2, %add3A_93 : i32
    %dma_wait3A_95 = arith.constant 0 : i32
    %dma_wait3A_96 = tpu.memref_slice %arg6[%add3A_94, %dma_wait3A_95] : memref<53248x128xf32, #tpu.memory_space<hbm>> -> memref<128x128xf32, #tpu.memory_space<hbm>>
    %dma_wait3A_97 = arith.constant 0 : i32
    %dma_wait3A_98 = tpu.memref_slice %arg6[%add3A_94, %dma_wait3A_97] : memref<53248x128xf32, #tpu.memory_space<hbm>> -> memref<128x128xf32, #tpu.memory_space<hbm>>
    tpu.wait_dma2 semaphore(%arg15 : memref<!tpu.dma_semaphore, #tpu.memory_space<semaphore_mem>>) src(%arg11 : memref<128x128xf32, #tpu.memory_space<vmem>>) dst(%dma_wait3A_98 : memref<128x128xf32, #tpu.memory_space<hbm>>)
    %dma_wait3A_99 = arith.constant 1536 : i32
    %dma_wait3A_100 = tpu.memref_slice %arg8[%dma_wait3A_99] : memref<1664xi32, #tpu.memory_space<vmem>> -> memref<128xi32, #tpu.memory_space<vmem>>
    %dma_wait3A_101 = arith.constant 0 : i32
    %dma_wait3A_102 = arith.constant 0 : i32
    %dma_wait3A_103 = tpu.memref_slice %arg2[%dma_wait3A_101, %dma_wait3A_102] : memref<10000x128xf32, #tpu.memory_space<hbm>> -> memref<10000x128xf32, #tpu.memory_space<hbm>>
    tpu.wait_indirect_dma semaphore(%arg14 : memref<!tpu.dma_semaphore, #tpu.memory_space<semaphore_mem>>) src(%dma_wait3A_103 : memref<10000x128xf32, #tpu.memory_space<hbm>>) dst(%arg10 : memref<128x128xf32, #tpu.memory_space<vmem>>)
    %add3A_104 = arith.constant 1536 : i32
    %add3A_105 = arith.addi %mul3A_2, %add3A_104 : i32
    %dma_start3A_106 = arith.constant 0 : i32
    %dma_start3A_107 = tpu.memref_slice %arg6[%add3A_105, %dma_start3A_106] : memref<53248x128xf32, #tpu.memory_space<hbm>> -> memref<128x128xf32, #tpu.memory_space<hbm>>
    %dma_start3A_108 = arith.constant 0 : i32
    %dma_start3A_109 = tpu.memref_slice %arg6[%add3A_105, %dma_start3A_108] : memref<53248x128xf32, #tpu.memory_space<hbm>> -> memref<128x128xf32, #tpu.memory_space<hbm>>
    tpu.enqueue_dma source(%arg10 : memref<128x128xf32, #tpu.memory_space<vmem>>) target(%dma_start3A_109 : memref<128x128xf32, #tpu.memory_space<hbm>>) target_semaphore(%arg15 : memref<!tpu.dma_semaphore, #tpu.memory_space<semaphore_mem>>)
    %add3A_110 = arith.constant 1408 : i32
    %add3A_111 = arith.addi %mul3A_2, %add3A_110 : i32
    %dma_wait3A_112 = arith.constant 0 : i32
    %dma_wait3A_113 = tpu.memref_slice %arg7[%add3A_111, %dma_wait3A_112] : memref<53248x128xf32, #tpu.memory_space<hbm>> -> memref<128x128xf32, #tpu.memory_space<hbm>>
    %dma_wait3A_114 = arith.constant 0 : i32
    %dma_wait3A_115 = tpu.memref_slice %arg7[%add3A_111, %dma_wait3A_114] : memref<53248x128xf32, #tpu.memory_space<hbm>> -> memref<128x128xf32, #tpu.memory_space<hbm>>
    tpu.wait_dma2 semaphore(%arg15 : memref<!tpu.dma_semaphore, #tpu.memory_space<semaphore_mem>>) src(%arg13 : memref<128x128xf32, #tpu.memory_space<vmem>>) dst(%dma_wait3A_115 : memref<128x128xf32, #tpu.memory_space<hbm>>)
    %dma_wait3A_116 = arith.constant 1536 : i32
    %dma_wait3A_117 = tpu.memref_slice %arg9[%dma_wait3A_116] : memref<1664xi32, #tpu.memory_space<vmem>> -> memref<128xi32, #tpu.memory_space<vmem>>
    %dma_wait3A_118 = arith.constant 0 : i32
    %dma_wait3A_119 = arith.constant 0 : i32
    %dma_wait3A_120 = tpu.memref_slice %arg3[%dma_wait3A_118, %dma_wait3A_119] : memref<10000x128xf32, #tpu.memory_space<hbm>> -> memref<10000x128xf32, #tpu.memory_space<hbm>>
    tpu.wait_indirect_dma semaphore(%arg14 : memref<!tpu.dma_semaphore, #tpu.memory_space<semaphore_mem>>) src(%dma_wait3A_120 : memref<10000x128xf32, #tpu.memory_space<hbm>>) dst(%arg12 : memref<128x128xf32, #tpu.memory_space<vmem>>)
    %add3A_121 = arith.constant 1536 : i32
    %add3A_122 = arith.addi %mul3A_2, %add3A_121 : i32
    %dma_start3A_123 = arith.constant 0 : i32
    %dma_start3A_124 = tpu.memref_slice %arg7[%add3A_122, %dma_start3A_123] : memref<53248x128xf32, #tpu.memory_space<hbm>> -> memref<128x128xf32, #tpu.memory_space<hbm>>
    %dma_start3A_125 = arith.constant 0 : i32
    %dma_start3A_126 = tpu.memref_slice %arg7[%add3A_122, %dma_start3A_125] : memref<53248x128xf32, #tpu.memory_space<hbm>> -> memref<128x128xf32, #tpu.memory_space<hbm>>
    tpu.enqueue_dma source(%arg12 : memref<128x128xf32, #tpu.memory_space<vmem>>) target(%dma_start3A_126 : memref<128x128xf32, #tpu.memory_space<hbm>>) target_semaphore(%arg15 : memref<!tpu.dma_semaphore, #tpu.memory_space<semaphore_mem>>)
    %add3A_127 = arith.constant 1536 : i32
    %add3A_128 = arith.addi %mul3A_2, %add3A_127 : i32
    %dma_wait3A_129 = arith.constant 0 : i32
    %dma_wait3A_130 = tpu.memref_slice %arg6[%add3A_128, %dma_wait3A_129] : memref<53248x128xf32, #tpu.memory_space<hbm>> -> memref<128x128xf32, #tpu.memory_space<hbm>>
    %dma_wait3A_131 = arith.constant 0 : i32
    %dma_wait3A_132 = tpu.memref_slice %arg6[%add3A_128, %dma_wait3A_131] : memref<53248x128xf32, #tpu.memory_space<hbm>> -> memref<128x128xf32, #tpu.memory_space<hbm>>
    tpu.wait_dma2 semaphore(%arg15 : memref<!tpu.dma_semaphore, #tpu.memory_space<semaphore_mem>>) src(%arg10 : memref<128x128xf32, #tpu.memory_space<vmem>>) dst(%dma_wait3A_132 : memref<128x128xf32, #tpu.memory_space<hbm>>)
    %add3A_133 = arith.constant 1536 : i32
    %add3A_134 = arith.addi %mul3A_2, %add3A_133 : i32
    %dma_wait3A_135 = arith.constant 0 : i32
    %dma_wait3A_136 = tpu.memref_slice %arg7[%add3A_134, %dma_wait3A_135] : memref<53248x128xf32, #tpu.memory_space<hbm>> -> memref<128x128xf32, #tpu.memory_space<hbm>>
    %dma_wait3A_137 = arith.constant 0 : i32
    %dma_wait3A_138 = tpu.memref_slice %arg7[%add3A_134, %dma_wait3A_137] : memref<53248x128xf32, #tpu.memory_space<hbm>> -> memref<128x128xf32, #tpu.memory_space<hbm>>
    tpu.wait_dma2 semaphore(%arg15 : memref<!tpu.dma_semaphore, #tpu.memory_space<semaphore_mem>>) src(%arg12 : memref<128x128xf32, #tpu.memory_space<vmem>>) dst(%dma_wait3A_138 : memref<128x128xf32, #tpu.memory_space<hbm>>)
    return
  }
}

module attributes {stable_mosaic.version = 14 : i64} {
  func.func @body(%arg0: i32, %arg1: memref<1024x128xf32, #tpu.memory_space<vmem>>, %arg2: memref<128x256xf32, #tpu.memory_space<vmem>>, %arg3: memref<1x256xf32, #tpu.memory_space<vmem>>, %arg4: memref<256x128xf32, #tpu.memory_space<vmem>>, %arg5: memref<1x128xf32, #tpu.memory_space<vmem>>, %arg6: memref<128x128xf32, #tpu.memory_space<vmem>>, %arg7: memref<1024x128xf32, #tpu.memory_space<vmem>>) attributes {dimension_semantics = [#tpu.dimension_semantics<arbitrary>], iteration_bounds = array<i64: 10>, scalar_prefetch = 0 : i64, scratch_operands = 0 : i64, tpu.core_type = #tpu.core_type<tc>, window_params = [{transform_indices = @transform_0, window_bounds = array<i64: 1024, 128>}, {pipeline_mode = #tpu.pipeline_mode<synchronous>, transform_indices = @transform_1, window_bounds = array<i64: 128, 256>}, {pipeline_mode = #tpu.pipeline_mode<synchronous>, transform_indices = @transform_2, window_bounds = array<i64: 1, 256>}, {pipeline_mode = #tpu.pipeline_mode<synchronous>, transform_indices = @transform_3, window_bounds = array<i64: 256, 128>}, {pipeline_mode = #tpu.pipeline_mode<synchronous>, transform_indices = @transform_4, window_bounds = array<i64: 1, 128>}, {pipeline_mode = #tpu.pipeline_mode<synchronous>, transform_indices = @transform_5, window_bounds = array<i64: 128, 128>}, {transform_indices = @transform_6, window_bounds = array<i64: 1024, 128>}]} {
    %get3A = arith.constant 0 : index
    %get3A_0 = arith.constant 0 : index
    %get3A_1 = vector.load %arg1[%get3A, %get3A_0] : memref<1024x128xf32, #tpu.memory_space<vmem>>, vector<1024x128xf32>
    %get3A_2 = arith.constant 0 : index
    %get3A_3 = arith.constant 0 : index
    %get3A_4 = vector.load %arg2[%get3A_2, %get3A_3] : memref<128x256xf32, #tpu.memory_space<vmem>>, vector<128x256xf32>
    %dot_general3A = arith.constant dense<0.000000e+00> : vector<1024x256xf32>
    %dot_general3A_5 = tpu.matmul %get3A_1, %get3A_4, %dot_general3A {dimension_numbers = #tpu.dot_dimension_numbers<[1], [0], [0], [1], [0, 0, 1, 1], [], []>, transpose_lhs_hint = false} : vector<1024x128xf32>, vector<128x256xf32>, vector<1024x256xf32> -> vector<1024x256xf32>
    %get3A_6 = arith.constant 0 : index
    %get3A_7 = arith.constant 0 : index
    %get3A_8 = vector.load %arg3[%get3A_6, %get3A_7] : memref<1x256xf32, #tpu.memory_space<vmem>>, vector<1x256xf32>
    %add3A = vector.broadcast %get3A_8 : vector<1x256xf32> to vector<1024x256xf32>
    %add3A_9 = arith.addf %dot_general3A_5, %add3A : vector<1024x256xf32>
    %mul3A = arith.constant 0.00999999977 : f32
    %mul3A_10 = vector.broadcast %mul3A : f32 to vector<1024x256xf32>
    %mul3A_11 = arith.mulf %mul3A_10, %add3A_9 : vector<1024x256xf32>
    %max3A = arith.maximumf %add3A_9, %mul3A_11 : vector<1024x256xf32>
    %get3A_12 = arith.constant 0 : index
    %get3A_13 = arith.constant 0 : index
    %get3A_14 = vector.load %arg4[%get3A_12, %get3A_13] : memref<256x128xf32, #tpu.memory_space<vmem>>, vector<256x128xf32>
    %dot_general3A_15 = arith.constant dense<0.000000e+00> : vector<1024x128xf32>
    %dot_general3A_16 = tpu.matmul %max3A, %get3A_14, %dot_general3A_15 {dimension_numbers = #tpu.dot_dimension_numbers<[1], [0], [0], [1], [0, 0, 1, 1], [], []>, transpose_lhs_hint = false} : vector<1024x256xf32>, vector<256x128xf32>, vector<1024x128xf32> -> vector<1024x128xf32>
    %get3A_17 = arith.constant 0 : index
    %get3A_18 = arith.constant 0 : index
    %get3A_19 = vector.load %arg5[%get3A_17, %get3A_18] : memref<1x128xf32, #tpu.memory_space<vmem>>, vector<1x128xf32>
    %add3A_20 = vector.broadcast %get3A_19 : vector<1x128xf32> to vector<1024x128xf32>
    %add3A_21 = arith.addf %dot_general3A_16, %add3A_20 : vector<1024x128xf32>
    %mul3A_22 = arith.constant 0.00999999977 : f32
    %mul3A_23 = vector.broadcast %mul3A_22 : f32 to vector<1024x128xf32>
    %mul3A_24 = arith.mulf %mul3A_23, %add3A_21 : vector<1024x128xf32>
    %max3A_25 = arith.maximumf %add3A_21, %mul3A_24 : vector<1024x128xf32>
    %get3A_26 = arith.constant 0 : index
    %get3A_27 = arith.constant 0 : index
    %get3A_28 = vector.load %arg6[%get3A_26, %get3A_27] : memref<128x128xf32, #tpu.memory_space<vmem>>, vector<128x128xf32>
    %dot_general3A_29 = arith.constant dense<0.000000e+00> : vector<1024x128xf32>
    %dot_general3A_30 = tpu.matmul %max3A_25, %get3A_28, %dot_general3A_29 {dimension_numbers = #tpu.dot_dimension_numbers<[1], [0], [0], [1], [0, 0, 1, 1], [], []>, transpose_lhs_hint = false} : vector<1024x128xf32>, vector<128x128xf32>, vector<1024x128xf32> -> vector<1024x128xf32>
    %swap3A = arith.constant 0 : index
    %swap3A_31 = arith.constant 0 : index
    %swap3A_32 = vector.load %arg7[%swap3A, %swap3A_31] : memref<1024x128xf32, #tpu.memory_space<vmem>>, vector<1024x128xf32>
    tpu.vector_store %arg7[%swap3A, %swap3A_31], %dot_general3A_30 {strides = array<i32>} : memref<1024x128xf32, #tpu.memory_space<vmem>>, vector<1024x128xf32>,
    return
  }
  func.func @transform_0(%arg0: i32) -> (i32, i32) {
    %c0_i32 = arith.constant 0 : i32
    %c0_i32_0 = arith.constant 0 : i32
    return %arg0, %c0_i32 : i32, i32
  }
  func.func @transform_1(%arg0: i32) -> (i32, i32) {
    %c0_i32 = arith.constant 0 : i32
    %c0_i32_0 = arith.constant 0 : i32
    %c0_i32_1 = arith.constant 0 : i32
    return %c0_i32, %c0_i32_0 : i32, i32
  }
  func.func @transform_2(%arg0: i32) -> (i32, i32) {
    %c0_i32 = arith.constant 0 : i32
    %c0_i32_0 = arith.constant 0 : i32
    %c0_i32_1 = arith.constant 0 : i32
    return %c0_i32, %c0_i32_0 : i32, i32
  }
  func.func @transform_3(%arg0: i32) -> (i32, i32) {
    %c0_i32 = arith.constant 0 : i32
    %c0_i32_0 = arith.constant 0 : i32
    %c0_i32_1 = arith.constant 0 : i32
    return %c0_i32, %c0_i32_0 : i32, i32
  }
  func.func @transform_4(%arg0: i32) -> (i32, i32) {
    %c0_i32 = arith.constant 0 : i32
    %c0_i32_0 = arith.constant 0 : i32
    %c0_i32_1 = arith.constant 0 : i32
    return %c0_i32, %c0_i32_0 : i32, i32
  }
  func.func @transform_5(%arg0: i32) -> (i32, i32) {
    %c0_i32 = arith.constant 0 : i32
    %c0_i32_0 = arith.constant 0 : i32
    %c0_i32_1 = arith.constant 0 : i32
    return %c0_i32, %c0_i32_0 : i32, i32
  }
  func.func @transform_6(%arg0: i32) -> (i32, i32) {
    %c0_i32 = arith.constant 0 : i32
    %c0_i32_0 = arith.constant 0 : i32
    return %arg0, %c0_i32 : i32, i32
  }
}

module attributes {stable_mosaic.version = 14 : i64} {
  func.func @body(%arg0: i32, %arg1: memref<1024x128xf32, #tpu.memory_space<vmem>>, %arg2: memref<2x1024x16xf32, #tpu.memory_space<vmem>>, %arg3: memref<1024x128xf32, #tpu.memory_space<vmem>>) attributes {dimension_semantics = [#tpu.dimension_semantics<arbitrary>], iteration_bounds = array<i64: 10>, scalar_prefetch = 0 : i64, scratch_operands = 0 : i64, tpu.core_type = #tpu.core_type<tc>, window_params = [{transform_indices = @transform_0, window_bounds = array<i64: 1024, 128>}, {transform_indices = @transform_1, window_bounds = array<i64: 2, 1024, 16>}, {transform_indices = @transform_2, window_bounds = array<i64: 1024, 128>}]} {
    %get3A = arith.constant 0 : index
    %get3A_0 = arith.constant 0 : index
    %get3A_1 = vector.load %arg1[%get3A, %get3A_0] : memref<1024x128xf32, #tpu.memory_space<vmem>>, vector<1024x128xf32>
    %get3A_2 = arith.constant 0 : index
    %get3A_3 = arith.constant 0 : index
    %get3A_4 = arith.constant 0 : index
    %get3A_5 = vector.load %arg2[%get3A_2, %get3A_3, %get3A_4] : memref<2x1024x16xf32, #tpu.memory_space<vmem>>, vector<2x1024x16xf32>
    %slice3A = vector.extract_strided_slice %get3A_5 {offsets = [0, 0, 0], sizes = [1, 1024, 1], strides = [1, 1, 1]} : vector<2x1024x16xf32> to vector<1x1024x1xf32>
    %squeeze3A = vector.shape_cast %slice3A : vector<1x1024x1xf32> to vector<1024x1xf32>
    %slice3A_6 = vector.extract_strided_slice %get3A_5 {offsets = [1, 0, 0], sizes = [1, 1024, 1], strides = [1, 1, 1]} : vector<2x1024x16xf32> to vector<1x1024x1xf32>
    %squeeze3A_7 = vector.shape_cast %slice3A_6 : vector<1x1024x1xf32> to vector<1024x1xf32>
    %add3A = arith.addf %squeeze3A, %squeeze3A_7 : vector<1024x1xf32>
    %add3A_8 = arith.constant 1.000000e+00 : f32
    %add3A_9 = vector.broadcast %add3A_8 : f32 to vector<1024x1xf32>
    %add3A_10 = arith.addf %add3A, %add3A_9 : vector<1024x1xf32>
    %rsqrt3A = math.rsqrt %add3A_10 : vector<1024x1xf32>
    %mul3A = vector.broadcast %rsqrt3A : vector<1024x1xf32> to vector<1024x128xf32>
    %mul3A_11 = arith.mulf %get3A_1, %mul3A : vector<1024x128xf32>
    %swap3A = arith.constant 0 : index
    %swap3A_12 = arith.constant 0 : index
    %swap3A_13 = vector.load %arg3[%swap3A, %swap3A_12] : memref<1024x128xf32, #tpu.memory_space<vmem>>, vector<1024x128xf32>
    tpu.vector_store %arg3[%swap3A, %swap3A_12], %mul3A_11 {strides = array<i32>} : memref<1024x128xf32, #tpu.memory_space<vmem>>, vector<1024x128xf32>,
    return
  }
  func.func @transform_0(%arg0: i32) -> (i32, i32) {
    %c0_i32 = arith.constant 0 : i32
    %c0_i32_0 = arith.constant 0 : i32
    return %arg0, %c0_i32 : i32, i32
  }
  func.func @transform_1(%arg0: i32) -> (i32, i32, i32) {
    %c0_i32 = arith.constant 0 : i32
    %c0_i32_0 = arith.constant 0 : i32
    %c0_i32_1 = arith.constant 0 : i32
    return %c0_i32, %arg0, %c0_i32_0 : i32, i32, i32
  }
  func.func @transform_2(%arg0: i32) -> (i32, i32) {
    %c0_i32 = arith.constant 0 : i32
    %c0_i32_0 = arith.constant 0 : i32
    return %arg0, %c0_i32 : i32, i32
  }
}

module attributes {stable_mosaic.version = 14 : i64} {
  func.func @body(%arg0: i32, %arg1: memref<2x1024x128xf32, #tpu.memory_space<vmem>>, %arg2: memref<1024x128xf32, #tpu.memory_space<vmem>>, %arg3: memref<2x1024x16xf32, #tpu.memory_space<vmem>>, %arg4: memref<1x128xf32, #tpu.memory_space<vmem>>, %arg5: memref<128x128xf32, #tpu.memory_space<vmem>>, %arg6: memref<1024x128xf32, #tpu.memory_space<vmem>>, %arg7: memref<1024x128xf32, #tpu.memory_space<vmem>>) attributes {dimension_semantics = [#tpu.dimension_semantics<arbitrary>], iteration_bounds = array<i64: 10>, scalar_prefetch = 0 : i64, scratch_operands = 0 : i64, tpu.core_type = #tpu.core_type<tc>, window_params = [{transform_indices = @transform_0, window_bounds = array<i64: 2, 1024, 128>}, {transform_indices = @transform_1, window_bounds = array<i64: 1024, 128>}, {transform_indices = @transform_2, window_bounds = array<i64: 2, 1024, 16>}, {pipeline_mode = #tpu.pipeline_mode<synchronous>, transform_indices = @transform_3, window_bounds = array<i64: 1, 128>}, {pipeline_mode = #tpu.pipeline_mode<synchronous>, transform_indices = @transform_4, window_bounds = array<i64: 128, 128>}, {transform_indices = @transform_5, window_bounds = array<i64: 1024, 128>}, {transform_indices = @transform_6, window_bounds = array<i64: 1024, 128>}]} {
    %get3A = arith.constant 0 : index
    %get3A_0 = arith.constant 0 : index
    %get3A_1 = arith.constant 0 : index
    %get3A_2 = vector.load %arg1[%get3A, %get3A_0, %get3A_1] : memref<2x1024x128xf32, #tpu.memory_space<vmem>>, vector<2x1024x128xf32>
    %get3A_3 = arith.constant 0 : index
    %get3A_4 = arith.constant 0 : index
    %get3A_5 = arith.constant 0 : index
    %get3A_6 = vector.load %arg3[%get3A_3, %get3A_4, %get3A_5] : memref<2x1024x16xf32, #tpu.memory_space<vmem>>, vector<2x1024x16xf32>
    %slice3A = vector.extract_strided_slice %get3A_6 {offsets = [0, 0, 0], sizes = [1, 1024, 1], strides = [1, 1, 1]} : vector<2x1024x16xf32> to vector<1x1024x1xf32>
    %squeeze3A = vector.shape_cast %slice3A : vector<1x1024x1xf32> to vector<1024x1xf32>
    %slice3A_7 = vector.extract_strided_slice %get3A_6 {offsets = [1, 0, 0], sizes = [1, 1024, 1], strides = [1, 1, 1]} : vector<2x1024x16xf32> to vector<1x1024x1xf32>
    %squeeze3A_8 = vector.shape_cast %slice3A_7 : vector<1x1024x1xf32> to vector<1024x1xf32>
    %add3A = arith.addf %squeeze3A, %squeeze3A_8 : vector<1024x1xf32>
    %add3A_9 = arith.constant 1.000000e+00 : f32
    %add3A_10 = vector.broadcast %add3A_9 : f32 to vector<1024x1xf32>
    %add3A_11 = arith.addf %add3A, %add3A_10 : vector<1024x1xf32>
    %rsqrt3A = math.rsqrt %add3A_11 : vector<1024x1xf32>
    %slice3A_12 = vector.extract_strided_slice %get3A_2 {offsets = [0, 0, 0], sizes = [1, 1024, 128], strides = [1, 1, 1]} : vector<2x1024x128xf32> to vector<1x1024x128xf32>
    %squeeze3A_13 = vector.shape_cast %slice3A_12 : vector<1x1024x128xf32> to vector<1024x128xf32>
    %slice3A_14 = vector.extract_strided_slice %get3A_2 {offsets = [1, 0, 0], sizes = [1, 1024, 128], strides = [1, 1, 1]} : vector<2x1024x128xf32> to vector<1x1024x128xf32>
    %squeeze3A_15 = vector.shape_cast %slice3A_14 : vector<1x1024x128xf32> to vector<1024x128xf32>
    %add3A_16 = arith.addf %squeeze3A_13, %squeeze3A_15 : vector<1024x128xf32>
    %get3A_17 = arith.constant 0 : index
    %get3A_18 = arith.constant 0 : index
    %get3A_19 = vector.load %arg2[%get3A_17, %get3A_18] : memref<1024x128xf32, #tpu.memory_space<vmem>>, vector<1024x128xf32>
    %add3A_20 = arith.addf %add3A_16, %get3A_19 : vector<1024x128xf32>
    %mul3A = vector.broadcast %rsqrt3A : vector<1024x1xf32> to vector<1024x128xf32>
    %mul3A_21 = arith.mulf %add3A_20, %mul3A : vector<1024x128xf32>
    %get3A_22 = arith.constant 0 : index
    %get3A_23 = arith.constant 0 : index
    %get3A_24 = vector.load %arg4[%get3A_22, %get3A_23] : memref<1x128xf32, #tpu.memory_space<vmem>>, vector<1x128xf32>
    %add3A_25 = vector.broadcast %get3A_24 : vector<1x128xf32> to vector<1024x128xf32>
    %add3A_26 = arith.addf %mul3A_21, %add3A_25 : vector<1024x128xf32>
    %mul3A_27 = arith.constant 0.00999999977 : f32
    %mul3A_28 = vector.broadcast %mul3A_27 : f32 to vector<1024x128xf32>
    %mul3A_29 = arith.mulf %mul3A_28, %add3A_26 : vector<1024x128xf32>
    %max3A = arith.maximumf %add3A_26, %mul3A_29 : vector<1024x128xf32>
    %swap3A = arith.constant 0 : index
    %swap3A_30 = arith.constant 0 : index
    %swap3A_31 = vector.load %arg6[%swap3A, %swap3A_30] : memref<1024x128xf32, #tpu.memory_space<vmem>>, vector<1024x128xf32>
    tpu.vector_store %arg6[%swap3A, %swap3A_30], %max3A {strides = array<i32>} : memref<1024x128xf32, #tpu.memory_space<vmem>>, vector<1024x128xf32>,
    %get3A_32 = arith.constant 0 : index
    %get3A_33 = arith.constant 0 : index
    %get3A_34 = vector.load %arg5[%get3A_32, %get3A_33] : memref<128x128xf32, #tpu.memory_space<vmem>>, vector<128x128xf32>
    %dot_general3A = arith.constant dense<0.000000e+00> : vector<1024x128xf32>
    %dot_general3A_35 = tpu.matmul %max3A, %get3A_34, %dot_general3A {dimension_numbers = #tpu.dot_dimension_numbers<[1], [0], [0], [1], [0, 0, 1, 1], [], []>, transpose_lhs_hint = false} : vector<1024x128xf32>, vector<128x128xf32>, vector<1024x128xf32> -> vector<1024x128xf32>
    %mul3A_36 = vector.broadcast %rsqrt3A : vector<1024x1xf32> to vector<1024x128xf32>
    %mul3A_37 = arith.mulf %dot_general3A_35, %mul3A_36 : vector<1024x128xf32>
    %swap3A_38 = arith.constant 0 : index
    %swap3A_39 = arith.constant 0 : index
    %swap3A_40 = vector.load %arg7[%swap3A_38, %swap3A_39] : memref<1024x128xf32, #tpu.memory_space<vmem>>, vector<1024x128xf32>
    tpu.vector_store %arg7[%swap3A_38, %swap3A_39], %mul3A_37 {strides = array<i32>} : memref<1024x128xf32, #tpu.memory_space<vmem>>, vector<1024x128xf32>,
    return
  }
  func.func @transform_0(%arg0: i32) -> (i32, i32, i32) {
    %c0_i32 = arith.constant 0 : i32
    %c0_i32_0 = arith.constant 0 : i32
    %c0_i32_1 = arith.constant 0 : i32
    return %c0_i32, %arg0, %c0_i32_0 : i32, i32, i32
  }
  func.func @transform_1(%arg0: i32) -> (i32, i32) {
    %c0_i32 = arith.constant 0 : i32
    %c0_i32_0 = arith.constant 0 : i32
    return %arg0, %c0_i32 : i32, i32
  }
  func.func @transform_2(%arg0: i32) -> (i32, i32, i32) {
    %c0_i32 = arith.constant 0 : i32
    %c0_i32_0 = arith.constant 0 : i32
    %c0_i32_1 = arith.constant 0 : i32
    return %c0_i32, %arg0, %c0_i32_0 : i32, i32, i32
  }
  func.func @transform_3(%arg0: i32) -> (i32, i32) {
    %c0_i32 = arith.constant 0 : i32
    %c0_i32_0 = arith.constant 0 : i32
    %c0_i32_1 = arith.constant 0 : i32
    return %c0_i32, %c0_i32_0 : i32, i32
  }
  func.func @transform_4(%arg0: i32) -> (i32, i32) {
    %c0_i32 = arith.constant 0 : i32
    %c0_i32_0 = arith.constant 0 : i32
    %c0_i32_1 = arith.constant 0 : i32
    return %c0_i32, %c0_i32_0 : i32, i32
  }
  func.func @transform_5(%arg0: i32) -> (i32, i32) {
    %c0_i32 = arith.constant 0 : i32
    %c0_i32_0 = arith.constant 0 : i32
    return %arg0, %c0_i32 : i32, i32
  }
  func.func @transform_6(%arg0: i32) -> (i32, i32) {
    %c0_i32 = arith.constant 0 : i32
    %c0_i32_0 = arith.constant 0 : i32
    return %arg0, %c0_i32 : i32, i32
  }
}

module attributes {stable_mosaic.version = 14 : i64} {
  func.func @body(%arg0: i32, %arg1: memref<2x1024x128xf32, #tpu.memory_space<vmem>>, %arg2: memref<1024x128xf32, #tpu.memory_space<vmem>>, %arg3: memref<2x1024x16xf32, #tpu.memory_space<vmem>>, %arg4: memref<1x128xf32, #tpu.memory_space<vmem>>, %arg5: memref<1x128xf32, #tpu.memory_space<vmem>>, %arg6: memref<1024x128xf32, #tpu.memory_space<vmem>>, %arg7: memref<1024x128xf32, #tpu.memory_space<vmem>>) attributes {dimension_semantics = [#tpu.dimension_semantics<arbitrary>], iteration_bounds = array<i64: 10>, scalar_prefetch = 0 : i64, scratch_operands = 0 : i64, tpu.core_type = #tpu.core_type<tc>, window_params = [{transform_indices = @transform_0, window_bounds = array<i64: 2, 1024, 128>}, {transform_indices = @transform_1, window_bounds = array<i64: 1024, 128>}, {transform_indices = @transform_2, window_bounds = array<i64: 2, 1024, 16>}, {pipeline_mode = #tpu.pipeline_mode<synchronous>, transform_indices = @transform_3, window_bounds = array<i64: 1, 128>}, {pipeline_mode = #tpu.pipeline_mode<synchronous>, transform_indices = @transform_4, window_bounds = array<i64: 1, 128>}, {transform_indices = @transform_5, window_bounds = array<i64: 1024, 128>}, {transform_indices = @transform_6, window_bounds = array<i64: 1024, 128>}]} {
    %get3A = arith.constant 0 : index
    %get3A_0 = arith.constant 0 : index
    %get3A_1 = arith.constant 0 : index
    %get3A_2 = vector.load %arg1[%get3A, %get3A_0, %get3A_1] : memref<2x1024x128xf32, #tpu.memory_space<vmem>>, vector<2x1024x128xf32>
    %get3A_3 = arith.constant 0 : index
    %get3A_4 = arith.constant 0 : index
    %get3A_5 = arith.constant 0 : index
    %get3A_6 = vector.load %arg3[%get3A_3, %get3A_4, %get3A_5] : memref<2x1024x16xf32, #tpu.memory_space<vmem>>, vector<2x1024x16xf32>
    %slice3A = vector.extract_strided_slice %get3A_6 {offsets = [0, 0, 0], sizes = [1, 1024, 1], strides = [1, 1, 1]} : vector<2x1024x16xf32> to vector<1x1024x1xf32>
    %squeeze3A = vector.shape_cast %slice3A : vector<1x1024x1xf32> to vector<1024x1xf32>
    %slice3A_7 = vector.extract_strided_slice %get3A_6 {offsets = [1, 0, 0], sizes = [1, 1024, 1], strides = [1, 1, 1]} : vector<2x1024x16xf32> to vector<1x1024x1xf32>
    %squeeze3A_8 = vector.shape_cast %slice3A_7 : vector<1x1024x1xf32> to vector<1024x1xf32>
    %add3A = arith.addf %squeeze3A, %squeeze3A_8 : vector<1024x1xf32>
    %add3A_9 = arith.constant 1.000000e+00 : f32
    %add3A_10 = vector.broadcast %add3A_9 : f32 to vector<1024x1xf32>
    %add3A_11 = arith.addf %add3A, %add3A_10 : vector<1024x1xf32>
    %rsqrt3A = math.rsqrt %add3A_11 : vector<1024x1xf32>
    %slice3A_12 = vector.extract_strided_slice %get3A_2 {offsets = [0, 0, 0], sizes = [1, 1024, 128], strides = [1, 1, 1]} : vector<2x1024x128xf32> to vector<1x1024x128xf32>
    %squeeze3A_13 = vector.shape_cast %slice3A_12 : vector<1x1024x128xf32> to vector<1024x128xf32>
    %slice3A_14 = vector.extract_strided_slice %get3A_2 {offsets = [1, 0, 0], sizes = [1, 1024, 128], strides = [1, 1, 1]} : vector<2x1024x128xf32> to vector<1x1024x128xf32>
    %squeeze3A_15 = vector.shape_cast %slice3A_14 : vector<1x1024x128xf32> to vector<1024x128xf32>
    %add3A_16 = arith.addf %squeeze3A_13, %squeeze3A_15 : vector<1024x128xf32>
    %get3A_17 = arith.constant 0 : index
    %get3A_18 = arith.constant 0 : index
    %get3A_19 = vector.load %arg2[%get3A_17, %get3A_18] : memref<1024x128xf32, #tpu.memory_space<vmem>>, vector<1024x128xf32>
    %add3A_20 = arith.addf %add3A_16, %get3A_19 : vector<1024x128xf32>
    %mul3A = vector.broadcast %rsqrt3A : vector<1024x1xf32> to vector<1024x128xf32>
    %mul3A_21 = arith.mulf %add3A_20, %mul3A : vector<1024x128xf32>
    %get3A_22 = arith.constant 0 : index
    %get3A_23 = arith.constant 0 : index
    %get3A_24 = vector.load %arg4[%get3A_22, %get3A_23] : memref<1x128xf32, #tpu.memory_space<vmem>>, vector<1x128xf32>
    %add3A_25 = vector.broadcast %get3A_24 : vector<1x128xf32> to vector<1024x128xf32>
    %add3A_26 = arith.addf %mul3A_21, %add3A_25 : vector<1024x128xf32>
    %mul3A_27 = arith.constant 0.00999999977 : f32
    %mul3A_28 = vector.broadcast %mul3A_27 : f32 to vector<1024x128xf32>
    %mul3A_29 = arith.mulf %mul3A_28, %add3A_26 : vector<1024x128xf32>
    %max3A = arith.maximumf %add3A_26, %mul3A_29 : vector<1024x128xf32>
    %swap3A = arith.constant 0 : index
    %swap3A_30 = arith.constant 0 : index
    %swap3A_31 = vector.load %arg6[%swap3A, %swap3A_30] : memref<1024x128xf32, #tpu.memory_space<vmem>>, vector<1024x128xf32>
    tpu.vector_store %arg6[%swap3A, %swap3A_30], %max3A {strides = array<i32>} : memref<1024x128xf32, #tpu.memory_space<vmem>>, vector<1024x128xf32>,
    %get3A_32 = arith.constant 0 : index
    %get3A_33 = arith.constant 0 : index
    %get3A_34 = vector.load %arg5[%get3A_32, %get3A_33] : memref<1x128xf32, #tpu.memory_space<vmem>>, vector<1x128xf32>
    %mul3A_35 = vector.broadcast %get3A_34 : vector<1x128xf32> to vector<1024x128xf32>
    %mul3A_36 = arith.mulf %max3A, %mul3A_35 : vector<1024x128xf32>
    %swap3A_37 = arith.constant 0 : index
    %swap3A_38 = arith.constant 0 : index
    %swap3A_39 = vector.load %arg7[%swap3A_37, %swap3A_38] : memref<1024x128xf32, #tpu.memory_space<vmem>>, vector<1024x128xf32>
    tpu.vector_store %arg7[%swap3A_37, %swap3A_38], %mul3A_36 {strides = array<i32>} : memref<1024x128xf32, #tpu.memory_space<vmem>>, vector<1024x128xf32>,
    return
  }
  func.func @transform_0(%arg0: i32) -> (i32, i32, i32) {
    %c0_i32 = arith.constant 0 : i32
    %c0_i32_0 = arith.constant 0 : i32
    %c0_i32_1 = arith.constant 0 : i32
    return %c0_i32, %arg0, %c0_i32_0 : i32, i32, i32
  }
  func.func @transform_1(%arg0: i32) -> (i32, i32) {
    %c0_i32 = arith.constant 0 : i32
    %c0_i32_0 = arith.constant 0 : i32
    return %arg0, %c0_i32 : i32, i32
  }
  func.func @transform_2(%arg0: i32) -> (i32, i32, i32) {
    %c0_i32 = arith.constant 0 : i32
    %c0_i32_0 = arith.constant 0 : i32
    %c0_i32_1 = arith.constant 0 : i32
    return %c0_i32, %arg0, %c0_i32_0 : i32, i32, i32
  }
  func.func @transform_3(%arg0: i32) -> (i32, i32) {
    %c0_i32 = arith.constant 0 : i32
    %c0_i32_0 = arith.constant 0 : i32
    %c0_i32_1 = arith.constant 0 : i32
    return %c0_i32, %c0_i32_0 : i32, i32
  }
  func.func @transform_4(%arg0: i32) -> (i32, i32) {
    %c0_i32 = arith.constant 0 : i32
    %c0_i32_0 = arith.constant 0 : i32
    %c0_i32_1 = arith.constant 0 : i32
    return %c0_i32, %c0_i32_0 : i32, i32
  }
  func.func @transform_5(%arg0: i32) -> (i32, i32) {
    %c0_i32 = arith.constant 0 : i32
    %c0_i32_0 = arith.constant 0 : i32
    return %arg0, %c0_i32 : i32, i32
  }
  func.func @transform_6(%arg0: i32) -> (i32, i32) {
    %c0_i32 = arith.constant 0 : i32
    %c0_i32_0 = arith.constant 0 : i32
    return %arg0, %c0_i32 : i32, i32
  }
}

module attributes {stable_mosaic.version = 14 : i64} {
  func.func @body(%arg0: i32, %arg1: memref<2048x128xf32, #tpu.memory_space<vmem>>, %arg2: memref<2048x128xf32, #tpu.memory_space<vmem>>, %arg3: memref<1x1xf32, #tpu.memory_space<vmem>>, %arg4: memref<2048xf32, #tpu.memory_space<vmem>>) attributes {dimension_semantics = [#tpu.dimension_semantics<arbitrary>], iteration_bounds = array<i64: 25>, scalar_prefetch = 0 : i64, scratch_operands = 0 : i64, tpu.core_type = #tpu.core_type<tc>, window_params = [{transform_indices = @transform_0, window_bounds = array<i64: 2048, 128>}, {transform_indices = @transform_1, window_bounds = array<i64: 2048, 128>}, {pipeline_mode = #tpu.pipeline_mode<synchronous>, transform_indices = @transform_2, window_bounds = array<i64: 1, 1>}, {transform_indices = @transform_3, window_bounds = array<i64: 2048>}]} {
    %get3A = arith.constant 0 : index
    %get3A_0 = arith.constant 0 : index
    %get3A_1 = vector.load %arg1[%get3A, %get3A_0] : memref<2048x128xf32, #tpu.memory_space<vmem>>, vector<2048x128xf32>
    %get3A_2 = arith.constant 0 : index
    %get3A_3 = arith.constant 0 : index
    %get3A_4 = vector.load %arg2[%get3A_2, %get3A_3] : memref<2048x128xf32, #tpu.memory_space<vmem>>, vector<2048x128xf32>
    %mul3A = arith.mulf %get3A_1, %get3A_4 : vector<2048x128xf32>
    %reduce_sum3A = arith.constant dense<0.000000e+00> : vector<2048xf32>
    %reduce_sum3A_5 = vector.multi_reduction <add>, %mul3A, %reduce_sum3A [1] : vector<2048x128xf32> to vector<2048xf32>
    %get3A_6 = arith.constant 0 : index
    %get3A_7 = arith.constant 0 : index
    %get3A_8 = vector.load %arg3[%get3A_6, %get3A_7] : memref<1x1xf32, #tpu.memory_space<vmem>>, vector<1x1xf32>
    %get3A_9 = vector.extract %get3A_8[0, 0] : f32 from vector<1x1xf32>
    %add3A = vector.broadcast %get3A_9 : f32 to vector<2048xf32>
    %add3A_10 = arith.addf %reduce_sum3A_5, %add3A : vector<2048xf32>
    %swap3A = arith.constant 0 : index
    %swap3A_11 = vector.load %arg4[%swap3A] : memref<2048xf32, #tpu.memory_space<vmem>>, vector<2048xf32>
    tpu.vector_store %arg4[%swap3A], %add3A_10 {strides = array<i32>} : memref<2048xf32, #tpu.memory_space<vmem>>, vector<2048xf32>,
    return
  }
  func.func @transform_0(%arg0: i32) -> (i32, i32) {
    %c0_i32 = arith.constant 0 : i32
    %c0_i32_0 = arith.constant 0 : i32
    return %arg0, %c0_i32 : i32, i32
  }
  func.func @transform_1(%arg0: i32) -> (i32, i32) {
    %c0_i32 = arith.constant 0 : i32
    %c0_i32_0 = arith.constant 0 : i32
    return %arg0, %c0_i32 : i32, i32
  }
  func.func @transform_2(%arg0: i32) -> (i32, i32) {
    %c0_i32 = arith.constant 0 : i32
    %c0_i32_0 = arith.constant 0 : i32
    %c0_i32_1 = arith.constant 0 : i32
    return %c0_i32, %c0_i32_0 : i32, i32
  }
  func.func @transform_3(%arg0: i32) -> i32 {
    %c0_i32 = arith.constant 0 : i32
    return %arg0 : i32
  }
}

</mosaic_0001>

<sc_bundles>
// kernel: kernel.13.cloned.1.call-start
scs
__scs_entry_jumppad:
0x0: {  	(pc) =	sbr.rel $0x88, $3  }
0x1: {  	(tag) =	ssettag $0x0;
	lr =	simm.s32 $0x1  }
0x2: {  	[smem:$0x3F94] =	sst lr;
	_ =	strace $0xD0000000  }
0x3: {  	_ = 	snop  }
0x4: {  	_ = 	snop  }
0x5: {  	_ = 	snop  }
0x6: {  	_ = 	snop  }
0x7: {  	_ = 	snop  }
__scs_overlays_trampoline_lowered:
0x8: {  	[smem:$0x3FA3] =	sst s0  }
0x9: {  	[smem:$0x3FA4] =	sst s1  }
0xa: {  	[smem:$0x3FA5] =	sst s2  }
0xb: {  	[smem:$0x3FA6] =	sst s3  }
0xc: {  	[smem:$0x3FA7] =	sst s4  }
0xd: {  	[smem:$0x3FA8] =	sst s5  }
0xe: {  	[smem:$0x3FA9] =	sst s6  }
0xf: {  	[smem:$0x3FAA] =	sst s7  }
0x10: {  	[smem:$0x3FAB] =	sst s8  }
0x11: {  	[smem:$0x3FAC] =	sst s9;
	s0 =	simm.s32 @!p0 $0x0  }
0x12: {  	s1 =	sld [smem:$0x3F92];
	s0 =	simm.s32 @p0 $0x1  }
0x13: {  	[smem:$0x3FAD] =	sst s0;
	s0 =	simm.s32 @!p1 $0x0  }
0x14: {  	s2 =	sld [smem:$0x3F91];
	s0 =	simm.s32 @p1 $0x1  }
0x15: {  	[smem:$0x3FAE] =	sst s0;
	s0 =	simm.s32 @!p2 $0x0  }
0x16: {  	s3 =	sld [smem:$0x3FDB];
	s0 =	simm.s32 @p2 $0x1  }
0x17: {  	s4 =	simm.s32 $0x1BF5;
	[smem:$0x3FB0] =	sst s0  }
0x18: {  	s0 =	sld [smem:$0x3F93];
	_ =	swait.ge [sflag:s4], $0x0  }
0x19: {  	s7 =	sld [smem:$0x3F94]  }
0x1a: {  	s8 =	sadd.s32 $0xFFFFE003, lr  }
0x1b: {  	s9 =	sadd.s32 $0xFFFFFEF7, lr;
	s5 =	simm.s32 $0xFFFFFFFF;
	p2 =	slt.u32 s8, $0xFFFFF086  }
0x1c: {  	p1 =	slt.u32 s9, $0xF7A;
	s5 =	simm.s32 @!p2 $0x0  }
0x1d: {  	s5 =	simm.s32 @p1 $0x1;
	p0 =	seq.s32 s7, s2  }
0x1e: {  	s7 =	smul.u32 @!p0 $0xF7A, s2;
	p2 =	seq.s32 @!p0 s5, $0x0  }
0x1f: {  	s9 =	smul.u32 $0xF7A, s1;
	s8 =	simm.s32 @!p0 $0x1BF5;
	p2 =	por !p2, p0  }
0x20: {  	[sflag:s8] =	ssyncset.s32 @!p0 $0xFFFFF086;
	s6 =	sadd.s32 @!p0 s3, s7;
	s7 =	simm.s32 @!p0 $0x108  }
0x21: {  	s3 =	sadd.s32 s3, s9;
	s6 =	sadd.s32 @!p0 $0x88, s6;
	s7 =	simm.s32 @p2 $0x1082  }
0x22: {  	[simem:s7], [sflag:s8] =	dma.local @!p0 [hbm:s6], $0xF7A  }
0x23: {  	s9 =	sor.u32 $0xD0000000, s2;
	s6 =	simm.s32 $0x108;
	_ =	swait.ge @!p0 [sflag:s8], $0x0  }
0x24: {  	s3 =	sadd.s32 $0x88, s3;
	s6 =	simm.s32 @!p1 $0x1082;
	[sflag:s4] =	ssyncset.s32 $0xFFFFF086  }
0x25: {  	[simem:s6], [sflag:s4] =	dma.local [hbm:s3], $0xF7A  }
0x26: {  	[smem:$0x3F94] =	sst s1;
	(tag) =	ssettag s2;
	_ =	strace s9  }
0x27: {  	s1 =	sld [smem:$0x3FA4]  }
0x28: {  	s2 =	sld [smem:$0x3FA5]  }
0x29: {  	s4 =	sld [smem:$0x3FA7]  }
0x2a: {  	p0 =	seq.s32 s5, $0x0;
	s5 =	sld [smem:$0x3FA8]  }
0x2b: {  	s6 =	sld [smem:$0x3FA9]  }
0x2c: {  	s7 =	sld [smem:$0x3FAA]  }
0x2d: {  	s3 =	simm.s32 $0x108;
	s8 =	sld [smem:$0x3FAB]  }
0x2e: {  	s3 =	simm.s32 @!p0 $0x1082;
	s9 =	sld [smem:$0x3FAC]  }
0x2f: {  	lr =	sadd.s32 s0, s3;
	s0 =	sld [smem:$0x3FA3]  }
0x30: {  	s3 =	sld [smem:$0x3FA6]  }
0x31: {  	[smem:$0x3FAF] =	sst s10  }
0x32: {  	s10 =	sld [smem:$0x3FAD];
	_ =	sdelay $0x3  }
0x33: {  	p0 =	seq.s32 s10, $0x1;
	s10 =	sld [smem:$0x3FAF];
	_ =	sdelay $0x3  }
0x34: {  	[smem:$0x3FAF] =	sst s10  }
0x35: {  	s10 =	sld [smem:$0x3FAE];
	_ =	sdelay $0x3  }
0x36: {  	p1 =	seq.s32 s10, $0x1;
	s10 =	sld [smem:$0x3FAF];
	_ =	sdelay $0x3  }
0x37: {  	[smem:$0x3FAF] =	sst s10  }
0x38: {  	s10 =	sld [smem:$0x3FB0]  }
0x39: {  	_ = 	snop;
	(pc) =	sbr.ind lr, $3  }
0x3a: {  	_ = 	snop  }
0x3b: {  	_ = 	snop  }
0x3c: {  	p2 =	seq.s32 s10, $0x1;
	s10 =	sld [smem:$0x3FAF]  }
0x3d: {  	_ =	shalt  }
0x3e: {  	_ =	shalt  }
0x3f: {  	_ =	shalt  }
0x40: {  	_ =	shalt  }
0x41: {  	_ =	shalt  }
0x42: {  	_ =	shalt  }
0x43: {  	_ =	shalt  }
0x44: {  	_ =	shalt  }
0x45: {  	_ =	shalt  }
0x46: {  	_ =	shalt  }
0x47: {  	_ =	shalt  }
0x48: {  	_ =	shalt  }
0x49: {  	_ =	shalt  }
0x4a: {  	_ =	shalt  }
0x4b: {  	_ =	shalt  }
0x4c: {  	_ =	shalt  }
0x4d: {  	_ =	shalt  }
0x4e: {  	_ =	shalt  }
0x4f: {  	_ =	shalt  }
0x50: {  	_ =	shalt  }
0x51: {  	_ =	shalt  }
0x52: {  	_ =	shalt  }
0x53: {  	_ =	shalt  }
0x54: {  	_ =	shalt  }
0x55: {  	_ =	shalt  }
0x56: {  	_ =	shalt  }
0x57: {  	_ =	shalt  }
0x58: {  	_ =	shalt  }
0x59: {  	_ =	shalt  }
0x5a: {  	_ =	shalt  }
0x5b: {  	_ =	shalt  }
0x5c: {  	_ =	shalt  }
0x5d: {  	_ =	shalt  }
0x5e: {  	_ =	shalt  }
0x5f: {  	_ =	shalt  }
0x60: {  	_ =	shalt  }
0x61: {  	_ =	shalt  }
0x62: {  	_ =	shalt  }
0x63: {  	_ =	shalt  }
0x64: {  	_ =	shalt  }
0x65: {  	_ =	shalt  }
0x66: {  	_ =	shalt  }
0x67: {  	_ =	shalt  }
0x68: {  	_ =	shalt  }
0x69: {  	_ =	shalt  }
0x6a: {  	_ =	shalt  }
0x6b: {  	_ =	shalt  }
0x6c: {  	_ =	shalt  }
0x6d: {  	_ =	shalt  }
0x6e: {  	_ =	shalt  }
0x6f: {  	_ =	shalt  }
0x70: {  	_ =	shalt  }
0x71: {  	_ =	shalt  }
0x72: {  	_ =	shalt  }
0x73: {  	_ =	shalt  }
0x74: {  	_ =	shalt  }
0x75: {  	_ =	shalt  }
0x76: {  	_ =	shalt  }
0x77: {  	_ =	shalt  }
0x78: {  	_ =	shalt  }
0x79: {  	_ =	shalt  }
0x7a: {  	_ =	shalt  }
0x7b: {  	_ =	shalt  }
0x7c: {  	_ =	shalt  }
0x7d: {  	_ =	shalt  }
0x7e: {  	_ =	shalt  }
0x7f: {  	_ =	shalt  }
0x80: {  	_ =	shalt  }
0x81: {  	_ =	shalt  }
0x82: {  	_ =	shalt  }
0x83: {  	_ =	shalt  }
0x84: {  	_ =	shalt  }
0x85: {  	_ =	shalt  }
0x86: {  	_ =	shalt  }
0x87: {  	_ =	shalt  }
.Lfunc_end0:
.L_simem_size_0:
called_computation_lowered:
.L_overlay_start_0:
0x88: {  	s2 =	sld [smem:$0x3FD9]  }
0x89: {  	s3 =	sld [smem:$0x3FFE];
	_ =	sdelay $0x1  }
0x8a: {  	s1 =	srdreg.scid  }
0x8b: {  	s0 =	sand.u32 $0x1, s1  }
0x8c: {  	s16 =	sshll.u32 s0, $0xA;
	s2 =	sadd.s32 s3, s2  }
0x8d: {  	s2 =	sadd.s32 s2, s16  }
0x8e: {  	[smem:$0x3FBB] =	sst s2  }
0x8f: {  	_ = 	snop  }
0x90: {  	(tm) =	ssettm $0x1  }
0x91: {  	s17 =	sld [smem:$0x3FFB];
	_ =	sdelay $0x3  }
0x92: {  	_ =	strace s17  }
0x93: {  	s2 =	sld [smem:$0x3FFC];
	_ =	sdelay $0x3  }
0x94: {  	_ =	strace s2  }
0x95: {  	s2 =	sld [smem:$0x3FFD];
	_ =	sdelay $0x3  }
0x96: {  	_ =	strace s2  }
0x97: {  	_ =	strace $0x8FFFFFFF  }
0x98: {  	s18 =	sld [smem:$0x3FDB];
	_ =	sdelay $0x1  }
0x99: {  	s19 =	simm.s32 $_scs_section_size  }
0x9a: {  	s4 =	simm.s32 $_size__tile_overlayer_lowered;
	s5 =	simm.s32 $_tile_overlayer_lowered  }
0x9b: {  	s22 =	simm.s32 $0x1BFF;
	s21 =	sshll.u32 s5, $0x1;
	s2 =	sadd.s32 s19, s18  }
0x9c: {  	s6 =	simm.s32 $0x0;
	s20 =	sshll.u32 s4, $0x1;
	s4 =	sadd.s32 s21, s2  }
0x9d: {  	[timem:s6], [sflag:s22] =	dma.local [hbm:s4], s20  }
0x9e: {  	_ =	swait.ge [sflag:s22], s20  }
0x9f: {  	s3 =	ssub.s32 $0x0, s20;
	[sflag:s22] =	ssyncset.done $0x0  }
0xa0: {  	[sflag:s22] =	ssyncadd.s32 s3;
	_ =	sdelay $0x1  }
0xa1: {  	s23 =	simm.s32 $0x1B8B  }
0xa2: {  	_ =	swait.ge [sflag:s23], $0x1  }
0xa3: {  	[sflag:s23] =	ssyncset.done $0x0  }
0xa4: {  	s25 =	simm.s32 $0x1B8E;
	s24 =	sld [smem:$0x3FFE];
	[sflag:s23] =	ssyncadd.s32 $0xFFFFFFFF  }
0xa5: {  	s26 =	simm.s32 $execute0_lowered;
	[smem:$0x3FD2] =	sst s25  }
0xa6: {  	s4 =	sshll.u32 s26, $0x1;
	_ =	strace $0x80000046;
	[dreg:$0x1] =	wrdreg $0xFFFFFFFF  }
0xa7: {  	s28 =	simm.s32 $_size_execute0_lowered;
	s2 =	sadd.s32 s2, s4;
	[dreg:$0x0] =	wrdreg $0x0  }
0xa8: {  	s4 =	sshll.u32 s28, $0x1;
	[dreg:$0x2] =	wrdreg s2  }
0xa9: {  	[dreg:$0x3] =	wrdreg s4  }
0xaa: {  	[dreg:$0x4] =	wrdreg $0xC0  }
0xab: {  	_ =	task [dreg:s6], $0x5FFFF  }
0xac: {  	[dreg:$0x1] =	wrdreg $0xFFFFFFFF  }
0xad: {  	[dreg:$0x0] =	wrdreg $0x60  }
0xae: {  	[dreg:$0x2] =	wrdreg s24  }
0xaf: {  	[dreg:$0x3] =	wrdreg $0x68000  }
0xb0: {  	[dreg:$0x4] =	wrdreg $0x9  }
0xb1: {  	_ =	task.clear_ibuf [dreg:s6], $0x5FFFF;
	_ =	strace $0x90000046  }
0xb2: {  	s29 =	simm.s32 $0x9;
	_ =	strace $0x80000048  }
0xb3: {  	_ =	swait.ge [sflag:s29], $0x1  }
0xb4: {  	[sflag:s29] =	ssyncadd.s32 $0xFFFFFFFF  }
0xb5: {  	_ =	strace $0x90000048  }
0xb6: {  	_ =	sfence  }
0xb7: {  	s30 =	sld [smem:$0x0];
	_ =	sdelay $0x2  }
0xb8: {  	s31 =	sshll.u32 s1, $0xD;
	s1 =	sshrl.u32 s1, $0x2  }
0xb9: {  	s3 =	sand.u32 $0x4000, s31;
	s1 =	sadd.s32 s1, s30  }
0xba: {  	s0 =	sor.u32 s3, s0;
	s1 =	sshll.u32 s1, $0x11  }
0xbb: {  	s0 =	sor.u32 s1, s0  }
0xbc: {  	s0 =	sadd.s32 $0x8F2B, s0  }
0xbd: {  	[sflag:s0] =	ssyncadd.remote.s32 $0x1  }
0xbe: {  	_ =	sfence.sel $0xFFFF  }
0xbf: {  	[dreg:$0x0] =	wrdreg $0xFFFFFFFF;
	(pc) =	sbr.abs _section_cstart, $3  }
0xc0: {  	[dreg:$0x1] =	wrdreg $0xFFFFFFFF  }
0xc1: {  	_ =	task.clear_ibuf [dreg:s6], $0x2FFFF;
	_ =	strace $0x9FFFFFFF  }
0xc2: {  	(tm) =	ssettm $0x7FFFFFFF  }
0xc3: {  	_ =	shalt  }
tec
execute0_lowered:
.L_overlay_start_1:
0x0: {  	(tag) =	ssettag $0x1  }
0x1: {  	s1 =	srdreg.scid  }
0x2: {  	s0 =	stileid.u32;
	s4 =	rddreg [dreg:$0x0]  }
0x3: {  	s2 =	rddreg [dreg:$0x1];
	s3 =	simm.s32 $0x0;
	s18 =	simm.s32 $0x80  }
0x4: {  	s19 =	simm.s32 $0x1;
	s5 =	sand.u32 $0x1, s1;
	s1 =	rddreg [dreg:$0x2]  }
0x5: {  	s29 =	sshll.u32 s0, $0x1;
	[smem:$0x7FF] =	sst s3;
	s7 =	smul.u32 $0x50000, s0  }
0x6: {  	s10 =	smul.u32 $0x14000, s0;
	s14 =	sadd.s32 $0xE200, s4;
	s6 =	sor.u32 s5, s29  }
0x7: {  	_ =	strace $0x80000047;
	s30 =	ssub.s32 $0x2, s5;
	s13 =	smul.u32 $0x140000, s5  }
0x8: {  	s6 =	smul.u32 $0x500, s6;
	s8 =	sshrl.u32 s30, $0x1;
	s7 =	sshrl.u32 s7, $0x2  }
0x9: {  	s11 =	sadd.s32 $0x4000, s10;
	s12 =	sadd.s32 $0x8000, s10;
	s16 =	sadd.s32 $0xC000, s10  }
0xa: {  	s17 =	sadd.s32 $0x10000, s10;
	s15 =	ssub.s32 s30, s8;
	s5 =	sadd.s32 s11, s2  }
0xb: {  	s10 =	sadd.s32 s10, s13;
	s8 =	sadd.s32 s17, s2;
	s11 =	sadd.s32 s13, s11  }
0xc: {  	s17 =	sadd.s32 s13, s17;
	s9 =	sadd.s32 s6, s4;
	s4 =	sadd.s32 s7, s2  }
0xd: {  	s6 =	sadd.s32 s12, s2;
	s7 =	sadd.s32 s16, s2;
	s10 =	sshrl.u32 s10, $0x3  }
0xe: {  	s11 =	sshrl.u32 s11, $0x3;
	s12 =	sadd.s32 s13, s12;
	s16 =	sadd.s32 s13, s16  }
0xf: {  	s31 =	sshrl.u32 s17, $0x3;
	s15 =	smax.u32 s15, $0x1;
	s17 =	simm.s32 $0x2  }
0x10: {  	s9 =	sadd.s32 $0x4200, s9;
	s10 =	sadd.s32 s14, s10;
	s12 =	sshrl.u32 s12, $0x3  }
0x11: {  	s11 =	sadd.s32 s14, s11;
	s16 =	sshrl.u32 s16, $0x3;
	s12 =	sadd.s32 s14, s12  }
0x12: {  	v0 =	vimm.f32 $0.0e+00;
	v1 =	vimm.f32 $1.000000000e+00;
	s13 =	sadd.s32 s14, s16;
	s14 =	sadd.s32 s14, s31;
	s16 =	simm.s32 $0x2800  }
.LBB2_1:
0x13: {  	s20 =	simm.s32 $0x0;
	s21 =	simm.s32 $0x200  }
.LBB2_2:
0x14: {  	p0 =	sne.s32 s21, $0xFE00;
	[tilespmem:s20+$0x2870] =	vst v0  }
0x15: {  	[tilespmem:s20+$0x2800] =	vst v0  }
0x16: {  	[tilespmem:s20+$0x2810] =	vst v0  }
.Ltmp0:
0x17: {  	[tilespmem:s20+$0x2820] =	vst v0;
	(pc) =	sbr.rel @p0 .LBB2_2-.Ltmp0, $4  }
0x18: {  	[tilespmem:s20+$0x2830] =	vst v0  }
0x19: {  	[tilespmem:s20+$0x2840] =	vst v0  }
0x1a: {  	[tilespmem:s20+$0x2850] =	vst v0  }
0x1b: {  	[tilespmem:s20+$0x2860] =	vst v0;
	s20 =	sshra.s32 s21, $0x2;
	s21 =	sadd.s32 $0x200, s21  }
0x1c: {  	[tilespmem:s20+$0x2870] =	vst v0  }
0x1d: {  	[tilespmem:s20+$0x2800] =	vst v0  }
0x1e: {  	[tilespmem:s20+$0x2810] =	vst v0  }
0x1f: {  	[tilespmem:s20+$0x2820] =	vst v0  }
0x20: {  	[tilespmem:s20+$0x2830] =	vst v0  }
0x21: {  	[tilespmem:s20+$0x2840] =	vst v0  }
0x22: {  	[tilespmem:s20+$0x2850] =	vst v0  }
0x23: {  	[tilespmem:s20+$0x2860] =	vst v0  }
0x24: {  	[spmem:s4] =	stream.linear.scatter [tilespmem:s16], [sflag:$0x2], $0x4000, $0x38;
	[tilespmem:$0x1A800] =	vst v63  }
0x25: {  	_ =	swait.ge [sflag:s17], $0x4000  }
0x26: {  	[sflag:s17] =	ssyncset.done $0x0  }
0x27: {  	[sflag:s17] =	ssyncadd.s32 $0xFFFFC000  }
0x28: {  	[spmem:s5] =	stream.linear.scatter [tilespmem:s16], [sflag:$0x2], $0x4000, $0x38;
	[tilespmem:$0x1A800] =	vst v63  }
0x29: {  	_ =	swait.ge [sflag:s17], $0x4000  }
0x2a: {  	[sflag:s17] =	ssyncset.done $0x0  }
0x2b: {  	[sflag:s17] =	ssyncadd.s32 $0xFFFFC000  }
0x2c: {  	[spmem:s6] =	stream.linear.scatter [tilespmem:s16], [sflag:$0x2], $0x4000, $0x38;
	[tilespmem:$0x1A800] =	vst v63  }
0x2d: {  	_ =	swait.ge [sflag:s17], $0x4000  }
0x2e: {  	[sflag:s17] =	ssyncset.done $0x0  }
0x2f: {  	[sflag:s17] =	ssyncadd.s32 $0xFFFFC000  }
0x30: {  	[spmem:s7] =	stream.linear.scatter [tilespmem:s16], [sflag:$0x2], $0x4000, $0x38;
	[tilespmem:$0x1A800] =	vst v63  }
0x31: {  	_ =	swait.ge [sflag:s17], $0x4000  }
0x32: {  	[sflag:s17] =	ssyncset.done $0x0  }
0x33: {  	[sflag:s17] =	ssyncadd.s32 $0xFFFFC000  }
0x34: {  	[spmem:s8] =	stream.linear.scatter [tilespmem:s16], [sflag:$0x2], $0x4000, $0x38;
	[tilespmem:$0x1A800] =	vst v63  }
0x35: {  	_ =	swait.ge [sflag:s17], $0x4000  }
0x36: {  	[sflag:s17] =	ssyncset.done $0x0  }
0x37: {  	s20 =	simm.s32 $0x0;
	s21 =	simm.s32 $0x200;
	[sflag:s17] =	ssyncadd.s32 $0xFFFFC000  }
.LBB2_4:
0x38: {  	p0 =	sne.s32 s21, $0xFE00;
	[tilespmem:s20+$0x2870] =	vst v1  }
0x39: {  	[tilespmem:s20+$0x2800] =	vst v1  }
0x3a: {  	[tilespmem:s20+$0x2810] =	vst v1  }
.Ltmp1:
0x3b: {  	[tilespmem:s20+$0x2820] =	vst v1;
	(pc) =	sbr.rel @p0 .LBB2_4-.Ltmp1, $4  }
0x3c: {  	[tilespmem:s20+$0x2830] =	vst v1  }
0x3d: {  	[tilespmem:s20+$0x2840] =	vst v1  }
0x3e: {  	[tilespmem:s20+$0x2850] =	vst v1  }
0x3f: {  	[tilespmem:s20+$0x2860] =	vst v1;
	s20 =	sshra.s32 s21, $0x2;
	s21 =	sadd.s32 $0x200, s21  }
0x40: {  	[tilespmem:s20+$0x2870] =	vst v1  }
0x41: {  	[tilespmem:s20+$0x2800] =	vst v1  }
0x42: {  	[tilespmem:s20+$0x2810] =	vst v1  }
0x43: {  	[tilespmem:s20+$0x2820] =	vst v1  }
0x44: {  	[tilespmem:s20+$0x2830] =	vst v1  }
0x45: {  	[tilespmem:s20+$0x2840] =	vst v1  }
0x46: {  	[tilespmem:s20+$0x2850] =	vst v1  }
0x47: {  	[tilespmem:s20+$0x2860] =	vst v1  }
0x48: {  	s26 =	simm.s32 $0x0;
	[bflag:$0x0] =	sbarrier.arrive $0xFFFF  }
0x49: {  	[tilespmem:s26], [sflag:$0x2] =	stream.linear.gather [hbm4b:s9+s26], $0x2800, $0x38;
	[tilespmem:$0x1A800] =	vst v63  }
0x4a: {  	_ =	swait.ge [sflag:s17], $0x2800  }
0x4b: {  	[sflag:s17] =	ssyncset.done $0x0  }
0x4c: {  	s28 =	simm.s32 $0x0;
	[sflag:s17] =	ssyncadd.s32 $0xFFFFD800  }
0x4d: {  	[spmem:s2] =	stream.indirect.scatter.add.f32 [tilespmem:s16], [sflag:$0x1], $0x80, s28, s18, $0xb8;
	[tilespmem:$0x1A800] =	vst v63  }
0x4e: {  	s29 =	simm.s32 $0x80  }
0x4f: {  	[spmem:s2] =	stream.indirect.scatter.add.f32 [tilespmem:s16], [sflag:$0x1], $0x80, s29, s18, $0xb8;
	[tilespmem:$0x1A800] =	vst v63  }
0x50: {  	s30 =	simm.s32 $0x100  }
0x51: {  	[spmem:s2] =	stream.indirect.scatter.add.f32 [tilespmem:s16], [sflag:$0x1], $0x80, s30, s18, $0xb8;
	[tilespmem:$0x1A800] =	vst v63  }
0x52: {  	s31 =	simm.s32 $0x180  }
0x53: {  	[spmem:s2] =	stream.indirect.scatter.add.f32 [tilespmem:s16], [sflag:$0x1], $0x80, s31, s18, $0xb8;
	[tilespmem:$0x1A800] =	vst v63  }
0x54: {  	_ =	swait.ge [sflag:s19], $0x4000  }
0x55: {  	[sflag:s19] =	ssyncset.done $0x0  }
0x56: {  	[sflag:s19] =	ssyncadd.s32 $0xFFFFC000  }
0x57: {  	_ =	swait.ge [sflag:s19], $0x4000  }
0x58: {  	[sflag:s19] =	ssyncset.done $0x0  }
0x59: {  	[sflag:s19] =	ssyncadd.s32 $0xFFFFC000  }
0x5a: {  	_ =	swait.ge [sflag:s19], $0x4000  }
0x5b: {  	[sflag:s19] =	ssyncset.done $0x0  }
0x5c: {  	[sflag:s19] =	ssyncadd.s32 $0xFFFFC000  }
0x5d: {  	_ =	swait.ge [sflag:s19], $0x4000  }
0x5e: {  	s20 =	simm.s32 $0x800;
	s21 =	simm.s32 $0x1000;
	[sflag:s19] =	ssyncset.done $0x0  }
.LBB2_6:
0x5f: {  	s22 =	sshra.s32 s20, $0x2  }
0x60: {  	[sflag:s19] =	ssyncadd.s32 $0xFFFFC000;
	s20 =	smov.u32 s21;
	s23 =	sadd.s32 $0x800, s21  }
0x61: {  	[spmem:s2] =	stream.indirect.scatter.add.f32 [tilespmem:s16], [sflag:$0x1], $0x80, s22, s18, $0xb8;
	[tilespmem:$0x1A800] =	vst v63  }
0x62: {  	p0 =	sne.s32 s21, $0x9800;
	s21 =	sadd.s32 $0x80, s22  }
0x63: {  	[spmem:s2] =	stream.indirect.scatter.add.f32 [tilespmem:s16], [sflag:$0x1], $0x80, s21, s18, $0xb8;
	[tilespmem:$0x1A800] =	vst v63  }
0x64: {  	s21 =	sadd.s32 $0x100, s22  }
0x65: {  	[spmem:s2] =	stream.indirect.scatter.add.f32 [tilespmem:s16], [sflag:$0x1], $0x80, s21, s18, $0xb8;
	[tilespmem:$0x1A800] =	vst v63  }
0x66: {  	s21 =	sadd.s32 $0x180, s22  }
0x67: {  	[spmem:s2] =	stream.indirect.scatter.add.f32 [tilespmem:s16], [sflag:$0x1], $0x80, s21, s18, $0xb8;
	[tilespmem:$0x1A800] =	vst v63  }
0x68: {  	_ =	swait.ge [sflag:s19], $0x4000  }
0x69: {  	[sflag:s19] =	ssyncset.done $0x0  }
0x6a: {  	[sflag:s19] =	ssyncadd.s32 $0xFFFFC000  }
0x6b: {  	_ =	swait.ge [sflag:s19], $0x4000  }
0x6c: {  	[sflag:s19] =	ssyncset.done $0x0  }
0x6d: {  	[sflag:s19] =	ssyncadd.s32 $0xFFFFC000  }
.Ltmp2:
0x6e: {  	_ =	swait.ge [sflag:s19], $0x4000;
	(pc) =	sbr.rel @p0 .LBB2_6-.Ltmp2, $4  }
0x6f: {  	[sflag:s19] =	ssyncset.done $0x0  }
0x70: {  	[sflag:s19] =	ssyncadd.s32 $0xFFFFC000  }
0x71: {  	_ =	swait.ge [sflag:s19], $0x4000  }
0x72: {  	s21 =	smov.u32 s23;
	[sflag:s19] =	ssyncset.done $0x0  }
0x73: {  	s20 =	sshra.s32 s20, $0x2;
	[sflag:s19] =	ssyncadd.s32 $0xFFFFC000  }
0x74: {  	[spmem:s2] =	stream.indirect.scatter.add.f32 [tilespmem:s16], [sflag:$0x1], $0x80, s20, s18, $0xb8;
	[tilespmem:$0x1A800] =	vst v63  }
0x75: {  	s21 =	sadd.s32 $0x80, s20  }
0x76: {  	[spmem:s2] =	stream.indirect.scatter.add.f32 [tilespmem:s16], [sflag:$0x1], $0x80, s21, s18, $0xb8;
	[tilespmem:$0x1A800] =	vst v63  }
0x77: {  	s24 =	sadd.s32 $0x100, s20  }
0x78: {  	[spmem:s2] =	stream.indirect.scatter.add.f32 [tilespmem:s16], [sflag:$0x1], $0x80, s24, s18, $0xb8;
	[tilespmem:$0x1A800] =	vst v63  }
0x79: {  	s20 =	sadd.s32 $0x180, s20  }
0x7a: {  	[spmem:s2] =	stream.indirect.scatter.add.f32 [tilespmem:s16], [sflag:$0x1], $0x80, s20, s18, $0xb8;
	[tilespmem:$0x1A800] =	vst v63  }
0x7b: {  	_ =	swait.ge [sflag:s19], $0x4000  }
0x7c: {  	[sflag:s19] =	ssyncset.done $0x0  }
0x7d: {  	[sflag:s19] =	ssyncadd.s32 $0xFFFFC000  }
0x7e: {  	_ =	swait.ge [sflag:s19], $0x4000  }
0x7f: {  	[sflag:s19] =	ssyncset.done $0x0  }
0x80: {  	[sflag:s19] =	ssyncadd.s32 $0xFFFFC000  }
0x81: {  	_ =	swait.ge [sflag:s19], $0x4000  }
0x82: {  	[sflag:s19] =	ssyncset.done $0x0  }
0x83: {  	[sflag:s19] =	ssyncadd.s32 $0xFFFFC000  }
0x84: {  	_ =	swait.ge [sflag:s19], $0x4000  }
0x85: {  	[sflag:s19] =	ssyncset.done $0x0  }
0x86: {  	s25 =	sshll.u32 s0, $0x6;
	[sflag:s19] =	ssyncadd.s32 $0xFFFFC000  }
0x87: {  	s26 =	sshrl.u32 s4, $0x3;
	s20 =	sor.u32 $0x1C02, s25;
	[bflag:$0x0] =	sbarrier.arrive $0xFFFF  }
0x88: {  	[hbm:s10], [sflag:s20] =	dma.local [spmem:s26], $0x800  }
0x89: {  	_ =	swait.ge [sflag:s17], $0x800  }
0x8a: {  	[sflag:s17] =	ssyncset.done $0x0  }
0x8b: {  	s28 =	sshrl.u32 s5, $0x3;
	[sflag:s17] =	ssyncadd.s32 $0xFFFFF800  }
0x8c: {  	[hbm:s11], [sflag:s20] =	dma.local [spmem:s28], $0x800  }
0x8d: {  	_ =	swait.ge [sflag:s17], $0x800  }
0x8e: {  	[sflag:s17] =	ssyncset.done $0x0  }
0x8f: {  	s29 =	sshrl.u32 s6, $0x3;
	[sflag:s17] =	ssyncadd.s32 $0xFFFFF800  }
0x90: {  	[hbm:s12], [sflag:s20] =	dma.local [spmem:s29], $0x800  }
0x91: {  	_ =	swait.ge [sflag:s17], $0x800  }
0x92: {  	[sflag:s17] =	ssyncset.done $0x0  }
0x93: {  	s30 =	sshrl.u32 s7, $0x3;
	[sflag:s17] =	ssyncadd.s32 $0xFFFFF800  }
0x94: {  	[hbm:s13], [sflag:s20] =	dma.local [spmem:s30], $0x800  }
0x95: {  	s3 =	sadd.s32 $0x1, s3;
	_ =	swait.ge [sflag:s17], $0x800  }
0x96: {  	p0 =	sne.s32 s3, s15;
	[sflag:s17] =	ssyncset.done $0x0  }
.Ltmp3:
0x97: {  	s31 =	sshrl.u32 s8, $0x3;
	[sflag:s17] =	ssyncadd.s32 $0xFFFFF800;
	(pc) =	sbr.rel @p0 .LBB2_1-.Ltmp3, $4  }
0x98: {  	[hbm:s14], [sflag:s20] =	dma.local [spmem:s31], $0x800  }
0x99: {  	_ =	swait.ge [sflag:s17], $0x800  }
0x9a: {  	[sflag:s17] =	ssyncset.done $0x0  }
0x9b: {  	[sflag:s17] =	ssyncadd.s32 $0xFFFFF800  }
0x9c: {  	_ =	sfence.sel $0x180000  }
0x9d: {  	[bflag:$0x0] =	sbarrier.arrive $0xFFFF  }
0x9e: {  	p0 =	sne.s32 s0, $0x0;
	_ =	strace $0x90000047  }
0x9f: {  	s0 =	sadd.s32 @!p0 $0x100000, s1;
	[bflag:$0x2] =	sbarrier.arrive $0xFFFF  }
0xa0: {  	[sflag:s0] =	ssyncadd.tile.s32 @!p0 $0x1;
	_ =	shalt  }
.Lfunc_end2:
_tile_overlayer_lowered:
.L_overlay_start_2:
0xa1: {  	(tag) =	ssettag $0x2  }
0xa2: {  	s0 =	rddreg [dreg:$0x0];
	s2 =	stileid.u32  }
0xa3: {  	s1 =	rddreg [dreg:$0x1];
	p0 =	sne.s32 s2, $0x0  }
0xa4: {  	s3 =	rddreg [dreg:$0x2];
	[bflag:$0x3] =	sbarrier.arrive $0xFFFF;
	s2 =	simm.s32 @!p0 $0x1C02  }
0xa5: {  	[timem:s3], [sflag:s2] =	dma.local @!p0 [hbm:s0], s1  }
0xa6: {  	s0 =	simm.s32 @!p0 $0x2  }
0xa7: {  	_ =	swait.ge @!p0 [sflag:s0], s1  }
0xa8: {  	s1 =	ssub.s32 @!p0 $0x0, s1;
	[sflag:s0] =	ssyncset.done @!p0 $0x0  }
0xa9: {  	[sflag:s0] =	ssyncadd.s32 @!p0 s1  }
0xaa: {  	[bflag:$0x3] =	sbarrier.arrive $0xFFFF  }
0xab: {  	_ =	shalt  }

// kernel: kernel.16.cloned.1.call-start
scs
__scs_entry_jumppad:
0x0: {  	(pc) =	sbr.rel $0x88, $3  }
0x1: {  	(tag) =	ssettag $0x0;
	lr =	simm.s32 $0x1  }
0x2: {  	[smem:$0x3F94] =	sst lr;
	_ =	strace $0xD0000000  }
0x3: {  	_ = 	snop  }
0x4: {  	_ = 	snop  }
0x5: {  	_ = 	snop  }
0x6: {  	_ = 	snop  }
0x7: {  	_ = 	snop  }
__scs_overlays_trampoline_lowered:
0x8: {  	[smem:$0x3FA3] =	sst s0  }
0x9: {  	[smem:$0x3FA4] =	sst s1  }
0xa: {  	[smem:$0x3FA5] =	sst s2  }
0xb: {  	[smem:$0x3FA6] =	sst s3  }
0xc: {  	[smem:$0x3FA7] =	sst s4  }
0xd: {  	[smem:$0x3FA8] =	sst s5  }
0xe: {  	[smem:$0x3FA9] =	sst s6  }
0xf: {  	[smem:$0x3FAA] =	sst s7  }
0x10: {  	[smem:$0x3FAB] =	sst s8  }
0x11: {  	[smem:$0x3FAC] =	sst s9;
	s0 =	simm.s32 @!p0 $0x0  }
0x12: {  	s1 =	sld [smem:$0x3F92];
	s0 =	simm.s32 @p0 $0x1  }
0x13: {  	[smem:$0x3FAD] =	sst s0;
	s0 =	simm.s32 @!p1 $0x0  }
0x14: {  	s2 =	sld [smem:$0x3F91];
	s0 =	simm.s32 @p1 $0x1  }
0x15: {  	[smem:$0x3FAE] =	sst s0;
	s0 =	simm.s32 @!p2 $0x0  }
0x16: {  	s3 =	sld [smem:$0x3FDB];
	s0 =	simm.s32 @p2 $0x1  }
0x17: {  	s4 =	simm.s32 $0x1BF5;
	[smem:$0x3FB0] =	sst s0  }
0x18: {  	s0 =	sld [smem:$0x3F93];
	_ =	swait.ge [sflag:s4], $0x0  }
0x19: {  	s7 =	sld [smem:$0x3F94]  }
0x1a: {  	s8 =	sadd.s32 $0xFFFFE003, lr  }
0x1b: {  	s9 =	sadd.s32 $0xFFFFFEF7, lr;
	s5 =	simm.s32 $0xFFFFFFFF;
	p2 =	slt.u32 s8, $0xFFFFF086  }
0x1c: {  	p1 =	slt.u32 s9, $0xF7A;
	s5 =	simm.s32 @!p2 $0x0  }
0x1d: {  	s5 =	simm.s32 @p1 $0x1;
	p0 =	seq.s32 s7, s2  }
0x1e: {  	s7 =	smul.u32 @!p0 $0xF7A, s2;
	p2 =	seq.s32 @!p0 s5, $0x0  }
0x1f: {  	s9 =	smul.u32 $0xF7A, s1;
	s8 =	simm.s32 @!p0 $0x1BF5;
	p2 =	por !p2, p0  }
0x20: {  	[sflag:s8] =	ssyncset.s32 @!p0 $0xFFFFF086;
	s6 =	sadd.s32 @!p0 s3, s7;
	s7 =	simm.s32 @!p0 $0x108  }
0x21: {  	s3 =	sadd.s32 s3, s9;
	s6 =	sadd.s32 @!p0 $0x88, s6;
	s7 =	simm.s32 @p2 $0x1082  }
0x22: {  	[simem:s7], [sflag:s8] =	dma.local @!p0 [hbm:s6], $0xF7A  }
0x23: {  	s9 =	sor.u32 $0xD0000000, s2;
	s6 =	simm.s32 $0x108;
	_ =	swait.ge @!p0 [sflag:s8], $0x0  }
0x24: {  	s3 =	sadd.s32 $0x88, s3;
	s6 =	simm.s32 @!p1 $0x1082;
	[sflag:s4] =	ssyncset.s32 $0xFFFFF086  }
0x25: {  	[simem:s6], [sflag:s4] =	dma.local [hbm:s3], $0xF7A  }
0x26: {  	[smem:$0x3F94] =	sst s1;
	(tag) =	ssettag s2;
	_ =	strace s9  }
0x27: {  	s1 =	sld [smem:$0x3FA4]  }
0x28: {  	s2 =	sld [smem:$0x3FA5]  }
0x29: {  	s4 =	sld [smem:$0x3FA7]  }
0x2a: {  	p0 =	seq.s32 s5, $0x0;
	s5 =	sld [smem:$0x3FA8]  }
0x2b: {  	s6 =	sld [smem:$0x3FA9]  }
0x2c: {  	s7 =	sld [smem:$0x3FAA]  }
0x2d: {  	s3 =	simm.s32 $0x108;
	s8 =	sld [smem:$0x3FAB]  }
0x2e: {  	s3 =	simm.s32 @!p0 $0x1082;
	s9 =	sld [smem:$0x3FAC]  }
0x2f: {  	lr =	sadd.s32 s0, s3;
	s0 =	sld [smem:$0x3FA3]  }
0x30: {  	s3 =	sld [smem:$0x3FA6]  }
0x31: {  	[smem:$0x3FAF] =	sst s10  }
0x32: {  	s10 =	sld [smem:$0x3FAD];
	_ =	sdelay $0x3  }
0x33: {  	p0 =	seq.s32 s10, $0x1;
	s10 =	sld [smem:$0x3FAF];
	_ =	sdelay $0x3  }
0x34: {  	[smem:$0x3FAF] =	sst s10  }
0x35: {  	s10 =	sld [smem:$0x3FAE];
	_ =	sdelay $0x3  }
0x36: {  	p1 =	seq.s32 s10, $0x1;
	s10 =	sld [smem:$0x3FAF];
	_ =	sdelay $0x3  }
0x37: {  	[smem:$0x3FAF] =	sst s10  }
0x38: {  	s10 =	sld [smem:$0x3FB0]  }
0x39: {  	_ = 	snop;
	(pc) =	sbr.ind lr, $3  }
0x3a: {  	_ = 	snop  }
0x3b: {  	_ = 	snop  }
0x3c: {  	p2 =	seq.s32 s10, $0x1;
	s10 =	sld [smem:$0x3FAF]  }
0x3d: {  	_ =	shalt  }
0x3e: {  	_ =	shalt  }
0x3f: {  	_ =	shalt  }
0x40: {  	_ =	shalt  }
0x41: {  	_ =	shalt  }
0x42: {  	_ =	shalt  }
0x43: {  	_ =	shalt  }
0x44: {  	_ =	shalt  }
0x45: {  	_ =	shalt  }
0x46: {  	_ =	shalt  }
0x47: {  	_ =	shalt  }
0x48: {  	_ =	shalt  }
0x49: {  	_ =	shalt  }
0x4a: {  	_ =	shalt  }
0x4b: {  	_ =	shalt  }
0x4c: {  	_ =	shalt  }
0x4d: {  	_ =	shalt  }
0x4e: {  	_ =	shalt  }
0x4f: {  	_ =	shalt  }
0x50: {  	_ =	shalt  }
0x51: {  	_ =	shalt  }
0x52: {  	_ =	shalt  }
0x53: {  	_ =	shalt  }
0x54: {  	_ =	shalt  }
0x55: {  	_ =	shalt  }
0x56: {  	_ =	shalt  }
0x57: {  	_ =	shalt  }
0x58: {  	_ =	shalt  }
0x59: {  	_ =	shalt  }
0x5a: {  	_ =	shalt  }
0x5b: {  	_ =	shalt  }
0x5c: {  	_ =	shalt  }
0x5d: {  	_ =	shalt  }
0x5e: {  	_ =	shalt  }
0x5f: {  	_ =	shalt  }
0x60: {  	_ =	shalt  }
0x61: {  	_ =	shalt  }
0x62: {  	_ =	shalt  }
0x63: {  	_ =	shalt  }
0x64: {  	_ =	shalt  }
0x65: {  	_ =	shalt  }
0x66: {  	_ =	shalt  }
0x67: {  	_ =	shalt  }
0x68: {  	_ =	shalt  }
0x69: {  	_ =	shalt  }
0x6a: {  	_ =	shalt  }
0x6b: {  	_ =	shalt  }
0x6c: {  	_ =	shalt  }
0x6d: {  	_ =	shalt  }
0x6e: {  	_ =	shalt  }
0x6f: {  	_ =	shalt  }
0x70: {  	_ =	shalt  }
0x71: {  	_ =	shalt  }
0x72: {  	_ =	shalt  }
0x73: {  	_ =	shalt  }
0x74: {  	_ =	shalt  }
0x75: {  	_ =	shalt  }
0x76: {  	_ =	shalt  }
0x77: {  	_ =	shalt  }
0x78: {  	_ =	shalt  }
0x79: {  	_ =	shalt  }
0x7a: {  	_ =	shalt  }
0x7b: {  	_ =	shalt  }
0x7c: {  	_ =	shalt  }
0x7d: {  	_ =	shalt  }
0x7e: {  	_ =	shalt  }
0x7f: {  	_ =	shalt  }
0x80: {  	_ =	shalt  }
0x81: {  	_ =	shalt  }
0x82: {  	_ =	shalt  }
0x83: {  	_ =	shalt  }
0x84: {  	_ =	shalt  }
0x85: {  	_ =	shalt  }
0x86: {  	_ =	shalt  }
0x87: {  	_ =	shalt  }
.Lfunc_end0:
.L_simem_size_0:
called_computation.1_lowered:
.L_overlay_start_0:
0x88: {  	s2 =	sld [smem:$0x3FD9]  }
0x89: {  	s3 =	sld [smem:$0x3FFE];
	_ =	sdelay $0x1  }
0x8a: {  	s1 =	srdreg.scid  }
0x8b: {  	s0 =	sand.u32 $0x1, s1  }
0x8c: {  	s14 =	sshll.u32 s0, $0xA;
	s2 =	sadd.s32 s3, s2  }
0x8d: {  	s2 =	sadd.s32 s2, s14  }
0x8e: {  	[smem:$0x3FBB] =	sst s2  }
0x8f: {  	_ = 	snop  }
0x90: {  	s2 =	sld [smem:$0x3FD0];
	_ =	sdelay $0x2  }
0x91: {  	s15 =	simm.s32 $0xB;
	s4 =	simm.s32 $0x10  }
0x92: {  	[smem:s4], [sflag:s15] =	dma.local [hbm:s2], $0x1  }
0x93: {  	_ =	swait.eq [sflag:s15], $0x1  }
0x94: {  	[sflag:s15] =	ssyncset.done $0x0  }
0x95: {  	[sflag:s15] =	ssyncadd.s32 $0xFFFFFFFF  }
0x96: {  	s16 =	sld [smem:$0x12];
	(tm) =	ssettm $0x1  }
0x97: {  	s17 =	sld [smem:$0x3FFB];
	_ =	sdelay $0x3  }
0x98: {  	_ =	strace s17  }
0x99: {  	s3 =	sld [smem:$0x3FFC];
	_ =	sdelay $0x3  }
0x9a: {  	_ =	strace s3  }
0x9b: {  	s3 =	sld [smem:$0x3FFD];
	_ =	sdelay $0x3  }
0x9c: {  	_ =	strace s3  }
0x9d: {  	_ =	strace $0x8FFFFFFF  }
0x9e: {  	s18 =	sld [smem:$0x3FDB];
	_ =	sdelay $0x1  }
0x9f: {  	s19 =	simm.s32 $_scs_section_size  }
0xa0: {  	s5 =	simm.s32 $_size__tile_overlayer_lowered;
	s6 =	simm.s32 $_tile_overlayer_lowered  }
0xa1: {  	s22 =	simm.s32 $0x1BFF;
	s21 =	sshll.u32 s6, $0x1;
	s3 =	sadd.s32 s19, s18  }
0xa2: {  	s7 =	simm.s32 $0x0;
	s20 =	sshll.u32 s5, $0x1;
	s5 =	sadd.s32 s21, s3  }
0xa3: {  	[timem:s7], [sflag:s22] =	dma.local [hbm:s5], s20  }
0xa4: {  	_ =	swait.ge [sflag:s22], s20  }
0xa5: {  	s4 =	ssub.s32 $0x0, s20;
	[sflag:s22] =	ssyncset.done $0x0  }
0xa6: {  	[sflag:s22] =	ssyncadd.s32 s4;
	_ =	sdelay $0x1  }
0xa7: {  	s23 =	simm.s32 $0x1B8B  }
0xa8: {  	_ =	swait.ge [sflag:s23], $0x1  }
0xa9: {  	[sflag:s23] =	ssyncset.done $0x0  }
0xaa: {  	s25 =	simm.s32 $0x1B8E;
	s24 =	sld [smem:$0x3FFE];
	[sflag:s23] =	ssyncadd.s32 $0xFFFFFFFF  }
0xab: {  	s26 =	simm.s32 $execute0_lowered;
	[smem:$0x3FD2] =	sst s25  }
0xac: {  	s5 =	sshll.u32 s26, $0x1;
	_ =	strace $0x80000049;
	[dreg:$0x1] =	wrdreg $0xFFFFFFFF  }
0xad: {  	s28 =	simm.s32 $_size_execute0_lowered;
	s3 =	sadd.s32 s3, s5;
	[dreg:$0x0] =	wrdreg $0x0  }
0xae: {  	s5 =	sshll.u32 s28, $0x1;
	[dreg:$0x2] =	wrdreg s3  }
0xaf: {  	[dreg:$0x3] =	wrdreg s5  }
0xb0: {  	[dreg:$0x4] =	wrdreg $0xC0  }
0xb1: {  	_ =	task [dreg:s7], $0x5FFFF  }
0xb2: {  	[dreg:$0x1] =	wrdreg $0xFFFFFFFF  }
0xb3: {  	[dreg:$0x0] =	wrdreg $0x60  }
0xb4: {  	[dreg:$0x2] =	wrdreg s24  }
0xb5: {  	[dreg:$0x3] =	wrdreg s16  }
0xb6: {  	[dreg:$0x4] =	wrdreg $0xA8000  }
0xb7: {  	[dreg:$0x5] =	wrdreg $0x9  }
0xb8: {  	_ =	task.clear_ibuf [dreg:s7], $0x6FFFF;
	_ =	strace $0x90000049  }
0xb9: {  	s29 =	simm.s32 $0x9;
	_ =	strace $0x8000004B  }
0xba: {  	_ =	swait.ge [sflag:s29], $0x1  }
0xbb: {  	[sflag:s29] =	ssyncadd.s32 $0xFFFFFFFF  }
0xbc: {  	_ =	strace $0x9000004B  }
0xbd: {  	_ =	sfence  }
0xbe: {  	s30 =	sld [smem:$0x0];
	_ =	sdelay $0x2  }
0xbf: {  	s31 =	sshll.u32 s1, $0xD;
	s1 =	sshrl.u32 s1, $0x2  }
0xc0: {  	s3 =	sand.u32 $0x4000, s31;
	s1 =	sadd.s32 s1, s30  }
0xc1: {  	s0 =	sor.u32 s3, s0;
	s1 =	sshll.u32 s1, $0x11  }
0xc2: {  	s0 =	sor.u32 s1, s0  }
0xc3: {  	s0 =	sadd.s32 $0x8F2B, s0  }
0xc4: {  	[sflag:s0] =	ssyncadd.remote.s32 $0x1  }
0xc5: {  	_ =	sfence.sel $0xFFFF  }
0xc6: {  	[dreg:$0x0] =	wrdreg $0xFFFFFFFF;
	(pc) =	sbr.abs _section_cstart, $3  }
0xc7: {  	[dreg:$0x1] =	wrdreg $0xFFFFFFFF  }
0xc8: {  	_ =	task.clear_ibuf [dreg:s7], $0x2FFFF;
	_ =	strace $0x9FFFFFFF  }
0xc9: {  	(tm) =	ssettm $0x7FFFFFFF  }
tec
execute0_lowered:
.L_overlay_start_1:
0x0: {  	(tag) =	ssettag $0x1  }
0x1: {  	s5 =	rddreg [dreg:$0x0]  }
0x2: {  	s12 =	rddreg [dreg:$0x1]  }
0x3: {  	s1 =	rddreg [dreg:$0x2]  }
0x4: {  	s3 =	simm.s32 $0x0;
	s4 =	srdreg.scid;
	s2 =	stileid.u32  }
0x5: {  	s24 =	simm.s32 $0x6800;
	s25 =	simm.s32 $0x1;
	s28 =	simm.s32 $0x2780  }
0x6: {  	s29 =	simm.s32 $0x0;
	[smem:$0x7FF] =	sst s3;
	s10 =	sand.u32 $0x1, s4  }
0x7: {  	s4 =	sadd.s32 $0x5E200, s5;
	s7 =	smul.u32 $0x50000, s2;
	s13 =	sadd.s32 $0x4200, s5  }
0x8: {  	s14 =	smul.u32 $0x14000, s2;
	s18 =	sadd.s32 $0x86200, s5;
	s26 =	sshll.u32 s2, $0x1  }
0x9: {  	_ =	strace $0x8000004A;
	s6 =	ssub.s32 $0x2, s10;
	s9 =	sor.u32 s10, s26  }
0xa: {  	s23 =	smul.u32 $0x140000, s10;
	s26 =	simm.s32 $0x2;
	s8 =	sshrl.u32 s6, $0x1  }
0xb: {  	s30 =	sshrl.u32 s7, $0x2;
	s15 =	sadd.s32 $0x4000, s14;
	s16 =	sadd.s32 $0x8000, s14  }
0xc: {  	s17 =	sadd.s32 $0xC000, s14;
	s11 =	smul.u32 $0x2800, s9;
	s20 =	sadd.s32 $0x10000, s14  }
0xd: {  	s21 =	smul.u32 $0x500, s9;
	s19 =	ssub.s32 s6, s8;
	s5 =	sadd.s32 s30, s1  }
0xe: {  	s6 =	sadd.s32 s15, s1;
	s7 =	sadd.s32 s16, s1;
	s8 =	sadd.s32 s17, s1  }
0xf: {  	s9 =	sadd.s32 s20, s1;
	s14 =	sadd.s32 s14, s23;
	s15 =	sadd.s32 s23, s15  }
0x10: {  	s16 =	sadd.s32 s23, s16;
	s17 =	sadd.s32 s23, s17;
	s20 =	sadd.s32 s23, s20  }
0x11: {  	s23 =	simm.s32 $0x80;
	s22 =	sshrl.u32 s11, $0x3;
	s10 =	sadd.s32 s12, s21  }
0x12: {  	s11 =	sadd.s32 s13, s21;
	s14 =	sshrl.u32 s14, $0x3;
	s15 =	sshrl.u32 s15, $0x3  }
0x13: {  	s16 =	sshrl.u32 s16, $0x3;
	s17 =	sshrl.u32 s17, $0x3;
	s20 =	sshrl.u32 s20, $0x3  }
0x14: {  	s19 =	smax.u32 s19, $0x1;
	s21 =	simm.s32 $0x3;
	s31 =	sadd.s32 $0x280, s22  }
0x15: {  	s14 =	sadd.s32 s18, s14;
	s15 =	sadd.s32 s18, s15;
	s16 =	sadd.s32 s18, s16  }
0x16: {  	s17 =	sadd.s32 s18, s17;
	s18 =	sadd.s32 s18, s20;
	s20 =	simm.s32 $0x2800  }
0x17: {  	v0 =	vimm.f32 $0.0e+00;
	s22 =	simm.s32 $0x1400;
	s12 =	sadd.s32 s12, s31;
	s13 =	sadd.s32 s13, s31  }
.LBB2_1:
0x18: {  	s30 =	simm.s32 $0x0;
	s31 =	simm.s32 $0x200  }
.LBB2_2:
0x19: {  	p0 =	sne.s32 s31, $0xFE00;
	[tilespmem:s30+$0x2870] =	vst v0  }
0x1a: {  	[tilespmem:s30+$0x2800] =	vst v0  }
0x1b: {  	[tilespmem:s30+$0x2810] =	vst v0  }
.Ltmp0:
0x1c: {  	[tilespmem:s30+$0x2820] =	vst v0;
	(pc) =	sbr.rel @p0 .LBB2_2-.Ltmp0, $4  }
0x1d: {  	[tilespmem:s30+$0x2830] =	vst v0  }
0x1e: {  	[tilespmem:s30+$0x2840] =	vst v0  }
0x1f: {  	[tilespmem:s30+$0x2850] =	vst v0  }
0x20: {  	[tilespmem:s30+$0x2860] =	vst v0;
	s30 =	sshra.s32 s31, $0x2;
	s31 =	sadd.s32 $0x200, s31  }
0x21: {  	[tilespmem:s30+$0x2870] =	vst v0  }
0x22: {  	[tilespmem:s30+$0x2800] =	vst v0  }
0x23: {  	[tilespmem:s30+$0x2810] =	vst v0  }
0x24: {  	[tilespmem:s30+$0x2820] =	vst v0  }
0x25: {  	[tilespmem:s30+$0x2830] =	vst v0  }
0x26: {  	[tilespmem:s30+$0x2840] =	vst v0  }
0x27: {  	[tilespmem:s30+$0x2850] =	vst v0  }
0x28: {  	[tilespmem:s30+$0x2860] =	vst v0  }
0x29: {  	[spmem:s5] =	stream.linear.scatter [tilespmem:s20], [sflag:$0x3], $0x4000, $0x38;
	[tilespmem:$0x1E800] =	vst v63  }
0x2a: {  	_ =	swait.ge [sflag:s21], $0x4000  }
0x2b: {  	[sflag:s21] =	ssyncset.done $0x0  }
0x2c: {  	[sflag:s21] =	ssyncadd.s32 $0xFFFFC000  }
0x2d: {  	[spmem:s6] =	stream.linear.scatter [tilespmem:s20], [sflag:$0x3], $0x4000, $0x38;
	[tilespmem:$0x1E800] =	vst v63  }
0x2e: {  	_ =	swait.ge [sflag:s21], $0x4000  }
0x2f: {  	[sflag:s21] =	ssyncset.done $0x0  }
0x30: {  	[sflag:s21] =	ssyncadd.s32 $0xFFFFC000  }
0x31: {  	[spmem:s7] =	stream.linear.scatter [tilespmem:s20], [sflag:$0x3], $0x4000, $0x38;
	[tilespmem:$0x1E800] =	vst v63  }
0x32: {  	_ =	swait.ge [sflag:s21], $0x4000  }
0x33: {  	[sflag:s21] =	ssyncset.done $0x0  }
0x34: {  	[sflag:s21] =	ssyncadd.s32 $0xFFFFC000  }
0x35: {  	[spmem:s8] =	stream.linear.scatter [tilespmem:s20], [sflag:$0x3], $0x4000, $0x38;
	[tilespmem:$0x1E800] =	vst v63  }
0x36: {  	_ =	swait.ge [sflag:s21], $0x4000  }
0x37: {  	[sflag:s21] =	ssyncset.done $0x0  }
0x38: {  	[sflag:s21] =	ssyncadd.s32 $0xFFFFC000  }
0x39: {  	[spmem:s9] =	stream.linear.scatter [tilespmem:s20], [sflag:$0x3], $0x4000, $0x38;
	[tilespmem:$0x1E800] =	vst v63  }
0x3a: {  	_ =	swait.ge [sflag:s21], $0x4000  }
0x3b: {  	[sflag:s21] =	ssyncset.done $0x0  }
0x3c: {  	[sflag:s21] =	ssyncadd.s32 $0xFFFFC000  }
0x3d: {  	[bflag:$0x0] =	sbarrier.arrive $0xFFFF  }
0x3e: {  	[tilespmem:s3], [sflag:$0x3] =	stream.linear.gather [hbm4b:s10+s3], $0x1400, $0x38;
	[tilespmem:$0x1E800] =	vst v63  }
0x3f: {  	_ =	swait.ge [sflag:s21], $0x1400  }
0x40: {  	[sflag:s21] =	ssyncset.done $0x0  }
0x41: {  	[sflag:s21] =	ssyncadd.s32 $0xFFFFEC00  }
0x42: {  	[tilespmem:s22], [sflag:$0x3] =	stream.linear.gather [hbm4b:s11+s3], $0x1400, $0x38;
	[tilespmem:$0x1E800] =	vst v63  }
0x43: {  	_ =	swait.ge [sflag:s21], $0x1400  }
0x44: {  	[sflag:s21] =	ssyncset.done $0x0  }
0x45: {  	[sflag:s21] =	ssyncadd.s32 $0xFFFFEC00  }
0x46: {  	[tilespmem:s20], [sflag:$0x1] =	stream.indirect.gather [hbm4b:s4+s23], $0x80, s3, s23, $0xb8;
	[tilespmem:$0x1E800] =	vst v63  }
0x47: {  	_ = 	snop  }
0x48: {  	[tilespmem:s24], [sflag:$0x1] =	stream.indirect.gather [hbm4b:s4+s23], $0x80, s23, s23, $0xb8;
	[tilespmem:$0x1E800] =	vst v63  }
0x49: {  	_ =	swait.ge [sflag:s25], $0x4000  }
0x4a: {  	[sflag:s25] =	ssyncset.done $0x0  }
0x4b: {  	[sflag:s25] =	ssyncadd.s32 $0xFFFFC000  }
0x4c: {  	[spmem:s1] =	stream.indirect.scatter.add.f32 [tilespmem:s20], [sflag:$0x2], $0x80, s22, s23, $0xb8;
	[tilespmem:$0x1E800] =	vst v63  }
0x4d: {  	_ =	swait.ge [sflag:s26], $0x4000  }
0x4e: {  	[sflag:s26] =	ssyncset.done $0x0  }
0x4f: {  	s30 =	simm.s32 $0x100;
	[sflag:s26] =	ssyncadd.s32 $0xFFFFC000  }
0x50: {  	[tilespmem:s20], [sflag:$0x1] =	stream.indirect.gather [hbm4b:s4+s23], $0x80, s30, s23, $0xb8;
	[tilespmem:$0x1E800] =	vst v63  }
0x51: {  	_ =	swait.ge [sflag:s25], $0x4000  }
0x52: {  	[sflag:s25] =	ssyncset.done $0x0  }
0x53: {  	s30 =	simm.s32 $0x1480;
	[sflag:s25] =	ssyncadd.s32 $0xFFFFC000  }
0x54: {  	[spmem:s1] =	stream.indirect.scatter.add.f32 [tilespmem:s24], [sflag:$0x2], $0x80, s30, s23, $0xb8;
	[tilespmem:$0x1E800] =	vst v63  }
0x55: {  	_ =	swait.ge [sflag:s26], $0x4000  }
0x56: {  	[sflag:s26] =	ssyncset.done $0x0  }
0x57: {  	s30 =	simm.s32 $0x180;
	[sflag:s26] =	ssyncadd.s32 $0xFFFFC000  }
0x58: {  	[tilespmem:s24], [sflag:$0x1] =	stream.indirect.gather [hbm4b:s4+s23], $0x80, s30, s23, $0xb8;
	[tilespmem:$0x1E800] =	vst v63  }
0x59: {  	_ =	swait.ge [sflag:s25], $0x4000  }
0x5a: {  	[sflag:s25] =	ssyncset.done $0x0  }
0x5b: {  	s31 =	simm.s32 $0x1500;
	s30 =	simm.s32 $0xFFFFB800;
	[sflag:s25] =	ssyncadd.s32 $0xFFFFC000  }
.LBB2_4:
0x5c: {  	[spmem:s1] =	stream.indirect.scatter.add.f32 [tilespmem:s20], [sflag:$0x2], $0x80, s31, s23, $0xb8;
	[tilespmem:$0x1E800] =	vst v63  }
0x5d: {  	s31 =	smov.u32 s30  }
0x5e: {  	p0 =	sne.s32 s30, $0xFFFFFC00;
	s30 =	sadd.s32 $0x400, s30;
	_ =	swait.ge [sflag:s26], $0x4000  }
0x5f: {  	s31 =	sshra.s32 s31, $0x2;
	[sflag:s26] =	ssyncset.done $0x0  }
0x60: {  	s0 =	sadd.s32 $0x1400, s31;
	[sflag:s26] =	ssyncadd.s32 $0xFFFFC000  }
0x61: {  	[tilespmem:s20], [sflag:$0x1] =	stream.indirect.gather [hbm4b:s4+s23], $0x80, s0, s23, $0xb8;
	[tilespmem:$0x1E800] =	vst v63  }
0x62: {  	_ =	swait.ge [sflag:s25], $0x4000  }
0x63: {  	[sflag:s25] =	ssyncset.done $0x0  }
0x64: {  	s0 =	sadd.s32 $0x2780, s31;
	[sflag:s25] =	ssyncadd.s32 $0xFFFFC000  }
0x65: {  	[spmem:s1] =	stream.indirect.scatter.add.f32 [tilespmem:s24], [sflag:$0x2], $0x80, s0, s23, $0xb8;
	[tilespmem:$0x1E800] =	vst v63  }
0x66: {  	_ =	swait.ge [sflag:s26], $0x4000  }
0x67: {  	[sflag:s26] =	ssyncset.done $0x0  }
.Ltmp1:
0x68: {  	s0 =	sadd.s32 $0x1480, s31;
	[sflag:s26] =	ssyncadd.s32 $0xFFFFC000;
	(pc) =	sbr.rel @p0 .LBB2_4-.Ltmp1, $4  }
0x69: {  	[tilespmem:s24], [sflag:$0x1] =	stream.indirect.gather [hbm4b:s4+s23], $0x80, s0, s23, $0xb8;
	[tilespmem:$0x1E800] =	vst v63  }
0x6a: {  	_ =	swait.ge [sflag:s25], $0x4000  }
0x6b: {  	[sflag:s25] =	ssyncset.done $0x0  }
0x6c: {  	s31 =	sadd.s32 $0x2800, s31;
	[sflag:s25] =	ssyncadd.s32 $0xFFFFC000  }
0x6d: {  	[spmem:s1] =	stream.indirect.scatter.add.f32 [tilespmem:s20], [sflag:$0x2], $0x80, s31, s23, $0xb8;
	[tilespmem:$0x1E800] =	vst v63  }
0x6e: {  	_ =	swait.ge [sflag:s26], $0x4000  }
0x6f: {  	[sflag:s26] =	ssyncset.done $0x0  }
0x70: {  	[sflag:s26] =	ssyncadd.s32 $0xFFFFC000  }
0x71: {  	_ =	swait.ge [sflag:s25], $0x4000  }
0x72: {  	[sflag:s25] =	ssyncset.done $0x0  }
0x73: {  	[sflag:s25] =	ssyncadd.s32 $0xFFFFC000  }
0x74: {  	[spmem:s1] =	stream.indirect.scatter.add.f32 [tilespmem:s24], [sflag:$0x2], $0x80, s28, s23, $0xb8;
	[tilespmem:$0x1E800] =	vst v63  }
0x75: {  	_ =	swait.ge [sflag:s26], $0x4000  }
0x76: {  	[sflag:s26] =	ssyncset.done $0x0  }
0x77: {  	[sflag:s26] =	ssyncadd.s32 $0xFFFFC000  }
0x78: {  	[tilespmem:s3], [sflag:$0x3] =	stream.linear.gather [hbm4b:s12+s3], $0x1400, $0x38;
	[tilespmem:$0x1E800] =	vst v63  }
0x79: {  	_ =	swait.ge [sflag:s21], $0x1400  }
0x7a: {  	[sflag:s21] =	ssyncset.done $0x0  }
0x7b: {  	[sflag:s21] =	ssyncadd.s32 $0xFFFFEC00  }
0x7c: {  	[tilespmem:s22], [sflag:$0x3] =	stream.linear.gather [hbm4b:s13+s3], $0x1400, $0x38;
	[tilespmem:$0x1E800] =	vst v63  }
0x7d: {  	_ =	swait.ge [sflag:s21], $0x1400  }
0x7e: {  	[sflag:s21] =	ssyncset.done $0x0  }
0x7f: {  	[sflag:s21] =	ssyncadd.s32 $0xFFFFEC00  }
0x80: {  	[tilespmem:s20], [sflag:$0x1] =	stream.indirect.gather [hbm4b:s4+s23], $0x80, s3, s23, $0xb8;
	[tilespmem:$0x1E800] =	vst v63  }
0x81: {  	_ = 	snop  }
0x82: {  	[tilespmem:s24], [sflag:$0x1] =	stream.indirect.gather [hbm4b:s4+s23], $0x80, s23, s23, $0xb8;
	[tilespmem:$0x1E800] =	vst v63  }
0x83: {  	_ =	swait.ge [sflag:s25], $0x4000  }
0x84: {  	[sflag:s25] =	ssyncset.done $0x0  }
0x85: {  	[sflag:s25] =	ssyncadd.s32 $0xFFFFC000  }
0x86: {  	[spmem:s1] =	stream.indirect.scatter.add.f32 [tilespmem:s20], [sflag:$0x2], $0x80, s22, s23, $0xb8;
	[tilespmem:$0x1E800] =	vst v63  }
0x87: {  	_ =	swait.ge [sflag:s26], $0x4000  }
0x88: {  	[sflag:s26] =	ssyncset.done $0x0  }
0x89: {  	s0 =	simm.s32 $0x100;
	[sflag:s26] =	ssyncadd.s32 $0xFFFFC000  }
0x8a: {  	[tilespmem:s20], [sflag:$0x1] =	stream.indirect.gather [hbm4b:s4+s23], $0x80, s0, s23, $0xb8;
	[tilespmem:$0x1E800] =	vst v63  }
0x8b: {  	_ =	swait.ge [sflag:s25], $0x4000  }
0x8c: {  	[sflag:s25] =	ssyncset.done $0x0  }
0x8d: {  	s0 =	simm.s32 $0x1480;
	[sflag:s25] =	ssyncadd.s32 $0xFFFFC000  }
0x8e: {  	[spmem:s1] =	stream.indirect.scatter.add.f32 [tilespmem:s24], [sflag:$0x2], $0x80, s0, s23, $0xb8;
	[tilespmem:$0x1E800] =	vst v63  }
0x8f: {  	_ =	swait.ge [sflag:s26], $0x4000  }
0x90: {  	[sflag:s26] =	ssyncset.done $0x0  }
0x91: {  	s0 =	simm.s32 $0x180;
	[sflag:s26] =	ssyncadd.s32 $0xFFFFC000  }
0x92: {  	[tilespmem:s24], [sflag:$0x1] =	stream.indirect.gather [hbm4b:s4+s23], $0x80, s0, s23, $0xb8;
	[tilespmem:$0x1E800] =	vst v63  }
0x93: {  	_ =	swait.ge [sflag:s25], $0x4000  }
0x94: {  	[sflag:s25] =	ssyncset.done $0x0  }
0x95: {  	s30 =	simm.s32 $0xFFFFB800;
	s31 =	simm.s32 $0x1500;
	[sflag:s25] =	ssyncadd.s32 $0xFFFFC000  }
.LBB2_6:
0x96: {  	[spmem:s1] =	stream.indirect.scatter.add.f32 [tilespmem:s20], [sflag:$0x2], $0x80, s31, s23, $0xb8;
	[tilespmem:$0x1E800] =	vst v63  }
0x97: {  	s0 =	smov.u32 s30  }
0x98: {  	p0 =	sne.s32 s30, $0xFFFFFC00;
	s30 =	sadd.s32 $0x400, s30;
	_ =	swait.ge [sflag:s26], $0x4000  }
0x99: {  	s0 =	sshra.s32 s0, $0x2;
	[sflag:s26] =	ssyncset.done $0x0  }
0x9a: {  	s31 =	sadd.s32 $0x1400, s0;
	[sflag:s26] =	ssyncadd.s32 $0xFFFFC000  }
0x9b: {  	[tilespmem:s20], [sflag:$0x1] =	stream.indirect.gather [hbm4b:s4+s23], $0x80, s31, s23, $0xb8;
	[tilespmem:$0x1E800] =	vst v63  }
0x9c: {  	_ =	swait.ge [sflag:s25], $0x4000  }
0x9d: {  	[sflag:s25] =	ssyncset.done $0x0  }
0x9e: {  	s31 =	sadd.s32 $0x2780, s0;
	[sflag:s25] =	ssyncadd.s32 $0xFFFFC000  }
0x9f: {  	[spmem:s1] =	stream.indirect.scatter.add.f32 [tilespmem:s24], [sflag:$0x2], $0x80, s31, s23, $0xb8;
	[tilespmem:$0x1E800] =	vst v63  }
0xa0: {  	_ =	swait.ge [sflag:s26], $0x4000  }
0xa1: {  	[sflag:s26] =	ssyncset.done $0x0  }
.Ltmp2:
0xa2: {  	s31 =	sadd.s32 $0x1480, s0;
	[sflag:s26] =	ssyncadd.s32 $0xFFFFC000;
	(pc) =	sbr.rel @p0 .LBB2_6-.Ltmp2, $4  }
0xa3: {  	[tilespmem:s24], [sflag:$0x1] =	stream.indirect.gather [hbm4b:s4+s23], $0x80, s31, s23, $0xb8;
	[tilespmem:$0x1E800] =	vst v63  }
0xa4: {  	_ =	swait.ge [sflag:s25], $0x4000  }
0xa5: {  	[sflag:s25] =	ssyncset.done $0x0  }
0xa6: {  	s31 =	sadd.s32 $0x2800, s0;
	[sflag:s25] =	ssyncadd.s32 $0xFFFFC000  }
0xa7: {  	[spmem:s1] =	stream.indirect.scatter.add.f32 [tilespmem:s20], [sflag:$0x2], $0x80, s31, s23, $0xb8;
	[tilespmem:$0x1E800] =	vst v63  }
0xa8: {  	_ =	swait.ge [sflag:s26], $0x4000  }
0xa9: {  	[sflag:s26] =	ssyncset.done $0x0  }
0xaa: {  	[sflag:s26] =	ssyncadd.s32 $0xFFFFC000  }
0xab: {  	_ =	swait.ge [sflag:s25], $0x4000  }
0xac: {  	[sflag:s25] =	ssyncset.done $0x0  }
0xad: {  	[sflag:s25] =	ssyncadd.s32 $0xFFFFC000  }
0xae: {  	[spmem:s1] =	stream.indirect.scatter.add.f32 [tilespmem:s24], [sflag:$0x2], $0x80, s28, s23, $0xb8;
	[tilespmem:$0x1E800] =	vst v63  }
0xaf: {  	_ =	swait.ge [sflag:s26], $0x4000  }
0xb0: {  	[sflag:s26] =	ssyncset.done $0x0  }
0xb1: {  	s0 =	sshll.u32 s2, $0x6;
	[sflag:s26] =	ssyncadd.s32 $0xFFFFC000  }
0xb2: {  	s30 =	sshrl.u32 s5, $0x3;
	s0 =	sor.u32 $0x1C03, s0;
	[bflag:$0x0] =	sbarrier.arrive $0xFFFF  }
0xb3: {  	[hbm:s14], [sflag:s0] =	dma.local [spmem:s30], $0x800  }
0xb4: {  	_ =	swait.ge [sflag:s21], $0x800  }
0xb5: {  	[sflag:s21] =	ssyncset.done $0x0  }
0xb6: {  	s31 =	sshrl.u32 s6, $0x3;
	[sflag:s21] =	ssyncadd.s32 $0xFFFFF800  }
0xb7: {  	[hbm:s15], [sflag:s0] =	dma.local [spmem:s31], $0x800  }
0xb8: {  	_ =	swait.ge [sflag:s21], $0x800  }
0xb9: {  	[sflag:s21] =	ssyncset.done $0x0  }
0xba: {  	s31 =	sshrl.u32 s7, $0x3;
	[sflag:s21] =	ssyncadd.s32 $0xFFFFF800  }
0xbb: {  	[hbm:s16], [sflag:s0] =	dma.local [spmem:s31], $0x800  }
0xbc: {  	_ =	swait.ge [sflag:s21], $0x800  }
0xbd: {  	[sflag:s21] =	ssyncset.done $0x0  }
0xbe: {  	s31 =	sshrl.u32 s8, $0x3;
	[sflag:s21] =	ssyncadd.s32 $0xFFFFF800  }
0xbf: {  	[hbm:s17], [sflag:s0] =	dma.local [spmem:s31], $0x800  }
0xc0: {  	s29 =	sadd.s32 $0x1, s29;
	_ =	swait.ge [sflag:s21], $0x800  }
0xc1: {  	p0 =	sne.s32 s29, s19;
	[sflag:s21] =	ssyncset.done $0x0  }
.Ltmp3:
0xc2: {  	s31 =	sshrl.u32 s9, $0x3;
	[sflag:s21] =	ssyncadd.s32 $0xFFFFF800;
	(pc) =	sbr.rel @p0 .LBB2_1-.Ltmp3, $4  }
0xc3: {  	[hbm:s18], [sflag:s0] =	dma.local [spmem:s31], $0x800  }
0xc4: {  	_ =	swait.ge [sflag:s21], $0x800  }
0xc5: {  	[sflag:s21] =	ssyncset.done $0x0  }
0xc6: {  	[sflag:s21] =	ssyncadd.s32 $0xFFFFF800  }
0xc7: {  	_ =	sfence.sel $0x180000  }
0xc8: {  	[bflag:$0x0] =	sbarrier.arrive $0xFFFF  }
0xc9: {  	_ =	strace $0x9000004A  }
0xca: {  	[bflag:$0x2] =	sbarrier.arrive $0xFFFF  }
0xcb: {  	p0 =	sne.s32 s2, $0x0;
	s0 =	rddreg [dreg:$0x3]  }
0xcc: {  	s0 =	sadd.s32 @!p0 $0x100000, s0  }
0xcd: {  	[sflag:s0] =	ssyncadd.tile.s32 @!p0 $0x1;
	_ =	shalt  }
.Lfunc_end2:
_tile_overlayer_lowered:
.L_overlay_start_2:
0xce: {  	(tag) =	ssettag $0x2  }
0xcf: {  	s0 =	rddreg [dreg:$0x0];
	s2 =	stileid.u32  }
0xd0: {  	s1 =	rddreg [dreg:$0x1];
	p0 =	sne.s32 s2, $0x0  }
0xd1: {  	s3 =	rddreg [dreg:$0x2];
	[bflag:$0x3] =	sbarrier.arrive $0xFFFF;
	s2 =	simm.s32 @!p0 $0x1C03  }
0xd2: {  	[timem:s3], [sflag:s2] =	dma.local @!p0 [hbm:s0], s1  }
0xd3: {  	s0 =	simm.s32 @!p0 $0x3  }
0xd4: {  	_ =	swait.ge @!p0 [sflag:s0], s1  }
0xd5: {  	s1 =	ssub.s32 @!p0 $0x0, s1;
	[sflag:s0] =	ssyncset.done @!p0 $0x0  }
0xd6: {  	[sflag:s0] =	ssyncadd.s32 @!p0 s1  }
0xd7: {  	[bflag:$0x3] =	sbarrier.arrive $0xFFFF  }
0xd8: {  	_ =	shalt  }

// kernel: kernel.19.cloned.1.call-start
scs
__scs_entry_jumppad:
0x0: {  	(pc) =	sbr.rel $0x88, $3  }
0x1: {  	(tag) =	ssettag $0x0;
	lr =	simm.s32 $0x1  }
0x2: {  	[smem:$0x3F94] =	sst lr;
	_ =	strace $0xD0000000  }
0x3: {  	_ = 	snop  }
0x4: {  	_ = 	snop  }
0x5: {  	_ = 	snop  }
0x6: {  	_ = 	snop  }
0x7: {  	_ = 	snop  }
__scs_overlays_trampoline_lowered:
0x8: {  	[smem:$0x3FA3] =	sst s0  }
0x9: {  	[smem:$0x3FA4] =	sst s1  }
0xa: {  	[smem:$0x3FA5] =	sst s2  }
0xb: {  	[smem:$0x3FA6] =	sst s3  }
0xc: {  	[smem:$0x3FA7] =	sst s4  }
0xd: {  	[smem:$0x3FA8] =	sst s5  }
0xe: {  	[smem:$0x3FA9] =	sst s6  }
0xf: {  	[smem:$0x3FAA] =	sst s7  }
0x10: {  	[smem:$0x3FAB] =	sst s8  }
0x11: {  	[smem:$0x3FAC] =	sst s9;
	s0 =	simm.s32 @!p0 $0x0  }
0x12: {  	s1 =	sld [smem:$0x3F92];
	s0 =	simm.s32 @p0 $0x1  }
0x13: {  	[smem:$0x3FAD] =	sst s0;
	s0 =	simm.s32 @!p1 $0x0  }
0x14: {  	s2 =	sld [smem:$0x3F91];
	s0 =	simm.s32 @p1 $0x1  }
0x15: {  	[smem:$0x3FAE] =	sst s0;
	s0 =	simm.s32 @!p2 $0x0  }
0x16: {  	s3 =	sld [smem:$0x3FDB];
	s0 =	simm.s32 @p2 $0x1  }
0x17: {  	s4 =	simm.s32 $0x1BF5;
	[smem:$0x3FB0] =	sst s0  }
0x18: {  	s0 =	sld [smem:$0x3F93];
	_ =	swait.ge [sflag:s4], $0x0  }
0x19: {  	s7 =	sld [smem:$0x3F94]  }
0x1a: {  	s8 =	sadd.s32 $0xFFFFE003, lr  }
0x1b: {  	s9 =	sadd.s32 $0xFFFFFEF7, lr;
	s5 =	simm.s32 $0xFFFFFFFF;
	p2 =	slt.u32 s8, $0xFFFFF086  }
0x1c: {  	p1 =	slt.u32 s9, $0xF7A;
	s5 =	simm.s32 @!p2 $0x0  }
0x1d: {  	s5 =	simm.s32 @p1 $0x1;
	p0 =	seq.s32 s7, s2  }
0x1e: {  	s7 =	smul.u32 @!p0 $0xF7A, s2;
	p2 =	seq.s32 @!p0 s5, $0x0  }
0x1f: {  	s9 =	smul.u32 $0xF7A, s1;
	s8 =	simm.s32 @!p0 $0x1BF5;
	p2 =	por !p2, p0  }
0x20: {  	[sflag:s8] =	ssyncset.s32 @!p0 $0xFFFFF086;
	s6 =	sadd.s32 @!p0 s3, s7;
	s7 =	simm.s32 @!p0 $0x108  }
0x21: {  	s3 =	sadd.s32 s3, s9;
	s6 =	sadd.s32 @!p0 $0x88, s6;
	s7 =	simm.s32 @p2 $0x1082  }
0x22: {  	[simem:s7], [sflag:s8] =	dma.local @!p0 [hbm:s6], $0xF7A  }
0x23: {  	s9 =	sor.u32 $0xD0000000, s2;
	s6 =	simm.s32 $0x108;
	_ =	swait.ge @!p0 [sflag:s8], $0x0  }
0x24: {  	s3 =	sadd.s32 $0x88, s3;
	s6 =	simm.s32 @!p1 $0x1082;
	[sflag:s4] =	ssyncset.s32 $0xFFFFF086  }
0x25: {  	[simem:s6], [sflag:s4] =	dma.local [hbm:s3], $0xF7A  }
0x26: {  	[smem:$0x3F94] =	sst s1;
	(tag) =	ssettag s2;
	_ =	strace s9  }
0x27: {  	s1 =	sld [smem:$0x3FA4]  }
0x28: {  	s2 =	sld [smem:$0x3FA5]  }
0x29: {  	s4 =	sld [smem:$0x3FA7]  }
0x2a: {  	p0 =	seq.s32 s5, $0x0;
	s5 =	sld [smem:$0x3FA8]  }
0x2b: {  	s6 =	sld [smem:$0x3FA9]  }
0x2c: {  	s7 =	sld [smem:$0x3FAA]  }
0x2d: {  	s3 =	simm.s32 $0x108;
	s8 =	sld [smem:$0x3FAB]  }
0x2e: {  	s3 =	simm.s32 @!p0 $0x1082;
	s9 =	sld [smem:$0x3FAC]  }
0x2f: {  	lr =	sadd.s32 s0, s3;
	s0 =	sld [smem:$0x3FA3]  }
0x30: {  	s3 =	sld [smem:$0x3FA6]  }
0x31: {  	[smem:$0x3FAF] =	sst s10  }
0x32: {  	s10 =	sld [smem:$0x3FAD];
	_ =	sdelay $0x3  }
0x33: {  	p0 =	seq.s32 s10, $0x1;
	s10 =	sld [smem:$0x3FAF];
	_ =	sdelay $0x3  }
0x34: {  	[smem:$0x3FAF] =	sst s10  }
0x35: {  	s10 =	sld [smem:$0x3FAE];
	_ =	sdelay $0x3  }
0x36: {  	p1 =	seq.s32 s10, $0x1;
	s10 =	sld [smem:$0x3FAF];
	_ =	sdelay $0x3  }
0x37: {  	[smem:$0x3FAF] =	sst s10  }
0x38: {  	s10 =	sld [smem:$0x3FB0]  }
0x39: {  	_ = 	snop;
	(pc) =	sbr.ind lr, $3  }
0x3a: {  	_ = 	snop  }
0x3b: {  	_ = 	snop  }
0x3c: {  	p2 =	seq.s32 s10, $0x1;
	s10 =	sld [smem:$0x3FAF]  }
0x3d: {  	_ =	shalt  }
0x3e: {  	_ =	shalt  }
0x3f: {  	_ =	shalt  }
0x40: {  	_ =	shalt  }
0x41: {  	_ =	shalt  }
0x42: {  	_ =	shalt  }
0x43: {  	_ =	shalt  }
0x44: {  	_ =	shalt  }
0x45: {  	_ =	shalt  }
0x46: {  	_ =	shalt  }
0x47: {  	_ =	shalt  }
0x48: {  	_ =	shalt  }
0x49: {  	_ =	shalt  }
0x4a: {  	_ =	shalt  }
0x4b: {  	_ =	shalt  }
0x4c: {  	_ =	shalt  }
0x4d: {  	_ =	shalt  }
0x4e: {  	_ =	shalt  }
0x4f: {  	_ =	shalt  }
0x50: {  	_ =	shalt  }
0x51: {  	_ =	shalt  }
0x52: {  	_ =	shalt  }
0x53: {  	_ =	shalt  }
0x54: {  	_ =	shalt  }
0x55: {  	_ =	shalt  }
0x56: {  	_ =	shalt  }
0x57: {  	_ =	shalt  }
0x58: {  	_ =	shalt  }
0x59: {  	_ =	shalt  }
0x5a: {  	_ =	shalt  }
0x5b: {  	_ =	shalt  }
0x5c: {  	_ =	shalt  }
0x5d: {  	_ =	shalt  }
0x5e: {  	_ =	shalt  }
0x5f: {  	_ =	shalt  }
0x60: {  	_ =	shalt  }
0x61: {  	_ =	shalt  }
0x62: {  	_ =	shalt  }
0x63: {  	_ =	shalt  }
0x64: {  	_ =	shalt  }
0x65: {  	_ =	shalt  }
0x66: {  	_ =	shalt  }
0x67: {  	_ =	shalt  }
0x68: {  	_ =	shalt  }
0x69: {  	_ =	shalt  }
0x6a: {  	_ =	shalt  }
0x6b: {  	_ =	shalt  }
0x6c: {  	_ =	shalt  }
0x6d: {  	_ =	shalt  }
0x6e: {  	_ =	shalt  }
0x6f: {  	_ =	shalt  }
0x70: {  	_ =	shalt  }
0x71: {  	_ =	shalt  }
0x72: {  	_ =	shalt  }
0x73: {  	_ =	shalt  }
0x74: {  	_ =	shalt  }
0x75: {  	_ =	shalt  }
0x76: {  	_ =	shalt  }
0x77: {  	_ =	shalt  }
0x78: {  	_ =	shalt  }
0x79: {  	_ =	shalt  }
0x7a: {  	_ =	shalt  }
0x7b: {  	_ =	shalt  }
0x7c: {  	_ =	shalt  }
0x7d: {  	_ =	shalt  }
0x7e: {  	_ =	shalt  }
0x7f: {  	_ =	shalt  }
0x80: {  	_ =	shalt  }
0x81: {  	_ =	shalt  }
0x82: {  	_ =	shalt  }
0x83: {  	_ =	shalt  }
0x84: {  	_ =	shalt  }
0x85: {  	_ =	shalt  }
0x86: {  	_ =	shalt  }
0x87: {  	_ =	shalt  }
.Lfunc_end0:
.L_simem_size_0:
called_computation.2_lowered:
.L_overlay_start_0:
0x88: {  	s2 =	sld [smem:$0x3FD9]  }
0x89: {  	s3 =	sld [smem:$0x3FFE];
	_ =	sdelay $0x1  }
0x8a: {  	s1 =	srdreg.scid  }
0x8b: {  	s0 =	sand.u32 $0x1, s1  }
0x8c: {  	s14 =	sshll.u32 s0, $0xA;
	s2 =	sadd.s32 s3, s2  }
0x8d: {  	s2 =	sadd.s32 s2, s14  }
0x8e: {  	[smem:$0x3FBB] =	sst s2  }
0x8f: {  	_ = 	snop  }
0x90: {  	s2 =	sld [smem:$0x3FD0];
	_ =	sdelay $0x2  }
0x91: {  	s15 =	simm.s32 $0xB;
	s4 =	simm.s32 $0x10  }
0x92: {  	[smem:s4], [sflag:s15] =	dma.local [hbm:s2], $0x1  }
0x93: {  	_ =	swait.eq [sflag:s15], $0x1  }
0x94: {  	[sflag:s15] =	ssyncset.done $0x0  }
0x95: {  	[sflag:s15] =	ssyncadd.s32 $0xFFFFFFFF  }
0x96: {  	s16 =	sld [smem:$0x12];
	(tm) =	ssettm $0x1  }
0x97: {  	s17 =	sld [smem:$0x3FFB];
	_ =	sdelay $0x3  }
0x98: {  	_ =	strace s17  }
0x99: {  	s3 =	sld [smem:$0x3FFC];
	_ =	sdelay $0x3  }
0x9a: {  	_ =	strace s3  }
0x9b: {  	s3 =	sld [smem:$0x3FFD];
	_ =	sdelay $0x3  }
0x9c: {  	_ =	strace s3  }
0x9d: {  	_ =	strace $0x8FFFFFFF  }
0x9e: {  	s18 =	sld [smem:$0x3FDB];
	_ =	sdelay $0x1  }
0x9f: {  	s19 =	simm.s32 $_scs_section_size  }
0xa0: {  	s5 =	simm.s32 $_size__tile_overlayer_lowered;
	s6 =	simm.s32 $_tile_overlayer_lowered  }
0xa1: {  	s22 =	simm.s32 $0x1BFF;
	s21 =	sshll.u32 s6, $0x1;
	s3 =	sadd.s32 s19, s18  }
0xa2: {  	s7 =	simm.s32 $0x0;
	s20 =	sshll.u32 s5, $0x1;
	s5 =	sadd.s32 s21, s3  }
0xa3: {  	[timem:s7], [sflag:s22] =	dma.local [hbm:s5], s20  }
0xa4: {  	_ =	swait.ge [sflag:s22], s20  }
0xa5: {  	s4 =	ssub.s32 $0x0, s20;
	[sflag:s22] =	ssyncset.done $0x0  }
0xa6: {  	[sflag:s22] =	ssyncadd.s32 s4;
	_ =	sdelay $0x1  }
0xa7: {  	s23 =	simm.s32 $0x1B8B  }
0xa8: {  	_ =	swait.ge [sflag:s23], $0x1  }
0xa9: {  	[sflag:s23] =	ssyncset.done $0x0  }
0xaa: {  	s25 =	simm.s32 $0x1B8E;
	s24 =	sld [smem:$0x3FFE];
	[sflag:s23] =	ssyncadd.s32 $0xFFFFFFFF  }
0xab: {  	s26 =	simm.s32 $execute0_lowered;
	[smem:$0x3FD2] =	sst s25  }
0xac: {  	s5 =	sshll.u32 s26, $0x1;
	_ =	strace $0x8000004C;
	[dreg:$0x1] =	wrdreg $0xFFFFFFFF  }
0xad: {  	s28 =	simm.s32 $_size_execute0_lowered;
	s3 =	sadd.s32 s3, s5;
	[dreg:$0x0] =	wrdreg $0x0  }
0xae: {  	s5 =	sshll.u32 s28, $0x1;
	[dreg:$0x2] =	wrdreg s3  }
0xaf: {  	[dreg:$0x3] =	wrdreg s5  }
0xb0: {  	[dreg:$0x4] =	wrdreg $0xC0  }
0xb1: {  	_ =	task [dreg:s7], $0x5FFFF  }
0xb2: {  	[dreg:$0x1] =	wrdreg $0xFFFFFFFF  }
0xb3: {  	[dreg:$0x0] =	wrdreg $0x60  }
0xb4: {  	[dreg:$0x2] =	wrdreg s24  }
0xb5: {  	[dreg:$0x3] =	wrdreg s16  }
0xb6: {  	[dreg:$0x4] =	wrdreg $0xA8000  }
0xb7: {  	[dreg:$0x5] =	wrdreg $0x9  }
0xb8: {  	_ =	task.clear_ibuf [dreg:s7], $0x6FFFF;
	_ =	strace $0x9000004C  }
0xb9: {  	s29 =	simm.s32 $0x9;
	_ =	strace $0x8000004E  }
0xba: {  	_ =	swait.ge [sflag:s29], $0x1  }
0xbb: {  	[sflag:s29] =	ssyncadd.s32 $0xFFFFFFFF  }
0xbc: {  	_ =	strace $0x9000004E  }
0xbd: {  	_ =	sfence  }
0xbe: {  	s30 =	sld [smem:$0x0];
	_ =	sdelay $0x2  }
0xbf: {  	s31 =	sshll.u32 s1, $0xD;
	s1 =	sshrl.u32 s1, $0x2  }
0xc0: {  	s3 =	sand.u32 $0x4000, s31;
	s1 =	sadd.s32 s1, s30  }
0xc1: {  	s0 =	sor.u32 s3, s0;
	s1 =	sshll.u32 s1, $0x11  }
0xc2: {  	s0 =	sor.u32 s1, s0  }
0xc3: {  	s0 =	sadd.s32 $0x8F2B, s0  }
0xc4: {  	[sflag:s0] =	ssyncadd.remote.s32 $0x1  }
0xc5: {  	_ =	sfence.sel $0xFFFF  }
0xc6: {  	[dreg:$0x0] =	wrdreg $0xFFFFFFFF;
	(pc) =	sbr.abs _section_cstart, $3  }
0xc7: {  	[dreg:$0x1] =	wrdreg $0xFFFFFFFF  }
0xc8: {  	_ =	task.clear_ibuf [dreg:s7], $0x2FFFF;
	_ =	strace $0x9FFFFFFF  }
0xc9: {  	(tm) =	ssettm $0x7FFFFFFF  }
tec
execute0_lowered:
.L_overlay_start_1:
0x0: {  	(tag) =	ssettag $0x1  }
0x1: {  	s5 =	rddreg [dreg:$0x0]  }
0x2: {  	s12 =	rddreg [dreg:$0x1]  }
0x3: {  	s1 =	rddreg [dreg:$0x2]  }
0x4: {  	s3 =	simm.s32 $0x0;
	s4 =	srdreg.scid;
	s2 =	stileid.u32  }
0x5: {  	s24 =	simm.s32 $0x6800;
	s25 =	simm.s32 $0x1;
	s28 =	simm.s32 $0x2780  }
0x6: {  	s29 =	simm.s32 $0x0;
	[smem:$0x7FF] =	sst s3;
	s10 =	sand.u32 $0x1, s4  }
0x7: {  	s4 =	sadd.s32 $0x5E200, s5;
	s7 =	smul.u32 $0x50000, s2;
	s13 =	sadd.s32 $0x4200, s5  }
0x8: {  	s14 =	smul.u32 $0x14000, s2;
	s18 =	sadd.s32 $0x86200, s5;
	s26 =	sshll.u32 s2, $0x1  }
0x9: {  	_ =	strace $0x8000004D;
	s6 =	ssub.s32 $0x2, s10;
	s9 =	sor.u32 s10, s26  }
0xa: {  	s23 =	smul.u32 $0x140000, s10;
	s26 =	simm.s32 $0x2;
	s8 =	sshrl.u32 s6, $0x1  }
0xb: {  	s30 =	sshrl.u32 s7, $0x2;
	s15 =	sadd.s32 $0x4000, s14;
	s16 =	sadd.s32 $0x8000, s14  }
0xc: {  	s17 =	sadd.s32 $0xC000, s14;
	s11 =	smul.u32 $0x2800, s9;
	s20 =	sadd.s32 $0x10000, s14  }
0xd: {  	s21 =	smul.u32 $0x500, s9;
	s19 =	ssub.s32 s6, s8;
	s5 =	sadd.s32 s30, s1  }
0xe: {  	s6 =	sadd.s32 s15, s1;
	s7 =	sadd.s32 s16, s1;
	s8 =	sadd.s32 s17, s1  }
0xf: {  	s9 =	sadd.s32 s20, s1;
	s14 =	sadd.s32 s14, s23;
	s15 =	sadd.s32 s23, s15  }
0x10: {  	s16 =	sadd.s32 s23, s16;
	s17 =	sadd.s32 s23, s17;
	s20 =	sadd.s32 s23, s20  }
0x11: {  	s23 =	simm.s32 $0x80;
	s22 =	sshrl.u32 s11, $0x3;
	s10 =	sadd.s32 s12, s21  }
0x12: {  	s11 =	sadd.s32 s13, s21;
	s14 =	sshrl.u32 s14, $0x3;
	s15 =	sshrl.u32 s15, $0x3  }
0x13: {  	s16 =	sshrl.u32 s16, $0x3;
	s17 =	sshrl.u32 s17, $0x3;
	s20 =	sshrl.u32 s20, $0x3  }
0x14: {  	s19 =	smax.u32 s19, $0x1;
	s21 =	simm.s32 $0x3;
	s31 =	sadd.s32 $0x280, s22  }
0x15: {  	s14 =	sadd.s32 s18, s14;
	s15 =	sadd.s32 s18, s15;
	s16 =	sadd.s32 s18, s16  }
0x16: {  	s17 =	sadd.s32 s18, s17;
	s18 =	sadd.s32 s18, s20;
	s20 =	simm.s32 $0x2800  }
0x17: {  	v0 =	vimm.f32 $0.0e+00;
	s22 =	simm.s32 $0x1400;
	s12 =	sadd.s32 s12, s31;
	s13 =	sadd.s32 s13, s31  }
.LBB2_1:
0x18: {  	s30 =	simm.s32 $0x0;
	s31 =	simm.s32 $0x200  }
.LBB2_2:
0x19: {  	p0 =	sne.s32 s31, $0xFE00;
	[tilespmem:s30+$0x2870] =	vst v0  }
0x1a: {  	[tilespmem:s30+$0x2800] =	vst v0  }
0x1b: {  	[tilespmem:s30+$0x2810] =	vst v0  }
.Ltmp0:
0x1c: {  	[tilespmem:s30+$0x2820] =	vst v0;
	(pc) =	sbr.rel @p0 .LBB2_2-.Ltmp0, $4  }
0x1d: {  	[tilespmem:s30+$0x2830] =	vst v0  }
0x1e: {  	[tilespmem:s30+$0x2840] =	vst v0  }
0x1f: {  	[tilespmem:s30+$0x2850] =	vst v0  }
0x20: {  	[tilespmem:s30+$0x2860] =	vst v0;
	s30 =	sshra.s32 s31, $0x2;
	s31 =	sadd.s32 $0x200, s31  }
0x21: {  	[tilespmem:s30+$0x2870] =	vst v0  }
0x22: {  	[tilespmem:s30+$0x2800] =	vst v0  }
0x23: {  	[tilespmem:s30+$0x2810] =	vst v0  }
0x24: {  	[tilespmem:s30+$0x2820] =	vst v0  }
0x25: {  	[tilespmem:s30+$0x2830] =	vst v0  }
0x26: {  	[tilespmem:s30+$0x2840] =	vst v0  }
0x27: {  	[tilespmem:s30+$0x2850] =	vst v0  }
0x28: {  	[tilespmem:s30+$0x2860] =	vst v0  }
0x29: {  	[spmem:s5] =	stream.linear.scatter [tilespmem:s20], [sflag:$0x3], $0x4000, $0x38;
	[tilespmem:$0x1E800] =	vst v63  }
0x2a: {  	_ =	swait.ge [sflag:s21], $0x4000  }
0x2b: {  	[sflag:s21] =	ssyncset.done $0x0  }
0x2c: {  	[sflag:s21] =	ssyncadd.s32 $0xFFFFC000  }
0x2d: {  	[spmem:s6] =	stream.linear.scatter [tilespmem:s20], [sflag:$0x3], $0x4000, $0x38;
	[tilespmem:$0x1E800] =	vst v63  }
0x2e: {  	_ =	swait.ge [sflag:s21], $0x4000  }
0x2f: {  	[sflag:s21] =	ssyncset.done $0x0  }
0x30: {  	[sflag:s21] =	ssyncadd.s32 $0xFFFFC000  }
0x31: {  	[spmem:s7] =	stream.linear.scatter [tilespmem:s20], [sflag:$0x3], $0x4000, $0x38;
	[tilespmem:$0x1E800] =	vst v63  }
0x32: {  	_ =	swait.ge [sflag:s21], $0x4000  }
0x33: {  	[sflag:s21] =	ssyncset.done $0x0  }
0x34: {  	[sflag:s21] =	ssyncadd.s32 $0xFFFFC000  }
0x35: {  	[spmem:s8] =	stream.linear.scatter [tilespmem:s20], [sflag:$0x3], $0x4000, $0x38;
	[tilespmem:$0x1E800] =	vst v63  }
0x36: {  	_ =	swait.ge [sflag:s21], $0x4000  }
0x37: {  	[sflag:s21] =	ssyncset.done $0x0  }
0x38: {  	[sflag:s21] =	ssyncadd.s32 $0xFFFFC000  }
0x39: {  	[spmem:s9] =	stream.linear.scatter [tilespmem:s20], [sflag:$0x3], $0x4000, $0x38;
	[tilespmem:$0x1E800] =	vst v63  }
0x3a: {  	_ =	swait.ge [sflag:s21], $0x4000  }
0x3b: {  	[sflag:s21] =	ssyncset.done $0x0  }
0x3c: {  	[sflag:s21] =	ssyncadd.s32 $0xFFFFC000  }
0x3d: {  	[bflag:$0x0] =	sbarrier.arrive $0xFFFF  }
0x3e: {  	[tilespmem:s3], [sflag:$0x3] =	stream.linear.gather [hbm4b:s10+s3], $0x1400, $0x38;
	[tilespmem:$0x1E800] =	vst v63  }
0x3f: {  	_ =	swait.ge [sflag:s21], $0x1400  }
0x40: {  	[sflag:s21] =	ssyncset.done $0x0  }
0x41: {  	[sflag:s21] =	ssyncadd.s32 $0xFFFFEC00  }
0x42: {  	[tilespmem:s22], [sflag:$0x3] =	stream.linear.gather [hbm4b:s11+s3], $0x1400, $0x38;
	[tilespmem:$0x1E800] =	vst v63  }
0x43: {  	_ =	swait.ge [sflag:s21], $0x1400  }
0x44: {  	[sflag:s21] =	ssyncset.done $0x0  }
0x45: {  	[sflag:s21] =	ssyncadd.s32 $0xFFFFEC00  }
0x46: {  	[tilespmem:s20], [sflag:$0x1] =	stream.indirect.gather [hbm4b:s4+s23], $0x80, s3, s23, $0xb8;
	[tilespmem:$0x1E800] =	vst v63  }
0x47: {  	_ = 	snop  }
0x48: {  	[tilespmem:s24], [sflag:$0x1] =	stream.indirect.gather [hbm4b:s4+s23], $0x80, s23, s23, $0xb8;
	[tilespmem:$0x1E800] =	vst v63  }
0x49: {  	_ =	swait.ge [sflag:s25], $0x4000  }
0x4a: {  	[sflag:s25] =	ssyncset.done $0x0  }
0x4b: {  	[sflag:s25] =	ssyncadd.s32 $0xFFFFC000  }
0x4c: {  	[spmem:s1] =	stream.indirect.scatter.add.f32 [tilespmem:s20], [sflag:$0x2], $0x80, s22, s23, $0xb8;
	[tilespmem:$0x1E800] =	vst v63  }
0x4d: {  	_ =	swait.ge [sflag:s26], $0x4000  }
0x4e: {  	[sflag:s26] =	ssyncset.done $0x0  }
0x4f: {  	s30 =	simm.s32 $0x100;
	[sflag:s26] =	ssyncadd.s32 $0xFFFFC000  }
0x50: {  	[tilespmem:s20], [sflag:$0x1] =	stream.indirect.gather [hbm4b:s4+s23], $0x80, s30, s23, $0xb8;
	[tilespmem:$0x1E800] =	vst v63  }
0x51: {  	_ =	swait.ge [sflag:s25], $0x4000  }
0x52: {  	[sflag:s25] =	ssyncset.done $0x0  }
0x53: {  	s30 =	simm.s32 $0x1480;
	[sflag:s25] =	ssyncadd.s32 $0xFFFFC000  }
0x54: {  	[spmem:s1] =	stream.indirect.scatter.add.f32 [tilespmem:s24], [sflag:$0x2], $0x80, s30, s23, $0xb8;
	[tilespmem:$0x1E800] =	vst v63  }
0x55: {  	_ =	swait.ge [sflag:s26], $0x4000  }
0x56: {  	[sflag:s26] =	ssyncset.done $0x0  }
0x57: {  	s30 =	simm.s32 $0x180;
	[sflag:s26] =	ssyncadd.s32 $0xFFFFC000  }
0x58: {  	[tilespmem:s24], [sflag:$0x1] =	stream.indirect.gather [hbm4b:s4+s23], $0x80, s30, s23, $0xb8;
	[tilespmem:$0x1E800] =	vst v63  }
0x59: {  	_ =	swait.ge [sflag:s25], $0x4000  }
0x5a: {  	[sflag:s25] =	ssyncset.done $0x0  }
0x5b: {  	s31 =	simm.s32 $0x1500;
	s30 =	simm.s32 $0xFFFFB800;
	[sflag:s25] =	ssyncadd.s32 $0xFFFFC000  }
.LBB2_4:
0x5c: {  	[spmem:s1] =	stream.indirect.scatter.add.f32 [tilespmem:s20], [sflag:$0x2], $0x80, s31, s23, $0xb8;
	[tilespmem:$0x1E800] =	vst v63  }
0x5d: {  	s31 =	smov.u32 s30  }
0x5e: {  	p0 =	sne.s32 s30, $0xFFFFFC00;
	s30 =	sadd.s32 $0x400, s30;
	_ =	swait.ge [sflag:s26], $0x4000  }
0x5f: {  	s31 =	sshra.s32 s31, $0x2;
	[sflag:s26] =	ssyncset.done $0x0  }
0x60: {  	s0 =	sadd.s32 $0x1400, s31;
	[sflag:s26] =	ssyncadd.s32 $0xFFFFC000  }
0x61: {  	[tilespmem:s20], [sflag:$0x1] =	stream.indirect.gather [hbm4b:s4+s23], $0x80, s0, s23, $0xb8;
	[tilespmem:$0x1E800] =	vst v63  }
0x62: {  	_ =	swait.ge [sflag:s25], $0x4000  }
0x63: {  	[sflag:s25] =	ssyncset.done $0x0  }
0x64: {  	s0 =	sadd.s32 $0x2780, s31;
	[sflag:s25] =	ssyncadd.s32 $0xFFFFC000  }
0x65: {  	[spmem:s1] =	stream.indirect.scatter.add.f32 [tilespmem:s24], [sflag:$0x2], $0x80, s0, s23, $0xb8;
	[tilespmem:$0x1E800] =	vst v63  }
0x66: {  	_ =	swait.ge [sflag:s26], $0x4000  }
0x67: {  	[sflag:s26] =	ssyncset.done $0x0  }
.Ltmp1:
0x68: {  	s0 =	sadd.s32 $0x1480, s31;
	[sflag:s26] =	ssyncadd.s32 $0xFFFFC000;
	(pc) =	sbr.rel @p0 .LBB2_4-.Ltmp1, $4  }
0x69: {  	[tilespmem:s24], [sflag:$0x1] =	stream.indirect.gather [hbm4b:s4+s23], $0x80, s0, s23, $0xb8;
	[tilespmem:$0x1E800] =	vst v63  }
0x6a: {  	_ =	swait.ge [sflag:s25], $0x4000  }
0x6b: {  	[sflag:s25] =	ssyncset.done $0x0  }
0x6c: {  	s31 =	sadd.s32 $0x2800, s31;
	[sflag:s25] =	ssyncadd.s32 $0xFFFFC000  }
0x6d: {  	[spmem:s1] =	stream.indirect.scatter.add.f32 [tilespmem:s20], [sflag:$0x2], $0x80, s31, s23, $0xb8;
	[tilespmem:$0x1E800] =	vst v63  }
0x6e: {  	_ =	swait.ge [sflag:s26], $0x4000  }
0x6f: {  	[sflag:s26] =	ssyncset.done $0x0  }
0x70: {  	[sflag:s26] =	ssyncadd.s32 $0xFFFFC000  }
0x71: {  	_ =	swait.ge [sflag:s25], $0x4000  }
0x72: {  	[sflag:s25] =	ssyncset.done $0x0  }
0x73: {  	[sflag:s25] =	ssyncadd.s32 $0xFFFFC000  }
0x74: {  	[spmem:s1] =	stream.indirect.scatter.add.f32 [tilespmem:s24], [sflag:$0x2], $0x80, s28, s23, $0xb8;
	[tilespmem:$0x1E800] =	vst v63  }
0x75: {  	_ =	swait.ge [sflag:s26], $0x4000  }
0x76: {  	[sflag:s26] =	ssyncset.done $0x0  }
0x77: {  	[sflag:s26] =	ssyncadd.s32 $0xFFFFC000  }
0x78: {  	[tilespmem:s3], [sflag:$0x3] =	stream.linear.gather [hbm4b:s12+s3], $0x1400, $0x38;
	[tilespmem:$0x1E800] =	vst v63  }
0x79: {  	_ =	swait.ge [sflag:s21], $0x1400  }
0x7a: {  	[sflag:s21] =	ssyncset.done $0x0  }
0x7b: {  	[sflag:s21] =	ssyncadd.s32 $0xFFFFEC00  }
0x7c: {  	[tilespmem:s22], [sflag:$0x3] =	stream.linear.gather [hbm4b:s13+s3], $0x1400, $0x38;
	[tilespmem:$0x1E800] =	vst v63  }
0x7d: {  	_ =	swait.ge [sflag:s21], $0x1400  }
0x7e: {  	[sflag:s21] =	ssyncset.done $0x0  }
0x7f: {  	[sflag:s21] =	ssyncadd.s32 $0xFFFFEC00  }
0x80: {  	[tilespmem:s20], [sflag:$0x1] =	stream.indirect.gather [hbm4b:s4+s23], $0x80, s3, s23, $0xb8;
	[tilespmem:$0x1E800] =	vst v63  }
0x81: {  	_ = 	snop  }
0x82: {  	[tilespmem:s24], [sflag:$0x1] =	stream.indirect.gather [hbm4b:s4+s23], $0x80, s23, s23, $0xb8;
	[tilespmem:$0x1E800] =	vst v63  }
0x83: {  	_ =	swait.ge [sflag:s25], $0x4000  }
0x84: {  	[sflag:s25] =	ssyncset.done $0x0  }
0x85: {  	[sflag:s25] =	ssyncadd.s32 $0xFFFFC000  }
0x86: {  	[spmem:s1] =	stream.indirect.scatter.add.f32 [tilespmem:s20], [sflag:$0x2], $0x80, s22, s23, $0xb8;
	[tilespmem:$0x1E800] =	vst v63  }
0x87: {  	_ =	swait.ge [sflag:s26], $0x4000  }
0x88: {  	[sflag:s26] =	ssyncset.done $0x0  }
0x89: {  	s0 =	simm.s32 $0x100;
	[sflag:s26] =	ssyncadd.s32 $0xFFFFC000  }
0x8a: {  	[tilespmem:s20], [sflag:$0x1] =	stream.indirect.gather [hbm4b:s4+s23], $0x80, s0, s23, $0xb8;
	[tilespmem:$0x1E800] =	vst v63  }
0x8b: {  	_ =	swait.ge [sflag:s25], $0x4000  }
0x8c: {  	[sflag:s25] =	ssyncset.done $0x0  }
0x8d: {  	s0 =	simm.s32 $0x1480;
	[sflag:s25] =	ssyncadd.s32 $0xFFFFC000  }
0x8e: {  	[spmem:s1] =	stream.indirect.scatter.add.f32 [tilespmem:s24], [sflag:$0x2], $0x80, s0, s23, $0xb8;
	[tilespmem:$0x1E800] =	vst v63  }
0x8f: {  	_ =	swait.ge [sflag:s26], $0x4000  }
0x90: {  	[sflag:s26] =	ssyncset.done $0x0  }
0x91: {  	s0 =	simm.s32 $0x180;
	[sflag:s26] =	ssyncadd.s32 $0xFFFFC000  }
0x92: {  	[tilespmem:s24], [sflag:$0x1] =	stream.indirect.gather [hbm4b:s4+s23], $0x80, s0, s23, $0xb8;
	[tilespmem:$0x1E800] =	vst v63  }
0x93: {  	_ =	swait.ge [sflag:s25], $0x4000  }
0x94: {  	[sflag:s25] =	ssyncset.done $0x0  }
0x95: {  	s30 =	simm.s32 $0xFFFFB800;
	s31 =	simm.s32 $0x1500;
	[sflag:s25] =	ssyncadd.s32 $0xFFFFC000  }
.LBB2_6:
0x96: {  	[spmem:s1] =	stream.indirect.scatter.add.f32 [tilespmem:s20], [sflag:$0x2], $0x80, s31, s23, $0xb8;
	[tilespmem:$0x1E800] =	vst v63  }
0x97: {  	s0 =	smov.u32 s30  }
0x98: {  	p0 =	sne.s32 s30, $0xFFFFFC00;
	s30 =	sadd.s32 $0x400, s30;
	_ =	swait.ge [sflag:s26], $0x4000  }
0x99: {  	s0 =	sshra.s32 s0, $0x2;
	[sflag:s26] =	ssyncset.done $0x0  }
0x9a: {  	s31 =	sadd.s32 $0x1400, s0;
	[sflag:s26] =	ssyncadd.s32 $0xFFFFC000  }
0x9b: {  	[tilespmem:s20], [sflag:$0x1] =	stream.indirect.gather [hbm4b:s4+s23], $0x80, s31, s23, $0xb8;
	[tilespmem:$0x1E800] =	vst v63  }
0x9c: {  	_ =	swait.ge [sflag:s25], $0x4000  }
0x9d: {  	[sflag:s25] =	ssyncset.done $0x0  }
0x9e: {  	s31 =	sadd.s32 $0x2780, s0;
	[sflag:s25] =	ssyncadd.s32 $0xFFFFC000  }
0x9f: {  	[spmem:s1] =	stream.indirect.scatter.add.f32 [tilespmem:s24], [sflag:$0x2], $0x80, s31, s23, $0xb8;
	[tilespmem:$0x1E800] =	vst v63  }
0xa0: {  	_ =	swait.ge [sflag:s26], $0x4000  }
0xa1: {  	[sflag:s26] =	ssyncset.done $0x0  }
.Ltmp2:
0xa2: {  	s31 =	sadd.s32 $0x1480, s0;
	[sflag:s26] =	ssyncadd.s32 $0xFFFFC000;
	(pc) =	sbr.rel @p0 .LBB2_6-.Ltmp2, $4  }
0xa3: {  	[tilespmem:s24], [sflag:$0x1] =	stream.indirect.gather [hbm4b:s4+s23], $0x80, s31, s23, $0xb8;
	[tilespmem:$0x1E800] =	vst v63  }
0xa4: {  	_ =	swait.ge [sflag:s25], $0x4000  }
0xa5: {  	[sflag:s25] =	ssyncset.done $0x0  }
0xa6: {  	s31 =	sadd.s32 $0x2800, s0;
	[sflag:s25] =	ssyncadd.s32 $0xFFFFC000  }
0xa7: {  	[spmem:s1] =	stream.indirect.scatter.add.f32 [tilespmem:s20], [sflag:$0x2], $0x80, s31, s23, $0xb8;
	[tilespmem:$0x1E800] =	vst v63  }
0xa8: {  	_ =	swait.ge [sflag:s26], $0x4000  }
0xa9: {  	[sflag:s26] =	ssyncset.done $0x0  }
0xaa: {  	[sflag:s26] =	ssyncadd.s32 $0xFFFFC000  }
0xab: {  	_ =	swait.ge [sflag:s25], $0x4000  }
0xac: {  	[sflag:s25] =	ssyncset.done $0x0  }
0xad: {  	[sflag:s25] =	ssyncadd.s32 $0xFFFFC000  }
0xae: {  	[spmem:s1] =	stream.indirect.scatter.add.f32 [tilespmem:s24], [sflag:$0x2], $0x80, s28, s23, $0xb8;
	[tilespmem:$0x1E800] =	vst v63  }
0xaf: {  	_ =	swait.ge [sflag:s26], $0x4000  }
0xb0: {  	[sflag:s26] =	ssyncset.done $0x0  }
0xb1: {  	s0 =	sshll.u32 s2, $0x6;
	[sflag:s26] =	ssyncadd.s32 $0xFFFFC000  }
0xb2: {  	s30 =	sshrl.u32 s5, $0x3;
	s0 =	sor.u32 $0x1C03, s0;
	[bflag:$0x0] =	sbarrier.arrive $0xFFFF  }
0xb3: {  	[hbm:s14], [sflag:s0] =	dma.local [spmem:s30], $0x800  }
0xb4: {  	_ =	swait.ge [sflag:s21], $0x800  }
0xb5: {  	[sflag:s21] =	ssyncset.done $0x0  }
0xb6: {  	s31 =	sshrl.u32 s6, $0x3;
	[sflag:s21] =	ssyncadd.s32 $0xFFFFF800  }
0xb7: {  	[hbm:s15], [sflag:s0] =	dma.local [spmem:s31], $0x800  }
0xb8: {  	_ =	swait.ge [sflag:s21], $0x800  }
0xb9: {  	[sflag:s21] =	ssyncset.done $0x0  }
0xba: {  	s31 =	sshrl.u32 s7, $0x3;
	[sflag:s21] =	ssyncadd.s32 $0xFFFFF800  }
0xbb: {  	[hbm:s16], [sflag:s0] =	dma.local [spmem:s31], $0x800  }
0xbc: {  	_ =	swait.ge [sflag:s21], $0x800  }
0xbd: {  	[sflag:s21] =	ssyncset.done $0x0  }
0xbe: {  	s31 =	sshrl.u32 s8, $0x3;
	[sflag:s21] =	ssyncadd.s32 $0xFFFFF800  }
0xbf: {  	[hbm:s17], [sflag:s0] =	dma.local [spmem:s31], $0x800  }
0xc0: {  	s29 =	sadd.s32 $0x1, s29;
	_ =	swait.ge [sflag:s21], $0x800  }
0xc1: {  	p0 =	sne.s32 s29, s19;
	[sflag:s21] =	ssyncset.done $0x0  }
.Ltmp3:
0xc2: {  	s31 =	sshrl.u32 s9, $0x3;
	[sflag:s21] =	ssyncadd.s32 $0xFFFFF800;
	(pc) =	sbr.rel @p0 .LBB2_1-.Ltmp3, $4  }
0xc3: {  	[hbm:s18], [sflag:s0] =	dma.local [spmem:s31], $0x800  }
0xc4: {  	_ =	swait.ge [sflag:s21], $0x800  }
0xc5: {  	[sflag:s21] =	ssyncset.done $0x0  }
0xc6: {  	[sflag:s21] =	ssyncadd.s32 $0xFFFFF800  }
0xc7: {  	_ =	sfence.sel $0x180000  }
0xc8: {  	[bflag:$0x0] =	sbarrier.arrive $0xFFFF  }
0xc9: {  	_ =	strace $0x9000004D  }
0xca: {  	[bflag:$0x2] =	sbarrier.arrive $0xFFFF  }
0xcb: {  	p0 =	sne.s32 s2, $0x0;
	s0 =	rddreg [dreg:$0x3]  }
0xcc: {  	s0 =	sadd.s32 @!p0 $0x100000, s0  }
0xcd: {  	[sflag:s0] =	ssyncadd.tile.s32 @!p0 $0x1;
	_ =	shalt  }
.Lfunc_end2:
_tile_overlayer_lowered:
.L_overlay_start_2:
0xce: {  	(tag) =	ssettag $0x2  }
0xcf: {  	s0 =	rddreg [dreg:$0x0];
	s2 =	stileid.u32  }
0xd0: {  	s1 =	rddreg [dreg:$0x1];
	p0 =	sne.s32 s2, $0x0  }
0xd1: {  	s3 =	rddreg [dreg:$0x2];
	[bflag:$0x3] =	sbarrier.arrive $0xFFFF;
	s2 =	simm.s32 @!p0 $0x1C03  }
0xd2: {  	[timem:s3], [sflag:s2] =	dma.local @!p0 [hbm:s0], s1  }
0xd3: {  	s0 =	simm.s32 @!p0 $0x3  }
0xd4: {  	_ =	swait.ge @!p0 [sflag:s0], s1  }
0xd5: {  	s1 =	ssub.s32 @!p0 $0x0, s1;
	[sflag:s0] =	ssyncset.done @!p0 $0x0  }
0xd6: {  	[sflag:s0] =	ssyncadd.s32 @!p0 s1  }
0xd7: {  	[bflag:$0x3] =	sbarrier.arrive $0xFFFF  }
0xd8: {  	_ =	shalt  }

// kernel: kernel.22.cloned.1.call-start
scs
__scs_entry_jumppad:
0x0: {  	(pc) =	sbr.rel $0x88, $3  }
0x1: {  	(tag) =	ssettag $0x0;
	lr =	simm.s32 $0x1  }
0x2: {  	[smem:$0x3F94] =	sst lr;
	_ =	strace $0xD0000000  }
0x3: {  	_ = 	snop  }
0x4: {  	_ = 	snop  }
0x5: {  	_ = 	snop  }
0x6: {  	_ = 	snop  }
0x7: {  	_ = 	snop  }
__scs_overlays_trampoline_lowered:
0x8: {  	[smem:$0x3FA3] =	sst s0  }
0x9: {  	[smem:$0x3FA4] =	sst s1  }
0xa: {  	[smem:$0x3FA5] =	sst s2  }
0xb: {  	[smem:$0x3FA6] =	sst s3  }
0xc: {  	[smem:$0x3FA7] =	sst s4  }
0xd: {  	[smem:$0x3FA8] =	sst s5  }
0xe: {  	[smem:$0x3FA9] =	sst s6  }
0xf: {  	[smem:$0x3FAA] =	sst s7  }
0x10: {  	[smem:$0x3FAB] =	sst s8  }
0x11: {  	[smem:$0x3FAC] =	sst s9;
	s0 =	simm.s32 @!p0 $0x0  }
0x12: {  	s1 =	sld [smem:$0x3F92];
	s0 =	simm.s32 @p0 $0x1  }
0x13: {  	[smem:$0x3FAD] =	sst s0;
	s0 =	simm.s32 @!p1 $0x0  }
0x14: {  	s2 =	sld [smem:$0x3F91];
	s0 =	simm.s32 @p1 $0x1  }
0x15: {  	[smem:$0x3FAE] =	sst s0;
	s0 =	simm.s32 @!p2 $0x0  }
0x16: {  	s3 =	sld [smem:$0x3FDB];
	s0 =	simm.s32 @p2 $0x1  }
0x17: {  	s4 =	simm.s32 $0x1BF5;
	[smem:$0x3FB0] =	sst s0  }
0x18: {  	s0 =	sld [smem:$0x3F93];
	_ =	swait.ge [sflag:s4], $0x0  }
0x19: {  	s7 =	sld [smem:$0x3F94]  }
0x1a: {  	s8 =	sadd.s32 $0xFFFFE003, lr  }
0x1b: {  	s9 =	sadd.s32 $0xFFFFFEF7, lr;
	s5 =	simm.s32 $0xFFFFFFFF;
	p2 =	slt.u32 s8, $0xFFFFF086  }
0x1c: {  	p1 =	slt.u32 s9, $0xF7A;
	s5 =	simm.s32 @!p2 $0x0  }
0x1d: {  	s5 =	simm.s32 @p1 $0x1;
	p0 =	seq.s32 s7, s2  }
0x1e: {  	s7 =	smul.u32 @!p0 $0xF7A, s2;
	p2 =	seq.s32 @!p0 s5, $0x0  }
0x1f: {  	s9 =	smul.u32 $0xF7A, s1;
	s8 =	simm.s32 @!p0 $0x1BF5;
	p2 =	por !p2, p0  }
0x20: {  	[sflag:s8] =	ssyncset.s32 @!p0 $0xFFFFF086;
	s6 =	sadd.s32 @!p0 s3, s7;
	s7 =	simm.s32 @!p0 $0x108  }
0x21: {  	s3 =	sadd.s32 s3, s9;
	s6 =	sadd.s32 @!p0 $0x88, s6;
	s7 =	simm.s32 @p2 $0x1082  }
0x22: {  	[simem:s7], [sflag:s8] =	dma.local @!p0 [hbm:s6], $0xF7A  }
0x23: {  	s9 =	sor.u32 $0xD0000000, s2;
	s6 =	simm.s32 $0x108;
	_ =	swait.ge @!p0 [sflag:s8], $0x0  }
0x24: {  	s3 =	sadd.s32 $0x88, s3;
	s6 =	simm.s32 @!p1 $0x1082;
	[sflag:s4] =	ssyncset.s32 $0xFFFFF086  }
0x25: {  	[simem:s6], [sflag:s4] =	dma.local [hbm:s3], $0xF7A  }
0x26: {  	[smem:$0x3F94] =	sst s1;
	(tag) =	ssettag s2;
	_ =	strace s9  }
0x27: {  	s1 =	sld [smem:$0x3FA4]  }
0x28: {  	s2 =	sld [smem:$0x3FA5]  }
0x29: {  	s4 =	sld [smem:$0x3FA7]  }
0x2a: {  	p0 =	seq.s32 s5, $0x0;
	s5 =	sld [smem:$0x3FA8]  }
0x2b: {  	s6 =	sld [smem:$0x3FA9]  }
0x2c: {  	s7 =	sld [smem:$0x3FAA]  }
0x2d: {  	s3 =	simm.s32 $0x108;
	s8 =	sld [smem:$0x3FAB]  }
0x2e: {  	s3 =	simm.s32 @!p0 $0x1082;
	s9 =	sld [smem:$0x3FAC]  }
0x2f: {  	lr =	sadd.s32 s0, s3;
	s0 =	sld [smem:$0x3FA3]  }
0x30: {  	s3 =	sld [smem:$0x3FA6]  }
0x31: {  	[smem:$0x3FAF] =	sst s10  }
0x32: {  	s10 =	sld [smem:$0x3FAD];
	_ =	sdelay $0x3  }
0x33: {  	p0 =	seq.s32 s10, $0x1;
	s10 =	sld [smem:$0x3FAF];
	_ =	sdelay $0x3  }
0x34: {  	[smem:$0x3FAF] =	sst s10  }
0x35: {  	s10 =	sld [smem:$0x3FAE];
	_ =	sdelay $0x3  }
0x36: {  	p1 =	seq.s32 s10, $0x1;
	s10 =	sld [smem:$0x3FAF];
	_ =	sdelay $0x3  }
0x37: {  	[smem:$0x3FAF] =	sst s10  }
0x38: {  	s10 =	sld [smem:$0x3FB0]  }
0x39: {  	_ = 	snop;
	(pc) =	sbr.ind lr, $3  }
0x3a: {  	_ = 	snop  }
0x3b: {  	_ = 	snop  }
0x3c: {  	p2 =	seq.s32 s10, $0x1;
	s10 =	sld [smem:$0x3FAF]  }
0x3d: {  	_ =	shalt  }
0x3e: {  	_ =	shalt  }
0x3f: {  	_ =	shalt  }
0x40: {  	_ =	shalt  }
0x41: {  	_ =	shalt  }
0x42: {  	_ =	shalt  }
0x43: {  	_ =	shalt  }
0x44: {  	_ =	shalt  }
0x45: {  	_ =	shalt  }
0x46: {  	_ =	shalt  }
0x47: {  	_ =	shalt  }
0x48: {  	_ =	shalt  }
0x49: {  	_ =	shalt  }
0x4a: {  	_ =	shalt  }
0x4b: {  	_ =	shalt  }
0x4c: {  	_ =	shalt  }
0x4d: {  	_ =	shalt  }
0x4e: {  	_ =	shalt  }
0x4f: {  	_ =	shalt  }
0x50: {  	_ =	shalt  }
0x51: {  	_ =	shalt  }
0x52: {  	_ =	shalt  }
0x53: {  	_ =	shalt  }
0x54: {  	_ =	shalt  }
0x55: {  	_ =	shalt  }
0x56: {  	_ =	shalt  }
0x57: {  	_ =	shalt  }
0x58: {  	_ =	shalt  }
0x59: {  	_ =	shalt  }
0x5a: {  	_ =	shalt  }
0x5b: {  	_ =	shalt  }
0x5c: {  	_ =	shalt  }
0x5d: {  	_ =	shalt  }
0x5e: {  	_ =	shalt  }
0x5f: {  	_ =	shalt  }
0x60: {  	_ =	shalt  }
0x61: {  	_ =	shalt  }
0x62: {  	_ =	shalt  }
0x63: {  	_ =	shalt  }
0x64: {  	_ =	shalt  }
0x65: {  	_ =	shalt  }
0x66: {  	_ =	shalt  }
0x67: {  	_ =	shalt  }
0x68: {  	_ =	shalt  }
0x69: {  	_ =	shalt  }
0x6a: {  	_ =	shalt  }
0x6b: {  	_ =	shalt  }
0x6c: {  	_ =	shalt  }
0x6d: {  	_ =	shalt  }
0x6e: {  	_ =	shalt  }
0x6f: {  	_ =	shalt  }
0x70: {  	_ =	shalt  }
0x71: {  	_ =	shalt  }
0x72: {  	_ =	shalt  }
0x73: {  	_ =	shalt  }
0x74: {  	_ =	shalt  }
0x75: {  	_ =	shalt  }
0x76: {  	_ =	shalt  }
0x77: {  	_ =	shalt  }
0x78: {  	_ =	shalt  }
0x79: {  	_ =	shalt  }
0x7a: {  	_ =	shalt  }
0x7b: {  	_ =	shalt  }
0x7c: {  	_ =	shalt  }
0x7d: {  	_ =	shalt  }
0x7e: {  	_ =	shalt  }
0x7f: {  	_ =	shalt  }
0x80: {  	_ =	shalt  }
0x81: {  	_ =	shalt  }
0x82: {  	_ =	shalt  }
0x83: {  	_ =	shalt  }
0x84: {  	_ =	shalt  }
0x85: {  	_ =	shalt  }
0x86: {  	_ =	shalt  }
0x87: {  	_ =	shalt  }
.Lfunc_end0:
.L_simem_size_0:
called_computation.3_lowered:
.L_overlay_start_0:
0x88: {  	s2 =	sld [smem:$0x3FD9]  }
0x89: {  	s3 =	sld [smem:$0x3FFE];
	_ =	sdelay $0x1  }
0x8a: {  	s1 =	srdreg.scid  }
0x8b: {  	s0 =	sand.u32 $0x1, s1  }
0x8c: {  	s14 =	sshll.u32 s0, $0xA;
	s2 =	sadd.s32 s3, s2  }
0x8d: {  	s2 =	sadd.s32 s2, s14  }
0x8e: {  	[smem:$0x3FBB] =	sst s2  }
0x8f: {  	_ = 	snop  }
0x90: {  	s2 =	sld [smem:$0x3FD0];
	_ =	sdelay $0x2  }
0x91: {  	s15 =	simm.s32 $0xB;
	s4 =	simm.s32 $0x10  }
0x92: {  	[smem:s4], [sflag:s15] =	dma.local [hbm:s2], $0x1  }
0x93: {  	_ =	swait.eq [sflag:s15], $0x1  }
0x94: {  	[sflag:s15] =	ssyncset.done $0x0  }
0x95: {  	s16 =	sld [smem:$0x10];
	[sflag:s15] =	ssyncadd.s32 $0xFFFFFFFF  }
0x96: {  	s17 =	sld [smem:$0x12];
	(tm) =	ssettm $0x1  }
0x97: {  	s18 =	sld [smem:$0x3FFB];
	_ =	sdelay $0x3  }
0x98: {  	_ =	strace s18  }
0x99: {  	s4 =	sld [smem:$0x3FFC];
	_ =	sdelay $0x3  }
0x9a: {  	_ =	strace s4  }
0x9b: {  	s4 =	sld [smem:$0x3FFD];
	_ =	sdelay $0x3  }
0x9c: {  	_ =	strace s4  }
0x9d: {  	_ =	strace $0x8FFFFFFF  }
0x9e: {  	s19 =	sld [smem:$0x3FDB];
	_ =	sdelay $0x1  }
0x9f: {  	s5 =	simm.s32 $_scs_section_size  }
0xa0: {  	s6 =	simm.s32 $_size__tile_overlayer_lowered;
	s7 =	simm.s32 $_tile_overlayer_lowered  }
0xa1: {  	s22 =	simm.s32 $0x1BFF;
	s21 =	sshll.u32 s7, $0x1;
	s4 =	sadd.s32 s5, s19  }
0xa2: {  	s8 =	simm.s32 $0x0;
	s20 =	sshll.u32 s6, $0x1;
	s6 =	sadd.s32 s21, s4  }
0xa3: {  	[timem:s8], [sflag:s22] =	dma.local [hbm:s6], s20  }
0xa4: {  	_ =	swait.ge [sflag:s22], s20  }
0xa5: {  	s5 =	ssub.s32 $0x0, s20;
	[sflag:s22] =	ssyncset.done $0x0  }
0xa6: {  	[sflag:s22] =	ssyncadd.s32 s5;
	_ =	sdelay $0x1  }
0xa7: {  	s23 =	simm.s32 $0x1B8B  }
0xa8: {  	_ =	swait.ge [sflag:s23], $0x1  }
0xa9: {  	[sflag:s23] =	ssyncset.done $0x0  }
0xaa: {  	s25 =	simm.s32 $0x1B8E;
	s24 =	sld [smem:$0x3FFE];
	[sflag:s23] =	ssyncadd.s32 $0xFFFFFFFF  }
0xab: {  	s26 =	simm.s32 $execute0_lowered;
	[smem:$0x3FD2] =	sst s25  }
0xac: {  	s6 =	sshll.u32 s26, $0x1;
	_ =	strace $0x8000004F;
	[dreg:$0x1] =	wrdreg $0xFFFFFFFF  }
0xad: {  	s28 =	simm.s32 $_size_execute0_lowered;
	s4 =	sadd.s32 s4, s6;
	[dreg:$0x0] =	wrdreg $0x0  }
0xae: {  	s6 =	sshll.u32 s28, $0x1;
	[dreg:$0x2] =	wrdreg s4  }
0xaf: {  	[dreg:$0x3] =	wrdreg s6  }
0xb0: {  	[dreg:$0x4] =	wrdreg $0xC0  }
0xb1: {  	_ =	task [dreg:s8], $0x5FFFF  }
0xb2: {  	[dreg:$0x1] =	wrdreg $0xFFFFFFFF  }
0xb3: {  	[dreg:$0x0] =	wrdreg $0x60  }
0xb4: {  	[dreg:$0x2] =	wrdreg s24  }
0xb5: {  	[dreg:$0x3] =	wrdreg s17  }
0xb6: {  	[dreg:$0x4] =	wrdreg s16  }
0xb7: {  	[dreg:$0x5] =	wrdreg $0x9  }
0xb8: {  	_ =	task.clear_ibuf [dreg:s8], $0x6FFFF;
	_ =	strace $0x9000004F  }
0xb9: {  	s29 =	simm.s32 $0x9;
	_ =	strace $0x80000051  }
0xba: {  	_ =	swait.ge [sflag:s29], $0x1  }
0xbb: {  	[sflag:s29] =	ssyncadd.s32 $0xFFFFFFFF  }
0xbc: {  	_ =	strace $0x90000051  }
0xbd: {  	_ =	sfence  }
0xbe: {  	s30 =	sld [smem:$0x0];
	_ =	sdelay $0x2  }
0xbf: {  	s31 =	sshll.u32 s1, $0xD;
	s1 =	sshrl.u32 s1, $0x2  }
0xc0: {  	s3 =	sand.u32 $0x4000, s31;
	s1 =	sadd.s32 s1, s30  }
0xc1: {  	s0 =	sor.u32 s3, s0;
	s1 =	sshll.u32 s1, $0x11  }
0xc2: {  	s0 =	sor.u32 s1, s0  }
0xc3: {  	s0 =	sadd.s32 $0x8F2B, s0  }
0xc4: {  	[sflag:s0] =	ssyncadd.remote.s32 $0x1  }
0xc5: {  	_ =	sfence.sel $0xFFFF  }
0xc6: {  	[dreg:$0x0] =	wrdreg $0xFFFFFFFF;
	(pc) =	sbr.abs _section_cstart, $3  }
0xc7: {  	[dreg:$0x1] =	wrdreg $0xFFFFFFFF  }
0xc8: {  	_ =	task.clear_ibuf [dreg:s8], $0x2FFFF;
	_ =	strace $0x9FFFFFFF  }
0xc9: {  	(tm) =	ssettm $0x7FFFFFFF  }
tec
execute0_lowered:
.L_overlay_start_1:
0x0: {  	(tag) =	ssettag $0x1  }
0x1: {  	s0 =	rddreg [dreg:$0x0]  }
0x2: {  	s1 =	srdreg.scid;
	s2 =	rddreg [dreg:$0x1]  }
0x3: {  	s15 =	stileid.u32;
	s6 =	rddreg [dreg:$0x2];
	s16 =	simm.s32 $0x3  }
0x4: {  	s17 =	simm.s32 $0x680;
	s18 =	simm.s32 $0x80;
	s19 =	simm.s32 $0xD00  }
0x5: {  	s20 =	simm.s32 $0x8D00;
	s21 =	simm.s32 $0x4D00;
	s22 =	simm.s32 $0x1  }
0x6: {  	s24 =	simm.s32 $0xCD00;
	s25 =	simm.s32 $0x2;
	s28 =	simm.s32 $0xC80  }
0x7: {  	s1 =	sand.u32 $0x1, s1;
	s3 =	sshll.u32 s15, $0x1;
	s15 =	smul.u32 $0xD000, s15  }
0x8: {  	s5 =	sor.u32 s1, s3;
	s9 =	ssub.s32 $0x2, s1;
	s1 =	smul.u32 $0x6800, s1  }
0x9: {  	s29 =	simm.s32 $0x0;
	s4 =	sadd.s32 $0x4200, s0;
	s7 =	smul.u32 $0x680, s5  }
0xa: {  	s14 =	sadd.s32 $0xDB000, s0;
	s3 =	simm.s32 $0x0;
	s10 =	smul.u32 $0x34000, s5  }
0xb: {  	[smem:$0x7FF] =	sst s3;
	s11 =	sshrl.u32 s9, $0x1;
	s30 =	smul.u32 $0x6800, s5  }
0xc: {  	_ =	strace $0x80000050;
	s13 =	ssub.s32 s9, s11;
	s7 =	sshrl.u32 s7, $0x3  }
0xd: {  	s31 =	sshrl.u32 s10, $0x3;
	s8 =	sadd.s32 s7, s0;
	s0 =	sadd.s32 $0x1AB000, s0  }
0xe: {  	s6 =	sadd.s32 s6, s7;
	s10 =	sadd.s32 $0x5800, s31;
	s7 =	sadd.s32 s14, s30  }
0xf: {  	s12 =	sadd.s32 $0x6000, s31;
	s5 =	sadd.s32 $0xD6200, s8;
	s8 =	sadd.s32 s0, s30  }
0x10: {  	s9 =	sadd.s32 s14, s10;
	s10 =	sadd.s32 s0, s10;
	s11 =	sadd.s32 s14, s12  }
0x11: {  	s12 =	sadd.s32 s0, s12;
	s14 =	sadd.s32 s15, s14;
	s0 =	sadd.s32 s15, s0  }
0x12: {  	s13 =	smax.u32 s13, $0x1;
	s14 =	sadd.s32 s1, s14;
	s15 =	sadd.s32 s1, s0  }
.LBB2_1:
0x13: {  	[tilespmem:s3], [sflag:$0x3] =	stream.linear.gather [hbm4b:s5+s3], $0x680, $0x38;
	[tilespmem:$0x10D00] =	vst v63  }
0x14: {  	_ =	swait.ge [sflag:s16], $0x680  }
0x15: {  	[sflag:s16] =	ssyncset.done $0x0  }
0x16: {  	[sflag:s16] =	ssyncadd.s32 $0xFFFFF980  }
0x17: {  	[tilespmem:s17], [sflag:$0x3] =	stream.linear.gather [hbm4b:s6+s3], $0x680, $0x38;
	[tilespmem:$0x10D00] =	vst v63  }
0x18: {  	_ =	swait.ge [sflag:s16], $0x680  }
0x19: {  	[sflag:s16] =	ssyncset.done $0x0  }
0x1a: {  	[sflag:s16] =	ssyncadd.s32 $0xFFFFF980  }
0x1b: {  	[tilespmem:s19], [sflag:$0x1] =	stream.indirect.gather [hbm4b:s4+s18], $0x80, s3, s18, $0xb8;
	[tilespmem:$0x10D00] =	vst v63  }
0x1c: {  	_ = 	snop  }
0x1d: {  	[tilespmem:s20], [sflag:$0x1] =	stream.indirect.gather [hbm4b:s2+s18], $0x80, s17, s18, $0xb8;
	[tilespmem:$0x10D00] =	vst v63  }
0x1e: {  	_ = 	snop  }
0x1f: {  	[tilespmem:s21], [sflag:$0x1] =	stream.indirect.gather [hbm4b:s4+s18], $0x80, s18, s18, $0xb8;
	[tilespmem:$0x10D00] =	vst v63  }
0x20: {  	_ =	swait.ge [sflag:s22], $0x4000  }
0x21: {  	[sflag:s22] =	ssyncset.done $0x0  }
0x22: {  	[sflag:s22] =	ssyncadd.s32 $0xFFFFC000  }
0x23: {  	[hbm4b:s7+s3] =	stream.linear.scatter [tilespmem:s19], [sflag:$0x2], $0x4000, $0x38;
	[tilespmem:$0x10D00] =	vst v63  }
0x24: {  	s0 =	simm.s32 $0x700  }
0x25: {  	[tilespmem:s24], [sflag:$0x1] =	stream.indirect.gather [hbm4b:s2+s18], $0x80, s0, s18, $0xb8;
	[tilespmem:$0x10D00] =	vst v63  }
0x26: {  	_ =	swait.ge [sflag:s22], $0x4000  }
0x27: {  	[sflag:s22] =	ssyncset.done $0x0  }
0x28: {  	[sflag:s22] =	ssyncadd.s32 $0xFFFFC000  }
0x29: {  	[hbm4b:s8+s3] =	stream.linear.scatter [tilespmem:s20], [sflag:$0x2], $0x4000, $0x38;
	[tilespmem:$0x10D00] =	vst v63  }
0x2a: {  	_ =	swait.ge [sflag:s25], $0x4000  }
0x2b: {  	[sflag:s25] =	ssyncset.done $0x0  }
0x2c: {  	s23 =	simm.s32 $0x100;
	[sflag:s25] =	ssyncadd.s32 $0xFFFFC000  }
0x2d: {  	[tilespmem:s19], [sflag:$0x1] =	stream.indirect.gather [hbm4b:s4+s18], $0x80, s23, s18, $0xb8;
	[tilespmem:$0x10D00] =	vst v63  }
0x2e: {  	_ =	swait.ge [sflag:s22], $0x4000  }
0x2f: {  	s0 =	sadd.s32 $0x0, s14;
	[sflag:s22] =	ssyncset.done $0x0  }
0x30: {  	s1 =	sadd.s32 $0x800, s0;
	[sflag:s22] =	ssyncadd.s32 $0xFFFFC000  }
0x31: {  	[hbm4b:s1+s3] =	stream.linear.scatter [tilespmem:s21], [sflag:$0x2], $0x4000, $0x38;
	[tilespmem:$0x10D00] =	vst v63  }
0x32: {  	_ =	swait.ge [sflag:s25], $0x4000  }
0x33: {  	[sflag:s25] =	ssyncset.done $0x0  }
0x34: {  	s26 =	simm.s32 $0x780;
	[sflag:s25] =	ssyncadd.s32 $0xFFFFC000  }
0x35: {  	[tilespmem:s20], [sflag:$0x1] =	stream.indirect.gather [hbm4b:s2+s18], $0x80, s26, s18, $0xb8;
	[tilespmem:$0x10D00] =	vst v63  }
0x36: {  	_ =	swait.ge [sflag:s22], $0x4000  }
0x37: {  	s23 =	sadd.s32 $0x0, s15;
	[sflag:s22] =	ssyncset.done $0x0  }
0x38: {  	s30 =	sadd.s32 $0x800, s23;
	[sflag:s22] =	ssyncadd.s32 $0xFFFFC000  }
0x39: {  	[hbm4b:s30+s3] =	stream.linear.scatter [tilespmem:s24], [sflag:$0x2], $0x4000, $0x38;
	[tilespmem:$0x10D00] =	vst v63  }
0x3a: {  	_ =	swait.ge [sflag:s25], $0x4000  }
0x3b: {  	[sflag:s25] =	ssyncset.done $0x0  }
0x3c: {  	s30 =	simm.s32 $0x180;
	[sflag:s25] =	ssyncadd.s32 $0xFFFFC000  }
0x3d: {  	[tilespmem:s21], [sflag:$0x1] =	stream.indirect.gather [hbm4b:s4+s18], $0x80, s30, s18, $0xb8;
	[tilespmem:$0x10D00] =	vst v63  }
0x3e: {  	_ =	swait.ge [sflag:s22], $0x4000  }
0x3f: {  	[sflag:s22] =	ssyncset.done $0x0  }
0x40: {  	s0 =	sadd.s32 $0x1000, s0;
	[sflag:s22] =	ssyncadd.s32 $0xFFFFC000  }
0x41: {  	[hbm4b:s0+s3] =	stream.linear.scatter [tilespmem:s19], [sflag:$0x2], $0x4000, $0x38;
	[tilespmem:$0x10D00] =	vst v63  }
0x42: {  	_ =	swait.ge [sflag:s25], $0x4000  }
0x43: {  	[sflag:s25] =	ssyncset.done $0x0  }
0x44: {  	s26 =	simm.s32 $0x800;
	[sflag:s25] =	ssyncadd.s32 $0xFFFFC000  }
0x45: {  	[tilespmem:s24], [sflag:$0x1] =	stream.indirect.gather [hbm4b:s2+s18], $0x80, s26, s18, $0xb8;
	[tilespmem:$0x10D00] =	vst v63  }
0x46: {  	_ =	swait.ge [sflag:s22], $0x4000  }
0x47: {  	s31 =	simm.s32 $0x880;
	s1 =	simm.s32 $0x200;
	[sflag:s22] =	ssyncset.done $0x0  }
0x48: {  	s30 =	simm.s32 $0x1000;
	s0 =	sadd.s32 $0x1000, s23;
	[sflag:s22] =	ssyncadd.s32 $0xFFFFC000  }
.LBB2_2:
0x49: {  	[hbm4b:s0+s3] =	stream.linear.scatter [tilespmem:s20], [sflag:$0x2], $0x4000, $0x38;
	[tilespmem:$0x10D00] =	vst v63  }
0x4a: {  	s0 =	smov.u32 s30  }
0x4b: {  	p0 =	sne.s32 s30, $0x4000;
	s30 =	sadd.s32 $0x1000, s30;
	_ =	swait.ge [sflag:s25], $0x4000  }
0x4c: {  	[sflag:s25] =	ssyncset.done $0x0  }
0x4d: {  	[sflag:s25] =	ssyncadd.s32 $0xFFFFC000  }
0x4e: {  	[tilespmem:s19], [sflag:$0x1] =	stream.indirect.gather [hbm4b:s4+s18], $0x80, s1, s18, $0xb8;
	[tilespmem:$0x10D00] =	vst v63  }
0x4f: {  	_ =	swait.ge [sflag:s22], $0x4000  }
0x50: {  	s23 =	sadd.s32 s0, s14;
	[sflag:s22] =	ssyncset.done $0x0  }
0x51: {  	s26 =	sadd.s32 $0x800, s23;
	[sflag:s22] =	ssyncadd.s32 $0xFFFFC000  }
0x52: {  	[hbm4b:s26+s3] =	stream.linear.scatter [tilespmem:s21], [sflag:$0x2], $0x4000, $0x38;
	[tilespmem:$0x10D00] =	vst v63  }
0x53: {  	_ =	swait.ge [sflag:s25], $0x4000  }
0x54: {  	[sflag:s25] =	ssyncset.done $0x0  }
0x55: {  	[sflag:s25] =	ssyncadd.s32 $0xFFFFC000  }
0x56: {  	[tilespmem:s20], [sflag:$0x1] =	stream.indirect.gather [hbm4b:s2+s18], $0x80, s31, s18, $0xb8;
	[tilespmem:$0x10D00] =	vst v63  }
0x57: {  	_ =	swait.ge [sflag:s22], $0x4000  }
0x58: {  	s0 =	sadd.s32 s0, s15;
	[sflag:s22] =	ssyncset.done $0x0  }
0x59: {  	s26 =	sadd.s32 $0x800, s0;
	[sflag:s22] =	ssyncadd.s32 $0xFFFFC000  }
0x5a: {  	[hbm4b:s26+s3] =	stream.linear.scatter [tilespmem:s24], [sflag:$0x2], $0x4000, $0x38;
	[tilespmem:$0x10D00] =	vst v63  }
0x5b: {  	_ =	swait.ge [sflag:s25], $0x4000  }
0x5c: {  	[sflag:s25] =	ssyncset.done $0x0  }
0x5d: {  	s26 =	sadd.s32 $0x80, s1;
	[sflag:s25] =	ssyncadd.s32 $0xFFFFC000  }
0x5e: {  	[tilespmem:s21], [sflag:$0x1] =	stream.indirect.gather [hbm4b:s4+s18], $0x80, s26, s18, $0xb8;
	[tilespmem:$0x10D00] =	vst v63  }
0x5f: {  	_ =	swait.ge [sflag:s22], $0x4000  }
0x60: {  	[sflag:s22] =	ssyncset.done $0x0  }
0x61: {  	s23 =	sadd.s32 $0x1000, s23;
	[sflag:s22] =	ssyncadd.s32 $0xFFFFC000  }
0x62: {  	[hbm4b:s23+s3] =	stream.linear.scatter [tilespmem:s19], [sflag:$0x2], $0x4000, $0x38;
	[tilespmem:$0x10D00] =	vst v63  }
0x63: {  	_ =	swait.ge [sflag:s25], $0x4000  }
0x64: {  	[sflag:s25] =	ssyncset.done $0x0  }
.Ltmp0:
0x65: {  	s23 =	sadd.s32 $0x80, s31;
	[sflag:s25] =	ssyncadd.s32 $0xFFFFC000;
	(pc) =	sbr.rel @p0 .LBB2_2-.Ltmp0, $4  }
0x66: {  	[tilespmem:s24], [sflag:$0x1] =	stream.indirect.gather [hbm4b:s2+s18], $0x80, s23, s18, $0xb8;
	[tilespmem:$0x10D00] =	vst v63  }
0x67: {  	_ =	swait.ge [sflag:s22], $0x4000  }
0x68: {  	s31 =	sadd.s32 $0x100, s31;
	[sflag:s22] =	ssyncset.done $0x0  }
0x69: {  	s0 =	sadd.s32 $0x1000, s0;
	s1 =	sadd.s32 $0x100, s1;
	[sflag:s22] =	ssyncadd.s32 $0xFFFFC000  }
0x6a: {  	[hbm4b:s0+s3] =	stream.linear.scatter [tilespmem:s20], [sflag:$0x2], $0x4000, $0x38;
	[tilespmem:$0x10D00] =	vst v63  }
0x6b: {  	_ =	swait.ge [sflag:s25], $0x4000  }
0x6c: {  	[sflag:s25] =	ssyncset.done $0x0  }
0x6d: {  	s31 =	simm.s32 $0x600;
	[sflag:s25] =	ssyncadd.s32 $0xFFFFC000  }
0x6e: {  	[tilespmem:s19], [sflag:$0x1] =	stream.indirect.gather [hbm4b:s4+s18], $0x80, s31, s18, $0xb8;
	[tilespmem:$0x10D00] =	vst v63  }
0x6f: {  	_ =	swait.ge [sflag:s22], $0x4000  }
0x70: {  	[sflag:s22] =	ssyncset.done $0x0  }
0x71: {  	[sflag:s22] =	ssyncadd.s32 $0xFFFFC000  }
0x72: {  	[hbm4b:s9+s3] =	stream.linear.scatter [tilespmem:s21], [sflag:$0x2], $0x4000, $0x38;
	[tilespmem:$0x10D00] =	vst v63  }
0x73: {  	_ =	swait.ge [sflag:s25], $0x4000  }
0x74: {  	[sflag:s25] =	ssyncset.done $0x0  }
0x75: {  	[sflag:s25] =	ssyncadd.s32 $0xFFFFC000  }
0x76: {  	[tilespmem:s20], [sflag:$0x1] =	stream.indirect.gather [hbm4b:s2+s18], $0x80, s28, s18, $0xb8;
	[tilespmem:$0x10D00] =	vst v63  }
0x77: {  	_ =	swait.ge [sflag:s22], $0x4000  }
0x78: {  	[sflag:s22] =	ssyncset.done $0x0  }
0x79: {  	[sflag:s22] =	ssyncadd.s32 $0xFFFFC000  }
0x7a: {  	[hbm4b:s10+s3] =	stream.linear.scatter [tilespmem:s24], [sflag:$0x2], $0x4000, $0x38;
	[tilespmem:$0x10D00] =	vst v63  }
0x7b: {  	_ =	swait.ge [sflag:s25], $0x4000  }
0x7c: {  	[sflag:s25] =	ssyncset.done $0x0  }
0x7d: {  	[sflag:s25] =	ssyncadd.s32 $0xFFFFC000  }
0x7e: {  	_ =	swait.ge [sflag:s22], $0x4000  }
0x7f: {  	[sflag:s22] =	ssyncset.done $0x0  }
0x80: {  	[sflag:s22] =	ssyncadd.s32 $0xFFFFC000  }
0x81: {  	[hbm4b:s11+s3] =	stream.linear.scatter [tilespmem:s19], [sflag:$0x2], $0x4000, $0x38;
	[tilespmem:$0x10D00] =	vst v63  }
0x82: {  	_ =	swait.ge [sflag:s25], $0x4000  }
0x83: {  	[sflag:s25] =	ssyncset.done $0x0  }
0x84: {  	[sflag:s25] =	ssyncadd.s32 $0xFFFFC000  }
0x85: {  	_ =	swait.ge [sflag:s22], $0x4000  }
0x86: {  	[sflag:s22] =	ssyncset.done $0x0  }
0x87: {  	s29 =	sadd.s32 $0x1, s29;
	[sflag:s22] =	ssyncadd.s32 $0xFFFFC000  }
0x88: {  	[hbm4b:s12+s3] =	stream.linear.scatter [tilespmem:s20], [sflag:$0x2], $0x4000, $0x38;
	[tilespmem:$0x10D00] =	vst v63  }
0x89: {  	p0 =	sne.s32 s29, s13;
	_ =	swait.ge [sflag:s25], $0x4000  }
.Ltmp1:
0x8a: {  	[sflag:s25] =	ssyncset.done $0x0;
	(pc) =	sbr.rel @p0 .LBB2_1-.Ltmp1, $4  }
0x8b: {  	[sflag:s25] =	ssyncadd.s32 $0xFFFFC000  }
0x8c: {  	_ =	swait.ge [sflag:s25], $0x4000  }
0x8d: {  	[sflag:s25] =	ssyncset.done $0x0  }
0x8e: {  	[sflag:s25] =	ssyncadd.s32 $0xFFFFC000  }
0x8f: {  	_ =	sfence.sel $0x180000  }
0x90: {  	[bflag:$0x0] =	sbarrier.arrive $0xFFFF  }
0x91: {  	_ =	strace $0x90000050  }
0x92: {  	s0 =	stileid.u32;
	[bflag:$0x2] =	sbarrier.arrive $0xFFFF  }
0x93: {  	p0 =	sne.s32 s0, $0x0;
	s0 =	rddreg [dreg:$0x3]  }
0x94: {  	s0 =	sadd.s32 @!p0 $0x100000, s0  }
0x95: {  	[sflag:s0] =	ssyncadd.tile.s32 @!p0 $0x1;
	_ =	shalt  }
.Lfunc_end2:
_tile_overlayer_lowered:
.L_overlay_start_2:
0x96: {  	(tag) =	ssettag $0x2  }
0x97: {  	s0 =	rddreg [dreg:$0x0];
	s2 =	stileid.u32  }
0x98: {  	s1 =	rddreg [dreg:$0x1];
	p0 =	sne.s32 s2, $0x0  }
0x99: {  	s3 =	rddreg [dreg:$0x2];
	[bflag:$0x3] =	sbarrier.arrive $0xFFFF;
	s2 =	simm.s32 @!p0 $0x1C03  }
0x9a: {  	[timem:s3], [sflag:s2] =	dma.local @!p0 [hbm:s0], s1  }
0x9b: {  	s0 =	simm.s32 @!p0 $0x3  }
0x9c: {  	_ =	swait.ge @!p0 [sflag:s0], s1  }
0x9d: {  	s1 =	ssub.s32 @!p0 $0x0, s1;
	[sflag:s0] =	ssyncset.done @!p0 $0x0  }
0x9e: {  	[sflag:s0] =	ssyncadd.s32 @!p0 s1  }
0x9f: {  	[bflag:$0x3] =	sbarrier.arrive $0xFFFF  }
0xa0: {  	_ =	shalt  }

// kernel: kernel.25.cloned.1.call-start
scs
__scs_entry_jumppad:
0x0: {  	(pc) =	sbr.rel $0x88, $3  }
0x1: {  	(tag) =	ssettag $0x0;
	lr =	simm.s32 $0x1  }
0x2: {  	[smem:$0x3F94] =	sst lr;
	_ =	strace $0xD0000000  }
0x3: {  	_ = 	snop  }
0x4: {  	_ = 	snop  }
0x5: {  	_ = 	snop  }
0x6: {  	_ = 	snop  }
0x7: {  	_ = 	snop  }
__scs_overlays_trampoline_lowered:
0x8: {  	[smem:$0x3FA3] =	sst s0  }
0x9: {  	[smem:$0x3FA4] =	sst s1  }
0xa: {  	[smem:$0x3FA5] =	sst s2  }
0xb: {  	[smem:$0x3FA6] =	sst s3  }
0xc: {  	[smem:$0x3FA7] =	sst s4  }
0xd: {  	[smem:$0x3FA8] =	sst s5  }
0xe: {  	[smem:$0x3FA9] =	sst s6  }
0xf: {  	[smem:$0x3FAA] =	sst s7  }
0x10: {  	[smem:$0x3FAB] =	sst s8  }
0x11: {  	[smem:$0x3FAC] =	sst s9;
	s0 =	simm.s32 @!p0 $0x0  }
0x12: {  	s1 =	sld [smem:$0x3F92];
	s0 =	simm.s32 @p0 $0x1  }
0x13: {  	[smem:$0x3FAD] =	sst s0;
	s0 =	simm.s32 @!p1 $0x0  }
0x14: {  	s2 =	sld [smem:$0x3F91];
	s0 =	simm.s32 @p1 $0x1  }
0x15: {  	[smem:$0x3FAE] =	sst s0;
	s0 =	simm.s32 @!p2 $0x0  }
0x16: {  	s3 =	sld [smem:$0x3FDB];
	s0 =	simm.s32 @p2 $0x1  }
0x17: {  	s4 =	simm.s32 $0x1BF5;
	[smem:$0x3FB0] =	sst s0  }
0x18: {  	s0 =	sld [smem:$0x3F93];
	_ =	swait.ge [sflag:s4], $0x0  }
0x19: {  	s7 =	sld [smem:$0x3F94]  }
0x1a: {  	s8 =	sadd.s32 $0xFFFFE003, lr  }
0x1b: {  	s9 =	sadd.s32 $0xFFFFFEF7, lr;
	s5 =	simm.s32 $0xFFFFFFFF;
	p2 =	slt.u32 s8, $0xFFFFF086  }
0x1c: {  	p1 =	slt.u32 s9, $0xF7A;
	s5 =	simm.s32 @!p2 $0x0  }
0x1d: {  	s5 =	simm.s32 @p1 $0x1;
	p0 =	seq.s32 s7, s2  }
0x1e: {  	s7 =	smul.u32 @!p0 $0xF7A, s2;
	p2 =	seq.s32 @!p0 s5, $0x0  }
0x1f: {  	s9 =	smul.u32 $0xF7A, s1;
	s8 =	simm.s32 @!p0 $0x1BF5;
	p2 =	por !p2, p0  }
0x20: {  	[sflag:s8] =	ssyncset.s32 @!p0 $0xFFFFF086;
	s6 =	sadd.s32 @!p0 s3, s7;
	s7 =	simm.s32 @!p0 $0x108  }
0x21: {  	s3 =	sadd.s32 s3, s9;
	s6 =	sadd.s32 @!p0 $0x88, s6;
	s7 =	simm.s32 @p2 $0x1082  }
0x22: {  	[simem:s7], [sflag:s8] =	dma.local @!p0 [hbm:s6], $0xF7A  }
0x23: {  	s9 =	sor.u32 $0xD0000000, s2;
	s6 =	simm.s32 $0x108;
	_ =	swait.ge @!p0 [sflag:s8], $0x0  }
0x24: {  	s3 =	sadd.s32 $0x88, s3;
	s6 =	simm.s32 @!p1 $0x1082;
	[sflag:s4] =	ssyncset.s32 $0xFFFFF086  }
0x25: {  	[simem:s6], [sflag:s4] =	dma.local [hbm:s3], $0xF7A  }
0x26: {  	[smem:$0x3F94] =	sst s1;
	(tag) =	ssettag s2;
	_ =	strace s9  }
0x27: {  	s1 =	sld [smem:$0x3FA4]  }
0x28: {  	s2 =	sld [smem:$0x3FA5]  }
0x29: {  	s4 =	sld [smem:$0x3FA7]  }
0x2a: {  	p0 =	seq.s32 s5, $0x0;
	s5 =	sld [smem:$0x3FA8]  }
0x2b: {  	s6 =	sld [smem:$0x3FA9]  }
0x2c: {  	s7 =	sld [smem:$0x3FAA]  }
0x2d: {  	s3 =	simm.s32 $0x108;
	s8 =	sld [smem:$0x3FAB]  }
0x2e: {  	s3 =	simm.s32 @!p0 $0x1082;
	s9 =	sld [smem:$0x3FAC]  }
0x2f: {  	lr =	sadd.s32 s0, s3;
	s0 =	sld [smem:$0x3FA3]  }
0x30: {  	s3 =	sld [smem:$0x3FA6]  }
0x31: {  	[smem:$0x3FAF] =	sst s10  }
0x32: {  	s10 =	sld [smem:$0x3FAD];
	_ =	sdelay $0x3  }
0x33: {  	p0 =	seq.s32 s10, $0x1;
	s10 =	sld [smem:$0x3FAF];
	_ =	sdelay $0x3  }
0x34: {  	[smem:$0x3FAF] =	sst s10  }
0x35: {  	s10 =	sld [smem:$0x3FAE];
	_ =	sdelay $0x3  }
0x36: {  	p1 =	seq.s32 s10, $0x1;
	s10 =	sld [smem:$0x3FAF];
	_ =	sdelay $0x3  }
0x37: {  	[smem:$0x3FAF] =	sst s10  }
0x38: {  	s10 =	sld [smem:$0x3FB0]  }
0x39: {  	_ = 	snop;
	(pc) =	sbr.ind lr, $3  }
0x3a: {  	_ = 	snop  }
0x3b: {  	_ = 	snop  }
0x3c: {  	p2 =	seq.s32 s10, $0x1;
	s10 =	sld [smem:$0x3FAF]  }
0x3d: {  	_ =	shalt  }
0x3e: {  	_ =	shalt  }
0x3f: {  	_ =	shalt  }
0x40: {  	_ =	shalt  }
0x41: {  	_ =	shalt  }
0x42: {  	_ =	shalt  }
0x43: {  	_ =	shalt  }
0x44: {  	_ =	shalt  }
0x45: {  	_ =	shalt  }
0x46: {  	_ =	shalt  }
0x47: {  	_ =	shalt  }
0x48: {  	_ =	shalt  }
0x49: {  	_ =	shalt  }
0x4a: {  	_ =	shalt  }
0x4b: {  	_ =	shalt  }
0x4c: {  	_ =	shalt  }
0x4d: {  	_ =	shalt  }
0x4e: {  	_ =	shalt  }
0x4f: {  	_ =	shalt  }
0x50: {  	_ =	shalt  }
0x51: {  	_ =	shalt  }
0x52: {  	_ =	shalt  }
0x53: {  	_ =	shalt  }
0x54: {  	_ =	shalt  }
0x55: {  	_ =	shalt  }
0x56: {  	_ =	shalt  }
0x57: {  	_ =	shalt  }
0x58: {  	_ =	shalt  }
0x59: {  	_ =	shalt  }
0x5a: {  	_ =	shalt  }
0x5b: {  	_ =	shalt  }
0x5c: {  	_ =	shalt  }
0x5d: {  	_ =	shalt  }
0x5e: {  	_ =	shalt  }
0x5f: {  	_ =	shalt  }
0x60: {  	_ =	shalt  }
0x61: {  	_ =	shalt  }
0x62: {  	_ =	shalt  }
0x63: {  	_ =	shalt  }
0x64: {  	_ =	shalt  }
0x65: {  	_ =	shalt  }
0x66: {  	_ =	shalt  }
0x67: {  	_ =	shalt  }
0x68: {  	_ =	shalt  }
0x69: {  	_ =	shalt  }
0x6a: {  	_ =	shalt  }
0x6b: {  	_ =	shalt  }
0x6c: {  	_ =	shalt  }
0x6d: {  	_ =	shalt  }
0x6e: {  	_ =	shalt  }
0x6f: {  	_ =	shalt  }
0x70: {  	_ =	shalt  }
0x71: {  	_ =	shalt  }
0x72: {  	_ =	shalt  }
0x73: {  	_ =	shalt  }
0x74: {  	_ =	shalt  }
0x75: {  	_ =	shalt  }
0x76: {  	_ =	shalt  }
0x77: {  	_ =	shalt  }
0x78: {  	_ =	shalt  }
0x79: {  	_ =	shalt  }
0x7a: {  	_ =	shalt  }
0x7b: {  	_ =	shalt  }
0x7c: {  	_ =	shalt  }
0x7d: {  	_ =	shalt  }
0x7e: {  	_ =	shalt  }
0x7f: {  	_ =	shalt  }
0x80: {  	_ =	shalt  }
0x81: {  	_ =	shalt  }
0x82: {  	_ =	shalt  }
0x83: {  	_ =	shalt  }
0x84: {  	_ =	shalt  }
0x85: {  	_ =	shalt  }
0x86: {  	_ =	shalt  }
0x87: {  	_ =	shalt  }
.Lfunc_end0:
.L_simem_size_0:
called_computation.4_lowered:
.L_overlay_start_0:
0x88: {  	s2 =	sld [smem:$0x3FD9]  }
0x89: {  	s3 =	sld [smem:$0x3FFE];
	_ =	sdelay $0x1  }
0x8a: {  	s1 =	srdreg.scid  }
0x8b: {  	s0 =	sand.u32 $0x1, s1  }
0x8c: {  	s15 =	sshll.u32 s0, $0xA;
	s2 =	sadd.s32 s3, s2  }
0x8d: {  	s2 =	sadd.s32 s2, s15  }
0x8e: {  	[smem:$0x3FBB] =	sst s2  }
0x8f: {  	_ = 	snop  }
0x90: {  	s2 =	sld [smem:$0x3FD0];
	_ =	sdelay $0x2  }
0x91: {  	s16 =	simm.s32 $0xB;
	s4 =	simm.s32 $0x10  }
0x92: {  	[smem:s4], [sflag:s16] =	dma.local [hbm:s2], $0x1  }
0x93: {  	_ =	swait.eq [sflag:s16], $0x1  }
0x94: {  	[sflag:s16] =	ssyncset.done $0x0  }
0x95: {  	[sflag:s16] =	ssyncadd.s32 $0xFFFFFFFF  }
0x96: {  	s17 =	sld [smem:$0x12];
	(tm) =	ssettm $0x1  }
0x97: {  	s18 =	sld [smem:$0x3FFB];
	_ =	sdelay $0x3  }
0x98: {  	_ =	strace s18  }
0x99: {  	s2 =	sld [smem:$0x3FFC];
	_ =	sdelay $0x3  }
0x9a: {  	_ =	strace s2  }
0x9b: {  	s2 =	sld [smem:$0x3FFD];
	_ =	sdelay $0x3  }
0x9c: {  	_ =	strace s2  }
0x9d: {  	_ =	strace $0x8FFFFFFF  }
0x9e: {  	s19 =	sld [smem:$0x3FDB];
	_ =	sdelay $0x1  }
0x9f: {  	s20 =	simm.s32 $_scs_section_size  }
0xa0: {  	s5 =	simm.s32 $_size__tile_overlayer_lowered;
	s6 =	simm.s32 $_tile_overlayer_lowered  }
0xa1: {  	s7 =	simm.s32 $0x1BFF;
	s21 =	sshll.u32 s6, $0x1;
	s4 =	sadd.s32 s20, s19  }
0xa2: {  	s22 =	simm.s32 $0x0;
	s5 =	sshll.u32 s5, $0x1;
	s6 =	sadd.s32 s21, s4  }
0xa3: {  	[timem:s22], [sflag:s7] =	dma.local [hbm:s6], s5  }
0xa4: {  	_ =	swait.ge [sflag:s7], s5  }
0xa5: {  	s5 =	ssub.s32 $0x0, s5;
	[sflag:s7] =	ssyncset.done $0x0  }
0xa6: {  	[sflag:s7] =	ssyncadd.s32 s5;
	_ =	sdelay $0x1  }
0xa7: {  	s23 =	simm.s32 $0x1B8B  }
0xa8: {  	_ =	swait.ge [sflag:s23], $0x1  }
0xa9: {  	[sflag:s23] =	ssyncset.done $0x0  }
0xaa: {  	[sflag:s23] =	ssyncadd.s32 $0xFFFFFFFF  }
0xab: {  	s5 =	sld [smem:$0x0]  }
0xac: {  	s6 =	sand.u32 $0xFFFFFFFE, s1  }
0xad: {  	p0 =	sne.s32 s1, s6  }
0xae: {  	s6 =	sshll.u32 @p0 s6, $0xE  }
0xaf: {  	s6 =	sadd.s32 @p0 $0x11B8D, s6;
	s7 =	sshll.u32 @p0 s5, $0x11  }
0xb0: {  	s6 =	sor.u32 @p0 s7, s6  }
0xb1: {  	[sflag:s6] =	ssyncadd.remote.s32 @p0 $0x1;
	_ =	sdelay $0x1  }
0xb2: {  	s6 =	simm.s32 @p0 $0x1B8D  }
0xb3: {  	_ =	swait.eq @p0 [sflag:s6], $0x1  }
0xb4: {  	[sflag:s6] =	ssyncadd.s32 @p0 $0xFFFFFFFF  }
0xb5: {  	s7 =	sshll.u32 @!p0 s1, $0xE  }
0xb6: {  	s7 =	sor.u32 @!p0 $0x4000, s7;
	s6 =	simm.s32 @!p0 $0x1B8D  }
0xb7: {  	s5 =	sshll.u32 @!p0 s5, $0x11;
	s7 =	sadd.s32 @!p0 $0x11B8D, s7;
	_ =	swait.eq @!p0 [sflag:s6], $0x1  }
0xb8: {  	s5 =	sor.u32 @!p0 s5, s7;
	[sflag:s6] =	ssyncadd.s32 @!p0 $0xFFFFFFFF  }
0xb9: {  	s25 =	simm.s32 $0x1B8E;
	s24 =	sld [smem:$0x3FFE];
	[sflag:s5] =	ssyncadd.remote.s32 @!p0 $0x1  }
0xba: {  	s26 =	simm.s32 $execute0_lowered;
	[smem:$0x3FD2] =	sst s25  }
0xbb: {  	s6 =	sshll.u32 s26, $0x1;
	_ =	strace $0x80000052;
	[dreg:$0x1] =	wrdreg $0xFFFFFFFF  }
0xbc: {  	s28 =	simm.s32 $_size_execute0_lowered;
	s4 =	sadd.s32 s4, s6;
	[dreg:$0x0] =	wrdreg $0x0  }
0xbd: {  	s6 =	sshll.u32 s28, $0x1;
	[dreg:$0x2] =	wrdreg s4  }
0xbe: {  	[dreg:$0x3] =	wrdreg s6  }
0xbf: {  	[dreg:$0x4] =	wrdreg $0xC0  }
0xc0: {  	_ =	task [dreg:s22], $0x5FFFF  }
0xc1: {  	[dreg:$0x1] =	wrdreg $0xFFFFFFFF  }
0xc2: {  	[dreg:$0x0] =	wrdreg $0x60  }
0xc3: {  	[dreg:$0x2] =	wrdreg s24  }
0xc4: {  	[dreg:$0x3] =	wrdreg s17  }
0xc5: {  	[dreg:$0x4] =	wrdreg $0xA  }
0xc6: {  	_ =	task.clear_ibuf [dreg:s22], $0x5FFFF;
	_ =	strace $0x90000052  }
0xc7: {  	s29 =	simm.s32 $0xA;
	_ =	strace $0x80000054  }
0xc8: {  	_ =	swait.ge [sflag:s29], $0x1  }
0xc9: {  	[sflag:s29] =	ssyncadd.s32 $0xFFFFFFFF  }
0xca: {  	_ =	strace $0x90000054  }
0xcb: {  	_ =	sfence  }
0xcc: {  	s30 =	sld [smem:$0x0];
	_ =	sdelay $0x2  }
0xcd: {  	s31 =	sshll.u32 s1, $0xD;
	s1 =	sshrl.u32 s1, $0x2  }
0xce: {  	s4 =	sand.u32 $0x4000, s31;
	s1 =	sadd.s32 s1, s30  }
0xcf: {  	s0 =	sor.u32 s4, s0;
	s1 =	sshll.u32 s1, $0x11  }
0xd0: {  	s0 =	sor.u32 s1, s0  }
0xd1: {  	s0 =	sadd.s32 $0x8F2B, s0  }
0xd2: {  	[sflag:s0] =	ssyncadd.remote.s32 $0x1  }
0xd3: {  	_ =	sfence.sel $0xFFFF  }
0xd4: {  	[dreg:$0x0] =	wrdreg $0xFFFFFFFF;
	(pc) =	sbr.abs _section_cstart, $3  }
0xd5: {  	[dreg:$0x1] =	wrdreg $0xFFFFFFFF  }
0xd6: {  	_ =	task.clear_ibuf [dreg:s22], $0x2FFFF;
	_ =	strace $0x9FFFFFFF  }
0xd7: {  	(tm) =	ssettm $0x7FFFFFFF  }
tec
execute0_lowered:
.L_overlay_start_1:
0x0: {  	(tag) =	ssettag $0x1  }
0x1: {  	s0 =	srdreg.scid;
	s1 =	rddreg [dreg:$0x0]  }
0x2: {  	s15 =	stileid.u32;
	s2 =	rddreg [dreg:$0x1];
	s16 =	simm.s32 $0x3  }
0x3: {  	s17 =	simm.s32 $0x680;
	s18 =	simm.s32 $0x80;
	s19 =	simm.s32 $0xD00  }
0x4: {  	s20 =	simm.s32 $0x8D00;
	s21 =	simm.s32 $0x4D00;
	s22 =	simm.s32 $0x1  }
0x5: {  	s24 =	simm.s32 $0xCD00;
	s25 =	simm.s32 $0x2;
	s28 =	simm.s32 $0xC80  }
0x6: {  	s0 =	sand.u32 $0x1, s0;
	s3 =	sshll.u32 s15, $0x1;
	s15 =	smul.u32 $0xD000, s15  }
0x7: {  	s5 =	sor.u32 s0, s3;
	s7 =	ssub.s32 $0x2, s0;
	s0 =	smul.u32 $0x6800, s0  }
0x8: {  	s29 =	simm.s32 $0x0;
	s4 =	sadd.s32 $0x4200, s1;
	s6 =	smul.u32 $0x680, s5  }
0x9: {  	s14 =	sadd.s32 $0x27B000, s1;
	s3 =	simm.s32 $0x0;
	s8 =	smul.u32 $0x34000, s5  }
0xa: {  	[smem:$0x7FF] =	sst s3;
	s9 =	sshrl.u32 s7, $0x1;
	s31 =	smul.u32 $0x6800, s5  }
0xb: {  	_ =	strace $0x80000053;
	s13 =	ssub.s32 s7, s9;
	s6 =	sshrl.u32 s6, $0x3  }
0xc: {  	s11 =	sshrl.u32 s8, $0x3;
	s7 =	sadd.s32 s14, s31;
	s13 =	smax.u32 s13, $0x1  }
0xd: {  	s6 =	sadd.s32 s6, s1;
	s1 =	sadd.s32 $0x34B000, s1;
	s10 =	sadd.s32 $0x5800, s11  }
0xe: {  	s12 =	sadd.s32 $0x6000, s11;
	s5 =	sadd.s32 $0xD7C00, s6;
	s8 =	sadd.s32 s1, s31  }
0xf: {  	s9 =	sadd.s32 s14, s10;
	s10 =	sadd.s32 s1, s10;
	s11 =	sadd.s32 s14, s12  }
0x10: {  	s12 =	sadd.s32 s1, s12;
	s14 =	sadd.s32 s15, s14;
	s1 =	sadd.s32 s15, s1  }
0x11: {  	s6 =	sadd.s32 $0xD9600, s6;
	s14 =	sadd.s32 s0, s14;
	s15 =	sadd.s32 s0, s1  }
.LBB2_1:
0x12: {  	[tilespmem:s3], [sflag:$0x3] =	stream.linear.gather [hbm4b:s5+s3], $0x680, $0x38;
	[tilespmem:$0x10D00] =	vst v63  }
0x13: {  	_ =	swait.ge [sflag:s16], $0x680  }
0x14: {  	[sflag:s16] =	ssyncset.done $0x0  }
0x15: {  	[sflag:s16] =	ssyncadd.s32 $0xFFFFF980  }
0x16: {  	[tilespmem:s17], [sflag:$0x3] =	stream.linear.gather [hbm4b:s6+s3], $0x680, $0x38;
	[tilespmem:$0x10D00] =	vst v63  }
0x17: {  	_ =	swait.ge [sflag:s16], $0x680  }
0x18: {  	[sflag:s16] =	ssyncset.done $0x0  }
0x19: {  	[sflag:s16] =	ssyncadd.s32 $0xFFFFF980  }
0x1a: {  	[tilespmem:s19], [sflag:$0x1] =	stream.indirect.gather [hbm4b:s4+s18], $0x80, s3, s18, $0xb8;
	[tilespmem:$0x10D00] =	vst v63  }
0x1b: {  	_ = 	snop  }
0x1c: {  	[tilespmem:s20], [sflag:$0x1] =	stream.indirect.gather [hbm4b:s2+s18], $0x80, s17, s18, $0xb8;
	[tilespmem:$0x10D00] =	vst v63  }
0x1d: {  	_ = 	snop  }
0x1e: {  	[tilespmem:s21], [sflag:$0x1] =	stream.indirect.gather [hbm4b:s4+s18], $0x80, s18, s18, $0xb8;
	[tilespmem:$0x10D00] =	vst v63  }
0x1f: {  	_ =	swait.ge [sflag:s22], $0x4000  }
0x20: {  	[sflag:s22] =	ssyncset.done $0x0  }
0x21: {  	[sflag:s22] =	ssyncadd.s32 $0xFFFFC000  }
0x22: {  	[hbm4b:s7+s3] =	stream.linear.scatter [tilespmem:s19], [sflag:$0x2], $0x4000, $0x38;
	[tilespmem:$0x10D00] =	vst v63  }
0x23: {  	s0 =	simm.s32 $0x700  }
0x24: {  	[tilespmem:s24], [sflag:$0x1] =	stream.indirect.gather [hbm4b:s2+s18], $0x80, s0, s18, $0xb8;
	[tilespmem:$0x10D00] =	vst v63  }
0x25: {  	_ =	swait.ge [sflag:s22], $0x4000  }
0x26: {  	[sflag:s22] =	ssyncset.done $0x0  }
0x27: {  	[sflag:s22] =	ssyncadd.s32 $0xFFFFC000  }
0x28: {  	[hbm4b:s8+s3] =	stream.linear.scatter [tilespmem:s20], [sflag:$0x2], $0x4000, $0x38;
	[tilespmem:$0x10D00] =	vst v63  }
0x29: {  	_ =	swait.ge [sflag:s25], $0x4000  }
0x2a: {  	[sflag:s25] =	ssyncset.done $0x0  }
0x2b: {  	s23 =	simm.s32 $0x100;
	[sflag:s25] =	ssyncadd.s32 $0xFFFFC000  }
0x2c: {  	[tilespmem:s19], [sflag:$0x1] =	stream.indirect.gather [hbm4b:s4+s18], $0x80, s23, s18, $0xb8;
	[tilespmem:$0x10D00] =	vst v63  }
0x2d: {  	_ =	swait.ge [sflag:s22], $0x4000  }
0x2e: {  	s0 =	sadd.s32 $0x0, s14;
	[sflag:s22] =	ssyncset.done $0x0  }
0x2f: {  	s1 =	sadd.s32 $0x800, s0;
	[sflag:s22] =	ssyncadd.s32 $0xFFFFC000  }
0x30: {  	[hbm4b:s1+s3] =	stream.linear.scatter [tilespmem:s21], [sflag:$0x2], $0x4000, $0x38;
	[tilespmem:$0x10D00] =	vst v63  }
0x31: {  	_ =	swait.ge [sflag:s25], $0x4000  }
0x32: {  	[sflag:s25] =	ssyncset.done $0x0  }
0x33: {  	s26 =	simm.s32 $0x780;
	[sflag:s25] =	ssyncadd.s32 $0xFFFFC000  }
0x34: {  	[tilespmem:s20], [sflag:$0x1] =	stream.indirect.gather [hbm4b:s2+s18], $0x80, s26, s18, $0xb8;
	[tilespmem:$0x10D00] =	vst v63  }
0x35: {  	_ =	swait.ge [sflag:s22], $0x4000  }
0x36: {  	s23 =	sadd.s32 $0x0, s15;
	[sflag:s22] =	ssyncset.done $0x0  }
0x37: {  	s30 =	sadd.s32 $0x800, s23;
	[sflag:s22] =	ssyncadd.s32 $0xFFFFC000  }
0x38: {  	[hbm4b:s30+s3] =	stream.linear.scatter [tilespmem:s24], [sflag:$0x2], $0x4000, $0x38;
	[tilespmem:$0x10D00] =	vst v63  }
0x39: {  	_ =	swait.ge [sflag:s25], $0x4000  }
0x3a: {  	[sflag:s25] =	ssyncset.done $0x0  }
0x3b: {  	s30 =	simm.s32 $0x180;
	[sflag:s25] =	ssyncadd.s32 $0xFFFFC000  }
0x3c: {  	[tilespmem:s21], [sflag:$0x1] =	stream.indirect.gather [hbm4b:s4+s18], $0x80, s30, s18, $0xb8;
	[tilespmem:$0x10D00] =	vst v63  }
0x3d: {  	_ =	swait.ge [sflag:s22], $0x4000  }
0x3e: {  	[sflag:s22] =	ssyncset.done $0x0  }
0x3f: {  	s0 =	sadd.s32 $0x1000, s0;
	[sflag:s22] =	ssyncadd.s32 $0xFFFFC000  }
0x40: {  	[hbm4b:s0+s3] =	stream.linear.scatter [tilespmem:s19], [sflag:$0x2], $0x4000, $0x38;
	[tilespmem:$0x10D00] =	vst v63  }
0x41: {  	_ =	swait.ge [sflag:s25], $0x4000  }
0x42: {  	[sflag:s25] =	ssyncset.done $0x0  }
0x43: {  	s26 =	simm.s32 $0x800;
	[sflag:s25] =	ssyncadd.s32 $0xFFFFC000  }
0x44: {  	[tilespmem:s24], [sflag:$0x1] =	stream.indirect.gather [hbm4b:s2+s18], $0x80, s26, s18, $0xb8;
	[tilespmem:$0x10D00] =	vst v63  }
0x45: {  	_ =	swait.ge [sflag:s22], $0x4000  }
0x46: {  	s31 =	simm.s32 $0x880;
	s1 =	simm.s32 $0x200;
	[sflag:s22] =	ssyncset.done $0x0  }
0x47: {  	s30 =	simm.s32 $0x1000;
	s0 =	sadd.s32 $0x1000, s23;
	[sflag:s22] =	ssyncadd.s32 $0xFFFFC000  }
.LBB2_2:
0x48: {  	[hbm4b:s0+s3] =	stream.linear.scatter [tilespmem:s20], [sflag:$0x2], $0x4000, $0x38;
	[tilespmem:$0x10D00] =	vst v63  }
0x49: {  	s0 =	smov.u32 s30  }
0x4a: {  	p0 =	sne.s32 s30, $0x4000;
	s30 =	sadd.s32 $0x1000, s30;
	_ =	swait.ge [sflag:s25], $0x4000  }
0x4b: {  	[sflag:s25] =	ssyncset.done $0x0  }
0x4c: {  	[sflag:s25] =	ssyncadd.s32 $0xFFFFC000  }
0x4d: {  	[tilespmem:s19], [sflag:$0x1] =	stream.indirect.gather [hbm4b:s4+s18], $0x80, s1, s18, $0xb8;
	[tilespmem:$0x10D00] =	vst v63  }
0x4e: {  	_ =	swait.ge [sflag:s22], $0x4000  }
0x4f: {  	s23 =	sadd.s32 s0, s14;
	[sflag:s22] =	ssyncset.done $0x0  }
0x50: {  	s26 =	sadd.s32 $0x800, s23;
	[sflag:s22] =	ssyncadd.s32 $0xFFFFC000  }
0x51: {  	[hbm4b:s26+s3] =	stream.linear.scatter [tilespmem:s21], [sflag:$0x2], $0x4000, $0x38;
	[tilespmem:$0x10D00] =	vst v63  }
0x52: {  	_ =	swait.ge [sflag:s25], $0x4000  }
0x53: {  	[sflag:s25] =	ssyncset.done $0x0  }
0x54: {  	[sflag:s25] =	ssyncadd.s32 $0xFFFFC000  }
0x55: {  	[tilespmem:s20], [sflag:$0x1] =	stream.indirect.gather [hbm4b:s2+s18], $0x80, s31, s18, $0xb8;
	[tilespmem:$0x10D00] =	vst v63  }
0x56: {  	_ =	swait.ge [sflag:s22], $0x4000  }
0x57: {  	s0 =	sadd.s32 s0, s15;
	[sflag:s22] =	ssyncset.done $0x0  }
0x58: {  	s26 =	sadd.s32 $0x800, s0;
	[sflag:s22] =	ssyncadd.s32 $0xFFFFC000  }
0x59: {  	[hbm4b:s26+s3] =	stream.linear.scatter [tilespmem:s24], [sflag:$0x2], $0x4000, $0x38;
	[tilespmem:$0x10D00] =	vst v63  }
0x5a: {  	_ =	swait.ge [sflag:s25], $0x4000  }
0x5b: {  	[sflag:s25] =	ssyncset.done $0x0  }
0x5c: {  	s26 =	sadd.s32 $0x80, s1;
	[sflag:s25] =	ssyncadd.s32 $0xFFFFC000  }
0x5d: {  	[tilespmem:s21], [sflag:$0x1] =	stream.indirect.gather [hbm4b:s4+s18], $0x80, s26, s18, $0xb8;
	[tilespmem:$0x10D00] =	vst v63  }
0x5e: {  	_ =	swait.ge [sflag:s22], $0x4000  }
0x5f: {  	[sflag:s22] =	ssyncset.done $0x0  }
0x60: {  	s23 =	sadd.s32 $0x1000, s23;
	[sflag:s22] =	ssyncadd.s32 $0xFFFFC000  }
0x61: {  	[hbm4b:s23+s3] =	stream.linear.scatter [tilespmem:s19], [sflag:$0x2], $0x4000, $0x38;
	[tilespmem:$0x10D00] =	vst v63  }
0x62: {  	_ =	swait.ge [sflag:s25], $0x4000  }
0x63: {  	[sflag:s25] =	ssyncset.done $0x0  }
.Ltmp0:
0x64: {  	s23 =	sadd.s32 $0x80, s31;
	[sflag:s25] =	ssyncadd.s32 $0xFFFFC000;
	(pc) =	sbr.rel @p0 .LBB2_2-.Ltmp0, $4  }
0x65: {  	[tilespmem:s24], [sflag:$0x1] =	stream.indirect.gather [hbm4b:s2+s18], $0x80, s23, s18, $0xb8;
	[tilespmem:$0x10D00] =	vst v63  }
0x66: {  	_ =	swait.ge [sflag:s22], $0x4000  }
0x67: {  	s31 =	sadd.s32 $0x100, s31;
	[sflag:s22] =	ssyncset.done $0x0  }
0x68: {  	s0 =	sadd.s32 $0x1000, s0;
	s1 =	sadd.s32 $0x100, s1;
	[sflag:s22] =	ssyncadd.s32 $0xFFFFC000  }
0x69: {  	[hbm4b:s0+s3] =	stream.linear.scatter [tilespmem:s20], [sflag:$0x2], $0x4000, $0x38;
	[tilespmem:$0x10D00] =	vst v63  }
0x6a: {  	_ =	swait.ge [sflag:s25], $0x4000  }
0x6b: {  	[sflag:s25] =	ssyncset.done $0x0  }
0x6c: {  	s31 =	simm.s32 $0x600;
	[sflag:s25] =	ssyncadd.s32 $0xFFFFC000  }
0x6d: {  	[tilespmem:s19], [sflag:$0x1] =	stream.indirect.gather [hbm4b:s4+s18], $0x80, s31, s18, $0xb8;
	[tilespmem:$0x10D00] =	vst v63  }
0x6e: {  	_ =	swait.ge [sflag:s22], $0x4000  }
0x6f: {  	[sflag:s22] =	ssyncset.done $0x0  }
0x70: {  	[sflag:s22] =	ssyncadd.s32 $0xFFFFC000  }
0x71: {  	[hbm4b:s9+s3] =	stream.linear.scatter [tilespmem:s21], [sflag:$0x2], $0x4000, $0x38;
	[tilespmem:$0x10D00] =	vst v63  }
0x72: {  	_ =	swait.ge [sflag:s25], $0x4000  }
0x73: {  	[sflag:s25] =	ssyncset.done $0x0  }
0x74: {  	[sflag:s25] =	ssyncadd.s32 $0xFFFFC000  }
0x75: {  	[tilespmem:s20], [sflag:$0x1] =	stream.indirect.gather [hbm4b:s2+s18], $0x80, s28, s18, $0xb8;
	[tilespmem:$0x10D00] =	vst v63  }
0x76: {  	_ =	swait.ge [sflag:s22], $0x4000  }
0x77: {  	[sflag:s22] =	ssyncset.done $0x0  }
0x78: {  	[sflag:s22] =	ssyncadd.s32 $0xFFFFC000  }
0x79: {  	[hbm4b:s10+s3] =	stream.linear.scatter [tilespmem:s24], [sflag:$0x2], $0x4000, $0x38;
	[tilespmem:$0x10D00] =	vst v63  }
0x7a: {  	_ =	swait.ge [sflag:s25], $0x4000  }
0x7b: {  	[sflag:s25] =	ssyncset.done $0x0  }
0x7c: {  	[sflag:s25] =	ssyncadd.s32 $0xFFFFC000  }
0x7d: {  	_ =	swait.ge [sflag:s22], $0x4000  }
0x7e: {  	[sflag:s22] =	ssyncset.done $0x0  }
0x7f: {  	[sflag:s22] =	ssyncadd.s32 $0xFFFFC000  }
0x80: {  	[hbm4b:s11+s3] =	stream.linear.scatter [tilespmem:s19], [sflag:$0x2], $0x4000, $0x38;
	[tilespmem:$0x10D00] =	vst v63  }
0x81: {  	_ =	swait.ge [sflag:s25], $0x4000  }
0x82: {  	[sflag:s25] =	ssyncset.done $0x0  }
0x83: {  	[sflag:s25] =	ssyncadd.s32 $0xFFFFC000  }
0x84: {  	_ =	swait.ge [sflag:s22], $0x4000  }
0x85: {  	[sflag:s22] =	ssyncset.done $0x0  }
0x86: {  	s29 =	sadd.s32 $0x1, s29;
	[sflag:s22] =	ssyncadd.s32 $0xFFFFC000  }
0x87: {  	[hbm4b:s12+s3] =	stream.linear.scatter [tilespmem:s20], [sflag:$0x2], $0x4000, $0x38;
	[tilespmem:$0x10D00] =	vst v63  }
0x88: {  	p0 =	sne.s32 s29, s13;
	_ =	swait.ge [sflag:s25], $0x4000  }
.Ltmp1:
0x89: {  	[sflag:s25] =	ssyncset.done $0x0;
	(pc) =	sbr.rel @p0 .LBB2_1-.Ltmp1, $4  }
0x8a: {  	[sflag:s25] =	ssyncadd.s32 $0xFFFFC000  }
0x8b: {  	_ =	swait.ge [sflag:s25], $0x4000  }
0x8c: {  	[sflag:s25] =	ssyncset.done $0x0  }
0x8d: {  	[sflag:s25] =	ssyncadd.s32 $0xFFFFC000  }
0x8e: {  	_ =	sfence.sel $0x180000  }
0x8f: {  	[bflag:$0x0] =	sbarrier.arrive $0xFFFF  }
0x90: {  	_ =	strace $0x90000053  }
0x91: {  	s0 =	stileid.u32;
	[bflag:$0x2] =	sbarrier.arrive $0xFFFF  }
0x92: {  	p0 =	sne.s32 s0, $0x0;
	s0 =	rddreg [dreg:$0x2]  }
0x93: {  	s0 =	sadd.s32 @!p0 $0x100000, s0  }
0x94: {  	[sflag:s0] =	ssyncadd.tile.s32 @!p0 $0x1;
	_ =	shalt  }
.Lfunc_end2:
_tile_overlayer_lowered:
.L_overlay_start_2:
0x95: {  	(tag) =	ssettag $0x2  }
0x96: {  	s0 =	rddreg [dreg:$0x0];
	s2 =	stileid.u32  }
0x97: {  	s1 =	rddreg [dreg:$0x1];
	p0 =	sne.s32 s2, $0x0  }
0x98: {  	s3 =	rddreg [dreg:$0x2];
	[bflag:$0x3] =	sbarrier.arrive $0xFFFF;
	s2 =	simm.s32 @!p0 $0x1C03  }
0x99: {  	[timem:s3], [sflag:s2] =	dma.local @!p0 [hbm:s0], s1  }
0x9a: {  	s0 =	simm.s32 @!p0 $0x3  }
0x9b: {  	_ =	swait.ge @!p0 [sflag:s0], s1  }
0x9c: {  	s1 =	ssub.s32 @!p0 $0x0, s1;
	[sflag:s0] =	ssyncset.done @!p0 $0x0  }
0x9d: {  	[sflag:s0] =	ssyncadd.s32 @!p0 s1  }
0x9e: {  	[bflag:$0x3] =	sbarrier.arrive $0xFFFF  }
0x9f: {  	_ =	shalt  }

</sc_bundles>
